<compile_context>
chip_gen: v7x
topology: tpu7x:2x2x1
jax: 0.10.2.dev20260603
libtpu: 0.0.44.dev20260713+nightly
codegen_flags: <defaults>
</compile_context>

<pallas_src>
import functools

import jax
import jax.numpy as jnp
from jax import lax
from jax.experimental import pallas as pl
from jax.experimental.pallas import tpu as pltpu
from jax.experimental.pallas import tpu_sc as plsc

N = 10000
C = 256
E = 160000
EPS = 1e-5

HC = C // 2
K = 128
NCHUNK = E // K
NSUB = 16
NJ = -(-NCHUNK // NSUB)
N_PAD = 10240
ROWS_PT = N_PAD // NSUB
CNT_PAD = N_PAD
BM = 1000


def _zero_vmem_2d(ref, rows, cols):
    def body(i, _):
        r = i // (cols // 16)
        t = i % (cols // 16)
        ref[r, pl.ds(t * 16, 16)] = jnp.zeros((16,), jnp.float32)
        return 0
    lax.fori_loop(0, rows * (cols // 16), body, 0)


def _fill_vmem_1d(ref, n, val):
    def body(i, _):
        ref[pl.ds(i * 16, 16)] = jnp.full((16,), val, jnp.float32)
        return 0
    lax.fori_loop(0, n // 16, body, 0)


def _segsum_body(with_counts, *args):
    if with_counts:
        (x2, src, dst, acc2, cnt, sidx_v, didx_v, rows_v, zc_v, ones_v,
         acc_sh, cnt_sh, sem) = args
    else:
        (x2, src, dst, acc2, sidx_v, didx_v, rows_v, acc_sh, sem) = args

    c = lax.axis_index("c")
    s = lax.axis_index("s")

    _zero_vmem_2d(rows_v, K, HC)
    for k in range(5):
        pltpu.sync_copy(rows_v, acc_sh.at[pl.ds(s * ROWS_PT + k * K, K)])
    if with_counts:
        _fill_vmem_1d(zc_v, 640, 0.0)
        _fill_vmem_1d(ones_v, K, 1.0)

        @pl.when(c == 0)
        def _():
            pltpu.sync_copy(zc_v, cnt_sh.at[pl.ds(s * 640, 640)])

    plsc.subcore_barrier()

    def chunk(j, _):
        cid = s + NSUB * j

        @pl.when(cid < NCHUNK)
        def _():
            base = cid * K
            pltpu.sync_copy(src.at[pl.ds(base, K)], sidx_v)
            pltpu.sync_copy(dst.at[pl.ds(base, K)], didx_v)
            for t in range(K // 16):
                sidx_v[pl.ds(t * 16, 16)] = sidx_v[pl.ds(t * 16, 16)] + c * N
            pltpu.async_copy(x2.at[sidx_v], rows_v, sem).wait()
            pltpu.sync_copy(rows_v, acc_sh.at[didx_v], add=True)
            if with_counts:
                @pl.when(c == 0)
                def _():
                    pltpu.sync_copy(ones_v, cnt_sh.at[didx_v], add=True)
        return 0

    lax.fori_loop(0, NJ, chunk, 0)
    plsc.subcore_barrier()

    for k in range(5):
        r0 = s * ROWS_PT + k * K
        pltpu.sync_copy(acc_sh.at[pl.ds(r0, K)], rows_v)
        pltpu.sync_copy(rows_v, acc2.at[pl.ds(c * N_PAD + r0, K)])
    if with_counts:
        @pl.when(c == 0)
        def _():
            pltpu.sync_copy(cnt_sh.at[pl.ds(s * 640, 640)], zc_v)
            pltpu.sync_copy(zc_v, cnt.at[pl.ds(s * 640, 640)])


def _make_segsum(with_counts):
    mesh = plsc.VectorSubcoreMesh(core_axis_name="c", subcore_axis_name="s")
    out_type = [jax.ShapeDtypeStruct((2 * N_PAD, HC), jnp.float32)]
    scratch = [
        pltpu.VMEM((K,), jnp.int32),
        pltpu.VMEM((K,), jnp.int32),
        pltpu.VMEM((K, HC), jnp.float32),
    ]
    if with_counts:
        out_type.append(jax.ShapeDtypeStruct((CNT_PAD,), jnp.float32))
        scratch += [
            pltpu.VMEM((640,), jnp.float32),
            pltpu.VMEM((K,), jnp.float32),
        ]
    scratch.append(pltpu.VMEM_SHARED((N_PAD, HC), jnp.float32))
    if with_counts:
        scratch.append(pltpu.VMEM_SHARED((CNT_PAD,), jnp.float32))
    scratch.append(pltpu.SemaphoreType.DMA)
    return pl.kernel(
        functools.partial(_segsum_body, with_counts),
        out_type=tuple(out_type) if with_counts else out_type[0],
        mesh=mesh,
        scratch_types=scratch,
    )


_segsum_counts = _make_segsum(True)
_segsum = _make_segsum(False)


def _post_body(stacked_out, acc_ref, cnt_ref, x_ref, wl_ref, wr_ref, b_ref,
               g_ref, be_ref, out_ref):
    acc = jnp.concatenate([acc_ref[0], acc_ref[1]], axis=-1)
    x = jnp.concatenate([x_ref[0], x_ref[1]], axis=-1)
    cnt = jnp.maximum(cnt_ref[...], 1.0)
    mean = acc / cnt
    h = (jnp.dot(mean, wl_ref[...], preferred_element_type=jnp.float32)
         + jnp.dot(x, wr_ref[...], preferred_element_type=jnp.float32)
         + b_ref[...])
    m = jnp.mean(h, axis=-1, keepdims=True)
    v = jnp.mean(jnp.square(h - m), axis=-1, keepdims=True)
    r = jnp.maximum((h - m) * lax.rsqrt(v + EPS) * g_ref[...] + be_ref[...], 0.0)
    if stacked_out:
        out_ref[0] = r[:, :HC]
        out_ref[1] = r[:, HC:]
    else:
        out_ref[...] = r


def _make_post(stacked_out):
    grid = (N // BM,)
    split_spec = pl.BlockSpec((2, BM, HC), lambda i: (0, i, 0))
    full_spec = pl.BlockSpec((C, C), lambda i: (0, 0))
    vec_spec = pl.BlockSpec((1, C), lambda i: (0, 0))
    in_specs = [
        split_spec,
        pl.BlockSpec((BM, 1), lambda i: (i, 0)),
        split_spec,
        full_spec, full_spec,
        vec_spec, vec_spec, vec_spec,
    ]
    if stacked_out:
        out_spec = split_spec
        out_shape = jax.ShapeDtypeStruct((2, N, HC), jnp.float32)
    else:
        out_spec = pl.BlockSpec((BM, C), lambda i: (i, 0))
        out_shape = jax.ShapeDtypeStruct((N, C), jnp.float32)
    return pl.pallas_call(
        functools.partial(_post_body, stacked_out),
        grid=grid,
        in_specs=in_specs,
        out_specs=out_spec,
        out_shape=out_shape,
    )


_post_stacked = _make_post(True)
_post_flat = _make_post(False)


def kernel(x_user, x_item, edge_index_rates, edge_index_rev_rates,
           Wl0r, bl0r, Wr0r, Wl0v, bl0v, Wr0v, g0u, be0u, g0i, be0i,
           Wl1r, bl1r, Wr1r, Wl1v, bl1v, Wr1v, g1u, be1u, g1i, be1i):
    srcR, dstR = edge_index_rates[0], edge_index_rates[1]
    srcV, dstV = edge_index_rev_rates[0], edge_index_rev_rates[1]

    xu2 = x_user.reshape(N, 2, HC).swapaxes(0, 1)
    xi2 = x_item.reshape(N, 2, HC).swapaxes(0, 1)

    aggI0, cntR = _segsum_counts(xu2.reshape(2 * N, HC), srcR, dstR)
    aggU0, cntV = _segsum_counts(xi2.reshape(2 * N, HC), srcV, dstV)
    cntR = cntR[:N].reshape(N, 1)
    cntV = cntV[:N].reshape(N, 1)

    def post(fn, agg, cnt, x2, Wl, bl, Wr, g, be):
        return fn(agg.reshape(2, N_PAD, HC), cnt, x2,
                  Wl.T, Wr.T, bl.reshape(1, C), g.reshape(1, C),
                  be.reshape(1, C))

    it1 = post(_post_stacked, aggI0, cntR, xi2, Wl0r, bl0r, Wr0r, g0i, be0i)
    u1 = post(_post_stacked, aggU0, cntV, xu2, Wl0v, bl0v, Wr0v, g0u, be0u)

    aggI1 = _segsum(u1.reshape(2 * N, HC), srcR, dstR)
    aggU1 = _segsum(it1.reshape(2 * N, HC), srcV, dstV)

    it2 = post(_post_flat, aggI1, cntR, it1, Wl1r, bl1r, Wr1r, g1i, be1i)
    u2 = post(_post_flat, aggU1, cntV, u1, Wl1v, bl1v, Wr1v, g1u, be1u)
    return (u2, it2)

# --- scband reference (transcript-rebuilt; emitter-appended) ---
"""Pipeline reference for scband-hetero-graph-sage-12386685682281 (READ-ONLY COPY).

The authoritative reference and input builder live on the scoring server;
editing this copy changes nothing except your own understanding.
"""

import jax, jax.numpy as jnp
import numpy as np

N = 10000
C = 256
E = 160000
EPS = 1e-5


def setup_inputs(seed: int = 0) -> dict:
    key = jax.random.key(seed)
    ks = jax.random.split(key, 24)
    s = 1.0 / np.sqrt(C)
    inp = {}
    inp["x_user"] = jax.random.normal(ks[0], (N, C), dtype=jnp.float32)
    inp["x_item"] = jax.random.normal(ks[1], (N, C), dtype=jnp.float32)
    inp["edge_index_rates"] = jax.random.randint(ks[2], (2, E), 0, N, dtype=jnp.int32)
    inp["edge_index_rev_rates"] = jax.random.randint(ks[3], (2, E), 0, N, dtype=jnp.int32)
    # layer 0 params
    inp["Wl0r"] = jax.random.normal(ks[4], (C, C), dtype=jnp.float32) * s
    inp["bl0r"] = jnp.zeros((C,), dtype=jnp.float32)
    inp["Wr0r"] = jax.random.normal(ks[5], (C, C), dtype=jnp.float32) * s
    inp["Wl0v"] = jax.random.normal(ks[6], (C, C), dtype=jnp.float32) * s
    inp["bl0v"] = jnp.zeros((C,), dtype=jnp.float32)
    inp["Wr0v"] = jax.random.normal(ks[7], (C, C), dtype=jnp.float32) * s
    inp["g0u"] = jnp.ones((C,), dtype=jnp.float32)
    inp["be0u"] = jnp.zeros((C,), dtype=jnp.float32)
    inp["g0i"] = jnp.ones((C,), dtype=jnp.float32)
    inp["be0i"] = jnp.zeros((C,), dtype=jnp.float32)
    # layer 1 params
    inp["Wl1r"] = jax.random.normal(ks[8], (C, C), dtype=jnp.float32) * s
    inp["bl1r"] = jnp.zeros((C,), dtype=jnp.float32)
    inp["Wr1r"] = jax.random.normal(ks[9], (C, C), dtype=jnp.float32) * s
    inp["Wl1v"] = jax.random.normal(ks[10], (C, C), dtype=jnp.float32) * s
    inp["bl1v"] = jnp.zeros((C,), dtype=jnp.float32)
    inp["Wr1v"] = jax.random.normal(ks[11], (C, C), dtype=jnp.float32) * s
    inp["g1u"] = jnp.ones((C,), dtype=jnp.float32)
    inp["be1u"] = jnp.zeros((C,), dtype=jnp.float32)
    inp["g1i"] = jnp.ones((C,), dtype=jnp.float32)
    inp["be1i"] = jnp.zeros((C,), dtype=jnp.float32)
    return inp


def _sage(x_src, x_dst, ei, Wl, bl, Wr):
    # PyG SAGEConv with aggr='mean': out = lin_l(mean_{j in N(i)} x_j) + lin_r(x_i)
    src = ei[0]
    dst = ei[1]
    msgs = x_src[src]
    summed = jax.ops.segment_sum(msgs, dst, num_segments=x_dst.shape[0])
    cnt = jax.ops.segment_sum(jnp.ones((ei.shape[1],), dtype=x_src.dtype), dst, num_segments=x_dst.shape[0])
    mean = summed / jnp.clip(cnt, 1.0)[:, None]
    return mean @ Wl.T + bl + x_dst @ Wr.T


def _ln(x, g, b):
    m = jnp.mean(x, axis=-1, keepdims=True)
    v = jnp.var(x, axis=-1, keepdims=True)
    return (x - m) / jnp.sqrt(v + EPS) * g + b


def reference(x_user, x_item, edge_index_rates, edge_index_rev_rates,
              Wl0r, bl0r, Wr0r, Wl0v, bl0v, Wr0v, g0u, be0u, g0i, be0i,
              Wl1r, bl1r, Wr1r, Wl1v, bl1v, Wr1v, g1u, be1u, g1i, be1i):
    u, it = x_user, x_item
    # layer 0: ('user','rates','item') updates item; ('item','rev_rates','user') updates user
    it_new = _sage(u, it, edge_index_rates, Wl0r, bl0r, Wr0r)
    u_new = _sage(it, u, edge_index_rev_rates, Wl0v, bl0v, Wr0v)
    u = jax.nn.relu(_ln(u_new, g0u, be0u))
    it = jax.nn.relu(_ln(it_new, g0i, be0i))
    # layer 1
    it_new = _sage(u, it, edge_index_rates, Wl1r, bl1r, Wr1r)
    u_new = _sage(it, u, edge_index_rev_rates, Wl1v, bl1v, Wr1v)
    u = jax.nn.relu(_ln(u_new, g1u, be1u))
    it = jax.nn.relu(_ln(it_new, g1i, be1i))
    return (u, it)

if __name__ == "__main__":
    import jax
    _d = setup_inputs()
    print(jax.jit(kernel)(*tuple(_d.values())))

</pallas_src>

<mosaic_0001>
#map = affine_map<(d0, d1) -> (0, 0)>
#map1 = affine_map<(d0, d1) -> (0)>
module attributes {stable_mosaic.version = 14 : i64} {
  func.func @_segsum_body(%arg0: i32, %arg1: i32, %arg2: memref<20000x128xf32, #tpu.memory_space<hbm>>, %arg3: memref<160000xi32, #tpu.memory_space<hbm>>, %arg4: memref<160000xi32, #tpu.memory_space<hbm>>, %arg5: memref<20480x128xf32, #tpu.memory_space<hbm>>, %arg6: memref<10240xf32, #tpu.memory_space<hbm>>, %arg7: memref<128xi32, #tpu.memory_space<vmem>>, %arg8: memref<128xi32, #tpu.memory_space<vmem>>, %arg9: memref<128x128xf32, #tpu.memory_space<vmem>>, %arg10: memref<640xf32, #tpu.memory_space<vmem>>, %arg11: memref<128xf32, #tpu.memory_space<vmem>>, %arg12: memref<10240x128xf32, #tpu.memory_space<vmem_shared>>, %arg13: memref<10240xf32, #tpu.memory_space<vmem_shared>>, %arg14: memref<!tpu.dma_semaphore, #tpu.memory_space<semaphore_mem>>) attributes {dimension_semantics = [#tpu.dimension_semantics<core_parallel>, #tpu.dimension_semantics<subcore_parallel>], iteration_bounds = array<i64: 2, 16>, scalar_prefetch = 0 : i64, scratch_operands = 8 : i64, tpu.core_type = #tpu.core_type<sc_vector_subcore>, window_params = [{transform_indices = #map}, {transform_indices = #map1}, {transform_indices = #map1}, {transform_indices = #map}, {transform_indices = #map1}]} {
    %scan3A = arith.constant 0 : i32
    %scan3A_0 = arith.constant 0 : i32
    %scan3A_1 = arith.constant 1024 : i32
    %scan3A_2 = arith.addi %scan3A_0, %scan3A_1 : i32
    %scan3A_3 = arith.constant 1 : i32
    %scan3A_4 = scf.for %scan3A_88 = %scan3A_0 to %scan3A_2 step %scan3A_3 iter_args(%scan3A_89 = %scan3A) -> (i32)  : i32 {
      %jit3A = arith.constant 8 : i32
      %div3A = arith.divsi %scan3A_88, %jit3A : i32
      %sign3A = arith.constant 0 : i32
      %sign3A_90 = arith.cmpi sgt, %scan3A_88, %sign3A : i32
      %sign3A_91 = arith.extui %sign3A_90 : i1 to i32
      %sign3A_92 = arith.constant 0 : i32
      %sign3A_93 = arith.cmpi slt, %scan3A_88, %sign3A_92 : i32
      %sign3A_94 = arith.extui %sign3A_93 : i1 to i32
      %sign3A_95 = arith.subi %sign3A_91, %sign3A_94 : i32
      %sign3A_96 = arith.constant 0 : i32
      %sign3A_97 = arith.cmpi sgt, %jit3A, %sign3A_96 : i32
      %sign3A_98 = arith.extui %sign3A_97 : i1 to i32
      %sign3A_99 = arith.constant 0 : i32
      %sign3A_100 = arith.cmpi slt, %jit3A, %sign3A_99 : i32
      %sign3A_101 = arith.extui %sign3A_100 : i1 to i32
      %sign3A_102 = arith.subi %sign3A_98, %sign3A_101 : i32
      %ne3A = arith.cmpi ne, %sign3A_95, %sign3A_102 : i32
      %rem3A = arith.remsi %scan3A_88, %jit3A : i32
      %ne3A_103 = arith.constant 0 : i32
      %ne3A_104 = arith.cmpi ne, %rem3A, %ne3A_103 : i32
      %and3A = arith.andi %ne3A, %ne3A_104 : i1
      %sub3A = arith.constant 1 : i32
      %sub3A_105 = arith.subi %div3A, %sub3A : i32
      %select_n3A = arith.select %and3A, %sub3A_105, %div3A : i32
      %jit3A_106 = arith.constant 8 : i32
      %eq3A_107 = arith.constant 0 : i32
      %eq3A_108 = arith.cmpi eq, %jit3A_106, %eq3A_107 : i32
      %jit3A_109 = arith.constant 1 : i32
      %select_n3A_110 = arith.select %eq3A_108, %jit3A_109, %jit3A_106 : i32
      %rem3A_111 = arith.remsi %scan3A_88, %select_n3A_110 : i32
      %ne3A_112 = arith.constant 0 : i32
      %ne3A_113 = arith.cmpi ne, %rem3A_111, %ne3A_112 : i32
      %lt3A = arith.constant 0 : i32
      %lt3A_114 = arith.cmpi slt, %rem3A_111, %lt3A : i32
      %lt3A_115 = arith.constant 0 : i32
      %lt3A_116 = arith.cmpi slt, %select_n3A_110, %lt3A_115 : i32
      %ne3A_117 = arith.xori %lt3A_114, %lt3A_116 : i1
      %and3A_118 = arith.andi %ne3A_117, %ne3A_113 : i1
      %add3A_119 = arith.addi %rem3A_111, %select_n3A_110 : i32
      %select_n3A_120 = arith.select %and3A_118, %add3A_119, %rem3A_111 : i32
      %broadcast_in_dim3A = arith.constant 0.000000e+00 : f32
      %broadcast_in_dim3A_121 = vector.broadcast %broadcast_in_dim3A : f32 to vector<16xf32>
      %mul3A_122 = arith.constant 16 : i32
      %mul3A_123 = arith.muli %select_n3A_120, %mul3A_122 : i32
      %swap3A = arith.index_cast %select_n3A : i32 to index
      %swap3A_124 = arith.index_cast %mul3A_123 : i32 to index
      %swap3A_125 = tpu.vector_load %arg9[%swap3A, %swap3A_124] {strides = array<i32>} : memref<128x128xf32, #tpu.memory_space<vmem>>, vector<1x16xf32>,
      %swap3A_126 = vector.shape_cast %swap3A_125 : vector<1x16xf32> to vector<16xf32>
      %swap3A_127 = vector.shape_cast %broadcast_in_dim3A_121 : vector<16xf32> to vector<1x16xf32>
      tpu.vector_store %arg9[%swap3A, %swap3A_124], %swap3A_127 {strides = array<i32>} : memref<128x128xf32, #tpu.memory_space<vmem>>, vector<1x16xf32>,
      %scan3A_128 = arith.constant 0 : i32
      scf.yield %scan3A_128 : i32
    }
    %scan3A_5 = arith.constant 1024 : i32
    %mul3A = arith.constant 640 : i32
    %mul3A_6 = arith.muli %arg1, %mul3A : i32
    %add3A = arith.constant 0 : i32
    %add3A_7 = arith.addi %mul3A_6, %add3A : i32
    "tpu.region"() ({
      %run_scoped3A = tpu.sem_alloc : memref<!tpu.dma_semaphore, #tpu.memory_space<semaphore_mem>>
      %dma_start3A = arith.constant 0 : i32
      %dma_start3A_88 = tpu.memref_slice %arg12[%add3A_7, %dma_start3A] : memref<10240x128xf32, #tpu.memory_space<vmem_shared>> -> memref<128x128xf32, #tpu.memory_space<vmem_shared>>
      %dma_start3A_89 = arith.constant 0 : i32
      %dma_start3A_90 = tpu.memref_slice %arg12[%add3A_7, %dma_start3A_89] : memref<10240x128xf32, #tpu.memory_space<vmem_shared>> -> memref<128x128xf32, #tpu.memory_space<vmem_shared>>
      tpu.enqueue_dma source(%arg9 : memref<128x128xf32, #tpu.memory_space<vmem>>) target(%dma_start3A_90 : memref<128x128xf32, #tpu.memory_space<vmem_shared>>) target_semaphore(%run_scoped3A : memref<!tpu.dma_semaphore, #tpu.memory_space<semaphore_mem>>)
      %dma_wait3A = arith.constant 0 : i32
      %dma_wait3A_91 = tpu.memref_slice %arg12[%add3A_7, %dma_wait3A] : memref<10240x128xf32, #tpu.memory_space<vmem_shared>> -> memref<128x128xf32, #tpu.memory_space<vmem_shared>>
      %dma_wait3A_92 = arith.constant 0 : i32
      %dma_wait3A_93 = tpu.memref_slice %arg12[%add3A_7, %dma_wait3A_92] : memref<10240x128xf32, #tpu.memory_space<vmem_shared>> -> memref<128x128xf32, #tpu.memory_space<vmem_shared>>
      tpu.wait_dma2 semaphore(%run_scoped3A : memref<!tpu.dma_semaphore, #tpu.memory_space<semaphore_mem>>) src(%arg9 : memref<128x128xf32, #tpu.memory_space<vmem>>) dst(%dma_wait3A_93 : memref<128x128xf32, #tpu.memory_space<vmem_shared>>)
      tpu.yield
    }) : () -> ()
    %mul3A_8 = arith.constant 640 : i32
    %mul3A_9 = arith.muli %arg1, %mul3A_8 : i32
    %add3A_10 = arith.constant 128 : i32
    %add3A_11 = arith.addi %mul3A_9, %add3A_10 : i32
    "tpu.region"() ({
      %run_scoped3A = tpu.sem_alloc : memref<!tpu.dma_semaphore, #tpu.memory_space<semaphore_mem>>
      %dma_start3A = arith.constant 0 : i32
      %dma_start3A_88 = tpu.memref_slice %arg12[%add3A_11, %dma_start3A] : memref<10240x128xf32, #tpu.memory_space<vmem_shared>> -> memref<128x128xf32, #tpu.memory_space<vmem_shared>>
      %dma_start3A_89 = arith.constant 0 : i32
      %dma_start3A_90 = tpu.memref_slice %arg12[%add3A_11, %dma_start3A_89] : memref<10240x128xf32, #tpu.memory_space<vmem_shared>> -> memref<128x128xf32, #tpu.memory_space<vmem_shared>>
      tpu.enqueue_dma source(%arg9 : memref<128x128xf32, #tpu.memory_space<vmem>>) target(%dma_start3A_90 : memref<128x128xf32, #tpu.memory_space<vmem_shared>>) target_semaphore(%run_scoped3A : memref<!tpu.dma_semaphore, #tpu.memory_space<semaphore_mem>>)
      %dma_wait3A = arith.constant 0 : i32
      %dma_wait3A_91 = tpu.memref_slice %arg12[%add3A_11, %dma_wait3A] : memref<10240x128xf32, #tpu.memory_space<vmem_shared>> -> memref<128x128xf32, #tpu.memory_space<vmem_shared>>
      %dma_wait3A_92 = arith.constant 0 : i32
      %dma_wait3A_93 = tpu.memref_slice %arg12[%add3A_11, %dma_wait3A_92] : memref<10240x128xf32, #tpu.memory_space<vmem_shared>> -> memref<128x128xf32, #tpu.memory_space<vmem_shared>>
      tpu.wait_dma2 semaphore(%run_scoped3A : memref<!tpu.dma_semaphore, #tpu.memory_space<semaphore_mem>>) src(%arg9 : memref<128x128xf32, #tpu.memory_space<vmem>>) dst(%dma_wait3A_93 : memref<128x128xf32, #tpu.memory_space<vmem_shared>>)
      tpu.yield
    }) : () -> ()
    %mul3A_12 = arith.constant 640 : i32
    %mul3A_13 = arith.muli %arg1, %mul3A_12 : i32
    %add3A_14 = arith.constant 256 : i32
    %add3A_15 = arith.addi %mul3A_13, %add3A_14 : i32
    "tpu.region"() ({
      %run_scoped3A = tpu.sem_alloc : memref<!tpu.dma_semaphore, #tpu.memory_space<semaphore_mem>>
      %dma_start3A = arith.constant 0 : i32
      %dma_start3A_88 = tpu.memref_slice %arg12[%add3A_15, %dma_start3A] : memref<10240x128xf32, #tpu.memory_space<vmem_shared>> -> memref<128x128xf32, #tpu.memory_space<vmem_shared>>
      %dma_start3A_89 = arith.constant 0 : i32
      %dma_start3A_90 = tpu.memref_slice %arg12[%add3A_15, %dma_start3A_89] : memref<10240x128xf32, #tpu.memory_space<vmem_shared>> -> memref<128x128xf32, #tpu.memory_space<vmem_shared>>
      tpu.enqueue_dma source(%arg9 : memref<128x128xf32, #tpu.memory_space<vmem>>) target(%dma_start3A_90 : memref<128x128xf32, #tpu.memory_space<vmem_shared>>) target_semaphore(%run_scoped3A : memref<!tpu.dma_semaphore, #tpu.memory_space<semaphore_mem>>)
      %dma_wait3A = arith.constant 0 : i32
      %dma_wait3A_91 = tpu.memref_slice %arg12[%add3A_15, %dma_wait3A] : memref<10240x128xf32, #tpu.memory_space<vmem_shared>> -> memref<128x128xf32, #tpu.memory_space<vmem_shared>>
      %dma_wait3A_92 = arith.constant 0 : i32
      %dma_wait3A_93 = tpu.memref_slice %arg12[%add3A_15, %dma_wait3A_92] : memref<10240x128xf32, #tpu.memory_space<vmem_shared>> -> memref<128x128xf32, #tpu.memory_space<vmem_shared>>
      tpu.wait_dma2 semaphore(%run_scoped3A : memref<!tpu.dma_semaphore, #tpu.memory_space<semaphore_mem>>) src(%arg9 : memref<128x128xf32, #tpu.memory_space<vmem>>) dst(%dma_wait3A_93 : memref<128x128xf32, #tpu.memory_space<vmem_shared>>)
      tpu.yield
    }) : () -> ()
    %mul3A_16 = arith.constant 640 : i32
    %mul3A_17 = arith.muli %arg1, %mul3A_16 : i32
    %add3A_18 = arith.constant 384 : i32
    %add3A_19 = arith.addi %mul3A_17, %add3A_18 : i32
    "tpu.region"() ({
      %run_scoped3A = tpu.sem_alloc : memref<!tpu.dma_semaphore, #tpu.memory_space<semaphore_mem>>
      %dma_start3A = arith.constant 0 : i32
      %dma_start3A_88 = tpu.memref_slice %arg12[%add3A_19, %dma_start3A] : memref<10240x128xf32, #tpu.memory_space<vmem_shared>> -> memref<128x128xf32, #tpu.memory_space<vmem_shared>>
      %dma_start3A_89 = arith.constant 0 : i32
      %dma_start3A_90 = tpu.memref_slice %arg12[%add3A_19, %dma_start3A_89] : memref<10240x128xf32, #tpu.memory_space<vmem_shared>> -> memref<128x128xf32, #tpu.memory_space<vmem_shared>>
      tpu.enqueue_dma source(%arg9 : memref<128x128xf32, #tpu.memory_space<vmem>>) target(%dma_start3A_90 : memref<128x128xf32, #tpu.memory_space<vmem_shared>>) target_semaphore(%run_scoped3A : memref<!tpu.dma_semaphore, #tpu.memory_space<semaphore_mem>>)
      %dma_wait3A = arith.constant 0 : i32
      %dma_wait3A_91 = tpu.memref_slice %arg12[%add3A_19, %dma_wait3A] : memref<10240x128xf32, #tpu.memory_space<vmem_shared>> -> memref<128x128xf32, #tpu.memory_space<vmem_shared>>
      %dma_wait3A_92 = arith.constant 0 : i32
      %dma_wait3A_93 = tpu.memref_slice %arg12[%add3A_19, %dma_wait3A_92] : memref<10240x128xf32, #tpu.memory_space<vmem_shared>> -> memref<128x128xf32, #tpu.memory_space<vmem_shared>>
      tpu.wait_dma2 semaphore(%run_scoped3A : memref<!tpu.dma_semaphore, #tpu.memory_space<semaphore_mem>>) src(%arg9 : memref<128x128xf32, #tpu.memory_space<vmem>>) dst(%dma_wait3A_93 : memref<128x128xf32, #tpu.memory_space<vmem_shared>>)
      tpu.yield
    }) : () -> ()
    %mul3A_20 = arith.constant 640 : i32
    %mul3A_21 = arith.muli %arg1, %mul3A_20 : i32
    %add3A_22 = arith.constant 512 : i32
    %add3A_23 = arith.addi %mul3A_21, %add3A_22 : i32
    "tpu.region"() ({
      %run_scoped3A = tpu.sem_alloc : memref<!tpu.dma_semaphore, #tpu.memory_space<semaphore_mem>>
      %dma_start3A = arith.constant 0 : i32
      %dma_start3A_88 = tpu.memref_slice %arg12[%add3A_23, %dma_start3A] : memref<10240x128xf32, #tpu.memory_space<vmem_shared>> -> memref<128x128xf32, #tpu.memory_space<vmem_shared>>
      %dma_start3A_89 = arith.constant 0 : i32
      %dma_start3A_90 = tpu.memref_slice %arg12[%add3A_23, %dma_start3A_89] : memref<10240x128xf32, #tpu.memory_space<vmem_shared>> -> memref<128x128xf32, #tpu.memory_space<vmem_shared>>
      tpu.enqueue_dma source(%arg9 : memref<128x128xf32, #tpu.memory_space<vmem>>) target(%dma_start3A_90 : memref<128x128xf32, #tpu.memory_space<vmem_shared>>) target_semaphore(%run_scoped3A : memref<!tpu.dma_semaphore, #tpu.memory_space<semaphore_mem>>)
      %dma_wait3A = arith.constant 0 : i32
      %dma_wait3A_91 = tpu.memref_slice %arg12[%add3A_23, %dma_wait3A] : memref<10240x128xf32, #tpu.memory_space<vmem_shared>> -> memref<128x128xf32, #tpu.memory_space<vmem_shared>>
      %dma_wait3A_92 = arith.constant 0 : i32
      %dma_wait3A_93 = tpu.memref_slice %arg12[%add3A_23, %dma_wait3A_92] : memref<10240x128xf32, #tpu.memory_space<vmem_shared>> -> memref<128x128xf32, #tpu.memory_space<vmem_shared>>
      tpu.wait_dma2 semaphore(%run_scoped3A : memref<!tpu.dma_semaphore, #tpu.memory_space<semaphore_mem>>) src(%arg9 : memref<128x128xf32, #tpu.memory_space<vmem>>) dst(%dma_wait3A_93 : memref<128x128xf32, #tpu.memory_space<vmem_shared>>)
      tpu.yield
    }) : () -> ()
    %scan3A_24 = arith.constant 0 : i32
    %scan3A_25 = arith.constant 0 : i32
    %scan3A_26 = arith.constant 40 : i32
    %scan3A_27 = arith.addi %scan3A_25, %scan3A_26 : i32
    %scan3A_28 = arith.constant 1 : i32
    %scan3A_29 = scf.for %scan3A_88 = %scan3A_25 to %scan3A_27 step %scan3A_28 iter_args(%scan3A_89 = %scan3A_24) -> (i32)  : i32 {
      %broadcast_in_dim3A = arith.constant 0.000000e+00 : f32
      %broadcast_in_dim3A_90 = vector.broadcast %broadcast_in_dim3A : f32 to vector<16xf32>
      %mul3A_91 = arith.constant 16 : i32
      %mul3A_92 = arith.muli %scan3A_88, %mul3A_91 : i32
      %swap3A = arith.index_cast %mul3A_92 : i32 to index
      %swap3A_93 = tpu.vector_load %arg10[%swap3A] {strides = array<i32>} : memref<640xf32, #tpu.memory_space<vmem>>, vector<16xf32>,
      %swap3A_94 = vector.shape_cast %swap3A_93 : vector<16xf32> to vector<16xf32>
      %swap3A_95 = vector.shape_cast %broadcast_in_dim3A_90 : vector<16xf32> to vector<16xf32>
      tpu.vector_store %arg10[%swap3A], %swap3A_95 {strides = array<i32>} : memref<640xf32, #tpu.memory_space<vmem>>, vector<16xf32>,
      %scan3A_96 = arith.constant 0 : i32
      scf.yield %scan3A_96 : i32
    }
    %scan3A_30 = arith.constant 40 : i32
    %scan3A_31 = arith.constant 0 : i32
    %scan3A_32 = arith.constant 0 : i32
    %scan3A_33 = arith.constant 8 : i32
    %scan3A_34 = arith.addi %scan3A_32, %scan3A_33 : i32
    %scan3A_35 = arith.constant 1 : i32
    %scan3A_36 = scf.for %scan3A_88 = %scan3A_32 to %scan3A_34 step %scan3A_35 iter_args(%scan3A_89 = %scan3A_31) -> (i32)  : i32 {
      %broadcast_in_dim3A = arith.constant 1.000000e+00 : f32
      %broadcast_in_dim3A_90 = vector.broadcast %broadcast_in_dim3A : f32 to vector<16xf32>
      %mul3A_91 = arith.constant 16 : i32
      %mul3A_92 = arith.muli %scan3A_88, %mul3A_91 : i32
      %swap3A = arith.index_cast %mul3A_92 : i32 to index
      %swap3A_93 = tpu.vector_load %arg11[%swap3A] {strides = array<i32>} : memref<128xf32, #tpu.memory_space<vmem>>, vector<16xf32>,
      %swap3A_94 = vector.shape_cast %swap3A_93 : vector<16xf32> to vector<16xf32>
      %swap3A_95 = vector.shape_cast %broadcast_in_dim3A_90 : vector<16xf32> to vector<16xf32>
      tpu.vector_store %arg11[%swap3A], %swap3A_95 {strides = array<i32>} : memref<128xf32, #tpu.memory_space<vmem>>, vector<16xf32>,
      %scan3A_96 = arith.constant 0 : i32
      scf.yield %scan3A_96 : i32
    }
    %scan3A_37 = arith.constant 8 : i32
    %eq3A = arith.constant 0 : i32
    %eq3A_38 = arith.cmpi eq, %arg0, %eq3A : i32
    %convert_element_type3A = arith.extui %eq3A_38 : i1 to i32
    %cond3A = arith.constant 0 : i32
    %cond3A_39 = arith.cmpi ne, %convert_element_type3A, %cond3A : i32
    scf.if %cond3A_39 {
      %mul3A_88 = arith.constant 640 : i32
      %mul3A_89 = arith.muli %arg1, %mul3A_88 : i32
      "tpu.region"() ({
        %run_scoped3A = tpu.sem_alloc : memref<!tpu.dma_semaphore, #tpu.memory_space<semaphore_mem>>
        %dma_start3A = tpu.memref_slice %arg13[%mul3A_89] : memref<10240xf32, #tpu.memory_space<vmem_shared>> -> memref<640xf32, #tpu.memory_space<vmem_shared>>
        %dma_start3A_90 = tpu.memref_slice %arg13[%mul3A_89] : memref<10240xf32, #tpu.memory_space<vmem_shared>> -> memref<640xf32, #tpu.memory_space<vmem_shared>>
        tpu.enqueue_dma source(%arg10 : memref<640xf32, #tpu.memory_space<vmem>>) target(%dma_start3A_90 : memref<640xf32, #tpu.memory_space<vmem_shared>>) target_semaphore(%run_scoped3A : memref<!tpu.dma_semaphore, #tpu.memory_space<semaphore_mem>>)
        %dma_wait3A = tpu.memref_slice %arg13[%mul3A_89] : memref<10240xf32, #tpu.memory_space<vmem_shared>> -> memref<640xf32, #tpu.memory_space<vmem_shared>>
        %dma_wait3A_91 = tpu.memref_slice %arg13[%mul3A_89] : memref<10240xf32, #tpu.memory_space<vmem_shared>> -> memref<640xf32, #tpu.memory_space<vmem_shared>>
        tpu.wait_dma2 semaphore(%run_scoped3A : memref<!tpu.dma_semaphore, #tpu.memory_space<semaphore_mem>>) src(%arg10 : memref<640xf32, #tpu.memory_space<vmem>>) dst(%dma_wait3A_91 : memref<640xf32, #tpu.memory_space<vmem_shared>>)
        tpu.yield
      }) : () -> ()
    } else {
    }
    %barrier3A = arith.constant 0 : index
    tpu.barrier barrier_id(%barrier3A)
    %scan3A_40 = arith.constant 0 : i32
    %scan3A_41 = arith.constant 0 : i32
    %scan3A_42 = arith.constant 79 : i32
    %scan3A_43 = arith.addi %scan3A_41, %scan3A_42 : i32
    %scan3A_44 = arith.constant 1 : i32
    %scan3A_45 = scf.for %scan3A_88 = %scan3A_41 to %scan3A_43 step %scan3A_44 iter_args(%scan3A_89 = %scan3A_40) -> (i32)  : i32 {
      %mul3A_90 = arith.constant 16 : i32
      %mul3A_91 = arith.muli %mul3A_90, %scan3A_88 : i32
      %add3A_92 = arith.addi %arg1, %mul3A_91 : i32
      %lt3A = arith.constant 1250 : i32
      %lt3A_93 = arith.cmpi slt, %add3A_92, %lt3A : i32
      %convert_element_type3A_94 = arith.extui %lt3A_93 : i1 to i32
      %cond3A_95 = arith.constant 0 : i32
      %cond3A_96 = arith.cmpi ne, %convert_element_type3A_94, %cond3A_95 : i32
      scf.if %cond3A_96 {
        %mul3A_98 = arith.constant 128 : i32
        %mul3A_99 = arith.muli %add3A_92, %mul3A_98 : i32
        "tpu.region"() ({
          %run_scoped3A = tpu.sem_alloc : memref<!tpu.dma_semaphore, #tpu.memory_space<semaphore_mem>>
          %dma_start3A_195 = tpu.memref_slice %arg3[%mul3A_99] : memref<160000xi32, #tpu.memory_space<hbm>> -> memref<128xi32, #tpu.memory_space<hbm>>
          %dma_start3A_196 = tpu.memref_slice %arg3[%mul3A_99] : memref<160000xi32, #tpu.memory_space<hbm>> -> memref<128xi32, #tpu.memory_space<hbm>>
          tpu.enqueue_dma source(%dma_start3A_196 : memref<128xi32, #tpu.memory_space<hbm>>) target(%arg7 : memref<128xi32, #tpu.memory_space<vmem>>) target_semaphore(%run_scoped3A : memref<!tpu.dma_semaphore, #tpu.memory_space<semaphore_mem>>)
          %dma_wait3A_197 = tpu.memref_slice %arg3[%mul3A_99] : memref<160000xi32, #tpu.memory_space<hbm>> -> memref<128xi32, #tpu.memory_space<hbm>>
          %dma_wait3A_198 = tpu.memref_slice %arg3[%mul3A_99] : memref<160000xi32, #tpu.memory_space<hbm>> -> memref<128xi32, #tpu.memory_space<hbm>>
          tpu.wait_dma2 semaphore(%run_scoped3A : memref<!tpu.dma_semaphore, #tpu.memory_space<semaphore_mem>>) src(%dma_wait3A_198 : memref<128xi32, #tpu.memory_space<hbm>>) dst(%arg7 : memref<128xi32, #tpu.memory_space<vmem>>)
          tpu.yield
        }) : () -> ()
        "tpu.region"() ({
          %run_scoped3A = tpu.sem_alloc : memref<!tpu.dma_semaphore, #tpu.memory_space<semaphore_mem>>
          %dma_start3A_195 = tpu.memref_slice %arg4[%mul3A_99] : memref<160000xi32, #tpu.memory_space<hbm>> -> memref<128xi32, #tpu.memory_space<hbm>>
          %dma_start3A_196 = tpu.memref_slice %arg4[%mul3A_99] : memref<160000xi32, #tpu.memory_space<hbm>> -> memref<128xi32, #tpu.memory_space<hbm>>
          tpu.enqueue_dma source(%dma_start3A_196 : memref<128xi32, #tpu.memory_space<hbm>>) target(%arg8 : memref<128xi32, #tpu.memory_space<vmem>>) target_semaphore(%run_scoped3A : memref<!tpu.dma_semaphore, #tpu.memory_space<semaphore_mem>>)
          %dma_wait3A_197 = tpu.memref_slice %arg4[%mul3A_99] : memref<160000xi32, #tpu.memory_space<hbm>> -> memref<128xi32, #tpu.memory_space<hbm>>
          %dma_wait3A_198 = tpu.memref_slice %arg4[%mul3A_99] : memref<160000xi32, #tpu.memory_space<hbm>> -> memref<128xi32, #tpu.memory_space<hbm>>
          tpu.wait_dma2 semaphore(%run_scoped3A : memref<!tpu.dma_semaphore, #tpu.memory_space<semaphore_mem>>) src(%dma_wait3A_198 : memref<128xi32, #tpu.memory_space<hbm>>) dst(%arg8 : memref<128xi32, #tpu.memory_space<vmem>>)
          tpu.yield
        }) : () -> ()
        %get3A = arith.constant 0 : index
        %get3A_100 = tpu.vector_load %arg7[%get3A] {strides = array<i32>} : memref<128xi32, #tpu.memory_space<vmem>>, vector<16xi32>,
        %get3A_101 = vector.shape_cast %get3A_100 : vector<16xi32> to vector<16xi32>
        %mul3A_102 = arith.constant 10000 : i32
        %mul3A_103 = arith.muli %arg0, %mul3A_102 : i32
        %add3A_104 = vector.broadcast %mul3A_103 : i32 to vector<16xi32>
        %add3A_105 = arith.addi %get3A_101, %add3A_104 : vector<16xi32>
        %swap3A = arith.constant 0 : index
        %swap3A_106 = tpu.vector_load %arg7[%swap3A] {strides = array<i32>} : memref<128xi32, #tpu.memory_space<vmem>>, vector<16xi32>,
        %swap3A_107 = vector.shape_cast %swap3A_106 : vector<16xi32> to vector<16xi32>
        %swap3A_108 = vector.shape_cast %add3A_105 : vector<16xi32> to vector<16xi32>
        tpu.vector_store %arg7[%swap3A], %swap3A_108 {strides = array<i32>} : memref<128xi32, #tpu.memory_space<vmem>>, vector<16xi32>,
        %get3A_109 = arith.constant 16 : index
        %get3A_110 = tpu.vector_load %arg7[%get3A_109] {strides = array<i32>} : memref<128xi32, #tpu.memory_space<vmem>>, vector<16xi32>,
        %get3A_111 = vector.shape_cast %get3A_110 : vector<16xi32> to vector<16xi32>
        %mul3A_112 = arith.constant 10000 : i32
        %mul3A_113 = arith.muli %arg0, %mul3A_112 : i32
        %add3A_114 = vector.broadcast %mul3A_113 : i32 to vector<16xi32>
        %add3A_115 = arith.addi %get3A_111, %add3A_114 : vector<16xi32>
        %swap3A_116 = arith.constant 16 : index
        %swap3A_117 = tpu.vector_load %arg7[%swap3A_116] {strides = array<i32>} : memref<128xi32, #tpu.memory_space<vmem>>, vector<16xi32>,
        %swap3A_118 = vector.shape_cast %swap3A_117 : vector<16xi32> to vector<16xi32>
        %swap3A_119 = vector.shape_cast %add3A_115 : vector<16xi32> to vector<16xi32>
        tpu.vector_store %arg7[%swap3A_116], %swap3A_119 {strides = array<i32>} : memref<128xi32, #tpu.memory_space<vmem>>, vector<16xi32>,
        %get3A_120 = arith.constant 32 : index
        %get3A_121 = tpu.vector_load %arg7[%get3A_120] {strides = array<i32>} : memref<128xi32, #tpu.memory_space<vmem>>, vector<16xi32>,
        %get3A_122 = vector.shape_cast %get3A_121 : vector<16xi32> to vector<16xi32>
        %mul3A_123 = arith.constant 10000 : i32
        %mul3A_124 = arith.muli %arg0, %mul3A_123 : i32
        %add3A_125 = vector.broadcast %mul3A_124 : i32 to vector<16xi32>
        %add3A_126 = arith.addi %get3A_122, %add3A_125 : vector<16xi32>
        %swap3A_127 = arith.constant 32 : index
        %swap3A_128 = tpu.vector_load %arg7[%swap3A_127] {strides = array<i32>} : memref<128xi32, #tpu.memory_space<vmem>>, vector<16xi32>,
        %swap3A_129 = vector.shape_cast %swap3A_128 : vector<16xi32> to vector<16xi32>
        %swap3A_130 = vector.shape_cast %add3A_126 : vector<16xi32> to vector<16xi32>
        tpu.vector_store %arg7[%swap3A_127], %swap3A_130 {strides = array<i32>} : memref<128xi32, #tpu.memory_space<vmem>>, vector<16xi32>,
        %get3A_131 = arith.constant 48 : index
        %get3A_132 = tpu.vector_load %arg7[%get3A_131] {strides = array<i32>} : memref<128xi32, #tpu.memory_space<vmem>>, vector<16xi32>,
        %get3A_133 = vector.shape_cast %get3A_132 : vector<16xi32> to vector<16xi32>
        %mul3A_134 = arith.constant 10000 : i32
        %mul3A_135 = arith.muli %arg0, %mul3A_134 : i32
        %add3A_136 = vector.broadcast %mul3A_135 : i32 to vector<16xi32>
        %add3A_137 = arith.addi %get3A_133, %add3A_136 : vector<16xi32>
        %swap3A_138 = arith.constant 48 : index
        %swap3A_139 = tpu.vector_load %arg7[%swap3A_138] {strides = array<i32>} : memref<128xi32, #tpu.memory_space<vmem>>, vector<16xi32>,
        %swap3A_140 = vector.shape_cast %swap3A_139 : vector<16xi32> to vector<16xi32>
        %swap3A_141 = vector.shape_cast %add3A_137 : vector<16xi32> to vector<16xi32>
        tpu.vector_store %arg7[%swap3A_138], %swap3A_141 {strides = array<i32>} : memref<128xi32, #tpu.memory_space<vmem>>, vector<16xi32>,
        %get3A_142 = arith.constant 64 : index
        %get3A_143 = tpu.vector_load %arg7[%get3A_142] {strides = array<i32>} : memref<128xi32, #tpu.memory_space<vmem>>, vector<16xi32>,
        %get3A_144 = vector.shape_cast %get3A_143 : vector<16xi32> to vector<16xi32>
        %mul3A_145 = arith.constant 10000 : i32
        %mul3A_146 = arith.muli %arg0, %mul3A_145 : i32
        %add3A_147 = vector.broadcast %mul3A_146 : i32 to vector<16xi32>
        %add3A_148 = arith.addi %get3A_144, %add3A_147 : vector<16xi32>
        %swap3A_149 = arith.constant 64 : index
        %swap3A_150 = tpu.vector_load %arg7[%swap3A_149] {strides = array<i32>} : memref<128xi32, #tpu.memory_space<vmem>>, vector<16xi32>,
        %swap3A_151 = vector.shape_cast %swap3A_150 : vector<16xi32> to vector<16xi32>
        %swap3A_152 = vector.shape_cast %add3A_148 : vector<16xi32> to vector<16xi32>
        tpu.vector_store %arg7[%swap3A_149], %swap3A_152 {strides = array<i32>} : memref<128xi32, #tpu.memory_space<vmem>>, vector<16xi32>,
        %get3A_153 = arith.constant 80 : index
        %get3A_154 = tpu.vector_load %arg7[%get3A_153] {strides = array<i32>} : memref<128xi32, #tpu.memory_space<vmem>>, vector<16xi32>,
        %get3A_155 = vector.shape_cast %get3A_154 : vector<16xi32> to vector<16xi32>
        %mul3A_156 = arith.constant 10000 : i32
        %mul3A_157 = arith.muli %arg0, %mul3A_156 : i32
        %add3A_158 = vector.broadcast %mul3A_157 : i32 to vector<16xi32>
        %add3A_159 = arith.addi %get3A_155, %add3A_158 : vector<16xi32>
        %swap3A_160 = arith.constant 80 : index
        %swap3A_161 = tpu.vector_load %arg7[%swap3A_160] {strides = array<i32>} : memref<128xi32, #tpu.memory_space<vmem>>, vector<16xi32>,
        %swap3A_162 = vector.shape_cast %swap3A_161 : vector<16xi32> to vector<16xi32>
        %swap3A_163 = vector.shape_cast %add3A_159 : vector<16xi32> to vector<16xi32>
        tpu.vector_store %arg7[%swap3A_160], %swap3A_163 {strides = array<i32>} : memref<128xi32, #tpu.memory_space<vmem>>, vector<16xi32>,
        %get3A_164 = arith.constant 96 : index
        %get3A_165 = tpu.vector_load %arg7[%get3A_164] {strides = array<i32>} : memref<128xi32, #tpu.memory_space<vmem>>, vector<16xi32>,
        %get3A_166 = vector.shape_cast %get3A_165 : vector<16xi32> to vector<16xi32>
        %mul3A_167 = arith.constant 10000 : i32
        %mul3A_168 = arith.muli %arg0, %mul3A_167 : i32
        %add3A_169 = vector.broadcast %mul3A_168 : i32 to vector<16xi32>
        %add3A_170 = arith.addi %get3A_166, %add3A_169 : vector<16xi32>
        %swap3A_171 = arith.constant 96 : index
        %swap3A_172 = tpu.vector_load %arg7[%swap3A_171] {strides = array<i32>} : memref<128xi32, #tpu.memory_space<vmem>>, vector<16xi32>,
        %swap3A_173 = vector.shape_cast %swap3A_172 : vector<16xi32> to vector<16xi32>
        %swap3A_174 = vector.shape_cast %add3A_170 : vector<16xi32> to vector<16xi32>
        tpu.vector_store %arg7[%swap3A_171], %swap3A_174 {strides = array<i32>} : memref<128xi32, #tpu.memory_space<vmem>>, vector<16xi32>,
        %get3A_175 = arith.constant 112 : index
        %get3A_176 = tpu.vector_load %arg7[%get3A_175] {strides = array<i32>} : memref<128xi32, #tpu.memory_space<vmem>>, vector<16xi32>,
        %get3A_177 = vector.shape_cast %get3A_176 : vector<16xi32> to vector<16xi32>
        %mul3A_178 = arith.constant 10000 : i32
        %mul3A_179 = arith.muli %arg0, %mul3A_178 : i32
        %add3A_180 = vector.broadcast %mul3A_179 : i32 to vector<16xi32>
        %add3A_181 = arith.addi %get3A_177, %add3A_180 : vector<16xi32>
        %swap3A_182 = arith.constant 112 : index
        %swap3A_183 = tpu.vector_load %arg7[%swap3A_182] {strides = array<i32>} : memref<128xi32, #tpu.memory_space<vmem>>, vector<16xi32>,
        %swap3A_184 = vector.shape_cast %swap3A_183 : vector<16xi32> to vector<16xi32>
        %swap3A_185 = vector.shape_cast %add3A_181 : vector<16xi32> to vector<16xi32>
        tpu.vector_store %arg7[%swap3A_182], %swap3A_185 {strides = array<i32>} : memref<128xi32, #tpu.memory_space<vmem>>, vector<16xi32>,
        %dma_start3A = arith.constant 0 : i32
        %dma_start3A_186 = arith.constant 0 : i32
        %dma_start3A_187 = tpu.memref_slice %arg2[%dma_start3A, %dma_start3A_186] : memref<20000x128xf32, #tpu.memory_space<hbm>> -> memref<20000x128xf32, #tpu.memory_space<hbm>>
        tpu.enqueue_indirect_dma source(%dma_start3A_187 : memref<20000x128xf32, #tpu.memory_space<hbm>>) target(%arg9 : memref<128x128xf32, #tpu.memory_space<vmem>>) offsets(%arg7 : memref<128xi32, #tpu.memory_space<vmem>>) semaphore(%arg14 : memref<!tpu.dma_semaphore, #tpu.memory_space<semaphore_mem>>)
        %dma_wait3A = arith.constant 0 : i32
        %dma_wait3A_188 = arith.constant 0 : i32
        %dma_wait3A_189 = tpu.memref_slice %arg2[%dma_wait3A, %dma_wait3A_188] : memref<20000x128xf32, #tpu.memory_space<hbm>> -> memref<20000x128xf32, #tpu.memory_space<hbm>>
        tpu.wait_indirect_dma semaphore(%arg14 : memref<!tpu.dma_semaphore, #tpu.memory_space<semaphore_mem>>) src(%dma_wait3A_189 : memref<20000x128xf32, #tpu.memory_space<hbm>>) dst(%arg9 : memref<128x128xf32, #tpu.memory_space<vmem>>)
        "tpu.region"() ({
          %run_scoped3A = tpu.sem_alloc : memref<!tpu.dma_semaphore, #tpu.memory_space<semaphore_mem>>
          %dma_start3A_195 = arith.constant 0 : i32
          %dma_start3A_196 = arith.constant 0 : i32
          %dma_start3A_197 = tpu.memref_slice %arg12[%dma_start3A_195, %dma_start3A_196] : memref<10240x128xf32, #tpu.memory_space<vmem_shared>> -> memref<10240x128xf32, #tpu.memory_space<vmem_shared>>
          tpu.enqueue_indirect_dma source(%arg9 : memref<128x128xf32, #tpu.memory_space<vmem>>) target(%dma_start3A_197 : memref<10240x128xf32, #tpu.memory_space<vmem_shared>>) offsets(%arg8 : memref<128xi32, #tpu.memory_space<vmem>>) semaphore(%run_scoped3A : memref<!tpu.dma_semaphore, #tpu.memory_space<semaphore_mem>>) {add = true}
          %dma_wait3A_198 = arith.constant 0 : i32
          %dma_wait3A_199 = arith.constant 0 : i32
          %dma_wait3A_200 = tpu.memref_slice %arg12[%dma_wait3A_198, %dma_wait3A_199] : memref<10240x128xf32, #tpu.memory_space<vmem_shared>> -> memref<10240x128xf32, #tpu.memory_space<vmem_shared>>
          tpu.wait_indirect_dma semaphore(%run_scoped3A : memref<!tpu.dma_semaphore, #tpu.memory_space<semaphore_mem>>) src(%arg9 : memref<128x128xf32, #tpu.memory_space<vmem>>) dst(%dma_wait3A_200 : memref<10240x128xf32, #tpu.memory_space<vmem_shared>>)
          tpu.yield
        }) : () -> ()
        %eq3A_190 = arith.constant 0 : i32
        %eq3A_191 = arith.cmpi eq, %arg0, %eq3A_190 : i32
        %convert_element_type3A_192 = arith.extui %eq3A_191 : i1 to i32
        %cond3A_193 = arith.constant 0 : i32
        %cond3A_194 = arith.cmpi ne, %convert_element_type3A_192, %cond3A_193 : i32
        scf.if %cond3A_194 {
          "tpu.region"() ({
            %run_scoped3A = tpu.sem_alloc : memref<!tpu.dma_semaphore, #tpu.memory_space<semaphore_mem>>
            %dma_start3A_195 = arith.constant 0 : i32
            %dma_start3A_196 = tpu.memref_slice %arg13[%dma_start3A_195] : memref<10240xf32, #tpu.memory_space<vmem_shared>> -> memref<10240xf32, #tpu.memory_space<vmem_shared>>
            tpu.enqueue_indirect_dma source(%arg11 : memref<128xf32, #tpu.memory_space<vmem>>) target(%dma_start3A_196 : memref<10240xf32, #tpu.memory_space<vmem_shared>>) offsets(%arg8 : memref<128xi32, #tpu.memory_space<vmem>>) semaphore(%run_scoped3A : memref<!tpu.dma_semaphore, #tpu.memory_space<semaphore_mem>>) {add = true}
            %dma_wait3A_197 = arith.constant 0 : i32
            %dma_wait3A_198 = tpu.memref_slice %arg13[%dma_wait3A_197] : memref<10240xf32, #tpu.memory_space<vmem_shared>> -> memref<10240xf32, #tpu.memory_space<vmem_shared>>
            tpu.wait_indirect_dma semaphore(%run_scoped3A : memref<!tpu.dma_semaphore, #tpu.memory_space<semaphore_mem>>) src(%arg11 : memref<128xf32, #tpu.memory_space<vmem>>) dst(%dma_wait3A_198 : memref<10240xf32, #tpu.memory_space<vmem_shared>>)
            tpu.yield
          }) : () -> ()
        } else {
        }
      } else {
      }
      %scan3A_97 = arith.constant 0 : i32
      scf.yield %scan3A_97 : i32
    }
    %scan3A_46 = arith.constant 79 : i32
    %barrier3A_47 = arith.constant 0 : index
    tpu.barrier barrier_id(%barrier3A_47)
    %mul3A_48 = arith.constant 640 : i32
    %mul3A_49 = arith.muli %arg1, %mul3A_48 : i32
    %add3A_50 = arith.constant 0 : i32
    %add3A_51 = arith.addi %mul3A_49, %add3A_50 : i32
    "tpu.region"() ({
      %run_scoped3A = tpu.sem_alloc : memref<!tpu.dma_semaphore, #tpu.memory_space<semaphore_mem>>
      %dma_start3A = arith.constant 0 : i32
      %dma_start3A_88 = tpu.memref_slice %arg12[%add3A_51, %dma_start3A] : memref<10240x128xf32, #tpu.memory_space<vmem_shared>> -> memref<128x128xf32, #tpu.memory_space<vmem_shared>>
      %dma_start3A_89 = arith.constant 0 : i32
      %dma_start3A_90 = tpu.memref_slice %arg12[%add3A_51, %dma_start3A_89] : memref<10240x128xf32, #tpu.memory_space<vmem_shared>> -> memref<128x128xf32, #tpu.memory_space<vmem_shared>>
      tpu.enqueue_dma source(%dma_start3A_90 : memref<128x128xf32, #tpu.memory_space<vmem_shared>>) target(%arg9 : memref<128x128xf32, #tpu.memory_space<vmem>>) target_semaphore(%run_scoped3A : memref<!tpu.dma_semaphore, #tpu.memory_space<semaphore_mem>>)
      %dma_wait3A = arith.constant 0 : i32
      %dma_wait3A_91 = tpu.memref_slice %arg12[%add3A_51, %dma_wait3A] : memref<10240x128xf32, #tpu.memory_space<vmem_shared>> -> memref<128x128xf32, #tpu.memory_space<vmem_shared>>
      %dma_wait3A_92 = arith.constant 0 : i32
      %dma_wait3A_93 = tpu.memref_slice %arg12[%add3A_51, %dma_wait3A_92] : memref<10240x128xf32, #tpu.memory_space<vmem_shared>> -> memref<128x128xf32, #tpu.memory_space<vmem_shared>>
      tpu.wait_dma2 semaphore(%run_scoped3A : memref<!tpu.dma_semaphore, #tpu.memory_space<semaphore_mem>>) src(%dma_wait3A_93 : memref<128x128xf32, #tpu.memory_space<vmem_shared>>) dst(%arg9 : memref<128x128xf32, #tpu.memory_space<vmem>>)
      tpu.yield
    }) : () -> ()
    %mul3A_52 = arith.constant 10240 : i32
    %mul3A_53 = arith.muli %arg0, %mul3A_52 : i32
    %add3A_54 = arith.addi %mul3A_53, %add3A_51 : i32
    "tpu.region"() ({
      %run_scoped3A = tpu.sem_alloc : memref<!tpu.dma_semaphore, #tpu.memory_space<semaphore_mem>>
      %dma_start3A = arith.constant 0 : i32
      %dma_start3A_88 = tpu.memref_slice %arg5[%add3A_54, %dma_start3A] : memref<20480x128xf32, #tpu.memory_space<hbm>> -> memref<128x128xf32, #tpu.memory_space<hbm>>
      %dma_start3A_89 = arith.constant 0 : i32
      %dma_start3A_90 = tpu.memref_slice %arg5[%add3A_54, %dma_start3A_89] : memref<20480x128xf32, #tpu.memory_space<hbm>> -> memref<128x128xf32, #tpu.memory_space<hbm>>
      tpu.enqueue_dma source(%arg9 : memref<128x128xf32, #tpu.memory_space<vmem>>) target(%dma_start3A_90 : memref<128x128xf32, #tpu.memory_space<hbm>>) target_semaphore(%run_scoped3A : memref<!tpu.dma_semaphore, #tpu.memory_space<semaphore_mem>>)
      %dma_wait3A = arith.constant 0 : i32
      %dma_wait3A_91 = tpu.memref_slice %arg5[%add3A_54, %dma_wait3A] : memref<20480x128xf32, #tpu.memory_space<hbm>> -> memref<128x128xf32, #tpu.memory_space<hbm>>
      %dma_wait3A_92 = arith.constant 0 : i32
      %dma_wait3A_93 = tpu.memref_slice %arg5[%add3A_54, %dma_wait3A_92] : memref<20480x128xf32, #tpu.memory_space<hbm>> -> memref<128x128xf32, #tpu.memory_space<hbm>>
      tpu.wait_dma2 semaphore(%run_scoped3A : memref<!tpu.dma_semaphore, #tpu.memory_space<semaphore_mem>>) src(%arg9 : memref<128x128xf32, #tpu.memory_space<vmem>>) dst(%dma_wait3A_93 : memref<128x128xf32, #tpu.memory_space<hbm>>)
      tpu.yield
    }) : () -> ()
    %mul3A_55 = arith.constant 640 : i32
    %mul3A_56 = arith.muli %arg1, %mul3A_55 : i32
    %add3A_57 = arith.constant 128 : i32
    %add3A_58 = arith.addi %mul3A_56, %add3A_57 : i32
    "tpu.region"() ({
      %run_scoped3A = tpu.sem_alloc : memref<!tpu.dma_semaphore, #tpu.memory_space<semaphore_mem>>
      %dma_start3A = arith.constant 0 : i32
      %dma_start3A_88 = tpu.memref_slice %arg12[%add3A_58, %dma_start3A] : memref<10240x128xf32, #tpu.memory_space<vmem_shared>> -> memref<128x128xf32, #tpu.memory_space<vmem_shared>>
      %dma_start3A_89 = arith.constant 0 : i32
      %dma_start3A_90 = tpu.memref_slice %arg12[%add3A_58, %dma_start3A_89] : memref<10240x128xf32, #tpu.memory_space<vmem_shared>> -> memref<128x128xf32, #tpu.memory_space<vmem_shared>>
      tpu.enqueue_dma source(%dma_start3A_90 : memref<128x128xf32, #tpu.memory_space<vmem_shared>>) target(%arg9 : memref<128x128xf32, #tpu.memory_space<vmem>>) target_semaphore(%run_scoped3A : memref<!tpu.dma_semaphore, #tpu.memory_space<semaphore_mem>>)
      %dma_wait3A = arith.constant 0 : i32
      %dma_wait3A_91 = tpu.memref_slice %arg12[%add3A_58, %dma_wait3A] : memref<10240x128xf32, #tpu.memory_space<vmem_shared>> -> memref<128x128xf32, #tpu.memory_space<vmem_shared>>
      %dma_wait3A_92 = arith.constant 0 : i32
      %dma_wait3A_93 = tpu.memref_slice %arg12[%add3A_58, %dma_wait3A_92] : memref<10240x128xf32, #tpu.memory_space<vmem_shared>> -> memref<128x128xf32, #tpu.memory_space<vmem_shared>>
      tpu.wait_dma2 semaphore(%run_scoped3A : memref<!tpu.dma_semaphore, #tpu.memory_space<semaphore_mem>>) src(%dma_wait3A_93 : memref<128x128xf32, #tpu.memory_space<vmem_shared>>) dst(%arg9 : memref<128x128xf32, #tpu.memory_space<vmem>>)
      tpu.yield
    }) : () -> ()
    %mul3A_59 = arith.constant 10240 : i32
    %mul3A_60 = arith.muli %arg0, %mul3A_59 : i32
    %add3A_61 = arith.addi %mul3A_60, %add3A_58 : i32
    "tpu.region"() ({
      %run_scoped3A = tpu.sem_alloc : memref<!tpu.dma_semaphore, #tpu.memory_space<semaphore_mem>>
      %dma_start3A = arith.constant 0 : i32
      %dma_start3A_88 = tpu.memref_slice %arg5[%add3A_61, %dma_start3A] : memref<20480x128xf32, #tpu.memory_space<hbm>> -> memref<128x128xf32, #tpu.memory_space<hbm>>
      %dma_start3A_89 = arith.constant 0 : i32
      %dma_start3A_90 = tpu.memref_slice %arg5[%add3A_61, %dma_start3A_89] : memref<20480x128xf32, #tpu.memory_space<hbm>> -> memref<128x128xf32, #tpu.memory_space<hbm>>
      tpu.enqueue_dma source(%arg9 : memref<128x128xf32, #tpu.memory_space<vmem>>) target(%dma_start3A_90 : memref<128x128xf32, #tpu.memory_space<hbm>>) target_semaphore(%run_scoped3A : memref<!tpu.dma_semaphore, #tpu.memory_space<semaphore_mem>>)
      %dma_wait3A = arith.constant 0 : i32
      %dma_wait3A_91 = tpu.memref_slice %arg5[%add3A_61, %dma_wait3A] : memref<20480x128xf32, #tpu.memory_space<hbm>> -> memref<128x128xf32, #tpu.memory_space<hbm>>
      %dma_wait3A_92 = arith.constant 0 : i32
      %dma_wait3A_93 = tpu.memref_slice %arg5[%add3A_61, %dma_wait3A_92] : memref<20480x128xf32, #tpu.memory_space<hbm>> -> memref<128x128xf32, #tpu.memory_space<hbm>>
      tpu.wait_dma2 semaphore(%run_scoped3A : memref<!tpu.dma_semaphore, #tpu.memory_space<semaphore_mem>>) src(%arg9 : memref<128x128xf32, #tpu.memory_space<vmem>>) dst(%dma_wait3A_93 : memref<128x128xf32, #tpu.memory_space<hbm>>)
      tpu.yield
    }) : () -> ()
    %mul3A_62 = arith.constant 640 : i32
    %mul3A_63 = arith.muli %arg1, %mul3A_62 : i32
    %add3A_64 = arith.constant 256 : i32
    %add3A_65 = arith.addi %mul3A_63, %add3A_64 : i32
    "tpu.region"() ({
      %run_scoped3A = tpu.sem_alloc : memref<!tpu.dma_semaphore, #tpu.memory_space<semaphore_mem>>
      %dma_start3A = arith.constant 0 : i32
      %dma_start3A_88 = tpu.memref_slice %arg12[%add3A_65, %dma_start3A] : memref<10240x128xf32, #tpu.memory_space<vmem_shared>> -> memref<128x128xf32, #tpu.memory_space<vmem_shared>>
      %dma_start3A_89 = arith.constant 0 : i32
      %dma_start3A_90 = tpu.memref_slice %arg12[%add3A_65, %dma_start3A_89] : memref<10240x128xf32, #tpu.memory_space<vmem_shared>> -> memref<128x128xf32, #tpu.memory_space<vmem_shared>>
      tpu.enqueue_dma source(%dma_start3A_90 : memref<128x128xf32, #tpu.memory_space<vmem_shared>>) target(%arg9 : memref<128x128xf32, #tpu.memory_space<vmem>>) target_semaphore(%run_scoped3A : memref<!tpu.dma_semaphore, #tpu.memory_space<semaphore_mem>>)
      %dma_wait3A = arith.constant 0 : i32
      %dma_wait3A_91 = tpu.memref_slice %arg12[%add3A_65, %dma_wait3A] : memref<10240x128xf32, #tpu.memory_space<vmem_shared>> -> memref<128x128xf32, #tpu.memory_space<vmem_shared>>
      %dma_wait3A_92 = arith.constant 0 : i32
      %dma_wait3A_93 = tpu.memref_slice %arg12[%add3A_65, %dma_wait3A_92] : memref<10240x128xf32, #tpu.memory_space<vmem_shared>> -> memref<128x128xf32, #tpu.memory_space<vmem_shared>>
      tpu.wait_dma2 semaphore(%run_scoped3A : memref<!tpu.dma_semaphore, #tpu.memory_space<semaphore_mem>>) src(%dma_wait3A_93 : memref<128x128xf32, #tpu.memory_space<vmem_shared>>) dst(%arg9 : memref<128x128xf32, #tpu.memory_space<vmem>>)
      tpu.yield
    }) : () -> ()
    %mul3A_66 = arith.constant 10240 : i32
    %mul3A_67 = arith.muli %arg0, %mul3A_66 : i32
    %add3A_68 = arith.addi %mul3A_67, %add3A_65 : i32
    "tpu.region"() ({
      %run_scoped3A = tpu.sem_alloc : memref<!tpu.dma_semaphore, #tpu.memory_space<semaphore_mem>>
      %dma_start3A = arith.constant 0 : i32
      %dma_start3A_88 = tpu.memref_slice %arg5[%add3A_68, %dma_start3A] : memref<20480x128xf32, #tpu.memory_space<hbm>> -> memref<128x128xf32, #tpu.memory_space<hbm>>
      %dma_start3A_89 = arith.constant 0 : i32
      %dma_start3A_90 = tpu.memref_slice %arg5[%add3A_68, %dma_start3A_89] : memref<20480x128xf32, #tpu.memory_space<hbm>> -> memref<128x128xf32, #tpu.memory_space<hbm>>
      tpu.enqueue_dma source(%arg9 : memref<128x128xf32, #tpu.memory_space<vmem>>) target(%dma_start3A_90 : memref<128x128xf32, #tpu.memory_space<hbm>>) target_semaphore(%run_scoped3A : memref<!tpu.dma_semaphore, #tpu.memory_space<semaphore_mem>>)
      %dma_wait3A = arith.constant 0 : i32
      %dma_wait3A_91 = tpu.memref_slice %arg5[%add3A_68, %dma_wait3A] : memref<20480x128xf32, #tpu.memory_space<hbm>> -> memref<128x128xf32, #tpu.memory_space<hbm>>
      %dma_wait3A_92 = arith.constant 0 : i32
      %dma_wait3A_93 = tpu.memref_slice %arg5[%add3A_68, %dma_wait3A_92] : memref<20480x128xf32, #tpu.memory_space<hbm>> -> memref<128x128xf32, #tpu.memory_space<hbm>>
      tpu.wait_dma2 semaphore(%run_scoped3A : memref<!tpu.dma_semaphore, #tpu.memory_space<semaphore_mem>>) src(%arg9 : memref<128x128xf32, #tpu.memory_space<vmem>>) dst(%dma_wait3A_93 : memref<128x128xf32, #tpu.memory_space<hbm>>)
      tpu.yield
    }) : () -> ()
    %mul3A_69 = arith.constant 640 : i32
    %mul3A_70 = arith.muli %arg1, %mul3A_69 : i32
    %add3A_71 = arith.constant 384 : i32
    %add3A_72 = arith.addi %mul3A_70, %add3A_71 : i32
    "tpu.region"() ({
      %run_scoped3A = tpu.sem_alloc : memref<!tpu.dma_semaphore, #tpu.memory_space<semaphore_mem>>
      %dma_start3A = arith.constant 0 : i32
      %dma_start3A_88 = tpu.memref_slice %arg12[%add3A_72, %dma_start3A] : memref<10240x128xf32, #tpu.memory_space<vmem_shared>> -> memref<128x128xf32, #tpu.memory_space<vmem_shared>>
      %dma_start3A_89 = arith.constant 0 : i32
      %dma_start3A_90 = tpu.memref_slice %arg12[%add3A_72, %dma_start3A_89] : memref<10240x128xf32, #tpu.memory_space<vmem_shared>> -> memref<128x128xf32, #tpu.memory_space<vmem_shared>>
      tpu.enqueue_dma source(%dma_start3A_90 : memref<128x128xf32, #tpu.memory_space<vmem_shared>>) target(%arg9 : memref<128x128xf32, #tpu.memory_space<vmem>>) target_semaphore(%run_scoped3A : memref<!tpu.dma_semaphore, #tpu.memory_space<semaphore_mem>>)
      %dma_wait3A = arith.constant 0 : i32
      %dma_wait3A_91 = tpu.memref_slice %arg12[%add3A_72, %dma_wait3A] : memref<10240x128xf32, #tpu.memory_space<vmem_shared>> -> memref<128x128xf32, #tpu.memory_space<vmem_shared>>
      %dma_wait3A_92 = arith.constant 0 : i32
      %dma_wait3A_93 = tpu.memref_slice %arg12[%add3A_72, %dma_wait3A_92] : memref<10240x128xf32, #tpu.memory_space<vmem_shared>> -> memref<128x128xf32, #tpu.memory_space<vmem_shared>>
      tpu.wait_dma2 semaphore(%run_scoped3A : memref<!tpu.dma_semaphore, #tpu.memory_space<semaphore_mem>>) src(%dma_wait3A_93 : memref<128x128xf32, #tpu.memory_space<vmem_shared>>) dst(%arg9 : memref<128x128xf32, #tpu.memory_space<vmem>>)
      tpu.yield
    }) : () -> ()
    %mul3A_73 = arith.constant 10240 : i32
    %mul3A_74 = arith.muli %arg0, %mul3A_73 : i32
    %add3A_75 = arith.addi %mul3A_74, %add3A_72 : i32
    "tpu.region"() ({
      %run_scoped3A = tpu.sem_alloc : memref<!tpu.dma_semaphore, #tpu.memory_space<semaphore_mem>>
      %dma_start3A = arith.constant 0 : i32
      %dma_start3A_88 = tpu.memref_slice %arg5[%add3A_75, %dma_start3A] : memref<20480x128xf32, #tpu.memory_space<hbm>> -> memref<128x128xf32, #tpu.memory_space<hbm>>
      %dma_start3A_89 = arith.constant 0 : i32
      %dma_start3A_90 = tpu.memref_slice %arg5[%add3A_75, %dma_start3A_89] : memref<20480x128xf32, #tpu.memory_space<hbm>> -> memref<128x128xf32, #tpu.memory_space<hbm>>
      tpu.enqueue_dma source(%arg9 : memref<128x128xf32, #tpu.memory_space<vmem>>) target(%dma_start3A_90 : memref<128x128xf32, #tpu.memory_space<hbm>>) target_semaphore(%run_scoped3A : memref<!tpu.dma_semaphore, #tpu.memory_space<semaphore_mem>>)
      %dma_wait3A = arith.constant 0 : i32
      %dma_wait3A_91 = tpu.memref_slice %arg5[%add3A_75, %dma_wait3A] : memref<20480x128xf32, #tpu.memory_space<hbm>> -> memref<128x128xf32, #tpu.memory_space<hbm>>
      %dma_wait3A_92 = arith.constant 0 : i32
      %dma_wait3A_93 = tpu.memref_slice %arg5[%add3A_75, %dma_wait3A_92] : memref<20480x128xf32, #tpu.memory_space<hbm>> -> memref<128x128xf32, #tpu.memory_space<hbm>>
      tpu.wait_dma2 semaphore(%run_scoped3A : memref<!tpu.dma_semaphore, #tpu.memory_space<semaphore_mem>>) src(%arg9 : memref<128x128xf32, #tpu.memory_space<vmem>>) dst(%dma_wait3A_93 : memref<128x128xf32, #tpu.memory_space<hbm>>)
      tpu.yield
    }) : () -> ()
    %mul3A_76 = arith.constant 640 : i32
    %mul3A_77 = arith.muli %arg1, %mul3A_76 : i32
    %add3A_78 = arith.constant 512 : i32
    %add3A_79 = arith.addi %mul3A_77, %add3A_78 : i32
    "tpu.region"() ({
      %run_scoped3A = tpu.sem_alloc : memref<!tpu.dma_semaphore, #tpu.memory_space<semaphore_mem>>
      %dma_start3A = arith.constant 0 : i32
      %dma_start3A_88 = tpu.memref_slice %arg12[%add3A_79, %dma_start3A] : memref<10240x128xf32, #tpu.memory_space<vmem_shared>> -> memref<128x128xf32, #tpu.memory_space<vmem_shared>>
      %dma_start3A_89 = arith.constant 0 : i32
      %dma_start3A_90 = tpu.memref_slice %arg12[%add3A_79, %dma_start3A_89] : memref<10240x128xf32, #tpu.memory_space<vmem_shared>> -> memref<128x128xf32, #tpu.memory_space<vmem_shared>>
      tpu.enqueue_dma source(%dma_start3A_90 : memref<128x128xf32, #tpu.memory_space<vmem_shared>>) target(%arg9 : memref<128x128xf32, #tpu.memory_space<vmem>>) target_semaphore(%run_scoped3A : memref<!tpu.dma_semaphore, #tpu.memory_space<semaphore_mem>>)
      %dma_wait3A = arith.constant 0 : i32
      %dma_wait3A_91 = tpu.memref_slice %arg12[%add3A_79, %dma_wait3A] : memref<10240x128xf32, #tpu.memory_space<vmem_shared>> -> memref<128x128xf32, #tpu.memory_space<vmem_shared>>
      %dma_wait3A_92 = arith.constant 0 : i32
      %dma_wait3A_93 = tpu.memref_slice %arg12[%add3A_79, %dma_wait3A_92] : memref<10240x128xf32, #tpu.memory_space<vmem_shared>> -> memref<128x128xf32, #tpu.memory_space<vmem_shared>>
      tpu.wait_dma2 semaphore(%run_scoped3A : memref<!tpu.dma_semaphore, #tpu.memory_space<semaphore_mem>>) src(%dma_wait3A_93 : memref<128x128xf32, #tpu.memory_space<vmem_shared>>) dst(%arg9 : memref<128x128xf32, #tpu.memory_space<vmem>>)
      tpu.yield
    }) : () -> ()
    %mul3A_80 = arith.constant 10240 : i32
    %mul3A_81 = arith.muli %arg0, %mul3A_80 : i32
    %add3A_82 = arith.addi %mul3A_81, %add3A_79 : i32
    "tpu.region"() ({
      %run_scoped3A = tpu.sem_alloc : memref<!tpu.dma_semaphore, #tpu.memory_space<semaphore_mem>>
      %dma_start3A = arith.constant 0 : i32
      %dma_start3A_88 = tpu.memref_slice %arg5[%add3A_82, %dma_start3A] : memref<20480x128xf32, #tpu.memory_space<hbm>> -> memref<128x128xf32, #tpu.memory_space<hbm>>
      %dma_start3A_89 = arith.constant 0 : i32
      %dma_start3A_90 = tpu.memref_slice %arg5[%add3A_82, %dma_start3A_89] : memref<20480x128xf32, #tpu.memory_space<hbm>> -> memref<128x128xf32, #tpu.memory_space<hbm>>
      tpu.enqueue_dma source(%arg9 : memref<128x128xf32, #tpu.memory_space<vmem>>) target(%dma_start3A_90 : memref<128x128xf32, #tpu.memory_space<hbm>>) target_semaphore(%run_scoped3A : memref<!tpu.dma_semaphore, #tpu.memory_space<semaphore_mem>>)
      %dma_wait3A = arith.constant 0 : i32
      %dma_wait3A_91 = tpu.memref_slice %arg5[%add3A_82, %dma_wait3A] : memref<20480x128xf32, #tpu.memory_space<hbm>> -> memref<128x128xf32, #tpu.memory_space<hbm>>
      %dma_wait3A_92 = arith.constant 0 : i32
      %dma_wait3A_93 = tpu.memref_slice %arg5[%add3A_82, %dma_wait3A_92] : memref<20480x128xf32, #tpu.memory_space<hbm>> -> memref<128x128xf32, #tpu.memory_space<hbm>>
      tpu.wait_dma2 semaphore(%run_scoped3A : memref<!tpu.dma_semaphore, #tpu.memory_space<semaphore_mem>>) src(%arg9 : memref<128x128xf32, #tpu.memory_space<vmem>>) dst(%dma_wait3A_93 : memref<128x128xf32, #tpu.memory_space<hbm>>)
      tpu.yield
    }) : () -> ()
    %eq3A_83 = arith.constant 0 : i32
    %eq3A_84 = arith.cmpi eq, %arg0, %eq3A_83 : i32
    %convert_element_type3A_85 = arith.extui %eq3A_84 : i1 to i32
    %cond3A_86 = arith.constant 0 : i32
    %cond3A_87 = arith.cmpi ne, %convert_element_type3A_85, %cond3A_86 : i32
    scf.if %cond3A_87 {
      %mul3A_88 = arith.constant 640 : i32
      %mul3A_89 = arith.muli %arg1, %mul3A_88 : i32
      "tpu.region"() ({
        %run_scoped3A = tpu.sem_alloc : memref<!tpu.dma_semaphore, #tpu.memory_space<semaphore_mem>>
        %dma_start3A = tpu.memref_slice %arg13[%mul3A_89] : memref<10240xf32, #tpu.memory_space<vmem_shared>> -> memref<640xf32, #tpu.memory_space<vmem_shared>>
        %dma_start3A_92 = tpu.memref_slice %arg13[%mul3A_89] : memref<10240xf32, #tpu.memory_space<vmem_shared>> -> memref<640xf32, #tpu.memory_space<vmem_shared>>
        tpu.enqueue_dma source(%dma_start3A_92 : memref<640xf32, #tpu.memory_space<vmem_shared>>) target(%arg10 : memref<640xf32, #tpu.memory_space<vmem>>) target_semaphore(%run_scoped3A : memref<!tpu.dma_semaphore, #tpu.memory_space<semaphore_mem>>)
        %dma_wait3A = tpu.memref_slice %arg13[%mul3A_89] : memref<10240xf32, #tpu.memory_space<vmem_shared>> -> memref<640xf32, #tpu.memory_space<vmem_shared>>
        %dma_wait3A_93 = tpu.memref_slice %arg13[%mul3A_89] : memref<10240xf32, #tpu.memory_space<vmem_shared>> -> memref<640xf32, #tpu.memory_space<vmem_shared>>
        tpu.wait_dma2 semaphore(%run_scoped3A : memref<!tpu.dma_semaphore, #tpu.memory_space<semaphore_mem>>) src(%dma_wait3A_93 : memref<640xf32, #tpu.memory_space<vmem_shared>>) dst(%arg10 : memref<640xf32, #tpu.memory_space<vmem>>)
        tpu.yield
      }) : () -> ()
      %mul3A_90 = arith.constant 640 : i32
      %mul3A_91 = arith.muli %arg1, %mul3A_90 : i32
      "tpu.region"() ({
        %run_scoped3A = tpu.sem_alloc : memref<!tpu.dma_semaphore, #tpu.memory_space<semaphore_mem>>
        %dma_start3A = tpu.memref_slice %arg6[%mul3A_91] : memref<10240xf32, #tpu.memory_space<hbm>> -> memref<640xf32, #tpu.memory_space<hbm>>
        %dma_start3A_92 = tpu.memref_slice %arg6[%mul3A_91] : memref<10240xf32, #tpu.memory_space<hbm>> -> memref<640xf32, #tpu.memory_space<hbm>>
        tpu.enqueue_dma source(%arg10 : memref<640xf32, #tpu.memory_space<vmem>>) target(%dma_start3A_92 : memref<640xf32, #tpu.memory_space<hbm>>) target_semaphore(%run_scoped3A : memref<!tpu.dma_semaphore, #tpu.memory_space<semaphore_mem>>)
        %dma_wait3A = tpu.memref_slice %arg6[%mul3A_91] : memref<10240xf32, #tpu.memory_space<hbm>> -> memref<640xf32, #tpu.memory_space<hbm>>
        %dma_wait3A_93 = tpu.memref_slice %arg6[%mul3A_91] : memref<10240xf32, #tpu.memory_space<hbm>> -> memref<640xf32, #tpu.memory_space<hbm>>
        tpu.wait_dma2 semaphore(%run_scoped3A : memref<!tpu.dma_semaphore, #tpu.memory_space<semaphore_mem>>) src(%arg10 : memref<640xf32, #tpu.memory_space<vmem>>) dst(%dma_wait3A_93 : memref<640xf32, #tpu.memory_space<hbm>>)
        tpu.yield
      }) : () -> ()
    } else {
    }
    return
  }
}

#map = affine_map<(d0, d1) -> (0, 0)>
#map1 = affine_map<(d0, d1) -> (0)>
module attributes {stable_mosaic.version = 14 : i64} {
  func.func @_segsum_body(%arg0: i32, %arg1: i32, %arg2: memref<20000x128xf32, #tpu.memory_space<hbm>>, %arg3: memref<160000xi32, #tpu.memory_space<hbm>>, %arg4: memref<160000xi32, #tpu.memory_space<hbm>>, %arg5: memref<20480x128xf32, #tpu.memory_space<hbm>>, %arg6: memref<10240xf32, #tpu.memory_space<hbm>>, %arg7: memref<128xi32, #tpu.memory_space<vmem>>, %arg8: memref<128xi32, #tpu.memory_space<vmem>>, %arg9: memref<128x128xf32, #tpu.memory_space<vmem>>, %arg10: memref<640xf32, #tpu.memory_space<vmem>>, %arg11: memref<128xf32, #tpu.memory_space<vmem>>, %arg12: memref<10240x128xf32, #tpu.memory_space<vmem_shared>>, %arg13: memref<10240xf32, #tpu.memory_space<vmem_shared>>, %arg14: memref<!tpu.dma_semaphore, #tpu.memory_space<semaphore_mem>>) attributes {dimension_semantics = [#tpu.dimension_semantics<core_parallel>, #tpu.dimension_semantics<subcore_parallel>], iteration_bounds = array<i64: 2, 16>, scalar_prefetch = 0 : i64, scratch_operands = 8 : i64, tpu.core_type = #tpu.core_type<sc_vector_subcore>, window_params = [{transform_indices = #map}, {transform_indices = #map1}, {transform_indices = #map1}, {transform_indices = #map}, {transform_indices = #map1}]} {
    %scan3A = arith.constant 0 : i32
    %scan3A_0 = arith.constant 0 : i32
    %scan3A_1 = arith.constant 1024 : i32
    %scan3A_2 = arith.addi %scan3A_0, %scan3A_1 : i32
    %scan3A_3 = arith.constant 1 : i32
    %scan3A_4 = scf.for %scan3A_88 = %scan3A_0 to %scan3A_2 step %scan3A_3 iter_args(%scan3A_89 = %scan3A) -> (i32)  : i32 {
      %jit3A = arith.constant 8 : i32
      %div3A = arith.divsi %scan3A_88, %jit3A : i32
      %sign3A = arith.constant 0 : i32
      %sign3A_90 = arith.cmpi sgt, %scan3A_88, %sign3A : i32
      %sign3A_91 = arith.extui %sign3A_90 : i1 to i32
      %sign3A_92 = arith.constant 0 : i32
      %sign3A_93 = arith.cmpi slt, %scan3A_88, %sign3A_92 : i32
      %sign3A_94 = arith.extui %sign3A_93 : i1 to i32
      %sign3A_95 = arith.subi %sign3A_91, %sign3A_94 : i32
      %sign3A_96 = arith.constant 0 : i32
      %sign3A_97 = arith.cmpi sgt, %jit3A, %sign3A_96 : i32
      %sign3A_98 = arith.extui %sign3A_97 : i1 to i32
      %sign3A_99 = arith.constant 0 : i32
      %sign3A_100 = arith.cmpi slt, %jit3A, %sign3A_99 : i32
      %sign3A_101 = arith.extui %sign3A_100 : i1 to i32
      %sign3A_102 = arith.subi %sign3A_98, %sign3A_101 : i32
      %ne3A = arith.cmpi ne, %sign3A_95, %sign3A_102 : i32
      %rem3A = arith.remsi %scan3A_88, %jit3A : i32
      %ne3A_103 = arith.constant 0 : i32
      %ne3A_104 = arith.cmpi ne, %rem3A, %ne3A_103 : i32
      %and3A = arith.andi %ne3A, %ne3A_104 : i1
      %sub3A = arith.constant 1 : i32
      %sub3A_105 = arith.subi %div3A, %sub3A : i32
      %select_n3A = arith.select %and3A, %sub3A_105, %div3A : i32
      %jit3A_106 = arith.constant 8 : i32
      %eq3A_107 = arith.constant 0 : i32
      %eq3A_108 = arith.cmpi eq, %jit3A_106, %eq3A_107 : i32
      %jit3A_109 = arith.constant 1 : i32
      %select_n3A_110 = arith.select %eq3A_108, %jit3A_109, %jit3A_106 : i32
      %rem3A_111 = arith.remsi %scan3A_88, %select_n3A_110 : i32
      %ne3A_112 = arith.constant 0 : i32
      %ne3A_113 = arith.cmpi ne, %rem3A_111, %ne3A_112 : i32
      %lt3A = arith.constant 0 : i32
      %lt3A_114 = arith.cmpi slt, %rem3A_111, %lt3A : i32
      %lt3A_115 = arith.constant 0 : i32
      %lt3A_116 = arith.cmpi slt, %select_n3A_110, %lt3A_115 : i32
      %ne3A_117 = arith.xori %lt3A_114, %lt3A_116 : i1
      %and3A_118 = arith.andi %ne3A_117, %ne3A_113 : i1
      %add3A_119 = arith.addi %rem3A_111, %select_n3A_110 : i32
      %select_n3A_120 = arith.select %and3A_118, %add3A_119, %rem3A_111 : i32
      %broadcast_in_dim3A = arith.constant 0.000000e+00 : f32
      %broadcast_in_dim3A_121 = vector.broadcast %broadcast_in_dim3A : f32 to vector<16xf32>
      %mul3A_122 = arith.constant 16 : i32
      %mul3A_123 = arith.muli %select_n3A_120, %mul3A_122 : i32
      %swap3A = arith.index_cast %select_n3A : i32 to index
      %swap3A_124 = arith.index_cast %mul3A_123 : i32 to index
      %swap3A_125 = tpu.vector_load %arg9[%swap3A, %swap3A_124] {strides = array<i32>} : memref<128x128xf32, #tpu.memory_space<vmem>>, vector<1x16xf32>,
      %swap3A_126 = vector.shape_cast %swap3A_125 : vector<1x16xf32> to vector<16xf32>
      %swap3A_127 = vector.shape_cast %broadcast_in_dim3A_121 : vector<16xf32> to vector<1x16xf32>
      tpu.vector_store %arg9[%swap3A, %swap3A_124], %swap3A_127 {strides = array<i32>} : memref<128x128xf32, #tpu.memory_space<vmem>>, vector<1x16xf32>,
      %scan3A_128 = arith.constant 0 : i32
      scf.yield %scan3A_128 : i32
    }
    %scan3A_5 = arith.constant 1024 : i32
    %mul3A = arith.constant 640 : i32
    %mul3A_6 = arith.muli %arg1, %mul3A : i32
    %add3A = arith.constant 0 : i32
    %add3A_7 = arith.addi %mul3A_6, %add3A : i32
    "tpu.region"() ({
      %run_scoped3A = tpu.sem_alloc : memref<!tpu.dma_semaphore, #tpu.memory_space<semaphore_mem>>
      %dma_start3A = arith.constant 0 : i32
      %dma_start3A_88 = tpu.memref_slice %arg12[%add3A_7, %dma_start3A] : memref<10240x128xf32, #tpu.memory_space<vmem_shared>> -> memref<128x128xf32, #tpu.memory_space<vmem_shared>>
      %dma_start3A_89 = arith.constant 0 : i32
      %dma_start3A_90 = tpu.memref_slice %arg12[%add3A_7, %dma_start3A_89] : memref<10240x128xf32, #tpu.memory_space<vmem_shared>> -> memref<128x128xf32, #tpu.memory_space<vmem_shared>>
      tpu.enqueue_dma source(%arg9 : memref<128x128xf32, #tpu.memory_space<vmem>>) target(%dma_start3A_90 : memref<128x128xf32, #tpu.memory_space<vmem_shared>>) target_semaphore(%run_scoped3A : memref<!tpu.dma_semaphore, #tpu.memory_space<semaphore_mem>>)
      %dma_wait3A = arith.constant 0 : i32
      %dma_wait3A_91 = tpu.memref_slice %arg12[%add3A_7, %dma_wait3A] : memref<10240x128xf32, #tpu.memory_space<vmem_shared>> -> memref<128x128xf32, #tpu.memory_space<vmem_shared>>
      %dma_wait3A_92 = arith.constant 0 : i32
      %dma_wait3A_93 = tpu.memref_slice %arg12[%add3A_7, %dma_wait3A_92] : memref<10240x128xf32, #tpu.memory_space<vmem_shared>> -> memref<128x128xf32, #tpu.memory_space<vmem_shared>>
      tpu.wait_dma2 semaphore(%run_scoped3A : memref<!tpu.dma_semaphore, #tpu.memory_space<semaphore_mem>>) src(%arg9 : memref<128x128xf32, #tpu.memory_space<vmem>>) dst(%dma_wait3A_93 : memref<128x128xf32, #tpu.memory_space<vmem_shared>>)
      tpu.yield
    }) : () -> ()
    %mul3A_8 = arith.constant 640 : i32
    %mul3A_9 = arith.muli %arg1, %mul3A_8 : i32
    %add3A_10 = arith.constant 128 : i32
    %add3A_11 = arith.addi %mul3A_9, %add3A_10 : i32
    "tpu.region"() ({
      %run_scoped3A = tpu.sem_alloc : memref<!tpu.dma_semaphore, #tpu.memory_space<semaphore_mem>>
      %dma_start3A = arith.constant 0 : i32
      %dma_start3A_88 = tpu.memref_slice %arg12[%add3A_11, %dma_start3A] : memref<10240x128xf32, #tpu.memory_space<vmem_shared>> -> memref<128x128xf32, #tpu.memory_space<vmem_shared>>
      %dma_start3A_89 = arith.constant 0 : i32
      %dma_start3A_90 = tpu.memref_slice %arg12[%add3A_11, %dma_start3A_89] : memref<10240x128xf32, #tpu.memory_space<vmem_shared>> -> memref<128x128xf32, #tpu.memory_space<vmem_shared>>
      tpu.enqueue_dma source(%arg9 : memref<128x128xf32, #tpu.memory_space<vmem>>) target(%dma_start3A_90 : memref<128x128xf32, #tpu.memory_space<vmem_shared>>) target_semaphore(%run_scoped3A : memref<!tpu.dma_semaphore, #tpu.memory_space<semaphore_mem>>)
      %dma_wait3A = arith.constant 0 : i32
      %dma_wait3A_91 = tpu.memref_slice %arg12[%add3A_11, %dma_wait3A] : memref<10240x128xf32, #tpu.memory_space<vmem_shared>> -> memref<128x128xf32, #tpu.memory_space<vmem_shared>>
      %dma_wait3A_92 = arith.constant 0 : i32
      %dma_wait3A_93 = tpu.memref_slice %arg12[%add3A_11, %dma_wait3A_92] : memref<10240x128xf32, #tpu.memory_space<vmem_shared>> -> memref<128x128xf32, #tpu.memory_space<vmem_shared>>
      tpu.wait_dma2 semaphore(%run_scoped3A : memref<!tpu.dma_semaphore, #tpu.memory_space<semaphore_mem>>) src(%arg9 : memref<128x128xf32, #tpu.memory_space<vmem>>) dst(%dma_wait3A_93 : memref<128x128xf32, #tpu.memory_space<vmem_shared>>)
      tpu.yield
    }) : () -> ()
    %mul3A_12 = arith.constant 640 : i32
    %mul3A_13 = arith.muli %arg1, %mul3A_12 : i32
    %add3A_14 = arith.constant 256 : i32
    %add3A_15 = arith.addi %mul3A_13, %add3A_14 : i32
    "tpu.region"() ({
      %run_scoped3A = tpu.sem_alloc : memref<!tpu.dma_semaphore, #tpu.memory_space<semaphore_mem>>
      %dma_start3A = arith.constant 0 : i32
      %dma_start3A_88 = tpu.memref_slice %arg12[%add3A_15, %dma_start3A] : memref<10240x128xf32, #tpu.memory_space<vmem_shared>> -> memref<128x128xf32, #tpu.memory_space<vmem_shared>>
      %dma_start3A_89 = arith.constant 0 : i32
      %dma_start3A_90 = tpu.memref_slice %arg12[%add3A_15, %dma_start3A_89] : memref<10240x128xf32, #tpu.memory_space<vmem_shared>> -> memref<128x128xf32, #tpu.memory_space<vmem_shared>>
      tpu.enqueue_dma source(%arg9 : memref<128x128xf32, #tpu.memory_space<vmem>>) target(%dma_start3A_90 : memref<128x128xf32, #tpu.memory_space<vmem_shared>>) target_semaphore(%run_scoped3A : memref<!tpu.dma_semaphore, #tpu.memory_space<semaphore_mem>>)
      %dma_wait3A = arith.constant 0 : i32
      %dma_wait3A_91 = tpu.memref_slice %arg12[%add3A_15, %dma_wait3A] : memref<10240x128xf32, #tpu.memory_space<vmem_shared>> -> memref<128x128xf32, #tpu.memory_space<vmem_shared>>
      %dma_wait3A_92 = arith.constant 0 : i32
      %dma_wait3A_93 = tpu.memref_slice %arg12[%add3A_15, %dma_wait3A_92] : memref<10240x128xf32, #tpu.memory_space<vmem_shared>> -> memref<128x128xf32, #tpu.memory_space<vmem_shared>>
      tpu.wait_dma2 semaphore(%run_scoped3A : memref<!tpu.dma_semaphore, #tpu.memory_space<semaphore_mem>>) src(%arg9 : memref<128x128xf32, #tpu.memory_space<vmem>>) dst(%dma_wait3A_93 : memref<128x128xf32, #tpu.memory_space<vmem_shared>>)
      tpu.yield
    }) : () -> ()
    %mul3A_16 = arith.constant 640 : i32
    %mul3A_17 = arith.muli %arg1, %mul3A_16 : i32
    %add3A_18 = arith.constant 384 : i32
    %add3A_19 = arith.addi %mul3A_17, %add3A_18 : i32
    "tpu.region"() ({
      %run_scoped3A = tpu.sem_alloc : memref<!tpu.dma_semaphore, #tpu.memory_space<semaphore_mem>>
      %dma_start3A = arith.constant 0 : i32
      %dma_start3A_88 = tpu.memref_slice %arg12[%add3A_19, %dma_start3A] : memref<10240x128xf32, #tpu.memory_space<vmem_shared>> -> memref<128x128xf32, #tpu.memory_space<vmem_shared>>
      %dma_start3A_89 = arith.constant 0 : i32
      %dma_start3A_90 = tpu.memref_slice %arg12[%add3A_19, %dma_start3A_89] : memref<10240x128xf32, #tpu.memory_space<vmem_shared>> -> memref<128x128xf32, #tpu.memory_space<vmem_shared>>
      tpu.enqueue_dma source(%arg9 : memref<128x128xf32, #tpu.memory_space<vmem>>) target(%dma_start3A_90 : memref<128x128xf32, #tpu.memory_space<vmem_shared>>) target_semaphore(%run_scoped3A : memref<!tpu.dma_semaphore, #tpu.memory_space<semaphore_mem>>)
      %dma_wait3A = arith.constant 0 : i32
      %dma_wait3A_91 = tpu.memref_slice %arg12[%add3A_19, %dma_wait3A] : memref<10240x128xf32, #tpu.memory_space<vmem_shared>> -> memref<128x128xf32, #tpu.memory_space<vmem_shared>>
      %dma_wait3A_92 = arith.constant 0 : i32
      %dma_wait3A_93 = tpu.memref_slice %arg12[%add3A_19, %dma_wait3A_92] : memref<10240x128xf32, #tpu.memory_space<vmem_shared>> -> memref<128x128xf32, #tpu.memory_space<vmem_shared>>
      tpu.wait_dma2 semaphore(%run_scoped3A : memref<!tpu.dma_semaphore, #tpu.memory_space<semaphore_mem>>) src(%arg9 : memref<128x128xf32, #tpu.memory_space<vmem>>) dst(%dma_wait3A_93 : memref<128x128xf32, #tpu.memory_space<vmem_shared>>)
      tpu.yield
    }) : () -> ()
    %mul3A_20 = arith.constant 640 : i32
    %mul3A_21 = arith.muli %arg1, %mul3A_20 : i32
    %add3A_22 = arith.constant 512 : i32
    %add3A_23 = arith.addi %mul3A_21, %add3A_22 : i32
    "tpu.region"() ({
      %run_scoped3A = tpu.sem_alloc : memref<!tpu.dma_semaphore, #tpu.memory_space<semaphore_mem>>
      %dma_start3A = arith.constant 0 : i32
      %dma_start3A_88 = tpu.memref_slice %arg12[%add3A_23, %dma_start3A] : memref<10240x128xf32, #tpu.memory_space<vmem_shared>> -> memref<128x128xf32, #tpu.memory_space<vmem_shared>>
      %dma_start3A_89 = arith.constant 0 : i32
      %dma_start3A_90 = tpu.memref_slice %arg12[%add3A_23, %dma_start3A_89] : memref<10240x128xf32, #tpu.memory_space<vmem_shared>> -> memref<128x128xf32, #tpu.memory_space<vmem_shared>>
      tpu.enqueue_dma source(%arg9 : memref<128x128xf32, #tpu.memory_space<vmem>>) target(%dma_start3A_90 : memref<128x128xf32, #tpu.memory_space<vmem_shared>>) target_semaphore(%run_scoped3A : memref<!tpu.dma_semaphore, #tpu.memory_space<semaphore_mem>>)
      %dma_wait3A = arith.constant 0 : i32
      %dma_wait3A_91 = tpu.memref_slice %arg12[%add3A_23, %dma_wait3A] : memref<10240x128xf32, #tpu.memory_space<vmem_shared>> -> memref<128x128xf32, #tpu.memory_space<vmem_shared>>
      %dma_wait3A_92 = arith.constant 0 : i32
      %dma_wait3A_93 = tpu.memref_slice %arg12[%add3A_23, %dma_wait3A_92] : memref<10240x128xf32, #tpu.memory_space<vmem_shared>> -> memref<128x128xf32, #tpu.memory_space<vmem_shared>>
      tpu.wait_dma2 semaphore(%run_scoped3A : memref<!tpu.dma_semaphore, #tpu.memory_space<semaphore_mem>>) src(%arg9 : memref<128x128xf32, #tpu.memory_space<vmem>>) dst(%dma_wait3A_93 : memref<128x128xf32, #tpu.memory_space<vmem_shared>>)
      tpu.yield
    }) : () -> ()
    %scan3A_24 = arith.constant 0 : i32
    %scan3A_25 = arith.constant 0 : i32
    %scan3A_26 = arith.constant 40 : i32
    %scan3A_27 = arith.addi %scan3A_25, %scan3A_26 : i32
    %scan3A_28 = arith.constant 1 : i32
    %scan3A_29 = scf.for %scan3A_88 = %scan3A_25 to %scan3A_27 step %scan3A_28 iter_args(%scan3A_89 = %scan3A_24) -> (i32)  : i32 {
      %broadcast_in_dim3A = arith.constant 0.000000e+00 : f32
      %broadcast_in_dim3A_90 = vector.broadcast %broadcast_in_dim3A : f32 to vector<16xf32>
      %mul3A_91 = arith.constant 16 : i32
      %mul3A_92 = arith.muli %scan3A_88, %mul3A_91 : i32
      %swap3A = arith.index_cast %mul3A_92 : i32 to index
      %swap3A_93 = tpu.vector_load %arg10[%swap3A] {strides = array<i32>} : memref<640xf32, #tpu.memory_space<vmem>>, vector<16xf32>,
      %swap3A_94 = vector.shape_cast %swap3A_93 : vector<16xf32> to vector<16xf32>
      %swap3A_95 = vector.shape_cast %broadcast_in_dim3A_90 : vector<16xf32> to vector<16xf32>
      tpu.vector_store %arg10[%swap3A], %swap3A_95 {strides = array<i32>} : memref<640xf32, #tpu.memory_space<vmem>>, vector<16xf32>,
      %scan3A_96 = arith.constant 0 : i32
      scf.yield %scan3A_96 : i32
    }
    %scan3A_30 = arith.constant 40 : i32
    %scan3A_31 = arith.constant 0 : i32
    %scan3A_32 = arith.constant 0 : i32
    %scan3A_33 = arith.constant 8 : i32
    %scan3A_34 = arith.addi %scan3A_32, %scan3A_33 : i32
    %scan3A_35 = arith.constant 1 : i32
    %scan3A_36 = scf.for %scan3A_88 = %scan3A_32 to %scan3A_34 step %scan3A_35 iter_args(%scan3A_89 = %scan3A_31) -> (i32)  : i32 {
      %broadcast_in_dim3A = arith.constant 1.000000e+00 : f32
      %broadcast_in_dim3A_90 = vector.broadcast %broadcast_in_dim3A : f32 to vector<16xf32>
      %mul3A_91 = arith.constant 16 : i32
      %mul3A_92 = arith.muli %scan3A_88, %mul3A_91 : i32
      %swap3A = arith.index_cast %mul3A_92 : i32 to index
      %swap3A_93 = tpu.vector_load %arg11[%swap3A] {strides = array<i32>} : memref<128xf32, #tpu.memory_space<vmem>>, vector<16xf32>,
      %swap3A_94 = vector.shape_cast %swap3A_93 : vector<16xf32> to vector<16xf32>
      %swap3A_95 = vector.shape_cast %broadcast_in_dim3A_90 : vector<16xf32> to vector<16xf32>
      tpu.vector_store %arg11[%swap3A], %swap3A_95 {strides = array<i32>} : memref<128xf32, #tpu.memory_space<vmem>>, vector<16xf32>,
      %scan3A_96 = arith.constant 0 : i32
      scf.yield %scan3A_96 : i32
    }
    %scan3A_37 = arith.constant 8 : i32
    %eq3A = arith.constant 0 : i32
    %eq3A_38 = arith.cmpi eq, %arg0, %eq3A : i32
    %convert_element_type3A = arith.extui %eq3A_38 : i1 to i32
    %cond3A = arith.constant 0 : i32
    %cond3A_39 = arith.cmpi ne, %convert_element_type3A, %cond3A : i32
    scf.if %cond3A_39 {
      %mul3A_88 = arith.constant 640 : i32
      %mul3A_89 = arith.muli %arg1, %mul3A_88 : i32
      "tpu.region"() ({
        %run_scoped3A = tpu.sem_alloc : memref<!tpu.dma_semaphore, #tpu.memory_space<semaphore_mem>>
        %dma_start3A = tpu.memref_slice %arg13[%mul3A_89] : memref<10240xf32, #tpu.memory_space<vmem_shared>> -> memref<640xf32, #tpu.memory_space<vmem_shared>>
        %dma_start3A_90 = tpu.memref_slice %arg13[%mul3A_89] : memref<10240xf32, #tpu.memory_space<vmem_shared>> -> memref<640xf32, #tpu.memory_space<vmem_shared>>
        tpu.enqueue_dma source(%arg10 : memref<640xf32, #tpu.memory_space<vmem>>) target(%dma_start3A_90 : memref<640xf32, #tpu.memory_space<vmem_shared>>) target_semaphore(%run_scoped3A : memref<!tpu.dma_semaphore, #tpu.memory_space<semaphore_mem>>)
        %dma_wait3A = tpu.memref_slice %arg13[%mul3A_89] : memref<10240xf32, #tpu.memory_space<vmem_shared>> -> memref<640xf32, #tpu.memory_space<vmem_shared>>
        %dma_wait3A_91 = tpu.memref_slice %arg13[%mul3A_89] : memref<10240xf32, #tpu.memory_space<vmem_shared>> -> memref<640xf32, #tpu.memory_space<vmem_shared>>
        tpu.wait_dma2 semaphore(%run_scoped3A : memref<!tpu.dma_semaphore, #tpu.memory_space<semaphore_mem>>) src(%arg10 : memref<640xf32, #tpu.memory_space<vmem>>) dst(%dma_wait3A_91 : memref<640xf32, #tpu.memory_space<vmem_shared>>)
        tpu.yield
      }) : () -> ()
    } else {
    }
    %barrier3A = arith.constant 0 : index
    tpu.barrier barrier_id(%barrier3A)
    %scan3A_40 = arith.constant 0 : i32
    %scan3A_41 = arith.constant 0 : i32
    %scan3A_42 = arith.constant 79 : i32
    %scan3A_43 = arith.addi %scan3A_41, %scan3A_42 : i32
    %scan3A_44 = arith.constant 1 : i32
    %scan3A_45 = scf.for %scan3A_88 = %scan3A_41 to %scan3A_43 step %scan3A_44 iter_args(%scan3A_89 = %scan3A_40) -> (i32)  : i32 {
      %mul3A_90 = arith.constant 16 : i32
      %mul3A_91 = arith.muli %mul3A_90, %scan3A_88 : i32
      %add3A_92 = arith.addi %arg1, %mul3A_91 : i32
      %lt3A = arith.constant 1250 : i32
      %lt3A_93 = arith.cmpi slt, %add3A_92, %lt3A : i32
      %convert_element_type3A_94 = arith.extui %lt3A_93 : i1 to i32
      %cond3A_95 = arith.constant 0 : i32
      %cond3A_96 = arith.cmpi ne, %convert_element_type3A_94, %cond3A_95 : i32
      scf.if %cond3A_96 {
        %mul3A_98 = arith.constant 128 : i32
        %mul3A_99 = arith.muli %add3A_92, %mul3A_98 : i32
        "tpu.region"() ({
          %run_scoped3A = tpu.sem_alloc : memref<!tpu.dma_semaphore, #tpu.memory_space<semaphore_mem>>
          %dma_start3A_195 = tpu.memref_slice %arg3[%mul3A_99] : memref<160000xi32, #tpu.memory_space<hbm>> -> memref<128xi32, #tpu.memory_space<hbm>>
          %dma_start3A_196 = tpu.memref_slice %arg3[%mul3A_99] : memref<160000xi32, #tpu.memory_space<hbm>> -> memref<128xi32, #tpu.memory_space<hbm>>
          tpu.enqueue_dma source(%dma_start3A_196 : memref<128xi32, #tpu.memory_space<hbm>>) target(%arg7 : memref<128xi32, #tpu.memory_space<vmem>>) target_semaphore(%run_scoped3A : memref<!tpu.dma_semaphore, #tpu.memory_space<semaphore_mem>>)
          %dma_wait3A_197 = tpu.memref_slice %arg3[%mul3A_99] : memref<160000xi32, #tpu.memory_space<hbm>> -> memref<128xi32, #tpu.memory_space<hbm>>
          %dma_wait3A_198 = tpu.memref_slice %arg3[%mul3A_99] : memref<160000xi32, #tpu.memory_space<hbm>> -> memref<128xi32, #tpu.memory_space<hbm>>
          tpu.wait_dma2 semaphore(%run_scoped3A : memref<!tpu.dma_semaphore, #tpu.memory_space<semaphore_mem>>) src(%dma_wait3A_198 : memref<128xi32, #tpu.memory_space<hbm>>) dst(%arg7 : memref<128xi32, #tpu.memory_space<vmem>>)
          tpu.yield
        }) : () -> ()
        "tpu.region"() ({
          %run_scoped3A = tpu.sem_alloc : memref<!tpu.dma_semaphore, #tpu.memory_space<semaphore_mem>>
          %dma_start3A_195 = tpu.memref_slice %arg4[%mul3A_99] : memref<160000xi32, #tpu.memory_space<hbm>> -> memref<128xi32, #tpu.memory_space<hbm>>
          %dma_start3A_196 = tpu.memref_slice %arg4[%mul3A_99] : memref<160000xi32, #tpu.memory_space<hbm>> -> memref<128xi32, #tpu.memory_space<hbm>>
          tpu.enqueue_dma source(%dma_start3A_196 : memref<128xi32, #tpu.memory_space<hbm>>) target(%arg8 : memref<128xi32, #tpu.memory_space<vmem>>) target_semaphore(%run_scoped3A : memref<!tpu.dma_semaphore, #tpu.memory_space<semaphore_mem>>)
          %dma_wait3A_197 = tpu.memref_slice %arg4[%mul3A_99] : memref<160000xi32, #tpu.memory_space<hbm>> -> memref<128xi32, #tpu.memory_space<hbm>>
          %dma_wait3A_198 = tpu.memref_slice %arg4[%mul3A_99] : memref<160000xi32, #tpu.memory_space<hbm>> -> memref<128xi32, #tpu.memory_space<hbm>>
          tpu.wait_dma2 semaphore(%run_scoped3A : memref<!tpu.dma_semaphore, #tpu.memory_space<semaphore_mem>>) src(%dma_wait3A_198 : memref<128xi32, #tpu.memory_space<hbm>>) dst(%arg8 : memref<128xi32, #tpu.memory_space<vmem>>)
          tpu.yield
        }) : () -> ()
        %get3A = arith.constant 0 : index
        %get3A_100 = tpu.vector_load %arg7[%get3A] {strides = array<i32>} : memref<128xi32, #tpu.memory_space<vmem>>, vector<16xi32>,
        %get3A_101 = vector.shape_cast %get3A_100 : vector<16xi32> to vector<16xi32>
        %mul3A_102 = arith.constant 10000 : i32
        %mul3A_103 = arith.muli %arg0, %mul3A_102 : i32
        %add3A_104 = vector.broadcast %mul3A_103 : i32 to vector<16xi32>
        %add3A_105 = arith.addi %get3A_101, %add3A_104 : vector<16xi32>
        %swap3A = arith.constant 0 : index
        %swap3A_106 = tpu.vector_load %arg7[%swap3A] {strides = array<i32>} : memref<128xi32, #tpu.memory_space<vmem>>, vector<16xi32>,
        %swap3A_107 = vector.shape_cast %swap3A_106 : vector<16xi32> to vector<16xi32>
        %swap3A_108 = vector.shape_cast %add3A_105 : vector<16xi32> to vector<16xi32>
        tpu.vector_store %arg7[%swap3A], %swap3A_108 {strides = array<i32>} : memref<128xi32, #tpu.memory_space<vmem>>, vector<16xi32>,
        %get3A_109 = arith.constant 16 : index
        %get3A_110 = tpu.vector_load %arg7[%get3A_109] {strides = array<i32>} : memref<128xi32, #tpu.memory_space<vmem>>, vector<16xi32>,
        %get3A_111 = vector.shape_cast %get3A_110 : vector<16xi32> to vector<16xi32>
        %mul3A_112 = arith.constant 10000 : i32
        %mul3A_113 = arith.muli %arg0, %mul3A_112 : i32
        %add3A_114 = vector.broadcast %mul3A_113 : i32 to vector<16xi32>
        %add3A_115 = arith.addi %get3A_111, %add3A_114 : vector<16xi32>
        %swap3A_116 = arith.constant 16 : index
        %swap3A_117 = tpu.vector_load %arg7[%swap3A_116] {strides = array<i32>} : memref<128xi32, #tpu.memory_space<vmem>>, vector<16xi32>,
        %swap3A_118 = vector.shape_cast %swap3A_117 : vector<16xi32> to vector<16xi32>
        %swap3A_119 = vector.shape_cast %add3A_115 : vector<16xi32> to vector<16xi32>
        tpu.vector_store %arg7[%swap3A_116], %swap3A_119 {strides = array<i32>} : memref<128xi32, #tpu.memory_space<vmem>>, vector<16xi32>,
        %get3A_120 = arith.constant 32 : index
        %get3A_121 = tpu.vector_load %arg7[%get3A_120] {strides = array<i32>} : memref<128xi32, #tpu.memory_space<vmem>>, vector<16xi32>,
        %get3A_122 = vector.shape_cast %get3A_121 : vector<16xi32> to vector<16xi32>
        %mul3A_123 = arith.constant 10000 : i32
        %mul3A_124 = arith.muli %arg0, %mul3A_123 : i32
        %add3A_125 = vector.broadcast %mul3A_124 : i32 to vector<16xi32>
        %add3A_126 = arith.addi %get3A_122, %add3A_125 : vector<16xi32>
        %swap3A_127 = arith.constant 32 : index
        %swap3A_128 = tpu.vector_load %arg7[%swap3A_127] {strides = array<i32>} : memref<128xi32, #tpu.memory_space<vmem>>, vector<16xi32>,
        %swap3A_129 = vector.shape_cast %swap3A_128 : vector<16xi32> to vector<16xi32>
        %swap3A_130 = vector.shape_cast %add3A_126 : vector<16xi32> to vector<16xi32>
        tpu.vector_store %arg7[%swap3A_127], %swap3A_130 {strides = array<i32>} : memref<128xi32, #tpu.memory_space<vmem>>, vector<16xi32>,
        %get3A_131 = arith.constant 48 : index
        %get3A_132 = tpu.vector_load %arg7[%get3A_131] {strides = array<i32>} : memref<128xi32, #tpu.memory_space<vmem>>, vector<16xi32>,
        %get3A_133 = vector.shape_cast %get3A_132 : vector<16xi32> to vector<16xi32>
        %mul3A_134 = arith.constant 10000 : i32
        %mul3A_135 = arith.muli %arg0, %mul3A_134 : i32
        %add3A_136 = vector.broadcast %mul3A_135 : i32 to vector<16xi32>
        %add3A_137 = arith.addi %get3A_133, %add3A_136 : vector<16xi32>
        %swap3A_138 = arith.constant 48 : index
        %swap3A_139 = tpu.vector_load %arg7[%swap3A_138] {strides = array<i32>} : memref<128xi32, #tpu.memory_space<vmem>>, vector<16xi32>,
        %swap3A_140 = vector.shape_cast %swap3A_139 : vector<16xi32> to vector<16xi32>
        %swap3A_141 = vector.shape_cast %add3A_137 : vector<16xi32> to vector<16xi32>
        tpu.vector_store %arg7[%swap3A_138], %swap3A_141 {strides = array<i32>} : memref<128xi32, #tpu.memory_space<vmem>>, vector<16xi32>,
        %get3A_142 = arith.constant 64 : index
        %get3A_143 = tpu.vector_load %arg7[%get3A_142] {strides = array<i32>} : memref<128xi32, #tpu.memory_space<vmem>>, vector<16xi32>,
        %get3A_144 = vector.shape_cast %get3A_143 : vector<16xi32> to vector<16xi32>
        %mul3A_145 = arith.constant 10000 : i32
        %mul3A_146 = arith.muli %arg0, %mul3A_145 : i32
        %add3A_147 = vector.broadcast %mul3A_146 : i32 to vector<16xi32>
        %add3A_148 = arith.addi %get3A_144, %add3A_147 : vector<16xi32>
        %swap3A_149 = arith.constant 64 : index
        %swap3A_150 = tpu.vector_load %arg7[%swap3A_149] {strides = array<i32>} : memref<128xi32, #tpu.memory_space<vmem>>, vector<16xi32>,
        %swap3A_151 = vector.shape_cast %swap3A_150 : vector<16xi32> to vector<16xi32>
        %swap3A_152 = vector.shape_cast %add3A_148 : vector<16xi32> to vector<16xi32>
        tpu.vector_store %arg7[%swap3A_149], %swap3A_152 {strides = array<i32>} : memref<128xi32, #tpu.memory_space<vmem>>, vector<16xi32>,
        %get3A_153 = arith.constant 80 : index
        %get3A_154 = tpu.vector_load %arg7[%get3A_153] {strides = array<i32>} : memref<128xi32, #tpu.memory_space<vmem>>, vector<16xi32>,
        %get3A_155 = vector.shape_cast %get3A_154 : vector<16xi32> to vector<16xi32>
        %mul3A_156 = arith.constant 10000 : i32
        %mul3A_157 = arith.muli %arg0, %mul3A_156 : i32
        %add3A_158 = vector.broadcast %mul3A_157 : i32 to vector<16xi32>
        %add3A_159 = arith.addi %get3A_155, %add3A_158 : vector<16xi32>
        %swap3A_160 = arith.constant 80 : index
        %swap3A_161 = tpu.vector_load %arg7[%swap3A_160] {strides = array<i32>} : memref<128xi32, #tpu.memory_space<vmem>>, vector<16xi32>,
        %swap3A_162 = vector.shape_cast %swap3A_161 : vector<16xi32> to vector<16xi32>
        %swap3A_163 = vector.shape_cast %add3A_159 : vector<16xi32> to vector<16xi32>
        tpu.vector_store %arg7[%swap3A_160], %swap3A_163 {strides = array<i32>} : memref<128xi32, #tpu.memory_space<vmem>>, vector<16xi32>,
        %get3A_164 = arith.constant 96 : index
        %get3A_165 = tpu.vector_load %arg7[%get3A_164] {strides = array<i32>} : memref<128xi32, #tpu.memory_space<vmem>>, vector<16xi32>,
        %get3A_166 = vector.shape_cast %get3A_165 : vector<16xi32> to vector<16xi32>
        %mul3A_167 = arith.constant 10000 : i32
        %mul3A_168 = arith.muli %arg0, %mul3A_167 : i32
        %add3A_169 = vector.broadcast %mul3A_168 : i32 to vector<16xi32>
        %add3A_170 = arith.addi %get3A_166, %add3A_169 : vector<16xi32>
        %swap3A_171 = arith.constant 96 : index
        %swap3A_172 = tpu.vector_load %arg7[%swap3A_171] {strides = array<i32>} : memref<128xi32, #tpu.memory_space<vmem>>, vector<16xi32>,
        %swap3A_173 = vector.shape_cast %swap3A_172 : vector<16xi32> to vector<16xi32>
        %swap3A_174 = vector.shape_cast %add3A_170 : vector<16xi32> to vector<16xi32>
        tpu.vector_store %arg7[%swap3A_171], %swap3A_174 {strides = array<i32>} : memref<128xi32, #tpu.memory_space<vmem>>, vector<16xi32>,
        %get3A_175 = arith.constant 112 : index
        %get3A_176 = tpu.vector_load %arg7[%get3A_175] {strides = array<i32>} : memref<128xi32, #tpu.memory_space<vmem>>, vector<16xi32>,
        %get3A_177 = vector.shape_cast %get3A_176 : vector<16xi32> to vector<16xi32>
        %mul3A_178 = arith.constant 10000 : i32
        %mul3A_179 = arith.muli %arg0, %mul3A_178 : i32
        %add3A_180 = vector.broadcast %mul3A_179 : i32 to vector<16xi32>
        %add3A_181 = arith.addi %get3A_177, %add3A_180 : vector<16xi32>
        %swap3A_182 = arith.constant 112 : index
        %swap3A_183 = tpu.vector_load %arg7[%swap3A_182] {strides = array<i32>} : memref<128xi32, #tpu.memory_space<vmem>>, vector<16xi32>,
        %swap3A_184 = vector.shape_cast %swap3A_183 : vector<16xi32> to vector<16xi32>
        %swap3A_185 = vector.shape_cast %add3A_181 : vector<16xi32> to vector<16xi32>
        tpu.vector_store %arg7[%swap3A_182], %swap3A_185 {strides = array<i32>} : memref<128xi32, #tpu.memory_space<vmem>>, vector<16xi32>,
        %dma_start3A = arith.constant 0 : i32
        %dma_start3A_186 = arith.constant 0 : i32
        %dma_start3A_187 = tpu.memref_slice %arg2[%dma_start3A, %dma_start3A_186] : memref<20000x128xf32, #tpu.memory_space<hbm>> -> memref<20000x128xf32, #tpu.memory_space<hbm>>
        tpu.enqueue_indirect_dma source(%dma_start3A_187 : memref<20000x128xf32, #tpu.memory_space<hbm>>) target(%arg9 : memref<128x128xf32, #tpu.memory_space<vmem>>) offsets(%arg7 : memref<128xi32, #tpu.memory_space<vmem>>) semaphore(%arg14 : memref<!tpu.dma_semaphore, #tpu.memory_space<semaphore_mem>>)
        %dma_wait3A = arith.constant 0 : i32
        %dma_wait3A_188 = arith.constant 0 : i32
        %dma_wait3A_189 = tpu.memref_slice %arg2[%dma_wait3A, %dma_wait3A_188] : memref<20000x128xf32, #tpu.memory_space<hbm>> -> memref<20000x128xf32, #tpu.memory_space<hbm>>
        tpu.wait_indirect_dma semaphore(%arg14 : memref<!tpu.dma_semaphore, #tpu.memory_space<semaphore_mem>>) src(%dma_wait3A_189 : memref<20000x128xf32, #tpu.memory_space<hbm>>) dst(%arg9 : memref<128x128xf32, #tpu.memory_space<vmem>>)
        "tpu.region"() ({
          %run_scoped3A = tpu.sem_alloc : memref<!tpu.dma_semaphore, #tpu.memory_space<semaphore_mem>>
          %dma_start3A_195 = arith.constant 0 : i32
          %dma_start3A_196 = arith.constant 0 : i32
          %dma_start3A_197 = tpu.memref_slice %arg12[%dma_start3A_195, %dma_start3A_196] : memref<10240x128xf32, #tpu.memory_space<vmem_shared>> -> memref<10240x128xf32, #tpu.memory_space<vmem_shared>>
          tpu.enqueue_indirect_dma source(%arg9 : memref<128x128xf32, #tpu.memory_space<vmem>>) target(%dma_start3A_197 : memref<10240x128xf32, #tpu.memory_space<vmem_shared>>) offsets(%arg8 : memref<128xi32, #tpu.memory_space<vmem>>) semaphore(%run_scoped3A : memref<!tpu.dma_semaphore, #tpu.memory_space<semaphore_mem>>) {add = true}
          %dma_wait3A_198 = arith.constant 0 : i32
          %dma_wait3A_199 = arith.constant 0 : i32
          %dma_wait3A_200 = tpu.memref_slice %arg12[%dma_wait3A_198, %dma_wait3A_199] : memref<10240x128xf32, #tpu.memory_space<vmem_shared>> -> memref<10240x128xf32, #tpu.memory_space<vmem_shared>>
          tpu.wait_indirect_dma semaphore(%run_scoped3A : memref<!tpu.dma_semaphore, #tpu.memory_space<semaphore_mem>>) src(%arg9 : memref<128x128xf32, #tpu.memory_space<vmem>>) dst(%dma_wait3A_200 : memref<10240x128xf32, #tpu.memory_space<vmem_shared>>)
          tpu.yield
        }) : () -> ()
        %eq3A_190 = arith.constant 0 : i32
        %eq3A_191 = arith.cmpi eq, %arg0, %eq3A_190 : i32
        %convert_element_type3A_192 = arith.extui %eq3A_191 : i1 to i32
        %cond3A_193 = arith.constant 0 : i32
        %cond3A_194 = arith.cmpi ne, %convert_element_type3A_192, %cond3A_193 : i32
        scf.if %cond3A_194 {
          "tpu.region"() ({
            %run_scoped3A = tpu.sem_alloc : memref<!tpu.dma_semaphore, #tpu.memory_space<semaphore_mem>>
            %dma_start3A_195 = arith.constant 0 : i32
            %dma_start3A_196 = tpu.memref_slice %arg13[%dma_start3A_195] : memref<10240xf32, #tpu.memory_space<vmem_shared>> -> memref<10240xf32, #tpu.memory_space<vmem_shared>>
            tpu.enqueue_indirect_dma source(%arg11 : memref<128xf32, #tpu.memory_space<vmem>>) target(%dma_start3A_196 : memref<10240xf32, #tpu.memory_space<vmem_shared>>) offsets(%arg8 : memref<128xi32, #tpu.memory_space<vmem>>) semaphore(%run_scoped3A : memref<!tpu.dma_semaphore, #tpu.memory_space<semaphore_mem>>) {add = true}
            %dma_wait3A_197 = arith.constant 0 : i32
            %dma_wait3A_198 = tpu.memref_slice %arg13[%dma_wait3A_197] : memref<10240xf32, #tpu.memory_space<vmem_shared>> -> memref<10240xf32, #tpu.memory_space<vmem_shared>>
            tpu.wait_indirect_dma semaphore(%run_scoped3A : memref<!tpu.dma_semaphore, #tpu.memory_space<semaphore_mem>>) src(%arg11 : memref<128xf32, #tpu.memory_space<vmem>>) dst(%dma_wait3A_198 : memref<10240xf32, #tpu.memory_space<vmem_shared>>)
            tpu.yield
          }) : () -> ()
        } else {
        }
      } else {
      }
      %scan3A_97 = arith.constant 0 : i32
      scf.yield %scan3A_97 : i32
    }
    %scan3A_46 = arith.constant 79 : i32
    %barrier3A_47 = arith.constant 0 : index
    tpu.barrier barrier_id(%barrier3A_47)
    %mul3A_48 = arith.constant 640 : i32
    %mul3A_49 = arith.muli %arg1, %mul3A_48 : i32
    %add3A_50 = arith.constant 0 : i32
    %add3A_51 = arith.addi %mul3A_49, %add3A_50 : i32
    "tpu.region"() ({
      %run_scoped3A = tpu.sem_alloc : memref<!tpu.dma_semaphore, #tpu.memory_space<semaphore_mem>>
      %dma_start3A = arith.constant 0 : i32
      %dma_start3A_88 = tpu.memref_slice %arg12[%add3A_51, %dma_start3A] : memref<10240x128xf32, #tpu.memory_space<vmem_shared>> -> memref<128x128xf32, #tpu.memory_space<vmem_shared>>
      %dma_start3A_89 = arith.constant 0 : i32
      %dma_start3A_90 = tpu.memref_slice %arg12[%add3A_51, %dma_start3A_89] : memref<10240x128xf32, #tpu.memory_space<vmem_shared>> -> memref<128x128xf32, #tpu.memory_space<vmem_shared>>
      tpu.enqueue_dma source(%dma_start3A_90 : memref<128x128xf32, #tpu.memory_space<vmem_shared>>) target(%arg9 : memref<128x128xf32, #tpu.memory_space<vmem>>) target_semaphore(%run_scoped3A : memref<!tpu.dma_semaphore, #tpu.memory_space<semaphore_mem>>)
      %dma_wait3A = arith.constant 0 : i32
      %dma_wait3A_91 = tpu.memref_slice %arg12[%add3A_51, %dma_wait3A] : memref<10240x128xf32, #tpu.memory_space<vmem_shared>> -> memref<128x128xf32, #tpu.memory_space<vmem_shared>>
      %dma_wait3A_92 = arith.constant 0 : i32
      %dma_wait3A_93 = tpu.memref_slice %arg12[%add3A_51, %dma_wait3A_92] : memref<10240x128xf32, #tpu.memory_space<vmem_shared>> -> memref<128x128xf32, #tpu.memory_space<vmem_shared>>
      tpu.wait_dma2 semaphore(%run_scoped3A : memref<!tpu.dma_semaphore, #tpu.memory_space<semaphore_mem>>) src(%dma_wait3A_93 : memref<128x128xf32, #tpu.memory_space<vmem_shared>>) dst(%arg9 : memref<128x128xf32, #tpu.memory_space<vmem>>)
      tpu.yield
    }) : () -> ()
    %mul3A_52 = arith.constant 10240 : i32
    %mul3A_53 = arith.muli %arg0, %mul3A_52 : i32
    %add3A_54 = arith.addi %mul3A_53, %add3A_51 : i32
    "tpu.region"() ({
      %run_scoped3A = tpu.sem_alloc : memref<!tpu.dma_semaphore, #tpu.memory_space<semaphore_mem>>
      %dma_start3A = arith.constant 0 : i32
      %dma_start3A_88 = tpu.memref_slice %arg5[%add3A_54, %dma_start3A] : memref<20480x128xf32, #tpu.memory_space<hbm>> -> memref<128x128xf32, #tpu.memory_space<hbm>>
      %dma_start3A_89 = arith.constant 0 : i32
      %dma_start3A_90 = tpu.memref_slice %arg5[%add3A_54, %dma_start3A_89] : memref<20480x128xf32, #tpu.memory_space<hbm>> -> memref<128x128xf32, #tpu.memory_space<hbm>>
      tpu.enqueue_dma source(%arg9 : memref<128x128xf32, #tpu.memory_space<vmem>>) target(%dma_start3A_90 : memref<128x128xf32, #tpu.memory_space<hbm>>) target_semaphore(%run_scoped3A : memref<!tpu.dma_semaphore, #tpu.memory_space<semaphore_mem>>)
      %dma_wait3A = arith.constant 0 : i32
      %dma_wait3A_91 = tpu.memref_slice %arg5[%add3A_54, %dma_wait3A] : memref<20480x128xf32, #tpu.memory_space<hbm>> -> memref<128x128xf32, #tpu.memory_space<hbm>>
      %dma_wait3A_92 = arith.constant 0 : i32
      %dma_wait3A_93 = tpu.memref_slice %arg5[%add3A_54, %dma_wait3A_92] : memref<20480x128xf32, #tpu.memory_space<hbm>> -> memref<128x128xf32, #tpu.memory_space<hbm>>
      tpu.wait_dma2 semaphore(%run_scoped3A : memref<!tpu.dma_semaphore, #tpu.memory_space<semaphore_mem>>) src(%arg9 : memref<128x128xf32, #tpu.memory_space<vmem>>) dst(%dma_wait3A_93 : memref<128x128xf32, #tpu.memory_space<hbm>>)
      tpu.yield
    }) : () -> ()
    %mul3A_55 = arith.constant 640 : i32
    %mul3A_56 = arith.muli %arg1, %mul3A_55 : i32
    %add3A_57 = arith.constant 128 : i32
    %add3A_58 = arith.addi %mul3A_56, %add3A_57 : i32
    "tpu.region"() ({
      %run_scoped3A = tpu.sem_alloc : memref<!tpu.dma_semaphore, #tpu.memory_space<semaphore_mem>>
      %dma_start3A = arith.constant 0 : i32
      %dma_start3A_88 = tpu.memref_slice %arg12[%add3A_58, %dma_start3A] : memref<10240x128xf32, #tpu.memory_space<vmem_shared>> -> memref<128x128xf32, #tpu.memory_space<vmem_shared>>
      %dma_start3A_89 = arith.constant 0 : i32
      %dma_start3A_90 = tpu.memref_slice %arg12[%add3A_58, %dma_start3A_89] : memref<10240x128xf32, #tpu.memory_space<vmem_shared>> -> memref<128x128xf32, #tpu.memory_space<vmem_shared>>
      tpu.enqueue_dma source(%dma_start3A_90 : memref<128x128xf32, #tpu.memory_space<vmem_shared>>) target(%arg9 : memref<128x128xf32, #tpu.memory_space<vmem>>) target_semaphore(%run_scoped3A : memref<!tpu.dma_semaphore, #tpu.memory_space<semaphore_mem>>)
      %dma_wait3A = arith.constant 0 : i32
      %dma_wait3A_91 = tpu.memref_slice %arg12[%add3A_58, %dma_wait3A] : memref<10240x128xf32, #tpu.memory_space<vmem_shared>> -> memref<128x128xf32, #tpu.memory_space<vmem_shared>>
      %dma_wait3A_92 = arith.constant 0 : i32
      %dma_wait3A_93 = tpu.memref_slice %arg12[%add3A_58, %dma_wait3A_92] : memref<10240x128xf32, #tpu.memory_space<vmem_shared>> -> memref<128x128xf32, #tpu.memory_space<vmem_shared>>
      tpu.wait_dma2 semaphore(%run_scoped3A : memref<!tpu.dma_semaphore, #tpu.memory_space<semaphore_mem>>) src(%dma_wait3A_93 : memref<128x128xf32, #tpu.memory_space<vmem_shared>>) dst(%arg9 : memref<128x128xf32, #tpu.memory_space<vmem>>)
      tpu.yield
    }) : () -> ()
    %mul3A_59 = arith.constant 10240 : i32
    %mul3A_60 = arith.muli %arg0, %mul3A_59 : i32
    %add3A_61 = arith.addi %mul3A_60, %add3A_58 : i32
    "tpu.region"() ({
      %run_scoped3A = tpu.sem_alloc : memref<!tpu.dma_semaphore, #tpu.memory_space<semaphore_mem>>
      %dma_start3A = arith.constant 0 : i32
      %dma_start3A_88 = tpu.memref_slice %arg5[%add3A_61, %dma_start3A] : memref<20480x128xf32, #tpu.memory_space<hbm>> -> memref<128x128xf32, #tpu.memory_space<hbm>>
      %dma_start3A_89 = arith.constant 0 : i32
      %dma_start3A_90 = tpu.memref_slice %arg5[%add3A_61, %dma_start3A_89] : memref<20480x128xf32, #tpu.memory_space<hbm>> -> memref<128x128xf32, #tpu.memory_space<hbm>>
      tpu.enqueue_dma source(%arg9 : memref<128x128xf32, #tpu.memory_space<vmem>>) target(%dma_start3A_90 : memref<128x128xf32, #tpu.memory_space<hbm>>) target_semaphore(%run_scoped3A : memref<!tpu.dma_semaphore, #tpu.memory_space<semaphore_mem>>)
      %dma_wait3A = arith.constant 0 : i32
      %dma_wait3A_91 = tpu.memref_slice %arg5[%add3A_61, %dma_wait3A] : memref<20480x128xf32, #tpu.memory_space<hbm>> -> memref<128x128xf32, #tpu.memory_space<hbm>>
      %dma_wait3A_92 = arith.constant 0 : i32
      %dma_wait3A_93 = tpu.memref_slice %arg5[%add3A_61, %dma_wait3A_92] : memref<20480x128xf32, #tpu.memory_space<hbm>> -> memref<128x128xf32, #tpu.memory_space<hbm>>
      tpu.wait_dma2 semaphore(%run_scoped3A : memref<!tpu.dma_semaphore, #tpu.memory_space<semaphore_mem>>) src(%arg9 : memref<128x128xf32, #tpu.memory_space<vmem>>) dst(%dma_wait3A_93 : memref<128x128xf32, #tpu.memory_space<hbm>>)
      tpu.yield
    }) : () -> ()
    %mul3A_62 = arith.constant 640 : i32
    %mul3A_63 = arith.muli %arg1, %mul3A_62 : i32
    %add3A_64 = arith.constant 256 : i32
    %add3A_65 = arith.addi %mul3A_63, %add3A_64 : i32
    "tpu.region"() ({
      %run_scoped3A = tpu.sem_alloc : memref<!tpu.dma_semaphore, #tpu.memory_space<semaphore_mem>>
      %dma_start3A = arith.constant 0 : i32
      %dma_start3A_88 = tpu.memref_slice %arg12[%add3A_65, %dma_start3A] : memref<10240x128xf32, #tpu.memory_space<vmem_shared>> -> memref<128x128xf32, #tpu.memory_space<vmem_shared>>
      %dma_start3A_89 = arith.constant 0 : i32
      %dma_start3A_90 = tpu.memref_slice %arg12[%add3A_65, %dma_start3A_89] : memref<10240x128xf32, #tpu.memory_space<vmem_shared>> -> memref<128x128xf32, #tpu.memory_space<vmem_shared>>
      tpu.enqueue_dma source(%dma_start3A_90 : memref<128x128xf32, #tpu.memory_space<vmem_shared>>) target(%arg9 : memref<128x128xf32, #tpu.memory_space<vmem>>) target_semaphore(%run_scoped3A : memref<!tpu.dma_semaphore, #tpu.memory_space<semaphore_mem>>)
      %dma_wait3A = arith.constant 0 : i32
      %dma_wait3A_91 = tpu.memref_slice %arg12[%add3A_65, %dma_wait3A] : memref<10240x128xf32, #tpu.memory_space<vmem_shared>> -> memref<128x128xf32, #tpu.memory_space<vmem_shared>>
      %dma_wait3A_92 = arith.constant 0 : i32
      %dma_wait3A_93 = tpu.memref_slice %arg12[%add3A_65, %dma_wait3A_92] : memref<10240x128xf32, #tpu.memory_space<vmem_shared>> -> memref<128x128xf32, #tpu.memory_space<vmem_shared>>
      tpu.wait_dma2 semaphore(%run_scoped3A : memref<!tpu.dma_semaphore, #tpu.memory_space<semaphore_mem>>) src(%dma_wait3A_93 : memref<128x128xf32, #tpu.memory_space<vmem_shared>>) dst(%arg9 : memref<128x128xf32, #tpu.memory_space<vmem>>)
      tpu.yield
    }) : () -> ()
    %mul3A_66 = arith.constant 10240 : i32
    %mul3A_67 = arith.muli %arg0, %mul3A_66 : i32
    %add3A_68 = arith.addi %mul3A_67, %add3A_65 : i32
    "tpu.region"() ({
      %run_scoped3A = tpu.sem_alloc : memref<!tpu.dma_semaphore, #tpu.memory_space<semaphore_mem>>
      %dma_start3A = arith.constant 0 : i32
      %dma_start3A_88 = tpu.memref_slice %arg5[%add3A_68, %dma_start3A] : memref<20480x128xf32, #tpu.memory_space<hbm>> -> memref<128x128xf32, #tpu.memory_space<hbm>>
      %dma_start3A_89 = arith.constant 0 : i32
      %dma_start3A_90 = tpu.memref_slice %arg5[%add3A_68, %dma_start3A_89] : memref<20480x128xf32, #tpu.memory_space<hbm>> -> memref<128x128xf32, #tpu.memory_space<hbm>>
      tpu.enqueue_dma source(%arg9 : memref<128x128xf32, #tpu.memory_space<vmem>>) target(%dma_start3A_90 : memref<128x128xf32, #tpu.memory_space<hbm>>) target_semaphore(%run_scoped3A : memref<!tpu.dma_semaphore, #tpu.memory_space<semaphore_mem>>)
      %dma_wait3A = arith.constant 0 : i32
      %dma_wait3A_91 = tpu.memref_slice %arg5[%add3A_68, %dma_wait3A] : memref<20480x128xf32, #tpu.memory_space<hbm>> -> memref<128x128xf32, #tpu.memory_space<hbm>>
      %dma_wait3A_92 = arith.constant 0 : i32
      %dma_wait3A_93 = tpu.memref_slice %arg5[%add3A_68, %dma_wait3A_92] : memref<20480x128xf32, #tpu.memory_space<hbm>> -> memref<128x128xf32, #tpu.memory_space<hbm>>
      tpu.wait_dma2 semaphore(%run_scoped3A : memref<!tpu.dma_semaphore, #tpu.memory_space<semaphore_mem>>) src(%arg9 : memref<128x128xf32, #tpu.memory_space<vmem>>) dst(%dma_wait3A_93 : memref<128x128xf32, #tpu.memory_space<hbm>>)
      tpu.yield
    }) : () -> ()
    %mul3A_69 = arith.constant 640 : i32
    %mul3A_70 = arith.muli %arg1, %mul3A_69 : i32
    %add3A_71 = arith.constant 384 : i32
    %add3A_72 = arith.addi %mul3A_70, %add3A_71 : i32
    "tpu.region"() ({
      %run_scoped3A = tpu.sem_alloc : memref<!tpu.dma_semaphore, #tpu.memory_space<semaphore_mem>>
      %dma_start3A = arith.constant 0 : i32
      %dma_start3A_88 = tpu.memref_slice %arg12[%add3A_72, %dma_start3A] : memref<10240x128xf32, #tpu.memory_space<vmem_shared>> -> memref<128x128xf32, #tpu.memory_space<vmem_shared>>
      %dma_start3A_89 = arith.constant 0 : i32
      %dma_start3A_90 = tpu.memref_slice %arg12[%add3A_72, %dma_start3A_89] : memref<10240x128xf32, #tpu.memory_space<vmem_shared>> -> memref<128x128xf32, #tpu.memory_space<vmem_shared>>
      tpu.enqueue_dma source(%dma_start3A_90 : memref<128x128xf32, #tpu.memory_space<vmem_shared>>) target(%arg9 : memref<128x128xf32, #tpu.memory_space<vmem>>) target_semaphore(%run_scoped3A : memref<!tpu.dma_semaphore, #tpu.memory_space<semaphore_mem>>)
      %dma_wait3A = arith.constant 0 : i32
      %dma_wait3A_91 = tpu.memref_slice %arg12[%add3A_72, %dma_wait3A] : memref<10240x128xf32, #tpu.memory_space<vmem_shared>> -> memref<128x128xf32, #tpu.memory_space<vmem_shared>>
      %dma_wait3A_92 = arith.constant 0 : i32
      %dma_wait3A_93 = tpu.memref_slice %arg12[%add3A_72, %dma_wait3A_92] : memref<10240x128xf32, #tpu.memory_space<vmem_shared>> -> memref<128x128xf32, #tpu.memory_space<vmem_shared>>
      tpu.wait_dma2 semaphore(%run_scoped3A : memref<!tpu.dma_semaphore, #tpu.memory_space<semaphore_mem>>) src(%dma_wait3A_93 : memref<128x128xf32, #tpu.memory_space<vmem_shared>>) dst(%arg9 : memref<128x128xf32, #tpu.memory_space<vmem>>)
      tpu.yield
    }) : () -> ()
    %mul3A_73 = arith.constant 10240 : i32
    %mul3A_74 = arith.muli %arg0, %mul3A_73 : i32
    %add3A_75 = arith.addi %mul3A_74, %add3A_72 : i32
    "tpu.region"() ({
      %run_scoped3A = tpu.sem_alloc : memref<!tpu.dma_semaphore, #tpu.memory_space<semaphore_mem>>
      %dma_start3A = arith.constant 0 : i32
      %dma_start3A_88 = tpu.memref_slice %arg5[%add3A_75, %dma_start3A] : memref<20480x128xf32, #tpu.memory_space<hbm>> -> memref<128x128xf32, #tpu.memory_space<hbm>>
      %dma_start3A_89 = arith.constant 0 : i32
      %dma_start3A_90 = tpu.memref_slice %arg5[%add3A_75, %dma_start3A_89] : memref<20480x128xf32, #tpu.memory_space<hbm>> -> memref<128x128xf32, #tpu.memory_space<hbm>>
      tpu.enqueue_dma source(%arg9 : memref<128x128xf32, #tpu.memory_space<vmem>>) target(%dma_start3A_90 : memref<128x128xf32, #tpu.memory_space<hbm>>) target_semaphore(%run_scoped3A : memref<!tpu.dma_semaphore, #tpu.memory_space<semaphore_mem>>)
      %dma_wait3A = arith.constant 0 : i32
      %dma_wait3A_91 = tpu.memref_slice %arg5[%add3A_75, %dma_wait3A] : memref<20480x128xf32, #tpu.memory_space<hbm>> -> memref<128x128xf32, #tpu.memory_space<hbm>>
      %dma_wait3A_92 = arith.constant 0 : i32
      %dma_wait3A_93 = tpu.memref_slice %arg5[%add3A_75, %dma_wait3A_92] : memref<20480x128xf32, #tpu.memory_space<hbm>> -> memref<128x128xf32, #tpu.memory_space<hbm>>
      tpu.wait_dma2 semaphore(%run_scoped3A : memref<!tpu.dma_semaphore, #tpu.memory_space<semaphore_mem>>) src(%arg9 : memref<128x128xf32, #tpu.memory_space<vmem>>) dst(%dma_wait3A_93 : memref<128x128xf32, #tpu.memory_space<hbm>>)
      tpu.yield
    }) : () -> ()
    %mul3A_76 = arith.constant 640 : i32
    %mul3A_77 = arith.muli %arg1, %mul3A_76 : i32
    %add3A_78 = arith.constant 512 : i32
    %add3A_79 = arith.addi %mul3A_77, %add3A_78 : i32
    "tpu.region"() ({
      %run_scoped3A = tpu.sem_alloc : memref<!tpu.dma_semaphore, #tpu.memory_space<semaphore_mem>>
      %dma_start3A = arith.constant 0 : i32
      %dma_start3A_88 = tpu.memref_slice %arg12[%add3A_79, %dma_start3A] : memref<10240x128xf32, #tpu.memory_space<vmem_shared>> -> memref<128x128xf32, #tpu.memory_space<vmem_shared>>
      %dma_start3A_89 = arith.constant 0 : i32
      %dma_start3A_90 = tpu.memref_slice %arg12[%add3A_79, %dma_start3A_89] : memref<10240x128xf32, #tpu.memory_space<vmem_shared>> -> memref<128x128xf32, #tpu.memory_space<vmem_shared>>
      tpu.enqueue_dma source(%dma_start3A_90 : memref<128x128xf32, #tpu.memory_space<vmem_shared>>) target(%arg9 : memref<128x128xf32, #tpu.memory_space<vmem>>) target_semaphore(%run_scoped3A : memref<!tpu.dma_semaphore, #tpu.memory_space<semaphore_mem>>)
      %dma_wait3A = arith.constant 0 : i32
      %dma_wait3A_91 = tpu.memref_slice %arg12[%add3A_79, %dma_wait3A] : memref<10240x128xf32, #tpu.memory_space<vmem_shared>> -> memref<128x128xf32, #tpu.memory_space<vmem_shared>>
      %dma_wait3A_92 = arith.constant 0 : i32
      %dma_wait3A_93 = tpu.memref_slice %arg12[%add3A_79, %dma_wait3A_92] : memref<10240x128xf32, #tpu.memory_space<vmem_shared>> -> memref<128x128xf32, #tpu.memory_space<vmem_shared>>
      tpu.wait_dma2 semaphore(%run_scoped3A : memref<!tpu.dma_semaphore, #tpu.memory_space<semaphore_mem>>) src(%dma_wait3A_93 : memref<128x128xf32, #tpu.memory_space<vmem_shared>>) dst(%arg9 : memref<128x128xf32, #tpu.memory_space<vmem>>)
      tpu.yield
    }) : () -> ()
    %mul3A_80 = arith.constant 10240 : i32
    %mul3A_81 = arith.muli %arg0, %mul3A_80 : i32
    %add3A_82 = arith.addi %mul3A_81, %add3A_79 : i32
    "tpu.region"() ({
      %run_scoped3A = tpu.sem_alloc : memref<!tpu.dma_semaphore, #tpu.memory_space<semaphore_mem>>
      %dma_start3A = arith.constant 0 : i32
      %dma_start3A_88 = tpu.memref_slice %arg5[%add3A_82, %dma_start3A] : memref<20480x128xf32, #tpu.memory_space<hbm>> -> memref<128x128xf32, #tpu.memory_space<hbm>>
      %dma_start3A_89 = arith.constant 0 : i32
      %dma_start3A_90 = tpu.memref_slice %arg5[%add3A_82, %dma_start3A_89] : memref<20480x128xf32, #tpu.memory_space<hbm>> -> memref<128x128xf32, #tpu.memory_space<hbm>>
      tpu.enqueue_dma source(%arg9 : memref<128x128xf32, #tpu.memory_space<vmem>>) target(%dma_start3A_90 : memref<128x128xf32, #tpu.memory_space<hbm>>) target_semaphore(%run_scoped3A : memref<!tpu.dma_semaphore, #tpu.memory_space<semaphore_mem>>)
      %dma_wait3A = arith.constant 0 : i32
      %dma_wait3A_91 = tpu.memref_slice %arg5[%add3A_82, %dma_wait3A] : memref<20480x128xf32, #tpu.memory_space<hbm>> -> memref<128x128xf32, #tpu.memory_space<hbm>>
      %dma_wait3A_92 = arith.constant 0 : i32
      %dma_wait3A_93 = tpu.memref_slice %arg5[%add3A_82, %dma_wait3A_92] : memref<20480x128xf32, #tpu.memory_space<hbm>> -> memref<128x128xf32, #tpu.memory_space<hbm>>
      tpu.wait_dma2 semaphore(%run_scoped3A : memref<!tpu.dma_semaphore, #tpu.memory_space<semaphore_mem>>) src(%arg9 : memref<128x128xf32, #tpu.memory_space<vmem>>) dst(%dma_wait3A_93 : memref<128x128xf32, #tpu.memory_space<hbm>>)
      tpu.yield
    }) : () -> ()
    %eq3A_83 = arith.constant 0 : i32
    %eq3A_84 = arith.cmpi eq, %arg0, %eq3A_83 : i32
    %convert_element_type3A_85 = arith.extui %eq3A_84 : i1 to i32
    %cond3A_86 = arith.constant 0 : i32
    %cond3A_87 = arith.cmpi ne, %convert_element_type3A_85, %cond3A_86 : i32
    scf.if %cond3A_87 {
      %mul3A_88 = arith.constant 640 : i32
      %mul3A_89 = arith.muli %arg1, %mul3A_88 : i32
      "tpu.region"() ({
        %run_scoped3A = tpu.sem_alloc : memref<!tpu.dma_semaphore, #tpu.memory_space<semaphore_mem>>
        %dma_start3A = tpu.memref_slice %arg13[%mul3A_89] : memref<10240xf32, #tpu.memory_space<vmem_shared>> -> memref<640xf32, #tpu.memory_space<vmem_shared>>
        %dma_start3A_92 = tpu.memref_slice %arg13[%mul3A_89] : memref<10240xf32, #tpu.memory_space<vmem_shared>> -> memref<640xf32, #tpu.memory_space<vmem_shared>>
        tpu.enqueue_dma source(%dma_start3A_92 : memref<640xf32, #tpu.memory_space<vmem_shared>>) target(%arg10 : memref<640xf32, #tpu.memory_space<vmem>>) target_semaphore(%run_scoped3A : memref<!tpu.dma_semaphore, #tpu.memory_space<semaphore_mem>>)
        %dma_wait3A = tpu.memref_slice %arg13[%mul3A_89] : memref<10240xf32, #tpu.memory_space<vmem_shared>> -> memref<640xf32, #tpu.memory_space<vmem_shared>>
        %dma_wait3A_93 = tpu.memref_slice %arg13[%mul3A_89] : memref<10240xf32, #tpu.memory_space<vmem_shared>> -> memref<640xf32, #tpu.memory_space<vmem_shared>>
        tpu.wait_dma2 semaphore(%run_scoped3A : memref<!tpu.dma_semaphore, #tpu.memory_space<semaphore_mem>>) src(%dma_wait3A_93 : memref<640xf32, #tpu.memory_space<vmem_shared>>) dst(%arg10 : memref<640xf32, #tpu.memory_space<vmem>>)
        tpu.yield
      }) : () -> ()
      %mul3A_90 = arith.constant 640 : i32
      %mul3A_91 = arith.muli %arg1, %mul3A_90 : i32
      "tpu.region"() ({
        %run_scoped3A = tpu.sem_alloc : memref<!tpu.dma_semaphore, #tpu.memory_space<semaphore_mem>>
        %dma_start3A = tpu.memref_slice %arg6[%mul3A_91] : memref<10240xf32, #tpu.memory_space<hbm>> -> memref<640xf32, #tpu.memory_space<hbm>>
        %dma_start3A_92 = tpu.memref_slice %arg6[%mul3A_91] : memref<10240xf32, #tpu.memory_space<hbm>> -> memref<640xf32, #tpu.memory_space<hbm>>
        tpu.enqueue_dma source(%arg10 : memref<640xf32, #tpu.memory_space<vmem>>) target(%dma_start3A_92 : memref<640xf32, #tpu.memory_space<hbm>>) target_semaphore(%run_scoped3A : memref<!tpu.dma_semaphore, #tpu.memory_space<semaphore_mem>>)
        %dma_wait3A = tpu.memref_slice %arg6[%mul3A_91] : memref<10240xf32, #tpu.memory_space<hbm>> -> memref<640xf32, #tpu.memory_space<hbm>>
        %dma_wait3A_93 = tpu.memref_slice %arg6[%mul3A_91] : memref<10240xf32, #tpu.memory_space<hbm>> -> memref<640xf32, #tpu.memory_space<hbm>>
        tpu.wait_dma2 semaphore(%run_scoped3A : memref<!tpu.dma_semaphore, #tpu.memory_space<semaphore_mem>>) src(%arg10 : memref<640xf32, #tpu.memory_space<vmem>>) dst(%dma_wait3A_93 : memref<640xf32, #tpu.memory_space<hbm>>)
        tpu.yield
      }) : () -> ()
    } else {
    }
    return
  }
}

#map = affine_map<(d0, d1) -> (0, 0)>
#map1 = affine_map<(d0, d1) -> (0)>
module attributes {stable_mosaic.version = 14 : i64} {
  func.func @_segsum_body(%arg0: i32, %arg1: i32, %arg2: memref<20000x128xf32, #tpu.memory_space<hbm>>, %arg3: memref<160000xi32, #tpu.memory_space<hbm>>, %arg4: memref<160000xi32, #tpu.memory_space<hbm>>, %arg5: memref<20480x128xf32, #tpu.memory_space<hbm>>, %arg6: memref<128xi32, #tpu.memory_space<vmem>>, %arg7: memref<128xi32, #tpu.memory_space<vmem>>, %arg8: memref<128x128xf32, #tpu.memory_space<vmem>>, %arg9: memref<10240x128xf32, #tpu.memory_space<vmem_shared>>, %arg10: memref<!tpu.dma_semaphore, #tpu.memory_space<semaphore_mem>>) attributes {dimension_semantics = [#tpu.dimension_semantics<core_parallel>, #tpu.dimension_semantics<subcore_parallel>], iteration_bounds = array<i64: 2, 16>, scalar_prefetch = 0 : i64, scratch_operands = 5 : i64, tpu.core_type = #tpu.core_type<sc_vector_subcore>, window_params = [{transform_indices = #map}, {transform_indices = #map1}, {transform_indices = #map1}, {transform_indices = #map}]} {
    %scan3A = arith.constant 0 : i32
    %scan3A_0 = arith.constant 0 : i32
    %scan3A_1 = arith.constant 1024 : i32
    %scan3A_2 = arith.addi %scan3A_0, %scan3A_1 : i32
    %scan3A_3 = arith.constant 1 : i32
    %scan3A_4 = scf.for %scan3A_67 = %scan3A_0 to %scan3A_2 step %scan3A_3 iter_args(%scan3A_68 = %scan3A) -> (i32)  : i32 {
      %jit3A = arith.constant 8 : i32
      %div3A = arith.divsi %scan3A_67, %jit3A : i32
      %sign3A = arith.constant 0 : i32
      %sign3A_69 = arith.cmpi sgt, %scan3A_67, %sign3A : i32
      %sign3A_70 = arith.extui %sign3A_69 : i1 to i32
      %sign3A_71 = arith.constant 0 : i32
      %sign3A_72 = arith.cmpi slt, %scan3A_67, %sign3A_71 : i32
      %sign3A_73 = arith.extui %sign3A_72 : i1 to i32
      %sign3A_74 = arith.subi %sign3A_70, %sign3A_73 : i32
      %sign3A_75 = arith.constant 0 : i32
      %sign3A_76 = arith.cmpi sgt, %jit3A, %sign3A_75 : i32
      %sign3A_77 = arith.extui %sign3A_76 : i1 to i32
      %sign3A_78 = arith.constant 0 : i32
      %sign3A_79 = arith.cmpi slt, %jit3A, %sign3A_78 : i32
      %sign3A_80 = arith.extui %sign3A_79 : i1 to i32
      %sign3A_81 = arith.subi %sign3A_77, %sign3A_80 : i32
      %ne3A = arith.cmpi ne, %sign3A_74, %sign3A_81 : i32
      %rem3A = arith.remsi %scan3A_67, %jit3A : i32
      %ne3A_82 = arith.constant 0 : i32
      %ne3A_83 = arith.cmpi ne, %rem3A, %ne3A_82 : i32
      %and3A = arith.andi %ne3A, %ne3A_83 : i1
      %sub3A = arith.constant 1 : i32
      %sub3A_84 = arith.subi %div3A, %sub3A : i32
      %select_n3A = arith.select %and3A, %sub3A_84, %div3A : i32
      %jit3A_85 = arith.constant 8 : i32
      %eq3A = arith.constant 0 : i32
      %eq3A_86 = arith.cmpi eq, %jit3A_85, %eq3A : i32
      %jit3A_87 = arith.constant 1 : i32
      %select_n3A_88 = arith.select %eq3A_86, %jit3A_87, %jit3A_85 : i32
      %rem3A_89 = arith.remsi %scan3A_67, %select_n3A_88 : i32
      %ne3A_90 = arith.constant 0 : i32
      %ne3A_91 = arith.cmpi ne, %rem3A_89, %ne3A_90 : i32
      %lt3A = arith.constant 0 : i32
      %lt3A_92 = arith.cmpi slt, %rem3A_89, %lt3A : i32
      %lt3A_93 = arith.constant 0 : i32
      %lt3A_94 = arith.cmpi slt, %select_n3A_88, %lt3A_93 : i32
      %ne3A_95 = arith.xori %lt3A_92, %lt3A_94 : i1
      %and3A_96 = arith.andi %ne3A_95, %ne3A_91 : i1
      %add3A_97 = arith.addi %rem3A_89, %select_n3A_88 : i32
      %select_n3A_98 = arith.select %and3A_96, %add3A_97, %rem3A_89 : i32
      %broadcast_in_dim3A = arith.constant 0.000000e+00 : f32
      %broadcast_in_dim3A_99 = vector.broadcast %broadcast_in_dim3A : f32 to vector<16xf32>
      %mul3A_100 = arith.constant 16 : i32
      %mul3A_101 = arith.muli %select_n3A_98, %mul3A_100 : i32
      %swap3A = arith.index_cast %select_n3A : i32 to index
      %swap3A_102 = arith.index_cast %mul3A_101 : i32 to index
      %swap3A_103 = tpu.vector_load %arg8[%swap3A, %swap3A_102] {strides = array<i32>} : memref<128x128xf32, #tpu.memory_space<vmem>>, vector<1x16xf32>,
      %swap3A_104 = vector.shape_cast %swap3A_103 : vector<1x16xf32> to vector<16xf32>
      %swap3A_105 = vector.shape_cast %broadcast_in_dim3A_99 : vector<16xf32> to vector<1x16xf32>
      tpu.vector_store %arg8[%swap3A, %swap3A_102], %swap3A_105 {strides = array<i32>} : memref<128x128xf32, #tpu.memory_space<vmem>>, vector<1x16xf32>,
      %scan3A_106 = arith.constant 0 : i32
      scf.yield %scan3A_106 : i32
    }
    %scan3A_5 = arith.constant 1024 : i32
    %mul3A = arith.constant 640 : i32
    %mul3A_6 = arith.muli %arg1, %mul3A : i32
    %add3A = arith.constant 0 : i32
    %add3A_7 = arith.addi %mul3A_6, %add3A : i32
    "tpu.region"() ({
      %run_scoped3A = tpu.sem_alloc : memref<!tpu.dma_semaphore, #tpu.memory_space<semaphore_mem>>
      %dma_start3A = arith.constant 0 : i32
      %dma_start3A_67 = tpu.memref_slice %arg9[%add3A_7, %dma_start3A] : memref<10240x128xf32, #tpu.memory_space<vmem_shared>> -> memref<128x128xf32, #tpu.memory_space<vmem_shared>>
      %dma_start3A_68 = arith.constant 0 : i32
      %dma_start3A_69 = tpu.memref_slice %arg9[%add3A_7, %dma_start3A_68] : memref<10240x128xf32, #tpu.memory_space<vmem_shared>> -> memref<128x128xf32, #tpu.memory_space<vmem_shared>>
      tpu.enqueue_dma source(%arg8 : memref<128x128xf32, #tpu.memory_space<vmem>>) target(%dma_start3A_69 : memref<128x128xf32, #tpu.memory_space<vmem_shared>>) target_semaphore(%run_scoped3A : memref<!tpu.dma_semaphore, #tpu.memory_space<semaphore_mem>>)
      %dma_wait3A = arith.constant 0 : i32
      %dma_wait3A_70 = tpu.memref_slice %arg9[%add3A_7, %dma_wait3A] : memref<10240x128xf32, #tpu.memory_space<vmem_shared>> -> memref<128x128xf32, #tpu.memory_space<vmem_shared>>
      %dma_wait3A_71 = arith.constant 0 : i32
      %dma_wait3A_72 = tpu.memref_slice %arg9[%add3A_7, %dma_wait3A_71] : memref<10240x128xf32, #tpu.memory_space<vmem_shared>> -> memref<128x128xf32, #tpu.memory_space<vmem_shared>>
      tpu.wait_dma2 semaphore(%run_scoped3A : memref<!tpu.dma_semaphore, #tpu.memory_space<semaphore_mem>>) src(%arg8 : memref<128x128xf32, #tpu.memory_space<vmem>>) dst(%dma_wait3A_72 : memref<128x128xf32, #tpu.memory_space<vmem_shared>>)
      tpu.yield
    }) : () -> ()
    %mul3A_8 = arith.constant 640 : i32
    %mul3A_9 = arith.muli %arg1, %mul3A_8 : i32
    %add3A_10 = arith.constant 128 : i32
    %add3A_11 = arith.addi %mul3A_9, %add3A_10 : i32
    "tpu.region"() ({
      %run_scoped3A = tpu.sem_alloc : memref<!tpu.dma_semaphore, #tpu.memory_space<semaphore_mem>>
      %dma_start3A = arith.constant 0 : i32
      %dma_start3A_67 = tpu.memref_slice %arg9[%add3A_11, %dma_start3A] : memref<10240x128xf32, #tpu.memory_space<vmem_shared>> -> memref<128x128xf32, #tpu.memory_space<vmem_shared>>
      %dma_start3A_68 = arith.constant 0 : i32
      %dma_start3A_69 = tpu.memref_slice %arg9[%add3A_11, %dma_start3A_68] : memref<10240x128xf32, #tpu.memory_space<vmem_shared>> -> memref<128x128xf32, #tpu.memory_space<vmem_shared>>
      tpu.enqueue_dma source(%arg8 : memref<128x128xf32, #tpu.memory_space<vmem>>) target(%dma_start3A_69 : memref<128x128xf32, #tpu.memory_space<vmem_shared>>) target_semaphore(%run_scoped3A : memref<!tpu.dma_semaphore, #tpu.memory_space<semaphore_mem>>)
      %dma_wait3A = arith.constant 0 : i32
      %dma_wait3A_70 = tpu.memref_slice %arg9[%add3A_11, %dma_wait3A] : memref<10240x128xf32, #tpu.memory_space<vmem_shared>> -> memref<128x128xf32, #tpu.memory_space<vmem_shared>>
      %dma_wait3A_71 = arith.constant 0 : i32
      %dma_wait3A_72 = tpu.memref_slice %arg9[%add3A_11, %dma_wait3A_71] : memref<10240x128xf32, #tpu.memory_space<vmem_shared>> -> memref<128x128xf32, #tpu.memory_space<vmem_shared>>
      tpu.wait_dma2 semaphore(%run_scoped3A : memref<!tpu.dma_semaphore, #tpu.memory_space<semaphore_mem>>) src(%arg8 : memref<128x128xf32, #tpu.memory_space<vmem>>) dst(%dma_wait3A_72 : memref<128x128xf32, #tpu.memory_space<vmem_shared>>)
      tpu.yield
    }) : () -> ()
    %mul3A_12 = arith.constant 640 : i32
    %mul3A_13 = arith.muli %arg1, %mul3A_12 : i32
    %add3A_14 = arith.constant 256 : i32
    %add3A_15 = arith.addi %mul3A_13, %add3A_14 : i32
    "tpu.region"() ({
      %run_scoped3A = tpu.sem_alloc : memref<!tpu.dma_semaphore, #tpu.memory_space<semaphore_mem>>
      %dma_start3A = arith.constant 0 : i32
      %dma_start3A_67 = tpu.memref_slice %arg9[%add3A_15, %dma_start3A] : memref<10240x128xf32, #tpu.memory_space<vmem_shared>> -> memref<128x128xf32, #tpu.memory_space<vmem_shared>>
      %dma_start3A_68 = arith.constant 0 : i32
      %dma_start3A_69 = tpu.memref_slice %arg9[%add3A_15, %dma_start3A_68] : memref<10240x128xf32, #tpu.memory_space<vmem_shared>> -> memref<128x128xf32, #tpu.memory_space<vmem_shared>>
      tpu.enqueue_dma source(%arg8 : memref<128x128xf32, #tpu.memory_space<vmem>>) target(%dma_start3A_69 : memref<128x128xf32, #tpu.memory_space<vmem_shared>>) target_semaphore(%run_scoped3A : memref<!tpu.dma_semaphore, #tpu.memory_space<semaphore_mem>>)
      %dma_wait3A = arith.constant 0 : i32
      %dma_wait3A_70 = tpu.memref_slice %arg9[%add3A_15, %dma_wait3A] : memref<10240x128xf32, #tpu.memory_space<vmem_shared>> -> memref<128x128xf32, #tpu.memory_space<vmem_shared>>
      %dma_wait3A_71 = arith.constant 0 : i32
      %dma_wait3A_72 = tpu.memref_slice %arg9[%add3A_15, %dma_wait3A_71] : memref<10240x128xf32, #tpu.memory_space<vmem_shared>> -> memref<128x128xf32, #tpu.memory_space<vmem_shared>>
      tpu.wait_dma2 semaphore(%run_scoped3A : memref<!tpu.dma_semaphore, #tpu.memory_space<semaphore_mem>>) src(%arg8 : memref<128x128xf32, #tpu.memory_space<vmem>>) dst(%dma_wait3A_72 : memref<128x128xf32, #tpu.memory_space<vmem_shared>>)
      tpu.yield
    }) : () -> ()
    %mul3A_16 = arith.constant 640 : i32
    %mul3A_17 = arith.muli %arg1, %mul3A_16 : i32
    %add3A_18 = arith.constant 384 : i32
    %add3A_19 = arith.addi %mul3A_17, %add3A_18 : i32
    "tpu.region"() ({
      %run_scoped3A = tpu.sem_alloc : memref<!tpu.dma_semaphore, #tpu.memory_space<semaphore_mem>>
      %dma_start3A = arith.constant 0 : i32
      %dma_start3A_67 = tpu.memref_slice %arg9[%add3A_19, %dma_start3A] : memref<10240x128xf32, #tpu.memory_space<vmem_shared>> -> memref<128x128xf32, #tpu.memory_space<vmem_shared>>
      %dma_start3A_68 = arith.constant 0 : i32
      %dma_start3A_69 = tpu.memref_slice %arg9[%add3A_19, %dma_start3A_68] : memref<10240x128xf32, #tpu.memory_space<vmem_shared>> -> memref<128x128xf32, #tpu.memory_space<vmem_shared>>
      tpu.enqueue_dma source(%arg8 : memref<128x128xf32, #tpu.memory_space<vmem>>) target(%dma_start3A_69 : memref<128x128xf32, #tpu.memory_space<vmem_shared>>) target_semaphore(%run_scoped3A : memref<!tpu.dma_semaphore, #tpu.memory_space<semaphore_mem>>)
      %dma_wait3A = arith.constant 0 : i32
      %dma_wait3A_70 = tpu.memref_slice %arg9[%add3A_19, %dma_wait3A] : memref<10240x128xf32, #tpu.memory_space<vmem_shared>> -> memref<128x128xf32, #tpu.memory_space<vmem_shared>>
      %dma_wait3A_71 = arith.constant 0 : i32
      %dma_wait3A_72 = tpu.memref_slice %arg9[%add3A_19, %dma_wait3A_71] : memref<10240x128xf32, #tpu.memory_space<vmem_shared>> -> memref<128x128xf32, #tpu.memory_space<vmem_shared>>
      tpu.wait_dma2 semaphore(%run_scoped3A : memref<!tpu.dma_semaphore, #tpu.memory_space<semaphore_mem>>) src(%arg8 : memref<128x128xf32, #tpu.memory_space<vmem>>) dst(%dma_wait3A_72 : memref<128x128xf32, #tpu.memory_space<vmem_shared>>)
      tpu.yield
    }) : () -> ()
    %mul3A_20 = arith.constant 640 : i32
    %mul3A_21 = arith.muli %arg1, %mul3A_20 : i32
    %add3A_22 = arith.constant 512 : i32
    %add3A_23 = arith.addi %mul3A_21, %add3A_22 : i32
    "tpu.region"() ({
      %run_scoped3A = tpu.sem_alloc : memref<!tpu.dma_semaphore, #tpu.memory_space<semaphore_mem>>
      %dma_start3A = arith.constant 0 : i32
      %dma_start3A_67 = tpu.memref_slice %arg9[%add3A_23, %dma_start3A] : memref<10240x128xf32, #tpu.memory_space<vmem_shared>> -> memref<128x128xf32, #tpu.memory_space<vmem_shared>>
      %dma_start3A_68 = arith.constant 0 : i32
      %dma_start3A_69 = tpu.memref_slice %arg9[%add3A_23, %dma_start3A_68] : memref<10240x128xf32, #tpu.memory_space<vmem_shared>> -> memref<128x128xf32, #tpu.memory_space<vmem_shared>>
      tpu.enqueue_dma source(%arg8 : memref<128x128xf32, #tpu.memory_space<vmem>>) target(%dma_start3A_69 : memref<128x128xf32, #tpu.memory_space<vmem_shared>>) target_semaphore(%run_scoped3A : memref<!tpu.dma_semaphore, #tpu.memory_space<semaphore_mem>>)
      %dma_wait3A = arith.constant 0 : i32
      %dma_wait3A_70 = tpu.memref_slice %arg9[%add3A_23, %dma_wait3A] : memref<10240x128xf32, #tpu.memory_space<vmem_shared>> -> memref<128x128xf32, #tpu.memory_space<vmem_shared>>
      %dma_wait3A_71 = arith.constant 0 : i32
      %dma_wait3A_72 = tpu.memref_slice %arg9[%add3A_23, %dma_wait3A_71] : memref<10240x128xf32, #tpu.memory_space<vmem_shared>> -> memref<128x128xf32, #tpu.memory_space<vmem_shared>>
      tpu.wait_dma2 semaphore(%run_scoped3A : memref<!tpu.dma_semaphore, #tpu.memory_space<semaphore_mem>>) src(%arg8 : memref<128x128xf32, #tpu.memory_space<vmem>>) dst(%dma_wait3A_72 : memref<128x128xf32, #tpu.memory_space<vmem_shared>>)
      tpu.yield
    }) : () -> ()
    %barrier3A = arith.constant 0 : index
    tpu.barrier barrier_id(%barrier3A)
    %scan3A_24 = arith.constant 0 : i32
    %scan3A_25 = arith.constant 0 : i32
    %scan3A_26 = arith.constant 79 : i32
    %scan3A_27 = arith.addi %scan3A_25, %scan3A_26 : i32
    %scan3A_28 = arith.constant 1 : i32
    %scan3A_29 = scf.for %scan3A_67 = %scan3A_25 to %scan3A_27 step %scan3A_28 iter_args(%scan3A_68 = %scan3A_24) -> (i32)  : i32 {
      %mul3A_69 = arith.constant 16 : i32
      %mul3A_70 = arith.muli %mul3A_69, %scan3A_67 : i32
      %add3A_71 = arith.addi %arg1, %mul3A_70 : i32
      %lt3A = arith.constant 1250 : i32
      %lt3A_72 = arith.cmpi slt, %add3A_71, %lt3A : i32
      %convert_element_type3A = arith.extui %lt3A_72 : i1 to i32
      %cond3A = arith.constant 0 : i32
      %cond3A_73 = arith.cmpi ne, %convert_element_type3A, %cond3A : i32
      scf.if %cond3A_73 {
        %mul3A_75 = arith.constant 128 : i32
        %mul3A_76 = arith.muli %add3A_71, %mul3A_75 : i32
        "tpu.region"() ({
          %run_scoped3A = tpu.sem_alloc : memref<!tpu.dma_semaphore, #tpu.memory_space<semaphore_mem>>
          %dma_start3A_167 = tpu.memref_slice %arg3[%mul3A_76] : memref<160000xi32, #tpu.memory_space<hbm>> -> memref<128xi32, #tpu.memory_space<hbm>>
          %dma_start3A_168 = tpu.memref_slice %arg3[%mul3A_76] : memref<160000xi32, #tpu.memory_space<hbm>> -> memref<128xi32, #tpu.memory_space<hbm>>
          tpu.enqueue_dma source(%dma_start3A_168 : memref<128xi32, #tpu.memory_space<hbm>>) target(%arg6 : memref<128xi32, #tpu.memory_space<vmem>>) target_semaphore(%run_scoped3A : memref<!tpu.dma_semaphore, #tpu.memory_space<semaphore_mem>>)
          %dma_wait3A_169 = tpu.memref_slice %arg3[%mul3A_76] : memref<160000xi32, #tpu.memory_space<hbm>> -> memref<128xi32, #tpu.memory_space<hbm>>
          %dma_wait3A_170 = tpu.memref_slice %arg3[%mul3A_76] : memref<160000xi32, #tpu.memory_space<hbm>> -> memref<128xi32, #tpu.memory_space<hbm>>
          tpu.wait_dma2 semaphore(%run_scoped3A : memref<!tpu.dma_semaphore, #tpu.memory_space<semaphore_mem>>) src(%dma_wait3A_170 : memref<128xi32, #tpu.memory_space<hbm>>) dst(%arg6 : memref<128xi32, #tpu.memory_space<vmem>>)
          tpu.yield
        }) : () -> ()
        "tpu.region"() ({
          %run_scoped3A = tpu.sem_alloc : memref<!tpu.dma_semaphore, #tpu.memory_space<semaphore_mem>>
          %dma_start3A_167 = tpu.memref_slice %arg4[%mul3A_76] : memref<160000xi32, #tpu.memory_space<hbm>> -> memref<128xi32, #tpu.memory_space<hbm>>
          %dma_start3A_168 = tpu.memref_slice %arg4[%mul3A_76] : memref<160000xi32, #tpu.memory_space<hbm>> -> memref<128xi32, #tpu.memory_space<hbm>>
          tpu.enqueue_dma source(%dma_start3A_168 : memref<128xi32, #tpu.memory_space<hbm>>) target(%arg7 : memref<128xi32, #tpu.memory_space<vmem>>) target_semaphore(%run_scoped3A : memref<!tpu.dma_semaphore, #tpu.memory_space<semaphore_mem>>)
          %dma_wait3A_169 = tpu.memref_slice %arg4[%mul3A_76] : memref<160000xi32, #tpu.memory_space<hbm>> -> memref<128xi32, #tpu.memory_space<hbm>>
          %dma_wait3A_170 = tpu.memref_slice %arg4[%mul3A_76] : memref<160000xi32, #tpu.memory_space<hbm>> -> memref<128xi32, #tpu.memory_space<hbm>>
          tpu.wait_dma2 semaphore(%run_scoped3A : memref<!tpu.dma_semaphore, #tpu.memory_space<semaphore_mem>>) src(%dma_wait3A_170 : memref<128xi32, #tpu.memory_space<hbm>>) dst(%arg7 : memref<128xi32, #tpu.memory_space<vmem>>)
          tpu.yield
        }) : () -> ()
        %get3A = arith.constant 0 : index
        %get3A_77 = tpu.vector_load %arg6[%get3A] {strides = array<i32>} : memref<128xi32, #tpu.memory_space<vmem>>, vector<16xi32>,
        %get3A_78 = vector.shape_cast %get3A_77 : vector<16xi32> to vector<16xi32>
        %mul3A_79 = arith.constant 10000 : i32
        %mul3A_80 = arith.muli %arg0, %mul3A_79 : i32
        %add3A_81 = vector.broadcast %mul3A_80 : i32 to vector<16xi32>
        %add3A_82 = arith.addi %get3A_78, %add3A_81 : vector<16xi32>
        %swap3A = arith.constant 0 : index
        %swap3A_83 = tpu.vector_load %arg6[%swap3A] {strides = array<i32>} : memref<128xi32, #tpu.memory_space<vmem>>, vector<16xi32>,
        %swap3A_84 = vector.shape_cast %swap3A_83 : vector<16xi32> to vector<16xi32>
        %swap3A_85 = vector.shape_cast %add3A_82 : vector<16xi32> to vector<16xi32>
        tpu.vector_store %arg6[%swap3A], %swap3A_85 {strides = array<i32>} : memref<128xi32, #tpu.memory_space<vmem>>, vector<16xi32>,
        %get3A_86 = arith.constant 16 : index
        %get3A_87 = tpu.vector_load %arg6[%get3A_86] {strides = array<i32>} : memref<128xi32, #tpu.memory_space<vmem>>, vector<16xi32>,
        %get3A_88 = vector.shape_cast %get3A_87 : vector<16xi32> to vector<16xi32>
        %mul3A_89 = arith.constant 10000 : i32
        %mul3A_90 = arith.muli %arg0, %mul3A_89 : i32
        %add3A_91 = vector.broadcast %mul3A_90 : i32 to vector<16xi32>
        %add3A_92 = arith.addi %get3A_88, %add3A_91 : vector<16xi32>
        %swap3A_93 = arith.constant 16 : index
        %swap3A_94 = tpu.vector_load %arg6[%swap3A_93] {strides = array<i32>} : memref<128xi32, #tpu.memory_space<vmem>>, vector<16xi32>,
        %swap3A_95 = vector.shape_cast %swap3A_94 : vector<16xi32> to vector<16xi32>
        %swap3A_96 = vector.shape_cast %add3A_92 : vector<16xi32> to vector<16xi32>
        tpu.vector_store %arg6[%swap3A_93], %swap3A_96 {strides = array<i32>} : memref<128xi32, #tpu.memory_space<vmem>>, vector<16xi32>,
        %get3A_97 = arith.constant 32 : index
        %get3A_98 = tpu.vector_load %arg6[%get3A_97] {strides = array<i32>} : memref<128xi32, #tpu.memory_space<vmem>>, vector<16xi32>,
        %get3A_99 = vector.shape_cast %get3A_98 : vector<16xi32> to vector<16xi32>
        %mul3A_100 = arith.constant 10000 : i32
        %mul3A_101 = arith.muli %arg0, %mul3A_100 : i32
        %add3A_102 = vector.broadcast %mul3A_101 : i32 to vector<16xi32>
        %add3A_103 = arith.addi %get3A_99, %add3A_102 : vector<16xi32>
        %swap3A_104 = arith.constant 32 : index
        %swap3A_105 = tpu.vector_load %arg6[%swap3A_104] {strides = array<i32>} : memref<128xi32, #tpu.memory_space<vmem>>, vector<16xi32>,
        %swap3A_106 = vector.shape_cast %swap3A_105 : vector<16xi32> to vector<16xi32>
        %swap3A_107 = vector.shape_cast %add3A_103 : vector<16xi32> to vector<16xi32>
        tpu.vector_store %arg6[%swap3A_104], %swap3A_107 {strides = array<i32>} : memref<128xi32, #tpu.memory_space<vmem>>, vector<16xi32>,
        %get3A_108 = arith.constant 48 : index
        %get3A_109 = tpu.vector_load %arg6[%get3A_108] {strides = array<i32>} : memref<128xi32, #tpu.memory_space<vmem>>, vector<16xi32>,
        %get3A_110 = vector.shape_cast %get3A_109 : vector<16xi32> to vector<16xi32>
        %mul3A_111 = arith.constant 10000 : i32
        %mul3A_112 = arith.muli %arg0, %mul3A_111 : i32
        %add3A_113 = vector.broadcast %mul3A_112 : i32 to vector<16xi32>
        %add3A_114 = arith.addi %get3A_110, %add3A_113 : vector<16xi32>
        %swap3A_115 = arith.constant 48 : index
        %swap3A_116 = tpu.vector_load %arg6[%swap3A_115] {strides = array<i32>} : memref<128xi32, #tpu.memory_space<vmem>>, vector<16xi32>,
        %swap3A_117 = vector.shape_cast %swap3A_116 : vector<16xi32> to vector<16xi32>
        %swap3A_118 = vector.shape_cast %add3A_114 : vector<16xi32> to vector<16xi32>
        tpu.vector_store %arg6[%swap3A_115], %swap3A_118 {strides = array<i32>} : memref<128xi32, #tpu.memory_space<vmem>>, vector<16xi32>,
        %get3A_119 = arith.constant 64 : index
        %get3A_120 = tpu.vector_load %arg6[%get3A_119] {strides = array<i32>} : memref<128xi32, #tpu.memory_space<vmem>>, vector<16xi32>,
        %get3A_121 = vector.shape_cast %get3A_120 : vector<16xi32> to vector<16xi32>
        %mul3A_122 = arith.constant 10000 : i32
        %mul3A_123 = arith.muli %arg0, %mul3A_122 : i32
        %add3A_124 = vector.broadcast %mul3A_123 : i32 to vector<16xi32>
        %add3A_125 = arith.addi %get3A_121, %add3A_124 : vector<16xi32>
        %swap3A_126 = arith.constant 64 : index
        %swap3A_127 = tpu.vector_load %arg6[%swap3A_126] {strides = array<i32>} : memref<128xi32, #tpu.memory_space<vmem>>, vector<16xi32>,
        %swap3A_128 = vector.shape_cast %swap3A_127 : vector<16xi32> to vector<16xi32>
        %swap3A_129 = vector.shape_cast %add3A_125 : vector<16xi32> to vector<16xi32>
        tpu.vector_store %arg6[%swap3A_126], %swap3A_129 {strides = array<i32>} : memref<128xi32, #tpu.memory_space<vmem>>, vector<16xi32>,
        %get3A_130 = arith.constant 80 : index
        %get3A_131 = tpu.vector_load %arg6[%get3A_130] {strides = array<i32>} : memref<128xi32, #tpu.memory_space<vmem>>, vector<16xi32>,
        %get3A_132 = vector.shape_cast %get3A_131 : vector<16xi32> to vector<16xi32>
        %mul3A_133 = arith.constant 10000 : i32
        %mul3A_134 = arith.muli %arg0, %mul3A_133 : i32
        %add3A_135 = vector.broadcast %mul3A_134 : i32 to vector<16xi32>
        %add3A_136 = arith.addi %get3A_132, %add3A_135 : vector<16xi32>
        %swap3A_137 = arith.constant 80 : index
        %swap3A_138 = tpu.vector_load %arg6[%swap3A_137] {strides = array<i32>} : memref<128xi32, #tpu.memory_space<vmem>>, vector<16xi32>,
        %swap3A_139 = vector.shape_cast %swap3A_138 : vector<16xi32> to vector<16xi32>
        %swap3A_140 = vector.shape_cast %add3A_136 : vector<16xi32> to vector<16xi32>
        tpu.vector_store %arg6[%swap3A_137], %swap3A_140 {strides = array<i32>} : memref<128xi32, #tpu.memory_space<vmem>>, vector<16xi32>,
        %get3A_141 = arith.constant 96 : index
        %get3A_142 = tpu.vector_load %arg6[%get3A_141] {strides = array<i32>} : memref<128xi32, #tpu.memory_space<vmem>>, vector<16xi32>,
        %get3A_143 = vector.shape_cast %get3A_142 : vector<16xi32> to vector<16xi32>
        %mul3A_144 = arith.constant 10000 : i32
        %mul3A_145 = arith.muli %arg0, %mul3A_144 : i32
        %add3A_146 = vector.broadcast %mul3A_145 : i32 to vector<16xi32>
        %add3A_147 = arith.addi %get3A_143, %add3A_146 : vector<16xi32>
        %swap3A_148 = arith.constant 96 : index
        %swap3A_149 = tpu.vector_load %arg6[%swap3A_148] {strides = array<i32>} : memref<128xi32, #tpu.memory_space<vmem>>, vector<16xi32>,
        %swap3A_150 = vector.shape_cast %swap3A_149 : vector<16xi32> to vector<16xi32>
        %swap3A_151 = vector.shape_cast %add3A_147 : vector<16xi32> to vector<16xi32>
        tpu.vector_store %arg6[%swap3A_148], %swap3A_151 {strides = array<i32>} : memref<128xi32, #tpu.memory_space<vmem>>, vector<16xi32>,
        %get3A_152 = arith.constant 112 : index
        %get3A_153 = tpu.vector_load %arg6[%get3A_152] {strides = array<i32>} : memref<128xi32, #tpu.memory_space<vmem>>, vector<16xi32>,
        %get3A_154 = vector.shape_cast %get3A_153 : vector<16xi32> to vector<16xi32>
        %mul3A_155 = arith.constant 10000 : i32
        %mul3A_156 = arith.muli %arg0, %mul3A_155 : i32
        %add3A_157 = vector.broadcast %mul3A_156 : i32 to vector<16xi32>
        %add3A_158 = arith.addi %get3A_154, %add3A_157 : vector<16xi32>
        %swap3A_159 = arith.constant 112 : index
        %swap3A_160 = tpu.vector_load %arg6[%swap3A_159] {strides = array<i32>} : memref<128xi32, #tpu.memory_space<vmem>>, vector<16xi32>,
        %swap3A_161 = vector.shape_cast %swap3A_160 : vector<16xi32> to vector<16xi32>
        %swap3A_162 = vector.shape_cast %add3A_158 : vector<16xi32> to vector<16xi32>
        tpu.vector_store %arg6[%swap3A_159], %swap3A_162 {strides = array<i32>} : memref<128xi32, #tpu.memory_space<vmem>>, vector<16xi32>,
        %dma_start3A = arith.constant 0 : i32
        %dma_start3A_163 = arith.constant 0 : i32
        %dma_start3A_164 = tpu.memref_slice %arg2[%dma_start3A, %dma_start3A_163] : memref<20000x128xf32, #tpu.memory_space<hbm>> -> memref<20000x128xf32, #tpu.memory_space<hbm>>
        tpu.enqueue_indirect_dma source(%dma_start3A_164 : memref<20000x128xf32, #tpu.memory_space<hbm>>) target(%arg8 : memref<128x128xf32, #tpu.memory_space<vmem>>) offsets(%arg6 : memref<128xi32, #tpu.memory_space<vmem>>) semaphore(%arg10 : memref<!tpu.dma_semaphore, #tpu.memory_space<semaphore_mem>>)
        %dma_wait3A = arith.constant 0 : i32
        %dma_wait3A_165 = arith.constant 0 : i32
        %dma_wait3A_166 = tpu.memref_slice %arg2[%dma_wait3A, %dma_wait3A_165] : memref<20000x128xf32, #tpu.memory_space<hbm>> -> memref<20000x128xf32, #tpu.memory_space<hbm>>
        tpu.wait_indirect_dma semaphore(%arg10 : memref<!tpu.dma_semaphore, #tpu.memory_space<semaphore_mem>>) src(%dma_wait3A_166 : memref<20000x128xf32, #tpu.memory_space<hbm>>) dst(%arg8 : memref<128x128xf32, #tpu.memory_space<vmem>>)
        "tpu.region"() ({
          %run_scoped3A = tpu.sem_alloc : memref<!tpu.dma_semaphore, #tpu.memory_space<semaphore_mem>>
          %dma_start3A_167 = arith.constant 0 : i32
          %dma_start3A_168 = arith.constant 0 : i32
          %dma_start3A_169 = tpu.memref_slice %arg9[%dma_start3A_167, %dma_start3A_168] : memref<10240x128xf32, #tpu.memory_space<vmem_shared>> -> memref<10240x128xf32, #tpu.memory_space<vmem_shared>>
          tpu.enqueue_indirect_dma source(%arg8 : memref<128x128xf32, #tpu.memory_space<vmem>>) target(%dma_start3A_169 : memref<10240x128xf32, #tpu.memory_space<vmem_shared>>) offsets(%arg7 : memref<128xi32, #tpu.memory_space<vmem>>) semaphore(%run_scoped3A : memref<!tpu.dma_semaphore, #tpu.memory_space<semaphore_mem>>) {add = true}
          %dma_wait3A_170 = arith.constant 0 : i32
          %dma_wait3A_171 = arith.constant 0 : i32
          %dma_wait3A_172 = tpu.memref_slice %arg9[%dma_wait3A_170, %dma_wait3A_171] : memref<10240x128xf32, #tpu.memory_space<vmem_shared>> -> memref<10240x128xf32, #tpu.memory_space<vmem_shared>>
          tpu.wait_indirect_dma semaphore(%run_scoped3A : memref<!tpu.dma_semaphore, #tpu.memory_space<semaphore_mem>>) src(%arg8 : memref<128x128xf32, #tpu.memory_space<vmem>>) dst(%dma_wait3A_172 : memref<10240x128xf32, #tpu.memory_space<vmem_shared>>)
          tpu.yield
        }) : () -> ()
      } else {
      }
      %scan3A_74 = arith.constant 0 : i32
      scf.yield %scan3A_74 : i32
    }
    %scan3A_30 = arith.constant 79 : i32
    %barrier3A_31 = arith.constant 0 : index
    tpu.barrier barrier_id(%barrier3A_31)
    %mul3A_32 = arith.constant 640 : i32
    %mul3A_33 = arith.muli %arg1, %mul3A_32 : i32
    %add3A_34 = arith.constant 0 : i32
    %add3A_35 = arith.addi %mul3A_33, %add3A_34 : i32
    "tpu.region"() ({
      %run_scoped3A = tpu.sem_alloc : memref<!tpu.dma_semaphore, #tpu.memory_space<semaphore_mem>>
      %dma_start3A = arith.constant 0 : i32
      %dma_start3A_67 = tpu.memref_slice %arg9[%add3A_35, %dma_start3A] : memref<10240x128xf32, #tpu.memory_space<vmem_shared>> -> memref<128x128xf32, #tpu.memory_space<vmem_shared>>
      %dma_start3A_68 = arith.constant 0 : i32
      %dma_start3A_69 = tpu.memref_slice %arg9[%add3A_35, %dma_start3A_68] : memref<10240x128xf32, #tpu.memory_space<vmem_shared>> -> memref<128x128xf32, #tpu.memory_space<vmem_shared>>
      tpu.enqueue_dma source(%dma_start3A_69 : memref<128x128xf32, #tpu.memory_space<vmem_shared>>) target(%arg8 : memref<128x128xf32, #tpu.memory_space<vmem>>) target_semaphore(%run_scoped3A : memref<!tpu.dma_semaphore, #tpu.memory_space<semaphore_mem>>)
      %dma_wait3A = arith.constant 0 : i32
      %dma_wait3A_70 = tpu.memref_slice %arg9[%add3A_35, %dma_wait3A] : memref<10240x128xf32, #tpu.memory_space<vmem_shared>> -> memref<128x128xf32, #tpu.memory_space<vmem_shared>>
      %dma_wait3A_71 = arith.constant 0 : i32
      %dma_wait3A_72 = tpu.memref_slice %arg9[%add3A_35, %dma_wait3A_71] : memref<10240x128xf32, #tpu.memory_space<vmem_shared>> -> memref<128x128xf32, #tpu.memory_space<vmem_shared>>
      tpu.wait_dma2 semaphore(%run_scoped3A : memref<!tpu.dma_semaphore, #tpu.memory_space<semaphore_mem>>) src(%dma_wait3A_72 : memref<128x128xf32, #tpu.memory_space<vmem_shared>>) dst(%arg8 : memref<128x128xf32, #tpu.memory_space<vmem>>)
      tpu.yield
    }) : () -> ()
    %mul3A_36 = arith.constant 10240 : i32
    %mul3A_37 = arith.muli %arg0, %mul3A_36 : i32
    %add3A_38 = arith.addi %mul3A_37, %add3A_35 : i32
    "tpu.region"() ({
      %run_scoped3A = tpu.sem_alloc : memref<!tpu.dma_semaphore, #tpu.memory_space<semaphore_mem>>
      %dma_start3A = arith.constant 0 : i32
      %dma_start3A_67 = tpu.memref_slice %arg5[%add3A_38, %dma_start3A] : memref<20480x128xf32, #tpu.memory_space<hbm>> -> memref<128x128xf32, #tpu.memory_space<hbm>>
      %dma_start3A_68 = arith.constant 0 : i32
      %dma_start3A_69 = tpu.memref_slice %arg5[%add3A_38, %dma_start3A_68] : memref<20480x128xf32, #tpu.memory_space<hbm>> -> memref<128x128xf32, #tpu.memory_space<hbm>>
      tpu.enqueue_dma source(%arg8 : memref<128x128xf32, #tpu.memory_space<vmem>>) target(%dma_start3A_69 : memref<128x128xf32, #tpu.memory_space<hbm>>) target_semaphore(%run_scoped3A : memref<!tpu.dma_semaphore, #tpu.memory_space<semaphore_mem>>)
      %dma_wait3A = arith.constant 0 : i32
      %dma_wait3A_70 = tpu.memref_slice %arg5[%add3A_38, %dma_wait3A] : memref<20480x128xf32, #tpu.memory_space<hbm>> -> memref<128x128xf32, #tpu.memory_space<hbm>>
      %dma_wait3A_71 = arith.constant 0 : i32
      %dma_wait3A_72 = tpu.memref_slice %arg5[%add3A_38, %dma_wait3A_71] : memref<20480x128xf32, #tpu.memory_space<hbm>> -> memref<128x128xf32, #tpu.memory_space<hbm>>
      tpu.wait_dma2 semaphore(%run_scoped3A : memref<!tpu.dma_semaphore, #tpu.memory_space<semaphore_mem>>) src(%arg8 : memref<128x128xf32, #tpu.memory_space<vmem>>) dst(%dma_wait3A_72 : memref<128x128xf32, #tpu.memory_space<hbm>>)
      tpu.yield
    }) : () -> ()
    %mul3A_39 = arith.constant 640 : i32
    %mul3A_40 = arith.muli %arg1, %mul3A_39 : i32
    %add3A_41 = arith.constant 128 : i32
    %add3A_42 = arith.addi %mul3A_40, %add3A_41 : i32
    "tpu.region"() ({
      %run_scoped3A = tpu.sem_alloc : memref<!tpu.dma_semaphore, #tpu.memory_space<semaphore_mem>>
      %dma_start3A = arith.constant 0 : i32
      %dma_start3A_67 = tpu.memref_slice %arg9[%add3A_42, %dma_start3A] : memref<10240x128xf32, #tpu.memory_space<vmem_shared>> -> memref<128x128xf32, #tpu.memory_space<vmem_shared>>
      %dma_start3A_68 = arith.constant 0 : i32
      %dma_start3A_69 = tpu.memref_slice %arg9[%add3A_42, %dma_start3A_68] : memref<10240x128xf32, #tpu.memory_space<vmem_shared>> -> memref<128x128xf32, #tpu.memory_space<vmem_shared>>
      tpu.enqueue_dma source(%dma_start3A_69 : memref<128x128xf32, #tpu.memory_space<vmem_shared>>) target(%arg8 : memref<128x128xf32, #tpu.memory_space<vmem>>) target_semaphore(%run_scoped3A : memref<!tpu.dma_semaphore, #tpu.memory_space<semaphore_mem>>)
      %dma_wait3A = arith.constant 0 : i32
      %dma_wait3A_70 = tpu.memref_slice %arg9[%add3A_42, %dma_wait3A] : memref<10240x128xf32, #tpu.memory_space<vmem_shared>> -> memref<128x128xf32, #tpu.memory_space<vmem_shared>>
      %dma_wait3A_71 = arith.constant 0 : i32
      %dma_wait3A_72 = tpu.memref_slice %arg9[%add3A_42, %dma_wait3A_71] : memref<10240x128xf32, #tpu.memory_space<vmem_shared>> -> memref<128x128xf32, #tpu.memory_space<vmem_shared>>
      tpu.wait_dma2 semaphore(%run_scoped3A : memref<!tpu.dma_semaphore, #tpu.memory_space<semaphore_mem>>) src(%dma_wait3A_72 : memref<128x128xf32, #tpu.memory_space<vmem_shared>>) dst(%arg8 : memref<128x128xf32, #tpu.memory_space<vmem>>)
      tpu.yield
    }) : () -> ()
    %mul3A_43 = arith.constant 10240 : i32
    %mul3A_44 = arith.muli %arg0, %mul3A_43 : i32
    %add3A_45 = arith.addi %mul3A_44, %add3A_42 : i32
    "tpu.region"() ({
      %run_scoped3A = tpu.sem_alloc : memref<!tpu.dma_semaphore, #tpu.memory_space<semaphore_mem>>
      %dma_start3A = arith.constant 0 : i32
      %dma_start3A_67 = tpu.memref_slice %arg5[%add3A_45, %dma_start3A] : memref<20480x128xf32, #tpu.memory_space<hbm>> -> memref<128x128xf32, #tpu.memory_space<hbm>>
      %dma_start3A_68 = arith.constant 0 : i32
      %dma_start3A_69 = tpu.memref_slice %arg5[%add3A_45, %dma_start3A_68] : memref<20480x128xf32, #tpu.memory_space<hbm>> -> memref<128x128xf32, #tpu.memory_space<hbm>>
      tpu.enqueue_dma source(%arg8 : memref<128x128xf32, #tpu.memory_space<vmem>>) target(%dma_start3A_69 : memref<128x128xf32, #tpu.memory_space<hbm>>) target_semaphore(%run_scoped3A : memref<!tpu.dma_semaphore, #tpu.memory_space<semaphore_mem>>)
      %dma_wait3A = arith.constant 0 : i32
      %dma_wait3A_70 = tpu.memref_slice %arg5[%add3A_45, %dma_wait3A] : memref<20480x128xf32, #tpu.memory_space<hbm>> -> memref<128x128xf32, #tpu.memory_space<hbm>>
      %dma_wait3A_71 = arith.constant 0 : i32
      %dma_wait3A_72 = tpu.memref_slice %arg5[%add3A_45, %dma_wait3A_71] : memref<20480x128xf32, #tpu.memory_space<hbm>> -> memref<128x128xf32, #tpu.memory_space<hbm>>
      tpu.wait_dma2 semaphore(%run_scoped3A : memref<!tpu.dma_semaphore, #tpu.memory_space<semaphore_mem>>) src(%arg8 : memref<128x128xf32, #tpu.memory_space<vmem>>) dst(%dma_wait3A_72 : memref<128x128xf32, #tpu.memory_space<hbm>>)
      tpu.yield
    }) : () -> ()
    %mul3A_46 = arith.constant 640 : i32
    %mul3A_47 = arith.muli %arg1, %mul3A_46 : i32
    %add3A_48 = arith.constant 256 : i32
    %add3A_49 = arith.addi %mul3A_47, %add3A_48 : i32
    "tpu.region"() ({
      %run_scoped3A = tpu.sem_alloc : memref<!tpu.dma_semaphore, #tpu.memory_space<semaphore_mem>>
      %dma_start3A = arith.constant 0 : i32
      %dma_start3A_67 = tpu.memref_slice %arg9[%add3A_49, %dma_start3A] : memref<10240x128xf32, #tpu.memory_space<vmem_shared>> -> memref<128x128xf32, #tpu.memory_space<vmem_shared>>
      %dma_start3A_68 = arith.constant 0 : i32
      %dma_start3A_69 = tpu.memref_slice %arg9[%add3A_49, %dma_start3A_68] : memref<10240x128xf32, #tpu.memory_space<vmem_shared>> -> memref<128x128xf32, #tpu.memory_space<vmem_shared>>
      tpu.enqueue_dma source(%dma_start3A_69 : memref<128x128xf32, #tpu.memory_space<vmem_shared>>) target(%arg8 : memref<128x128xf32, #tpu.memory_space<vmem>>) target_semaphore(%run_scoped3A : memref<!tpu.dma_semaphore, #tpu.memory_space<semaphore_mem>>)
      %dma_wait3A = arith.constant 0 : i32
      %dma_wait3A_70 = tpu.memref_slice %arg9[%add3A_49, %dma_wait3A] : memref<10240x128xf32, #tpu.memory_space<vmem_shared>> -> memref<128x128xf32, #tpu.memory_space<vmem_shared>>
      %dma_wait3A_71 = arith.constant 0 : i32
      %dma_wait3A_72 = tpu.memref_slice %arg9[%add3A_49, %dma_wait3A_71] : memref<10240x128xf32, #tpu.memory_space<vmem_shared>> -> memref<128x128xf32, #tpu.memory_space<vmem_shared>>
      tpu.wait_dma2 semaphore(%run_scoped3A : memref<!tpu.dma_semaphore, #tpu.memory_space<semaphore_mem>>) src(%dma_wait3A_72 : memref<128x128xf32, #tpu.memory_space<vmem_shared>>) dst(%arg8 : memref<128x128xf32, #tpu.memory_space<vmem>>)
      tpu.yield
    }) : () -> ()
    %mul3A_50 = arith.constant 10240 : i32
    %mul3A_51 = arith.muli %arg0, %mul3A_50 : i32
    %add3A_52 = arith.addi %mul3A_51, %add3A_49 : i32
    "tpu.region"() ({
      %run_scoped3A = tpu.sem_alloc : memref<!tpu.dma_semaphore, #tpu.memory_space<semaphore_mem>>
      %dma_start3A = arith.constant 0 : i32
      %dma_start3A_67 = tpu.memref_slice %arg5[%add3A_52, %dma_start3A] : memref<20480x128xf32, #tpu.memory_space<hbm>> -> memref<128x128xf32, #tpu.memory_space<hbm>>
      %dma_start3A_68 = arith.constant 0 : i32
      %dma_start3A_69 = tpu.memref_slice %arg5[%add3A_52, %dma_start3A_68] : memref<20480x128xf32, #tpu.memory_space<hbm>> -> memref<128x128xf32, #tpu.memory_space<hbm>>
      tpu.enqueue_dma source(%arg8 : memref<128x128xf32, #tpu.memory_space<vmem>>) target(%dma_start3A_69 : memref<128x128xf32, #tpu.memory_space<hbm>>) target_semaphore(%run_scoped3A : memref<!tpu.dma_semaphore, #tpu.memory_space<semaphore_mem>>)
      %dma_wait3A = arith.constant 0 : i32
      %dma_wait3A_70 = tpu.memref_slice %arg5[%add3A_52, %dma_wait3A] : memref<20480x128xf32, #tpu.memory_space<hbm>> -> memref<128x128xf32, #tpu.memory_space<hbm>>
      %dma_wait3A_71 = arith.constant 0 : i32
      %dma_wait3A_72 = tpu.memref_slice %arg5[%add3A_52, %dma_wait3A_71] : memref<20480x128xf32, #tpu.memory_space<hbm>> -> memref<128x128xf32, #tpu.memory_space<hbm>>
      tpu.wait_dma2 semaphore(%run_scoped3A : memref<!tpu.dma_semaphore, #tpu.memory_space<semaphore_mem>>) src(%arg8 : memref<128x128xf32, #tpu.memory_space<vmem>>) dst(%dma_wait3A_72 : memref<128x128xf32, #tpu.memory_space<hbm>>)
      tpu.yield
    }) : () -> ()
    %mul3A_53 = arith.constant 640 : i32
    %mul3A_54 = arith.muli %arg1, %mul3A_53 : i32
    %add3A_55 = arith.constant 384 : i32
    %add3A_56 = arith.addi %mul3A_54, %add3A_55 : i32
    "tpu.region"() ({
      %run_scoped3A = tpu.sem_alloc : memref<!tpu.dma_semaphore, #tpu.memory_space<semaphore_mem>>
      %dma_start3A = arith.constant 0 : i32
      %dma_start3A_67 = tpu.memref_slice %arg9[%add3A_56, %dma_start3A] : memref<10240x128xf32, #tpu.memory_space<vmem_shared>> -> memref<128x128xf32, #tpu.memory_space<vmem_shared>>
      %dma_start3A_68 = arith.constant 0 : i32
      %dma_start3A_69 = tpu.memref_slice %arg9[%add3A_56, %dma_start3A_68] : memref<10240x128xf32, #tpu.memory_space<vmem_shared>> -> memref<128x128xf32, #tpu.memory_space<vmem_shared>>
      tpu.enqueue_dma source(%dma_start3A_69 : memref<128x128xf32, #tpu.memory_space<vmem_shared>>) target(%arg8 : memref<128x128xf32, #tpu.memory_space<vmem>>) target_semaphore(%run_scoped3A : memref<!tpu.dma_semaphore, #tpu.memory_space<semaphore_mem>>)
      %dma_wait3A = arith.constant 0 : i32
      %dma_wait3A_70 = tpu.memref_slice %arg9[%add3A_56, %dma_wait3A] : memref<10240x128xf32, #tpu.memory_space<vmem_shared>> -> memref<128x128xf32, #tpu.memory_space<vmem_shared>>
      %dma_wait3A_71 = arith.constant 0 : i32
      %dma_wait3A_72 = tpu.memref_slice %arg9[%add3A_56, %dma_wait3A_71] : memref<10240x128xf32, #tpu.memory_space<vmem_shared>> -> memref<128x128xf32, #tpu.memory_space<vmem_shared>>
      tpu.wait_dma2 semaphore(%run_scoped3A : memref<!tpu.dma_semaphore, #tpu.memory_space<semaphore_mem>>) src(%dma_wait3A_72 : memref<128x128xf32, #tpu.memory_space<vmem_shared>>) dst(%arg8 : memref<128x128xf32, #tpu.memory_space<vmem>>)
      tpu.yield
    }) : () -> ()
    %mul3A_57 = arith.constant 10240 : i32
    %mul3A_58 = arith.muli %arg0, %mul3A_57 : i32
    %add3A_59 = arith.addi %mul3A_58, %add3A_56 : i32
    "tpu.region"() ({
      %run_scoped3A = tpu.sem_alloc : memref<!tpu.dma_semaphore, #tpu.memory_space<semaphore_mem>>
      %dma_start3A = arith.constant 0 : i32
      %dma_start3A_67 = tpu.memref_slice %arg5[%add3A_59, %dma_start3A] : memref<20480x128xf32, #tpu.memory_space<hbm>> -> memref<128x128xf32, #tpu.memory_space<hbm>>
      %dma_start3A_68 = arith.constant 0 : i32
      %dma_start3A_69 = tpu.memref_slice %arg5[%add3A_59, %dma_start3A_68] : memref<20480x128xf32, #tpu.memory_space<hbm>> -> memref<128x128xf32, #tpu.memory_space<hbm>>
      tpu.enqueue_dma source(%arg8 : memref<128x128xf32, #tpu.memory_space<vmem>>) target(%dma_start3A_69 : memref<128x128xf32, #tpu.memory_space<hbm>>) target_semaphore(%run_scoped3A : memref<!tpu.dma_semaphore, #tpu.memory_space<semaphore_mem>>)
      %dma_wait3A = arith.constant 0 : i32
      %dma_wait3A_70 = tpu.memref_slice %arg5[%add3A_59, %dma_wait3A] : memref<20480x128xf32, #tpu.memory_space<hbm>> -> memref<128x128xf32, #tpu.memory_space<hbm>>
      %dma_wait3A_71 = arith.constant 0 : i32
      %dma_wait3A_72 = tpu.memref_slice %arg5[%add3A_59, %dma_wait3A_71] : memref<20480x128xf32, #tpu.memory_space<hbm>> -> memref<128x128xf32, #tpu.memory_space<hbm>>
      tpu.wait_dma2 semaphore(%run_scoped3A : memref<!tpu.dma_semaphore, #tpu.memory_space<semaphore_mem>>) src(%arg8 : memref<128x128xf32, #tpu.memory_space<vmem>>) dst(%dma_wait3A_72 : memref<128x128xf32, #tpu.memory_space<hbm>>)
      tpu.yield
    }) : () -> ()
    %mul3A_60 = arith.constant 640 : i32
    %mul3A_61 = arith.muli %arg1, %mul3A_60 : i32
    %add3A_62 = arith.constant 512 : i32
    %add3A_63 = arith.addi %mul3A_61, %add3A_62 : i32
    "tpu.region"() ({
      %run_scoped3A = tpu.sem_alloc : memref<!tpu.dma_semaphore, #tpu.memory_space<semaphore_mem>>
      %dma_start3A = arith.constant 0 : i32
      %dma_start3A_67 = tpu.memref_slice %arg9[%add3A_63, %dma_start3A] : memref<10240x128xf32, #tpu.memory_space<vmem_shared>> -> memref<128x128xf32, #tpu.memory_space<vmem_shared>>
      %dma_start3A_68 = arith.constant 0 : i32
      %dma_start3A_69 = tpu.memref_slice %arg9[%add3A_63, %dma_start3A_68] : memref<10240x128xf32, #tpu.memory_space<vmem_shared>> -> memref<128x128xf32, #tpu.memory_space<vmem_shared>>
      tpu.enqueue_dma source(%dma_start3A_69 : memref<128x128xf32, #tpu.memory_space<vmem_shared>>) target(%arg8 : memref<128x128xf32, #tpu.memory_space<vmem>>) target_semaphore(%run_scoped3A : memref<!tpu.dma_semaphore, #tpu.memory_space<semaphore_mem>>)
      %dma_wait3A = arith.constant 0 : i32
      %dma_wait3A_70 = tpu.memref_slice %arg9[%add3A_63, %dma_wait3A] : memref<10240x128xf32, #tpu.memory_space<vmem_shared>> -> memref<128x128xf32, #tpu.memory_space<vmem_shared>>
      %dma_wait3A_71 = arith.constant 0 : i32
      %dma_wait3A_72 = tpu.memref_slice %arg9[%add3A_63, %dma_wait3A_71] : memref<10240x128xf32, #tpu.memory_space<vmem_shared>> -> memref<128x128xf32, #tpu.memory_space<vmem_shared>>
      tpu.wait_dma2 semaphore(%run_scoped3A : memref<!tpu.dma_semaphore, #tpu.memory_space<semaphore_mem>>) src(%dma_wait3A_72 : memref<128x128xf32, #tpu.memory_space<vmem_shared>>) dst(%arg8 : memref<128x128xf32, #tpu.memory_space<vmem>>)
      tpu.yield
    }) : () -> ()
    %mul3A_64 = arith.constant 10240 : i32
    %mul3A_65 = arith.muli %arg0, %mul3A_64 : i32
    %add3A_66 = arith.addi %mul3A_65, %add3A_63 : i32
    "tpu.region"() ({
      %run_scoped3A = tpu.sem_alloc : memref<!tpu.dma_semaphore, #tpu.memory_space<semaphore_mem>>
      %dma_start3A = arith.constant 0 : i32
      %dma_start3A_67 = tpu.memref_slice %arg5[%add3A_66, %dma_start3A] : memref<20480x128xf32, #tpu.memory_space<hbm>> -> memref<128x128xf32, #tpu.memory_space<hbm>>
      %dma_start3A_68 = arith.constant 0 : i32
      %dma_start3A_69 = tpu.memref_slice %arg5[%add3A_66, %dma_start3A_68] : memref<20480x128xf32, #tpu.memory_space<hbm>> -> memref<128x128xf32, #tpu.memory_space<hbm>>
      tpu.enqueue_dma source(%arg8 : memref<128x128xf32, #tpu.memory_space<vmem>>) target(%dma_start3A_69 : memref<128x128xf32, #tpu.memory_space<hbm>>) target_semaphore(%run_scoped3A : memref<!tpu.dma_semaphore, #tpu.memory_space<semaphore_mem>>)
      %dma_wait3A = arith.constant 0 : i32
      %dma_wait3A_70 = tpu.memref_slice %arg5[%add3A_66, %dma_wait3A] : memref<20480x128xf32, #tpu.memory_space<hbm>> -> memref<128x128xf32, #tpu.memory_space<hbm>>
      %dma_wait3A_71 = arith.constant 0 : i32
      %dma_wait3A_72 = tpu.memref_slice %arg5[%add3A_66, %dma_wait3A_71] : memref<20480x128xf32, #tpu.memory_space<hbm>> -> memref<128x128xf32, #tpu.memory_space<hbm>>
      tpu.wait_dma2 semaphore(%run_scoped3A : memref<!tpu.dma_semaphore, #tpu.memory_space<semaphore_mem>>) src(%arg8 : memref<128x128xf32, #tpu.memory_space<vmem>>) dst(%dma_wait3A_72 : memref<128x128xf32, #tpu.memory_space<hbm>>)
      tpu.yield
    }) : () -> ()
    return
  }
}

#map = affine_map<(d0, d1) -> (0, 0)>
#map1 = affine_map<(d0, d1) -> (0)>
module attributes {stable_mosaic.version = 14 : i64} {
  func.func @_segsum_body(%arg0: i32, %arg1: i32, %arg2: memref<20000x128xf32, #tpu.memory_space<hbm>>, %arg3: memref<160000xi32, #tpu.memory_space<hbm>>, %arg4: memref<160000xi32, #tpu.memory_space<hbm>>, %arg5: memref<20480x128xf32, #tpu.memory_space<hbm>>, %arg6: memref<128xi32, #tpu.memory_space<vmem>>, %arg7: memref<128xi32, #tpu.memory_space<vmem>>, %arg8: memref<128x128xf32, #tpu.memory_space<vmem>>, %arg9: memref<10240x128xf32, #tpu.memory_space<vmem_shared>>, %arg10: memref<!tpu.dma_semaphore, #tpu.memory_space<semaphore_mem>>) attributes {dimension_semantics = [#tpu.dimension_semantics<core_parallel>, #tpu.dimension_semantics<subcore_parallel>], iteration_bounds = array<i64: 2, 16>, scalar_prefetch = 0 : i64, scratch_operands = 5 : i64, tpu.core_type = #tpu.core_type<sc_vector_subcore>, window_params = [{transform_indices = #map}, {transform_indices = #map1}, {transform_indices = #map1}, {transform_indices = #map}]} {
    %scan3A = arith.constant 0 : i32
    %scan3A_0 = arith.constant 0 : i32
    %scan3A_1 = arith.constant 1024 : i32
    %scan3A_2 = arith.addi %scan3A_0, %scan3A_1 : i32
    %scan3A_3 = arith.constant 1 : i32
    %scan3A_4 = scf.for %scan3A_67 = %scan3A_0 to %scan3A_2 step %scan3A_3 iter_args(%scan3A_68 = %scan3A) -> (i32)  : i32 {
      %jit3A = arith.constant 8 : i32
      %div3A = arith.divsi %scan3A_67, %jit3A : i32
      %sign3A = arith.constant 0 : i32
      %sign3A_69 = arith.cmpi sgt, %scan3A_67, %sign3A : i32
      %sign3A_70 = arith.extui %sign3A_69 : i1 to i32
      %sign3A_71 = arith.constant 0 : i32
      %sign3A_72 = arith.cmpi slt, %scan3A_67, %sign3A_71 : i32
      %sign3A_73 = arith.extui %sign3A_72 : i1 to i32
      %sign3A_74 = arith.subi %sign3A_70, %sign3A_73 : i32
      %sign3A_75 = arith.constant 0 : i32
      %sign3A_76 = arith.cmpi sgt, %jit3A, %sign3A_75 : i32
      %sign3A_77 = arith.extui %sign3A_76 : i1 to i32
      %sign3A_78 = arith.constant 0 : i32
      %sign3A_79 = arith.cmpi slt, %jit3A, %sign3A_78 : i32
      %sign3A_80 = arith.extui %sign3A_79 : i1 to i32
      %sign3A_81 = arith.subi %sign3A_77, %sign3A_80 : i32
      %ne3A = arith.cmpi ne, %sign3A_74, %sign3A_81 : i32
      %rem3A = arith.remsi %scan3A_67, %jit3A : i32
      %ne3A_82 = arith.constant 0 : i32
      %ne3A_83 = arith.cmpi ne, %rem3A, %ne3A_82 : i32
      %and3A = arith.andi %ne3A, %ne3A_83 : i1
      %sub3A = arith.constant 1 : i32
      %sub3A_84 = arith.subi %div3A, %sub3A : i32
      %select_n3A = arith.select %and3A, %sub3A_84, %div3A : i32
      %jit3A_85 = arith.constant 8 : i32
      %eq3A = arith.constant 0 : i32
      %eq3A_86 = arith.cmpi eq, %jit3A_85, %eq3A : i32
      %jit3A_87 = arith.constant 1 : i32
      %select_n3A_88 = arith.select %eq3A_86, %jit3A_87, %jit3A_85 : i32
      %rem3A_89 = arith.remsi %scan3A_67, %select_n3A_88 : i32
      %ne3A_90 = arith.constant 0 : i32
      %ne3A_91 = arith.cmpi ne, %rem3A_89, %ne3A_90 : i32
      %lt3A = arith.constant 0 : i32
      %lt3A_92 = arith.cmpi slt, %rem3A_89, %lt3A : i32
      %lt3A_93 = arith.constant 0 : i32
      %lt3A_94 = arith.cmpi slt, %select_n3A_88, %lt3A_93 : i32
      %ne3A_95 = arith.xori %lt3A_92, %lt3A_94 : i1
      %and3A_96 = arith.andi %ne3A_95, %ne3A_91 : i1
      %add3A_97 = arith.addi %rem3A_89, %select_n3A_88 : i32
      %select_n3A_98 = arith.select %and3A_96, %add3A_97, %rem3A_89 : i32
      %broadcast_in_dim3A = arith.constant 0.000000e+00 : f32
      %broadcast_in_dim3A_99 = vector.broadcast %broadcast_in_dim3A : f32 to vector<16xf32>
      %mul3A_100 = arith.constant 16 : i32
      %mul3A_101 = arith.muli %select_n3A_98, %mul3A_100 : i32
      %swap3A = arith.index_cast %select_n3A : i32 to index
      %swap3A_102 = arith.index_cast %mul3A_101 : i32 to index
      %swap3A_103 = tpu.vector_load %arg8[%swap3A, %swap3A_102] {strides = array<i32>} : memref<128x128xf32, #tpu.memory_space<vmem>>, vector<1x16xf32>,
      %swap3A_104 = vector.shape_cast %swap3A_103 : vector<1x16xf32> to vector<16xf32>
      %swap3A_105 = vector.shape_cast %broadcast_in_dim3A_99 : vector<16xf32> to vector<1x16xf32>
      tpu.vector_store %arg8[%swap3A, %swap3A_102], %swap3A_105 {strides = array<i32>} : memref<128x128xf32, #tpu.memory_space<vmem>>, vector<1x16xf32>,
      %scan3A_106 = arith.constant 0 : i32
      scf.yield %scan3A_106 : i32
    }
    %scan3A_5 = arith.constant 1024 : i32
    %mul3A = arith.constant 640 : i32
    %mul3A_6 = arith.muli %arg1, %mul3A : i32
    %add3A = arith.constant 0 : i32
    %add3A_7 = arith.addi %mul3A_6, %add3A : i32
    "tpu.region"() ({
      %run_scoped3A = tpu.sem_alloc : memref<!tpu.dma_semaphore, #tpu.memory_space<semaphore_mem>>
      %dma_start3A = arith.constant 0 : i32
      %dma_start3A_67 = tpu.memref_slice %arg9[%add3A_7, %dma_start3A] : memref<10240x128xf32, #tpu.memory_space<vmem_shared>> -> memref<128x128xf32, #tpu.memory_space<vmem_shared>>
      %dma_start3A_68 = arith.constant 0 : i32
      %dma_start3A_69 = tpu.memref_slice %arg9[%add3A_7, %dma_start3A_68] : memref<10240x128xf32, #tpu.memory_space<vmem_shared>> -> memref<128x128xf32, #tpu.memory_space<vmem_shared>>
      tpu.enqueue_dma source(%arg8 : memref<128x128xf32, #tpu.memory_space<vmem>>) target(%dma_start3A_69 : memref<128x128xf32, #tpu.memory_space<vmem_shared>>) target_semaphore(%run_scoped3A : memref<!tpu.dma_semaphore, #tpu.memory_space<semaphore_mem>>)
      %dma_wait3A = arith.constant 0 : i32
      %dma_wait3A_70 = tpu.memref_slice %arg9[%add3A_7, %dma_wait3A] : memref<10240x128xf32, #tpu.memory_space<vmem_shared>> -> memref<128x128xf32, #tpu.memory_space<vmem_shared>>
      %dma_wait3A_71 = arith.constant 0 : i32
      %dma_wait3A_72 = tpu.memref_slice %arg9[%add3A_7, %dma_wait3A_71] : memref<10240x128xf32, #tpu.memory_space<vmem_shared>> -> memref<128x128xf32, #tpu.memory_space<vmem_shared>>
      tpu.wait_dma2 semaphore(%run_scoped3A : memref<!tpu.dma_semaphore, #tpu.memory_space<semaphore_mem>>) src(%arg8 : memref<128x128xf32, #tpu.memory_space<vmem>>) dst(%dma_wait3A_72 : memref<128x128xf32, #tpu.memory_space<vmem_shared>>)
      tpu.yield
    }) : () -> ()
    %mul3A_8 = arith.constant 640 : i32
    %mul3A_9 = arith.muli %arg1, %mul3A_8 : i32
    %add3A_10 = arith.constant 128 : i32
    %add3A_11 = arith.addi %mul3A_9, %add3A_10 : i32
    "tpu.region"() ({
      %run_scoped3A = tpu.sem_alloc : memref<!tpu.dma_semaphore, #tpu.memory_space<semaphore_mem>>
      %dma_start3A = arith.constant 0 : i32
      %dma_start3A_67 = tpu.memref_slice %arg9[%add3A_11, %dma_start3A] : memref<10240x128xf32, #tpu.memory_space<vmem_shared>> -> memref<128x128xf32, #tpu.memory_space<vmem_shared>>
      %dma_start3A_68 = arith.constant 0 : i32
      %dma_start3A_69 = tpu.memref_slice %arg9[%add3A_11, %dma_start3A_68] : memref<10240x128xf32, #tpu.memory_space<vmem_shared>> -> memref<128x128xf32, #tpu.memory_space<vmem_shared>>
      tpu.enqueue_dma source(%arg8 : memref<128x128xf32, #tpu.memory_space<vmem>>) target(%dma_start3A_69 : memref<128x128xf32, #tpu.memory_space<vmem_shared>>) target_semaphore(%run_scoped3A : memref<!tpu.dma_semaphore, #tpu.memory_space<semaphore_mem>>)
      %dma_wait3A = arith.constant 0 : i32
      %dma_wait3A_70 = tpu.memref_slice %arg9[%add3A_11, %dma_wait3A] : memref<10240x128xf32, #tpu.memory_space<vmem_shared>> -> memref<128x128xf32, #tpu.memory_space<vmem_shared>>
      %dma_wait3A_71 = arith.constant 0 : i32
      %dma_wait3A_72 = tpu.memref_slice %arg9[%add3A_11, %dma_wait3A_71] : memref<10240x128xf32, #tpu.memory_space<vmem_shared>> -> memref<128x128xf32, #tpu.memory_space<vmem_shared>>
      tpu.wait_dma2 semaphore(%run_scoped3A : memref<!tpu.dma_semaphore, #tpu.memory_space<semaphore_mem>>) src(%arg8 : memref<128x128xf32, #tpu.memory_space<vmem>>) dst(%dma_wait3A_72 : memref<128x128xf32, #tpu.memory_space<vmem_shared>>)
      tpu.yield
    }) : () -> ()
    %mul3A_12 = arith.constant 640 : i32
    %mul3A_13 = arith.muli %arg1, %mul3A_12 : i32
    %add3A_14 = arith.constant 256 : i32
    %add3A_15 = arith.addi %mul3A_13, %add3A_14 : i32
    "tpu.region"() ({
      %run_scoped3A = tpu.sem_alloc : memref<!tpu.dma_semaphore, #tpu.memory_space<semaphore_mem>>
      %dma_start3A = arith.constant 0 : i32
      %dma_start3A_67 = tpu.memref_slice %arg9[%add3A_15, %dma_start3A] : memref<10240x128xf32, #tpu.memory_space<vmem_shared>> -> memref<128x128xf32, #tpu.memory_space<vmem_shared>>
      %dma_start3A_68 = arith.constant 0 : i32
      %dma_start3A_69 = tpu.memref_slice %arg9[%add3A_15, %dma_start3A_68] : memref<10240x128xf32, #tpu.memory_space<vmem_shared>> -> memref<128x128xf32, #tpu.memory_space<vmem_shared>>
      tpu.enqueue_dma source(%arg8 : memref<128x128xf32, #tpu.memory_space<vmem>>) target(%dma_start3A_69 : memref<128x128xf32, #tpu.memory_space<vmem_shared>>) target_semaphore(%run_scoped3A : memref<!tpu.dma_semaphore, #tpu.memory_space<semaphore_mem>>)
      %dma_wait3A = arith.constant 0 : i32
      %dma_wait3A_70 = tpu.memref_slice %arg9[%add3A_15, %dma_wait3A] : memref<10240x128xf32, #tpu.memory_space<vmem_shared>> -> memref<128x128xf32, #tpu.memory_space<vmem_shared>>
      %dma_wait3A_71 = arith.constant 0 : i32
      %dma_wait3A_72 = tpu.memref_slice %arg9[%add3A_15, %dma_wait3A_71] : memref<10240x128xf32, #tpu.memory_space<vmem_shared>> -> memref<128x128xf32, #tpu.memory_space<vmem_shared>>
      tpu.wait_dma2 semaphore(%run_scoped3A : memref<!tpu.dma_semaphore, #tpu.memory_space<semaphore_mem>>) src(%arg8 : memref<128x128xf32, #tpu.memory_space<vmem>>) dst(%dma_wait3A_72 : memref<128x128xf32, #tpu.memory_space<vmem_shared>>)
      tpu.yield
    }) : () -> ()
    %mul3A_16 = arith.constant 640 : i32
    %mul3A_17 = arith.muli %arg1, %mul3A_16 : i32
    %add3A_18 = arith.constant 384 : i32
    %add3A_19 = arith.addi %mul3A_17, %add3A_18 : i32
    "tpu.region"() ({
      %run_scoped3A = tpu.sem_alloc : memref<!tpu.dma_semaphore, #tpu.memory_space<semaphore_mem>>
      %dma_start3A = arith.constant 0 : i32
      %dma_start3A_67 = tpu.memref_slice %arg9[%add3A_19, %dma_start3A] : memref<10240x128xf32, #tpu.memory_space<vmem_shared>> -> memref<128x128xf32, #tpu.memory_space<vmem_shared>>
      %dma_start3A_68 = arith.constant 0 : i32
      %dma_start3A_69 = tpu.memref_slice %arg9[%add3A_19, %dma_start3A_68] : memref<10240x128xf32, #tpu.memory_space<vmem_shared>> -> memref<128x128xf32, #tpu.memory_space<vmem_shared>>
      tpu.enqueue_dma source(%arg8 : memref<128x128xf32, #tpu.memory_space<vmem>>) target(%dma_start3A_69 : memref<128x128xf32, #tpu.memory_space<vmem_shared>>) target_semaphore(%run_scoped3A : memref<!tpu.dma_semaphore, #tpu.memory_space<semaphore_mem>>)
      %dma_wait3A = arith.constant 0 : i32
      %dma_wait3A_70 = tpu.memref_slice %arg9[%add3A_19, %dma_wait3A] : memref<10240x128xf32, #tpu.memory_space<vmem_shared>> -> memref<128x128xf32, #tpu.memory_space<vmem_shared>>
      %dma_wait3A_71 = arith.constant 0 : i32
      %dma_wait3A_72 = tpu.memref_slice %arg9[%add3A_19, %dma_wait3A_71] : memref<10240x128xf32, #tpu.memory_space<vmem_shared>> -> memref<128x128xf32, #tpu.memory_space<vmem_shared>>
      tpu.wait_dma2 semaphore(%run_scoped3A : memref<!tpu.dma_semaphore, #tpu.memory_space<semaphore_mem>>) src(%arg8 : memref<128x128xf32, #tpu.memory_space<vmem>>) dst(%dma_wait3A_72 : memref<128x128xf32, #tpu.memory_space<vmem_shared>>)
      tpu.yield
    }) : () -> ()
    %mul3A_20 = arith.constant 640 : i32
    %mul3A_21 = arith.muli %arg1, %mul3A_20 : i32
    %add3A_22 = arith.constant 512 : i32
    %add3A_23 = arith.addi %mul3A_21, %add3A_22 : i32
    "tpu.region"() ({
      %run_scoped3A = tpu.sem_alloc : memref<!tpu.dma_semaphore, #tpu.memory_space<semaphore_mem>>
      %dma_start3A = arith.constant 0 : i32
      %dma_start3A_67 = tpu.memref_slice %arg9[%add3A_23, %dma_start3A] : memref<10240x128xf32, #tpu.memory_space<vmem_shared>> -> memref<128x128xf32, #tpu.memory_space<vmem_shared>>
      %dma_start3A_68 = arith.constant 0 : i32
      %dma_start3A_69 = tpu.memref_slice %arg9[%add3A_23, %dma_start3A_68] : memref<10240x128xf32, #tpu.memory_space<vmem_shared>> -> memref<128x128xf32, #tpu.memory_space<vmem_shared>>
      tpu.enqueue_dma source(%arg8 : memref<128x128xf32, #tpu.memory_space<vmem>>) target(%dma_start3A_69 : memref<128x128xf32, #tpu.memory_space<vmem_shared>>) target_semaphore(%run_scoped3A : memref<!tpu.dma_semaphore, #tpu.memory_space<semaphore_mem>>)
      %dma_wait3A = arith.constant 0 : i32
      %dma_wait3A_70 = tpu.memref_slice %arg9[%add3A_23, %dma_wait3A] : memref<10240x128xf32, #tpu.memory_space<vmem_shared>> -> memref<128x128xf32, #tpu.memory_space<vmem_shared>>
      %dma_wait3A_71 = arith.constant 0 : i32
      %dma_wait3A_72 = tpu.memref_slice %arg9[%add3A_23, %dma_wait3A_71] : memref<10240x128xf32, #tpu.memory_space<vmem_shared>> -> memref<128x128xf32, #tpu.memory_space<vmem_shared>>
      tpu.wait_dma2 semaphore(%run_scoped3A : memref<!tpu.dma_semaphore, #tpu.memory_space<semaphore_mem>>) src(%arg8 : memref<128x128xf32, #tpu.memory_space<vmem>>) dst(%dma_wait3A_72 : memref<128x128xf32, #tpu.memory_space<vmem_shared>>)
      tpu.yield
    }) : () -> ()
    %barrier3A = arith.constant 0 : index
    tpu.barrier barrier_id(%barrier3A)
    %scan3A_24 = arith.constant 0 : i32
    %scan3A_25 = arith.constant 0 : i32
    %scan3A_26 = arith.constant 79 : i32
    %scan3A_27 = arith.addi %scan3A_25, %scan3A_26 : i32
    %scan3A_28 = arith.constant 1 : i32
    %scan3A_29 = scf.for %scan3A_67 = %scan3A_25 to %scan3A_27 step %scan3A_28 iter_args(%scan3A_68 = %scan3A_24) -> (i32)  : i32 {
      %mul3A_69 = arith.constant 16 : i32
      %mul3A_70 = arith.muli %mul3A_69, %scan3A_67 : i32
      %add3A_71 = arith.addi %arg1, %mul3A_70 : i32
      %lt3A = arith.constant 1250 : i32
      %lt3A_72 = arith.cmpi slt, %add3A_71, %lt3A : i32
      %convert_element_type3A = arith.extui %lt3A_72 : i1 to i32
      %cond3A = arith.constant 0 : i32
      %cond3A_73 = arith.cmpi ne, %convert_element_type3A, %cond3A : i32
      scf.if %cond3A_73 {
        %mul3A_75 = arith.constant 128 : i32
        %mul3A_76 = arith.muli %add3A_71, %mul3A_75 : i32
        "tpu.region"() ({
          %run_scoped3A = tpu.sem_alloc : memref<!tpu.dma_semaphore, #tpu.memory_space<semaphore_mem>>
          %dma_start3A_167 = tpu.memref_slice %arg3[%mul3A_76] : memref<160000xi32, #tpu.memory_space<hbm>> -> memref<128xi32, #tpu.memory_space<hbm>>
          %dma_start3A_168 = tpu.memref_slice %arg3[%mul3A_76] : memref<160000xi32, #tpu.memory_space<hbm>> -> memref<128xi32, #tpu.memory_space<hbm>>
          tpu.enqueue_dma source(%dma_start3A_168 : memref<128xi32, #tpu.memory_space<hbm>>) target(%arg6 : memref<128xi32, #tpu.memory_space<vmem>>) target_semaphore(%run_scoped3A : memref<!tpu.dma_semaphore, #tpu.memory_space<semaphore_mem>>)
          %dma_wait3A_169 = tpu.memref_slice %arg3[%mul3A_76] : memref<160000xi32, #tpu.memory_space<hbm>> -> memref<128xi32, #tpu.memory_space<hbm>>
          %dma_wait3A_170 = tpu.memref_slice %arg3[%mul3A_76] : memref<160000xi32, #tpu.memory_space<hbm>> -> memref<128xi32, #tpu.memory_space<hbm>>
          tpu.wait_dma2 semaphore(%run_scoped3A : memref<!tpu.dma_semaphore, #tpu.memory_space<semaphore_mem>>) src(%dma_wait3A_170 : memref<128xi32, #tpu.memory_space<hbm>>) dst(%arg6 : memref<128xi32, #tpu.memory_space<vmem>>)
          tpu.yield
        }) : () -> ()
        "tpu.region"() ({
          %run_scoped3A = tpu.sem_alloc : memref<!tpu.dma_semaphore, #tpu.memory_space<semaphore_mem>>
          %dma_start3A_167 = tpu.memref_slice %arg4[%mul3A_76] : memref<160000xi32, #tpu.memory_space<hbm>> -> memref<128xi32, #tpu.memory_space<hbm>>
          %dma_start3A_168 = tpu.memref_slice %arg4[%mul3A_76] : memref<160000xi32, #tpu.memory_space<hbm>> -> memref<128xi32, #tpu.memory_space<hbm>>
          tpu.enqueue_dma source(%dma_start3A_168 : memref<128xi32, #tpu.memory_space<hbm>>) target(%arg7 : memref<128xi32, #tpu.memory_space<vmem>>) target_semaphore(%run_scoped3A : memref<!tpu.dma_semaphore, #tpu.memory_space<semaphore_mem>>)
          %dma_wait3A_169 = tpu.memref_slice %arg4[%mul3A_76] : memref<160000xi32, #tpu.memory_space<hbm>> -> memref<128xi32, #tpu.memory_space<hbm>>
          %dma_wait3A_170 = tpu.memref_slice %arg4[%mul3A_76] : memref<160000xi32, #tpu.memory_space<hbm>> -> memref<128xi32, #tpu.memory_space<hbm>>
          tpu.wait_dma2 semaphore(%run_scoped3A : memref<!tpu.dma_semaphore, #tpu.memory_space<semaphore_mem>>) src(%dma_wait3A_170 : memref<128xi32, #tpu.memory_space<hbm>>) dst(%arg7 : memref<128xi32, #tpu.memory_space<vmem>>)
          tpu.yield
        }) : () -> ()
        %get3A = arith.constant 0 : index
        %get3A_77 = tpu.vector_load %arg6[%get3A] {strides = array<i32>} : memref<128xi32, #tpu.memory_space<vmem>>, vector<16xi32>,
        %get3A_78 = vector.shape_cast %get3A_77 : vector<16xi32> to vector<16xi32>
        %mul3A_79 = arith.constant 10000 : i32
        %mul3A_80 = arith.muli %arg0, %mul3A_79 : i32
        %add3A_81 = vector.broadcast %mul3A_80 : i32 to vector<16xi32>
        %add3A_82 = arith.addi %get3A_78, %add3A_81 : vector<16xi32>
        %swap3A = arith.constant 0 : index
        %swap3A_83 = tpu.vector_load %arg6[%swap3A] {strides = array<i32>} : memref<128xi32, #tpu.memory_space<vmem>>, vector<16xi32>,
        %swap3A_84 = vector.shape_cast %swap3A_83 : vector<16xi32> to vector<16xi32>
        %swap3A_85 = vector.shape_cast %add3A_82 : vector<16xi32> to vector<16xi32>
        tpu.vector_store %arg6[%swap3A], %swap3A_85 {strides = array<i32>} : memref<128xi32, #tpu.memory_space<vmem>>, vector<16xi32>,
        %get3A_86 = arith.constant 16 : index
        %get3A_87 = tpu.vector_load %arg6[%get3A_86] {strides = array<i32>} : memref<128xi32, #tpu.memory_space<vmem>>, vector<16xi32>,
        %get3A_88 = vector.shape_cast %get3A_87 : vector<16xi32> to vector<16xi32>
        %mul3A_89 = arith.constant 10000 : i32
        %mul3A_90 = arith.muli %arg0, %mul3A_89 : i32
        %add3A_91 = vector.broadcast %mul3A_90 : i32 to vector<16xi32>
        %add3A_92 = arith.addi %get3A_88, %add3A_91 : vector<16xi32>
        %swap3A_93 = arith.constant 16 : index
        %swap3A_94 = tpu.vector_load %arg6[%swap3A_93] {strides = array<i32>} : memref<128xi32, #tpu.memory_space<vmem>>, vector<16xi32>,
        %swap3A_95 = vector.shape_cast %swap3A_94 : vector<16xi32> to vector<16xi32>
        %swap3A_96 = vector.shape_cast %add3A_92 : vector<16xi32> to vector<16xi32>
        tpu.vector_store %arg6[%swap3A_93], %swap3A_96 {strides = array<i32>} : memref<128xi32, #tpu.memory_space<vmem>>, vector<16xi32>,
        %get3A_97 = arith.constant 32 : index
        %get3A_98 = tpu.vector_load %arg6[%get3A_97] {strides = array<i32>} : memref<128xi32, #tpu.memory_space<vmem>>, vector<16xi32>,
        %get3A_99 = vector.shape_cast %get3A_98 : vector<16xi32> to vector<16xi32>
        %mul3A_100 = arith.constant 10000 : i32
        %mul3A_101 = arith.muli %arg0, %mul3A_100 : i32
        %add3A_102 = vector.broadcast %mul3A_101 : i32 to vector<16xi32>
        %add3A_103 = arith.addi %get3A_99, %add3A_102 : vector<16xi32>
        %swap3A_104 = arith.constant 32 : index
        %swap3A_105 = tpu.vector_load %arg6[%swap3A_104] {strides = array<i32>} : memref<128xi32, #tpu.memory_space<vmem>>, vector<16xi32>,
        %swap3A_106 = vector.shape_cast %swap3A_105 : vector<16xi32> to vector<16xi32>
        %swap3A_107 = vector.shape_cast %add3A_103 : vector<16xi32> to vector<16xi32>
        tpu.vector_store %arg6[%swap3A_104], %swap3A_107 {strides = array<i32>} : memref<128xi32, #tpu.memory_space<vmem>>, vector<16xi32>,
        %get3A_108 = arith.constant 48 : index
        %get3A_109 = tpu.vector_load %arg6[%get3A_108] {strides = array<i32>} : memref<128xi32, #tpu.memory_space<vmem>>, vector<16xi32>,
        %get3A_110 = vector.shape_cast %get3A_109 : vector<16xi32> to vector<16xi32>
        %mul3A_111 = arith.constant 10000 : i32
        %mul3A_112 = arith.muli %arg0, %mul3A_111 : i32
        %add3A_113 = vector.broadcast %mul3A_112 : i32 to vector<16xi32>
        %add3A_114 = arith.addi %get3A_110, %add3A_113 : vector<16xi32>
        %swap3A_115 = arith.constant 48 : index
        %swap3A_116 = tpu.vector_load %arg6[%swap3A_115] {strides = array<i32>} : memref<128xi32, #tpu.memory_space<vmem>>, vector<16xi32>,
        %swap3A_117 = vector.shape_cast %swap3A_116 : vector<16xi32> to vector<16xi32>
        %swap3A_118 = vector.shape_cast %add3A_114 : vector<16xi32> to vector<16xi32>
        tpu.vector_store %arg6[%swap3A_115], %swap3A_118 {strides = array<i32>} : memref<128xi32, #tpu.memory_space<vmem>>, vector<16xi32>,
        %get3A_119 = arith.constant 64 : index
        %get3A_120 = tpu.vector_load %arg6[%get3A_119] {strides = array<i32>} : memref<128xi32, #tpu.memory_space<vmem>>, vector<16xi32>,
        %get3A_121 = vector.shape_cast %get3A_120 : vector<16xi32> to vector<16xi32>
        %mul3A_122 = arith.constant 10000 : i32
        %mul3A_123 = arith.muli %arg0, %mul3A_122 : i32
        %add3A_124 = vector.broadcast %mul3A_123 : i32 to vector<16xi32>
        %add3A_125 = arith.addi %get3A_121, %add3A_124 : vector<16xi32>
        %swap3A_126 = arith.constant 64 : index
        %swap3A_127 = tpu.vector_load %arg6[%swap3A_126] {strides = array<i32>} : memref<128xi32, #tpu.memory_space<vmem>>, vector<16xi32>,
        %swap3A_128 = vector.shape_cast %swap3A_127 : vector<16xi32> to vector<16xi32>
        %swap3A_129 = vector.shape_cast %add3A_125 : vector<16xi32> to vector<16xi32>
        tpu.vector_store %arg6[%swap3A_126], %swap3A_129 {strides = array<i32>} : memref<128xi32, #tpu.memory_space<vmem>>, vector<16xi32>,
        %get3A_130 = arith.constant 80 : index
        %get3A_131 = tpu.vector_load %arg6[%get3A_130] {strides = array<i32>} : memref<128xi32, #tpu.memory_space<vmem>>, vector<16xi32>,
        %get3A_132 = vector.shape_cast %get3A_131 : vector<16xi32> to vector<16xi32>
        %mul3A_133 = arith.constant 10000 : i32
        %mul3A_134 = arith.muli %arg0, %mul3A_133 : i32
        %add3A_135 = vector.broadcast %mul3A_134 : i32 to vector<16xi32>
        %add3A_136 = arith.addi %get3A_132, %add3A_135 : vector<16xi32>
        %swap3A_137 = arith.constant 80 : index
        %swap3A_138 = tpu.vector_load %arg6[%swap3A_137] {strides = array<i32>} : memref<128xi32, #tpu.memory_space<vmem>>, vector<16xi32>,
        %swap3A_139 = vector.shape_cast %swap3A_138 : vector<16xi32> to vector<16xi32>
        %swap3A_140 = vector.shape_cast %add3A_136 : vector<16xi32> to vector<16xi32>
        tpu.vector_store %arg6[%swap3A_137], %swap3A_140 {strides = array<i32>} : memref<128xi32, #tpu.memory_space<vmem>>, vector<16xi32>,
        %get3A_141 = arith.constant 96 : index
        %get3A_142 = tpu.vector_load %arg6[%get3A_141] {strides = array<i32>} : memref<128xi32, #tpu.memory_space<vmem>>, vector<16xi32>,
        %get3A_143 = vector.shape_cast %get3A_142 : vector<16xi32> to vector<16xi32>
        %mul3A_144 = arith.constant 10000 : i32
        %mul3A_145 = arith.muli %arg0, %mul3A_144 : i32
        %add3A_146 = vector.broadcast %mul3A_145 : i32 to vector<16xi32>
        %add3A_147 = arith.addi %get3A_143, %add3A_146 : vector<16xi32>
        %swap3A_148 = arith.constant 96 : index
        %swap3A_149 = tpu.vector_load %arg6[%swap3A_148] {strides = array<i32>} : memref<128xi32, #tpu.memory_space<vmem>>, vector<16xi32>,
        %swap3A_150 = vector.shape_cast %swap3A_149 : vector<16xi32> to vector<16xi32>
        %swap3A_151 = vector.shape_cast %add3A_147 : vector<16xi32> to vector<16xi32>
        tpu.vector_store %arg6[%swap3A_148], %swap3A_151 {strides = array<i32>} : memref<128xi32, #tpu.memory_space<vmem>>, vector<16xi32>,
        %get3A_152 = arith.constant 112 : index
        %get3A_153 = tpu.vector_load %arg6[%get3A_152] {strides = array<i32>} : memref<128xi32, #tpu.memory_space<vmem>>, vector<16xi32>,
        %get3A_154 = vector.shape_cast %get3A_153 : vector<16xi32> to vector<16xi32>
        %mul3A_155 = arith.constant 10000 : i32
        %mul3A_156 = arith.muli %arg0, %mul3A_155 : i32
        %add3A_157 = vector.broadcast %mul3A_156 : i32 to vector<16xi32>
        %add3A_158 = arith.addi %get3A_154, %add3A_157 : vector<16xi32>
        %swap3A_159 = arith.constant 112 : index
        %swap3A_160 = tpu.vector_load %arg6[%swap3A_159] {strides = array<i32>} : memref<128xi32, #tpu.memory_space<vmem>>, vector<16xi32>,
        %swap3A_161 = vector.shape_cast %swap3A_160 : vector<16xi32> to vector<16xi32>
        %swap3A_162 = vector.shape_cast %add3A_158 : vector<16xi32> to vector<16xi32>
        tpu.vector_store %arg6[%swap3A_159], %swap3A_162 {strides = array<i32>} : memref<128xi32, #tpu.memory_space<vmem>>, vector<16xi32>,
        %dma_start3A = arith.constant 0 : i32
        %dma_start3A_163 = arith.constant 0 : i32
        %dma_start3A_164 = tpu.memref_slice %arg2[%dma_start3A, %dma_start3A_163] : memref<20000x128xf32, #tpu.memory_space<hbm>> -> memref<20000x128xf32, #tpu.memory_space<hbm>>
        tpu.enqueue_indirect_dma source(%dma_start3A_164 : memref<20000x128xf32, #tpu.memory_space<hbm>>) target(%arg8 : memref<128x128xf32, #tpu.memory_space<vmem>>) offsets(%arg6 : memref<128xi32, #tpu.memory_space<vmem>>) semaphore(%arg10 : memref<!tpu.dma_semaphore, #tpu.memory_space<semaphore_mem>>)
        %dma_wait3A = arith.constant 0 : i32
        %dma_wait3A_165 = arith.constant 0 : i32
        %dma_wait3A_166 = tpu.memref_slice %arg2[%dma_wait3A, %dma_wait3A_165] : memref<20000x128xf32, #tpu.memory_space<hbm>> -> memref<20000x128xf32, #tpu.memory_space<hbm>>
        tpu.wait_indirect_dma semaphore(%arg10 : memref<!tpu.dma_semaphore, #tpu.memory_space<semaphore_mem>>) src(%dma_wait3A_166 : memref<20000x128xf32, #tpu.memory_space<hbm>>) dst(%arg8 : memref<128x128xf32, #tpu.memory_space<vmem>>)
        "tpu.region"() ({
          %run_scoped3A = tpu.sem_alloc : memref<!tpu.dma_semaphore, #tpu.memory_space<semaphore_mem>>
          %dma_start3A_167 = arith.constant 0 : i32
          %dma_start3A_168 = arith.constant 0 : i32
          %dma_start3A_169 = tpu.memref_slice %arg9[%dma_start3A_167, %dma_start3A_168] : memref<10240x128xf32, #tpu.memory_space<vmem_shared>> -> memref<10240x128xf32, #tpu.memory_space<vmem_shared>>
          tpu.enqueue_indirect_dma source(%arg8 : memref<128x128xf32, #tpu.memory_space<vmem>>) target(%dma_start3A_169 : memref<10240x128xf32, #tpu.memory_space<vmem_shared>>) offsets(%arg7 : memref<128xi32, #tpu.memory_space<vmem>>) semaphore(%run_scoped3A : memref<!tpu.dma_semaphore, #tpu.memory_space<semaphore_mem>>) {add = true}
          %dma_wait3A_170 = arith.constant 0 : i32
          %dma_wait3A_171 = arith.constant 0 : i32
          %dma_wait3A_172 = tpu.memref_slice %arg9[%dma_wait3A_170, %dma_wait3A_171] : memref<10240x128xf32, #tpu.memory_space<vmem_shared>> -> memref<10240x128xf32, #tpu.memory_space<vmem_shared>>
          tpu.wait_indirect_dma semaphore(%run_scoped3A : memref<!tpu.dma_semaphore, #tpu.memory_space<semaphore_mem>>) src(%arg8 : memref<128x128xf32, #tpu.memory_space<vmem>>) dst(%dma_wait3A_172 : memref<10240x128xf32, #tpu.memory_space<vmem_shared>>)
          tpu.yield
        }) : () -> ()
      } else {
      }
      %scan3A_74 = arith.constant 0 : i32
      scf.yield %scan3A_74 : i32
    }
    %scan3A_30 = arith.constant 79 : i32
    %barrier3A_31 = arith.constant 0 : index
    tpu.barrier barrier_id(%barrier3A_31)
    %mul3A_32 = arith.constant 640 : i32
    %mul3A_33 = arith.muli %arg1, %mul3A_32 : i32
    %add3A_34 = arith.constant 0 : i32
    %add3A_35 = arith.addi %mul3A_33, %add3A_34 : i32
    "tpu.region"() ({
      %run_scoped3A = tpu.sem_alloc : memref<!tpu.dma_semaphore, #tpu.memory_space<semaphore_mem>>
      %dma_start3A = arith.constant 0 : i32
      %dma_start3A_67 = tpu.memref_slice %arg9[%add3A_35, %dma_start3A] : memref<10240x128xf32, #tpu.memory_space<vmem_shared>> -> memref<128x128xf32, #tpu.memory_space<vmem_shared>>
      %dma_start3A_68 = arith.constant 0 : i32
      %dma_start3A_69 = tpu.memref_slice %arg9[%add3A_35, %dma_start3A_68] : memref<10240x128xf32, #tpu.memory_space<vmem_shared>> -> memref<128x128xf32, #tpu.memory_space<vmem_shared>>
      tpu.enqueue_dma source(%dma_start3A_69 : memref<128x128xf32, #tpu.memory_space<vmem_shared>>) target(%arg8 : memref<128x128xf32, #tpu.memory_space<vmem>>) target_semaphore(%run_scoped3A : memref<!tpu.dma_semaphore, #tpu.memory_space<semaphore_mem>>)
      %dma_wait3A = arith.constant 0 : i32
      %dma_wait3A_70 = tpu.memref_slice %arg9[%add3A_35, %dma_wait3A] : memref<10240x128xf32, #tpu.memory_space<vmem_shared>> -> memref<128x128xf32, #tpu.memory_space<vmem_shared>>
      %dma_wait3A_71 = arith.constant 0 : i32
      %dma_wait3A_72 = tpu.memref_slice %arg9[%add3A_35, %dma_wait3A_71] : memref<10240x128xf32, #tpu.memory_space<vmem_shared>> -> memref<128x128xf32, #tpu.memory_space<vmem_shared>>
      tpu.wait_dma2 semaphore(%run_scoped3A : memref<!tpu.dma_semaphore, #tpu.memory_space<semaphore_mem>>) src(%dma_wait3A_72 : memref<128x128xf32, #tpu.memory_space<vmem_shared>>) dst(%arg8 : memref<128x128xf32, #tpu.memory_space<vmem>>)
      tpu.yield
    }) : () -> ()
    %mul3A_36 = arith.constant 10240 : i32
    %mul3A_37 = arith.muli %arg0, %mul3A_36 : i32
    %add3A_38 = arith.addi %mul3A_37, %add3A_35 : i32
    "tpu.region"() ({
      %run_scoped3A = tpu.sem_alloc : memref<!tpu.dma_semaphore, #tpu.memory_space<semaphore_mem>>
      %dma_start3A = arith.constant 0 : i32
      %dma_start3A_67 = tpu.memref_slice %arg5[%add3A_38, %dma_start3A] : memref<20480x128xf32, #tpu.memory_space<hbm>> -> memref<128x128xf32, #tpu.memory_space<hbm>>
      %dma_start3A_68 = arith.constant 0 : i32
      %dma_start3A_69 = tpu.memref_slice %arg5[%add3A_38, %dma_start3A_68] : memref<20480x128xf32, #tpu.memory_space<hbm>> -> memref<128x128xf32, #tpu.memory_space<hbm>>
      tpu.enqueue_dma source(%arg8 : memref<128x128xf32, #tpu.memory_space<vmem>>) target(%dma_start3A_69 : memref<128x128xf32, #tpu.memory_space<hbm>>) target_semaphore(%run_scoped3A : memref<!tpu.dma_semaphore, #tpu.memory_space<semaphore_mem>>)
      %dma_wait3A = arith.constant 0 : i32
      %dma_wait3A_70 = tpu.memref_slice %arg5[%add3A_38, %dma_wait3A] : memref<20480x128xf32, #tpu.memory_space<hbm>> -> memref<128x128xf32, #tpu.memory_space<hbm>>
      %dma_wait3A_71 = arith.constant 0 : i32
      %dma_wait3A_72 = tpu.memref_slice %arg5[%add3A_38, %dma_wait3A_71] : memref<20480x128xf32, #tpu.memory_space<hbm>> -> memref<128x128xf32, #tpu.memory_space<hbm>>
      tpu.wait_dma2 semaphore(%run_scoped3A : memref<!tpu.dma_semaphore, #tpu.memory_space<semaphore_mem>>) src(%arg8 : memref<128x128xf32, #tpu.memory_space<vmem>>) dst(%dma_wait3A_72 : memref<128x128xf32, #tpu.memory_space<hbm>>)
      tpu.yield
    }) : () -> ()
    %mul3A_39 = arith.constant 640 : i32
    %mul3A_40 = arith.muli %arg1, %mul3A_39 : i32
    %add3A_41 = arith.constant 128 : i32
    %add3A_42 = arith.addi %mul3A_40, %add3A_41 : i32
    "tpu.region"() ({
      %run_scoped3A = tpu.sem_alloc : memref<!tpu.dma_semaphore, #tpu.memory_space<semaphore_mem>>
      %dma_start3A = arith.constant 0 : i32
      %dma_start3A_67 = tpu.memref_slice %arg9[%add3A_42, %dma_start3A] : memref<10240x128xf32, #tpu.memory_space<vmem_shared>> -> memref<128x128xf32, #tpu.memory_space<vmem_shared>>
      %dma_start3A_68 = arith.constant 0 : i32
      %dma_start3A_69 = tpu.memref_slice %arg9[%add3A_42, %dma_start3A_68] : memref<10240x128xf32, #tpu.memory_space<vmem_shared>> -> memref<128x128xf32, #tpu.memory_space<vmem_shared>>
      tpu.enqueue_dma source(%dma_start3A_69 : memref<128x128xf32, #tpu.memory_space<vmem_shared>>) target(%arg8 : memref<128x128xf32, #tpu.memory_space<vmem>>) target_semaphore(%run_scoped3A : memref<!tpu.dma_semaphore, #tpu.memory_space<semaphore_mem>>)
      %dma_wait3A = arith.constant 0 : i32
      %dma_wait3A_70 = tpu.memref_slice %arg9[%add3A_42, %dma_wait3A] : memref<10240x128xf32, #tpu.memory_space<vmem_shared>> -> memref<128x128xf32, #tpu.memory_space<vmem_shared>>
      %dma_wait3A_71 = arith.constant 0 : i32
      %dma_wait3A_72 = tpu.memref_slice %arg9[%add3A_42, %dma_wait3A_71] : memref<10240x128xf32, #tpu.memory_space<vmem_shared>> -> memref<128x128xf32, #tpu.memory_space<vmem_shared>>
      tpu.wait_dma2 semaphore(%run_scoped3A : memref<!tpu.dma_semaphore, #tpu.memory_space<semaphore_mem>>) src(%dma_wait3A_72 : memref<128x128xf32, #tpu.memory_space<vmem_shared>>) dst(%arg8 : memref<128x128xf32, #tpu.memory_space<vmem>>)
      tpu.yield
    }) : () -> ()
    %mul3A_43 = arith.constant 10240 : i32
    %mul3A_44 = arith.muli %arg0, %mul3A_43 : i32
    %add3A_45 = arith.addi %mul3A_44, %add3A_42 : i32
    "tpu.region"() ({
      %run_scoped3A = tpu.sem_alloc : memref<!tpu.dma_semaphore, #tpu.memory_space<semaphore_mem>>
      %dma_start3A = arith.constant 0 : i32
      %dma_start3A_67 = tpu.memref_slice %arg5[%add3A_45, %dma_start3A] : memref<20480x128xf32, #tpu.memory_space<hbm>> -> memref<128x128xf32, #tpu.memory_space<hbm>>
      %dma_start3A_68 = arith.constant 0 : i32
      %dma_start3A_69 = tpu.memref_slice %arg5[%add3A_45, %dma_start3A_68] : memref<20480x128xf32, #tpu.memory_space<hbm>> -> memref<128x128xf32, #tpu.memory_space<hbm>>
      tpu.enqueue_dma source(%arg8 : memref<128x128xf32, #tpu.memory_space<vmem>>) target(%dma_start3A_69 : memref<128x128xf32, #tpu.memory_space<hbm>>) target_semaphore(%run_scoped3A : memref<!tpu.dma_semaphore, #tpu.memory_space<semaphore_mem>>)
      %dma_wait3A = arith.constant 0 : i32
      %dma_wait3A_70 = tpu.memref_slice %arg5[%add3A_45, %dma_wait3A] : memref<20480x128xf32, #tpu.memory_space<hbm>> -> memref<128x128xf32, #tpu.memory_space<hbm>>
      %dma_wait3A_71 = arith.constant 0 : i32
      %dma_wait3A_72 = tpu.memref_slice %arg5[%add3A_45, %dma_wait3A_71] : memref<20480x128xf32, #tpu.memory_space<hbm>> -> memref<128x128xf32, #tpu.memory_space<hbm>>
      tpu.wait_dma2 semaphore(%run_scoped3A : memref<!tpu.dma_semaphore, #tpu.memory_space<semaphore_mem>>) src(%arg8 : memref<128x128xf32, #tpu.memory_space<vmem>>) dst(%dma_wait3A_72 : memref<128x128xf32, #tpu.memory_space<hbm>>)
      tpu.yield
    }) : () -> ()
    %mul3A_46 = arith.constant 640 : i32
    %mul3A_47 = arith.muli %arg1, %mul3A_46 : i32
    %add3A_48 = arith.constant 256 : i32
    %add3A_49 = arith.addi %mul3A_47, %add3A_48 : i32
    "tpu.region"() ({
      %run_scoped3A = tpu.sem_alloc : memref<!tpu.dma_semaphore, #tpu.memory_space<semaphore_mem>>
      %dma_start3A = arith.constant 0 : i32
      %dma_start3A_67 = tpu.memref_slice %arg9[%add3A_49, %dma_start3A] : memref<10240x128xf32, #tpu.memory_space<vmem_shared>> -> memref<128x128xf32, #tpu.memory_space<vmem_shared>>
      %dma_start3A_68 = arith.constant 0 : i32
      %dma_start3A_69 = tpu.memref_slice %arg9[%add3A_49, %dma_start3A_68] : memref<10240x128xf32, #tpu.memory_space<vmem_shared>> -> memref<128x128xf32, #tpu.memory_space<vmem_shared>>
      tpu.enqueue_dma source(%dma_start3A_69 : memref<128x128xf32, #tpu.memory_space<vmem_shared>>) target(%arg8 : memref<128x128xf32, #tpu.memory_space<vmem>>) target_semaphore(%run_scoped3A : memref<!tpu.dma_semaphore, #tpu.memory_space<semaphore_mem>>)
      %dma_wait3A = arith.constant 0 : i32
      %dma_wait3A_70 = tpu.memref_slice %arg9[%add3A_49, %dma_wait3A] : memref<10240x128xf32, #tpu.memory_space<vmem_shared>> -> memref<128x128xf32, #tpu.memory_space<vmem_shared>>
      %dma_wait3A_71 = arith.constant 0 : i32
      %dma_wait3A_72 = tpu.memref_slice %arg9[%add3A_49, %dma_wait3A_71] : memref<10240x128xf32, #tpu.memory_space<vmem_shared>> -> memref<128x128xf32, #tpu.memory_space<vmem_shared>>
      tpu.wait_dma2 semaphore(%run_scoped3A : memref<!tpu.dma_semaphore, #tpu.memory_space<semaphore_mem>>) src(%dma_wait3A_72 : memref<128x128xf32, #tpu.memory_space<vmem_shared>>) dst(%arg8 : memref<128x128xf32, #tpu.memory_space<vmem>>)
      tpu.yield
    }) : () -> ()
    %mul3A_50 = arith.constant 10240 : i32
    %mul3A_51 = arith.muli %arg0, %mul3A_50 : i32
    %add3A_52 = arith.addi %mul3A_51, %add3A_49 : i32
    "tpu.region"() ({
      %run_scoped3A = tpu.sem_alloc : memref<!tpu.dma_semaphore, #tpu.memory_space<semaphore_mem>>
      %dma_start3A = arith.constant 0 : i32
      %dma_start3A_67 = tpu.memref_slice %arg5[%add3A_52, %dma_start3A] : memref<20480x128xf32, #tpu.memory_space<hbm>> -> memref<128x128xf32, #tpu.memory_space<hbm>>
      %dma_start3A_68 = arith.constant 0 : i32
      %dma_start3A_69 = tpu.memref_slice %arg5[%add3A_52, %dma_start3A_68] : memref<20480x128xf32, #tpu.memory_space<hbm>> -> memref<128x128xf32, #tpu.memory_space<hbm>>
      tpu.enqueue_dma source(%arg8 : memref<128x128xf32, #tpu.memory_space<vmem>>) target(%dma_start3A_69 : memref<128x128xf32, #tpu.memory_space<hbm>>) target_semaphore(%run_scoped3A : memref<!tpu.dma_semaphore, #tpu.memory_space<semaphore_mem>>)
      %dma_wait3A = arith.constant 0 : i32
      %dma_wait3A_70 = tpu.memref_slice %arg5[%add3A_52, %dma_wait3A] : memref<20480x128xf32, #tpu.memory_space<hbm>> -> memref<128x128xf32, #tpu.memory_space<hbm>>
      %dma_wait3A_71 = arith.constant 0 : i32
      %dma_wait3A_72 = tpu.memref_slice %arg5[%add3A_52, %dma_wait3A_71] : memref<20480x128xf32, #tpu.memory_space<hbm>> -> memref<128x128xf32, #tpu.memory_space<hbm>>
      tpu.wait_dma2 semaphore(%run_scoped3A : memref<!tpu.dma_semaphore, #tpu.memory_space<semaphore_mem>>) src(%arg8 : memref<128x128xf32, #tpu.memory_space<vmem>>) dst(%dma_wait3A_72 : memref<128x128xf32, #tpu.memory_space<hbm>>)
      tpu.yield
    }) : () -> ()
    %mul3A_53 = arith.constant 640 : i32
    %mul3A_54 = arith.muli %arg1, %mul3A_53 : i32
    %add3A_55 = arith.constant 384 : i32
    %add3A_56 = arith.addi %mul3A_54, %add3A_55 : i32
    "tpu.region"() ({
      %run_scoped3A = tpu.sem_alloc : memref<!tpu.dma_semaphore, #tpu.memory_space<semaphore_mem>>
      %dma_start3A = arith.constant 0 : i32
      %dma_start3A_67 = tpu.memref_slice %arg9[%add3A_56, %dma_start3A] : memref<10240x128xf32, #tpu.memory_space<vmem_shared>> -> memref<128x128xf32, #tpu.memory_space<vmem_shared>>
      %dma_start3A_68 = arith.constant 0 : i32
      %dma_start3A_69 = tpu.memref_slice %arg9[%add3A_56, %dma_start3A_68] : memref<10240x128xf32, #tpu.memory_space<vmem_shared>> -> memref<128x128xf32, #tpu.memory_space<vmem_shared>>
      tpu.enqueue_dma source(%dma_start3A_69 : memref<128x128xf32, #tpu.memory_space<vmem_shared>>) target(%arg8 : memref<128x128xf32, #tpu.memory_space<vmem>>) target_semaphore(%run_scoped3A : memref<!tpu.dma_semaphore, #tpu.memory_space<semaphore_mem>>)
      %dma_wait3A = arith.constant 0 : i32
      %dma_wait3A_70 = tpu.memref_slice %arg9[%add3A_56, %dma_wait3A] : memref<10240x128xf32, #tpu.memory_space<vmem_shared>> -> memref<128x128xf32, #tpu.memory_space<vmem_shared>>
      %dma_wait3A_71 = arith.constant 0 : i32
      %dma_wait3A_72 = tpu.memref_slice %arg9[%add3A_56, %dma_wait3A_71] : memref<10240x128xf32, #tpu.memory_space<vmem_shared>> -> memref<128x128xf32, #tpu.memory_space<vmem_shared>>
      tpu.wait_dma2 semaphore(%run_scoped3A : memref<!tpu.dma_semaphore, #tpu.memory_space<semaphore_mem>>) src(%dma_wait3A_72 : memref<128x128xf32, #tpu.memory_space<vmem_shared>>) dst(%arg8 : memref<128x128xf32, #tpu.memory_space<vmem>>)
      tpu.yield
    }) : () -> ()
    %mul3A_57 = arith.constant 10240 : i32
    %mul3A_58 = arith.muli %arg0, %mul3A_57 : i32
    %add3A_59 = arith.addi %mul3A_58, %add3A_56 : i32
    "tpu.region"() ({
      %run_scoped3A = tpu.sem_alloc : memref<!tpu.dma_semaphore, #tpu.memory_space<semaphore_mem>>
      %dma_start3A = arith.constant 0 : i32
      %dma_start3A_67 = tpu.memref_slice %arg5[%add3A_59, %dma_start3A] : memref<20480x128xf32, #tpu.memory_space<hbm>> -> memref<128x128xf32, #tpu.memory_space<hbm>>
      %dma_start3A_68 = arith.constant 0 : i32
      %dma_start3A_69 = tpu.memref_slice %arg5[%add3A_59, %dma_start3A_68] : memref<20480x128xf32, #tpu.memory_space<hbm>> -> memref<128x128xf32, #tpu.memory_space<hbm>>
      tpu.enqueue_dma source(%arg8 : memref<128x128xf32, #tpu.memory_space<vmem>>) target(%dma_start3A_69 : memref<128x128xf32, #tpu.memory_space<hbm>>) target_semaphore(%run_scoped3A : memref<!tpu.dma_semaphore, #tpu.memory_space<semaphore_mem>>)
      %dma_wait3A = arith.constant 0 : i32
      %dma_wait3A_70 = tpu.memref_slice %arg5[%add3A_59, %dma_wait3A] : memref<20480x128xf32, #tpu.memory_space<hbm>> -> memref<128x128xf32, #tpu.memory_space<hbm>>
      %dma_wait3A_71 = arith.constant 0 : i32
      %dma_wait3A_72 = tpu.memref_slice %arg5[%add3A_59, %dma_wait3A_71] : memref<20480x128xf32, #tpu.memory_space<hbm>> -> memref<128x128xf32, #tpu.memory_space<hbm>>
      tpu.wait_dma2 semaphore(%run_scoped3A : memref<!tpu.dma_semaphore, #tpu.memory_space<semaphore_mem>>) src(%arg8 : memref<128x128xf32, #tpu.memory_space<vmem>>) dst(%dma_wait3A_72 : memref<128x128xf32, #tpu.memory_space<hbm>>)
      tpu.yield
    }) : () -> ()
    %mul3A_60 = arith.constant 640 : i32
    %mul3A_61 = arith.muli %arg1, %mul3A_60 : i32
    %add3A_62 = arith.constant 512 : i32
    %add3A_63 = arith.addi %mul3A_61, %add3A_62 : i32
    "tpu.region"() ({
      %run_scoped3A = tpu.sem_alloc : memref<!tpu.dma_semaphore, #tpu.memory_space<semaphore_mem>>
      %dma_start3A = arith.constant 0 : i32
      %dma_start3A_67 = tpu.memref_slice %arg9[%add3A_63, %dma_start3A] : memref<10240x128xf32, #tpu.memory_space<vmem_shared>> -> memref<128x128xf32, #tpu.memory_space<vmem_shared>>
      %dma_start3A_68 = arith.constant 0 : i32
      %dma_start3A_69 = tpu.memref_slice %arg9[%add3A_63, %dma_start3A_68] : memref<10240x128xf32, #tpu.memory_space<vmem_shared>> -> memref<128x128xf32, #tpu.memory_space<vmem_shared>>
      tpu.enqueue_dma source(%dma_start3A_69 : memref<128x128xf32, #tpu.memory_space<vmem_shared>>) target(%arg8 : memref<128x128xf32, #tpu.memory_space<vmem>>) target_semaphore(%run_scoped3A : memref<!tpu.dma_semaphore, #tpu.memory_space<semaphore_mem>>)
      %dma_wait3A = arith.constant 0 : i32
      %dma_wait3A_70 = tpu.memref_slice %arg9[%add3A_63, %dma_wait3A] : memref<10240x128xf32, #tpu.memory_space<vmem_shared>> -> memref<128x128xf32, #tpu.memory_space<vmem_shared>>
      %dma_wait3A_71 = arith.constant 0 : i32
      %dma_wait3A_72 = tpu.memref_slice %arg9[%add3A_63, %dma_wait3A_71] : memref<10240x128xf32, #tpu.memory_space<vmem_shared>> -> memref<128x128xf32, #tpu.memory_space<vmem_shared>>
      tpu.wait_dma2 semaphore(%run_scoped3A : memref<!tpu.dma_semaphore, #tpu.memory_space<semaphore_mem>>) src(%dma_wait3A_72 : memref<128x128xf32, #tpu.memory_space<vmem_shared>>) dst(%arg8 : memref<128x128xf32, #tpu.memory_space<vmem>>)
      tpu.yield
    }) : () -> ()
    %mul3A_64 = arith.constant 10240 : i32
    %mul3A_65 = arith.muli %arg0, %mul3A_64 : i32
    %add3A_66 = arith.addi %mul3A_65, %add3A_63 : i32
    "tpu.region"() ({
      %run_scoped3A = tpu.sem_alloc : memref<!tpu.dma_semaphore, #tpu.memory_space<semaphore_mem>>
      %dma_start3A = arith.constant 0 : i32
      %dma_start3A_67 = tpu.memref_slice %arg5[%add3A_66, %dma_start3A] : memref<20480x128xf32, #tpu.memory_space<hbm>> -> memref<128x128xf32, #tpu.memory_space<hbm>>
      %dma_start3A_68 = arith.constant 0 : i32
      %dma_start3A_69 = tpu.memref_slice %arg5[%add3A_66, %dma_start3A_68] : memref<20480x128xf32, #tpu.memory_space<hbm>> -> memref<128x128xf32, #tpu.memory_space<hbm>>
      tpu.enqueue_dma source(%arg8 : memref<128x128xf32, #tpu.memory_space<vmem>>) target(%dma_start3A_69 : memref<128x128xf32, #tpu.memory_space<hbm>>) target_semaphore(%run_scoped3A : memref<!tpu.dma_semaphore, #tpu.memory_space<semaphore_mem>>)
      %dma_wait3A = arith.constant 0 : i32
      %dma_wait3A_70 = tpu.memref_slice %arg5[%add3A_66, %dma_wait3A] : memref<20480x128xf32, #tpu.memory_space<hbm>> -> memref<128x128xf32, #tpu.memory_space<hbm>>
      %dma_wait3A_71 = arith.constant 0 : i32
      %dma_wait3A_72 = tpu.memref_slice %arg5[%add3A_66, %dma_wait3A_71] : memref<20480x128xf32, #tpu.memory_space<hbm>> -> memref<128x128xf32, #tpu.memory_space<hbm>>
      tpu.wait_dma2 semaphore(%run_scoped3A : memref<!tpu.dma_semaphore, #tpu.memory_space<semaphore_mem>>) src(%arg8 : memref<128x128xf32, #tpu.memory_space<vmem>>) dst(%dma_wait3A_72 : memref<128x128xf32, #tpu.memory_space<hbm>>)
      tpu.yield
    }) : () -> ()
    return
  }
}

module attributes {stable_mosaic.version = 14 : i64} {
  func.func @_post_body(%arg0: i32, %arg1: memref<2x1000x128xf32, #tpu.memory_space<vmem>>, %arg2: memref<1000x1xf32, #tpu.memory_space<vmem>>, %arg3: memref<2x1000x128xf32, #tpu.memory_space<vmem>>, %arg4: memref<256x256xf32, #tpu.memory_space<vmem>>, %arg5: memref<256x256xf32, #tpu.memory_space<vmem>>, %arg6: memref<1x256xf32, #tpu.memory_space<vmem>>, %arg7: memref<1x256xf32, #tpu.memory_space<vmem>>, %arg8: memref<1x256xf32, #tpu.memory_space<vmem>>, %arg9: memref<2x1000x128xf32, #tpu.memory_space<vmem>>) attributes {dimension_semantics = [#tpu.dimension_semantics<arbitrary>], iteration_bounds = array<i64: 10>, scalar_prefetch = 0 : i64, scratch_operands = 0 : i64, tpu.core_type = #tpu.core_type<tc>, window_params = [{transform_indices = @transform_0, window_bounds = array<i64: 2, 1000, 128>}, {transform_indices = @transform_1, window_bounds = array<i64: 1000, 1>}, {transform_indices = @transform_2, window_bounds = array<i64: 2, 1000, 128>}, {pipeline_mode = #tpu.pipeline_mode<synchronous>, transform_indices = @transform_3, window_bounds = array<i64: 256, 256>}, {pipeline_mode = #tpu.pipeline_mode<synchronous>, transform_indices = @transform_4, window_bounds = array<i64: 256, 256>}, {pipeline_mode = #tpu.pipeline_mode<synchronous>, transform_indices = @transform_5, window_bounds = array<i64: 1, 256>}, {pipeline_mode = #tpu.pipeline_mode<synchronous>, transform_indices = @transform_6, window_bounds = array<i64: 1, 256>}, {pipeline_mode = #tpu.pipeline_mode<synchronous>, transform_indices = @transform_7, window_bounds = array<i64: 1, 256>}, {transform_indices = @transform_8, window_bounds = array<i64: 2, 1000, 128>}]} {
    %get3A = arith.constant 0 : index
    %get3A_0 = arith.constant 0 : index
    %get3A_1 = arith.constant 0 : index
    %get3A_2 = vector.load %arg1[%get3A, %get3A_0, %get3A_1] : memref<2x1000x128xf32, #tpu.memory_space<vmem>>, vector<1x1000x128xf32>
    %get3A_3 = vector.shape_cast %get3A_2 : vector<1x1000x128xf32> to vector<1000x128xf32>
    %get3A_4 = arith.constant 1 : index
    %get3A_5 = arith.constant 0 : index
    %get3A_6 = arith.constant 0 : index
    %get3A_7 = vector.load %arg1[%get3A_4, %get3A_5, %get3A_6] : memref<2x1000x128xf32, #tpu.memory_space<vmem>>, vector<1x1000x128xf32>
    %get3A_8 = vector.shape_cast %get3A_7 : vector<1x1000x128xf32> to vector<1000x128xf32>
    %concatenate3A = tpu.concatenate %get3A_3, %get3A_8 in 1 : vector<1000x128xf32>, vector<1000x128xf32> -> vector<1000x256xf32>
    %get3A_9 = arith.constant 0 : index
    %get3A_10 = arith.constant 0 : index
    %get3A_11 = arith.constant 0 : index
    %get3A_12 = vector.load %arg3[%get3A_9, %get3A_10, %get3A_11] : memref<2x1000x128xf32, #tpu.memory_space<vmem>>, vector<1x1000x128xf32>
    %get3A_13 = vector.shape_cast %get3A_12 : vector<1x1000x128xf32> to vector<1000x128xf32>
    %get3A_14 = arith.constant 1 : index
    %get3A_15 = arith.constant 0 : index
    %get3A_16 = arith.constant 0 : index
    %get3A_17 = vector.load %arg3[%get3A_14, %get3A_15, %get3A_16] : memref<2x1000x128xf32, #tpu.memory_space<vmem>>, vector<1x1000x128xf32>
    %get3A_18 = vector.shape_cast %get3A_17 : vector<1x1000x128xf32> to vector<1000x128xf32>
    %concatenate3A_19 = tpu.concatenate %get3A_13, %get3A_18 in 1 : vector<1000x128xf32>, vector<1000x128xf32> -> vector<1000x256xf32>
    %get3A_20 = arith.constant 0 : index
    %get3A_21 = arith.constant 0 : index
    %get3A_22 = vector.load %arg2[%get3A_20, %get3A_21] : memref<1000x1xf32, #tpu.memory_space<vmem>>, vector<1000x1xf32>
    %max3A = arith.constant 1.000000e+00 : f32
    %max3A_23 = vector.broadcast %max3A : f32 to vector<1000x1xf32>
    %max3A_24 = arith.maximumf %get3A_22, %max3A_23 : vector<1000x1xf32>
    %div3A = vector.broadcast %max3A_24 : vector<1000x1xf32> to vector<1000x256xf32>
    %div3A_25 = arith.divf %concatenate3A, %div3A : vector<1000x256xf32>
    %get3A_26 = arith.constant 0 : index
    %get3A_27 = arith.constant 0 : index
    %get3A_28 = vector.load %arg4[%get3A_26, %get3A_27] : memref<256x256xf32, #tpu.memory_space<vmem>>, vector<256x256xf32>
    %dot_general3A = arith.constant dense<0.000000e+00> : vector<1000x256xf32>
    %dot_general3A_29 = tpu.matmul %div3A_25, %get3A_28, %dot_general3A {dimension_numbers = #tpu.dot_dimension_numbers<[1], [0], [0], [1], [0, 0, 1, 1], [], []>, transpose_lhs_hint = false} : vector<1000x256xf32>, vector<256x256xf32>, vector<1000x256xf32> -> vector<1000x256xf32>
    %get3A_30 = arith.constant 0 : index
    %get3A_31 = arith.constant 0 : index
    %get3A_32 = vector.load %arg5[%get3A_30, %get3A_31] : memref<256x256xf32, #tpu.memory_space<vmem>>, vector<256x256xf32>
    %dot_general3A_33 = arith.constant dense<0.000000e+00> : vector<1000x256xf32>
    %dot_general3A_34 = tpu.matmul %concatenate3A_19, %get3A_32, %dot_general3A_33 {dimension_numbers = #tpu.dot_dimension_numbers<[1], [0], [0], [1], [0, 0, 1, 1], [], []>, transpose_lhs_hint = false} : vector<1000x256xf32>, vector<256x256xf32>, vector<1000x256xf32> -> vector<1000x256xf32>
    %add3A = arith.addf %dot_general3A_29, %dot_general3A_34 : vector<1000x256xf32>
    %get3A_35 = arith.constant 0 : index
    %get3A_36 = arith.constant 0 : index
    %get3A_37 = vector.load %arg6[%get3A_35, %get3A_36] : memref<1x256xf32, #tpu.memory_space<vmem>>, vector<1x256xf32>
    %add3A_38 = vector.broadcast %get3A_37 : vector<1x256xf32> to vector<1000x256xf32>
    %add3A_39 = arith.addf %add3A, %add3A_38 : vector<1000x256xf32>
    %reduce_sum3A = arith.constant dense<0.000000e+00> : vector<1000xf32>
    %reduce_sum3A_40 = vector.multi_reduction <add>, %add3A_39, %reduce_sum3A [1] : vector<1000x256xf32> to vector<1000xf32>
    %broadcast_in_dim3A = vector.shape_cast %reduce_sum3A_40 : vector<1000xf32> to vector<1000x1xf32>
    %div3A_41 = arith.constant 2.560000e+02 : f32
    %div3A_42 = vector.broadcast %div3A_41 : f32 to vector<1000x1xf32>
    %div3A_43 = arith.divf %broadcast_in_dim3A, %div3A_42 : vector<1000x1xf32>
    %sub3A = vector.broadcast %div3A_43 : vector<1000x1xf32> to vector<1000x256xf32>
    %sub3A_44 = arith.subf %add3A_39, %sub3A : vector<1000x256xf32>
    %square3A = arith.mulf %sub3A_44, %sub3A_44 : vector<1000x256xf32>
    %reduce_sum3A_45 = arith.constant dense<0.000000e+00> : vector<1000xf32>
    %reduce_sum3A_46 = vector.multi_reduction <add>, %square3A, %reduce_sum3A_45 [1] : vector<1000x256xf32> to vector<1000xf32>
    %broadcast_in_dim3A_47 = vector.shape_cast %reduce_sum3A_46 : vector<1000xf32> to vector<1000x1xf32>
    %div3A_48 = arith.constant 2.560000e+02 : f32
    %div3A_49 = vector.broadcast %div3A_48 : f32 to vector<1000x1xf32>
    %div3A_50 = arith.divf %broadcast_in_dim3A_47, %div3A_49 : vector<1000x1xf32>
    %sub3A_51 = vector.broadcast %div3A_43 : vector<1000x1xf32> to vector<1000x256xf32>
    %sub3A_52 = arith.subf %add3A_39, %sub3A_51 : vector<1000x256xf32>
    %add3A_53 = arith.constant 9.99999974E-6 : f32
    %add3A_54 = vector.broadcast %add3A_53 : f32 to vector<1000x1xf32>
    %add3A_55 = arith.addf %div3A_50, %add3A_54 : vector<1000x1xf32>
    %rsqrt3A = math.rsqrt %add3A_55 : vector<1000x1xf32>
    %mul3A = vector.broadcast %rsqrt3A : vector<1000x1xf32> to vector<1000x256xf32>
    %mul3A_56 = arith.mulf %sub3A_52, %mul3A : vector<1000x256xf32>
    %get3A_57 = arith.constant 0 : index
    %get3A_58 = arith.constant 0 : index
    %get3A_59 = vector.load %arg7[%get3A_57, %get3A_58] : memref<1x256xf32, #tpu.memory_space<vmem>>, vector<1x256xf32>
    %mul3A_60 = vector.broadcast %get3A_59 : vector<1x256xf32> to vector<1000x256xf32>
    %mul3A_61 = arith.mulf %mul3A_56, %mul3A_60 : vector<1000x256xf32>
    %get3A_62 = arith.constant 0 : index
    %get3A_63 = arith.constant 0 : index
    %get3A_64 = vector.load %arg8[%get3A_62, %get3A_63] : memref<1x256xf32, #tpu.memory_space<vmem>>, vector<1x256xf32>
    %add3A_65 = vector.broadcast %get3A_64 : vector<1x256xf32> to vector<1000x256xf32>
    %add3A_66 = arith.addf %mul3A_61, %add3A_65 : vector<1000x256xf32>
    %max3A_67 = arith.constant 0.000000e+00 : f32
    %max3A_68 = vector.broadcast %max3A_67 : f32 to vector<1000x256xf32>
    %max3A_69 = arith.maximumf %add3A_66, %max3A_68 : vector<1000x256xf32>
    %slice3A = vector.extract_strided_slice %max3A_69 {offsets = [0, 0], sizes = [1000, 128], strides = [1, 1]} : vector<1000x256xf32> to vector<1000x128xf32>
    %swap3A = arith.constant 0 : index
    %swap3A_70 = arith.constant 0 : index
    %swap3A_71 = arith.constant 0 : index
    %swap3A_72 = vector.load %arg9[%swap3A, %swap3A_70, %swap3A_71] : memref<2x1000x128xf32, #tpu.memory_space<vmem>>, vector<1x1000x128xf32>
    %swap3A_73 = vector.shape_cast %swap3A_72 : vector<1x1000x128xf32> to vector<1000x128xf32>
    %swap3A_74 = vector.shape_cast %slice3A : vector<1000x128xf32> to vector<1x1000x128xf32>
    tpu.vector_store %arg9[%swap3A, %swap3A_70, %swap3A_71], %swap3A_74 {strides = array<i32>} : memref<2x1000x128xf32, #tpu.memory_space<vmem>>, vector<1x1000x128xf32>,
    %slice3A_75 = vector.extract_strided_slice %max3A_69 {offsets = [0, 128], sizes = [1000, 128], strides = [1, 1]} : vector<1000x256xf32> to vector<1000x128xf32>
    %swap3A_76 = arith.constant 1 : index
    %swap3A_77 = arith.constant 0 : index
    %swap3A_78 = arith.constant 0 : index
    %swap3A_79 = vector.load %arg9[%swap3A_76, %swap3A_77, %swap3A_78] : memref<2x1000x128xf32, #tpu.memory_space<vmem>>, vector<1x1000x128xf32>
    %swap3A_80 = vector.shape_cast %swap3A_79 : vector<1x1000x128xf32> to vector<1000x128xf32>
    %swap3A_81 = vector.shape_cast %slice3A_75 : vector<1000x128xf32> to vector<1x1000x128xf32>
    tpu.vector_store %arg9[%swap3A_76, %swap3A_77, %swap3A_78], %swap3A_81 {strides = array<i32>} : memref<2x1000x128xf32, #tpu.memory_space<vmem>>, vector<1x1000x128xf32>,
    return
  }
  func.func @transform_0(%arg0: i32) -> (i32, i32, i32) {
    %c0_i32 = arith.constant 0 : i32
    %c0_i32_0 = arith.constant 0 : i32
    %c0_i32_1 = arith.constant 0 : i32
    return %c0_i32, %arg0, %c0_i32_0 : i32, i32, i32
  }
  func.func @transform_1(%arg0: i32) -> (i32, i32) {
    %c0_i32 = arith.constant 0 : i32
    %c0_i32_0 = arith.constant 0 : i32
    return %arg0, %c0_i32 : i32, i32
  }
  func.func @transform_2(%arg0: i32) -> (i32, i32, i32) {
    %c0_i32 = arith.constant 0 : i32
    %c0_i32_0 = arith.constant 0 : i32
    %c0_i32_1 = arith.constant 0 : i32
    return %c0_i32, %arg0, %c0_i32_0 : i32, i32, i32
  }
  func.func @transform_3(%arg0: i32) -> (i32, i32) {
    %c0_i32 = arith.constant 0 : i32
    %c0_i32_0 = arith.constant 0 : i32
    %c0_i32_1 = arith.constant 0 : i32
    return %c0_i32, %c0_i32_0 : i32, i32
  }
  func.func @transform_4(%arg0: i32) -> (i32, i32) {
    %c0_i32 = arith.constant 0 : i32
    %c0_i32_0 = arith.constant 0 : i32
    %c0_i32_1 = arith.constant 0 : i32
    return %c0_i32, %c0_i32_0 : i32, i32
  }
  func.func @transform_5(%arg0: i32) -> (i32, i32) {
    %c0_i32 = arith.constant 0 : i32
    %c0_i32_0 = arith.constant 0 : i32
    %c0_i32_1 = arith.constant 0 : i32
    return %c0_i32, %c0_i32_0 : i32, i32
  }
  func.func @transform_6(%arg0: i32) -> (i32, i32) {
    %c0_i32 = arith.constant 0 : i32
    %c0_i32_0 = arith.constant 0 : i32
    %c0_i32_1 = arith.constant 0 : i32
    return %c0_i32, %c0_i32_0 : i32, i32
  }
  func.func @transform_7(%arg0: i32) -> (i32, i32) {
    %c0_i32 = arith.constant 0 : i32
    %c0_i32_0 = arith.constant 0 : i32
    %c0_i32_1 = arith.constant 0 : i32
    return %c0_i32, %c0_i32_0 : i32, i32
  }
  func.func @transform_8(%arg0: i32) -> (i32, i32, i32) {
    %c0_i32 = arith.constant 0 : i32
    %c0_i32_0 = arith.constant 0 : i32
    %c0_i32_1 = arith.constant 0 : i32
    return %c0_i32, %arg0, %c0_i32_0 : i32, i32, i32
  }
}

module attributes {stable_mosaic.version = 14 : i64} {
  func.func @_post_body(%arg0: i32, %arg1: memref<2x1000x128xf32, #tpu.memory_space<vmem>>, %arg2: memref<1000x1xf32, #tpu.memory_space<vmem>>, %arg3: memref<2x1000x128xf32, #tpu.memory_space<vmem>>, %arg4: memref<256x256xf32, #tpu.memory_space<vmem>>, %arg5: memref<256x256xf32, #tpu.memory_space<vmem>>, %arg6: memref<1x256xf32, #tpu.memory_space<vmem>>, %arg7: memref<1x256xf32, #tpu.memory_space<vmem>>, %arg8: memref<1x256xf32, #tpu.memory_space<vmem>>, %arg9: memref<1000x256xf32, #tpu.memory_space<vmem>>) attributes {dimension_semantics = [#tpu.dimension_semantics<arbitrary>], iteration_bounds = array<i64: 10>, scalar_prefetch = 0 : i64, scratch_operands = 0 : i64, tpu.core_type = #tpu.core_type<tc>, window_params = [{transform_indices = @transform_0, window_bounds = array<i64: 2, 1000, 128>}, {transform_indices = @transform_1, window_bounds = array<i64: 1000, 1>}, {transform_indices = @transform_2, window_bounds = array<i64: 2, 1000, 128>}, {pipeline_mode = #tpu.pipeline_mode<synchronous>, transform_indices = @transform_3, window_bounds = array<i64: 256, 256>}, {pipeline_mode = #tpu.pipeline_mode<synchronous>, transform_indices = @transform_4, window_bounds = array<i64: 256, 256>}, {pipeline_mode = #tpu.pipeline_mode<synchronous>, transform_indices = @transform_5, window_bounds = array<i64: 1, 256>}, {pipeline_mode = #tpu.pipeline_mode<synchronous>, transform_indices = @transform_6, window_bounds = array<i64: 1, 256>}, {pipeline_mode = #tpu.pipeline_mode<synchronous>, transform_indices = @transform_7, window_bounds = array<i64: 1, 256>}, {transform_indices = @transform_8, window_bounds = array<i64: 1000, 256>}]} {
    %get3A = arith.constant 0 : index
    %get3A_0 = arith.constant 0 : index
    %get3A_1 = arith.constant 0 : index
    %get3A_2 = vector.load %arg1[%get3A, %get3A_0, %get3A_1] : memref<2x1000x128xf32, #tpu.memory_space<vmem>>, vector<1x1000x128xf32>
    %get3A_3 = vector.shape_cast %get3A_2 : vector<1x1000x128xf32> to vector<1000x128xf32>
    %get3A_4 = arith.constant 1 : index
    %get3A_5 = arith.constant 0 : index
    %get3A_6 = arith.constant 0 : index
    %get3A_7 = vector.load %arg1[%get3A_4, %get3A_5, %get3A_6] : memref<2x1000x128xf32, #tpu.memory_space<vmem>>, vector<1x1000x128xf32>
    %get3A_8 = vector.shape_cast %get3A_7 : vector<1x1000x128xf32> to vector<1000x128xf32>
    %concatenate3A = tpu.concatenate %get3A_3, %get3A_8 in 1 : vector<1000x128xf32>, vector<1000x128xf32> -> vector<1000x256xf32>
    %get3A_9 = arith.constant 0 : index
    %get3A_10 = arith.constant 0 : index
    %get3A_11 = arith.constant 0 : index
    %get3A_12 = vector.load %arg3[%get3A_9, %get3A_10, %get3A_11] : memref<2x1000x128xf32, #tpu.memory_space<vmem>>, vector<1x1000x128xf32>
    %get3A_13 = vector.shape_cast %get3A_12 : vector<1x1000x128xf32> to vector<1000x128xf32>
    %get3A_14 = arith.constant 1 : index
    %get3A_15 = arith.constant 0 : index
    %get3A_16 = arith.constant 0 : index
    %get3A_17 = vector.load %arg3[%get3A_14, %get3A_15, %get3A_16] : memref<2x1000x128xf32, #tpu.memory_space<vmem>>, vector<1x1000x128xf32>
    %get3A_18 = vector.shape_cast %get3A_17 : vector<1x1000x128xf32> to vector<1000x128xf32>
    %concatenate3A_19 = tpu.concatenate %get3A_13, %get3A_18 in 1 : vector<1000x128xf32>, vector<1000x128xf32> -> vector<1000x256xf32>
    %get3A_20 = arith.constant 0 : index
    %get3A_21 = arith.constant 0 : index
    %get3A_22 = vector.load %arg2[%get3A_20, %get3A_21] : memref<1000x1xf32, #tpu.memory_space<vmem>>, vector<1000x1xf32>
    %max3A = arith.constant 1.000000e+00 : f32
    %max3A_23 = vector.broadcast %max3A : f32 to vector<1000x1xf32>
    %max3A_24 = arith.maximumf %get3A_22, %max3A_23 : vector<1000x1xf32>
    %div3A = vector.broadcast %max3A_24 : vector<1000x1xf32> to vector<1000x256xf32>
    %div3A_25 = arith.divf %concatenate3A, %div3A : vector<1000x256xf32>
    %get3A_26 = arith.constant 0 : index
    %get3A_27 = arith.constant 0 : index
    %get3A_28 = vector.load %arg4[%get3A_26, %get3A_27] : memref<256x256xf32, #tpu.memory_space<vmem>>, vector<256x256xf32>
    %dot_general3A = arith.constant dense<0.000000e+00> : vector<1000x256xf32>
    %dot_general3A_29 = tpu.matmul %div3A_25, %get3A_28, %dot_general3A {dimension_numbers = #tpu.dot_dimension_numbers<[1], [0], [0], [1], [0, 0, 1, 1], [], []>, transpose_lhs_hint = false} : vector<1000x256xf32>, vector<256x256xf32>, vector<1000x256xf32> -> vector<1000x256xf32>
    %get3A_30 = arith.constant 0 : index
    %get3A_31 = arith.constant 0 : index
    %get3A_32 = vector.load %arg5[%get3A_30, %get3A_31] : memref<256x256xf32, #tpu.memory_space<vmem>>, vector<256x256xf32>
    %dot_general3A_33 = arith.constant dense<0.000000e+00> : vector<1000x256xf32>
    %dot_general3A_34 = tpu.matmul %concatenate3A_19, %get3A_32, %dot_general3A_33 {dimension_numbers = #tpu.dot_dimension_numbers<[1], [0], [0], [1], [0, 0, 1, 1], [], []>, transpose_lhs_hint = false} : vector<1000x256xf32>, vector<256x256xf32>, vector<1000x256xf32> -> vector<1000x256xf32>
    %add3A = arith.addf %dot_general3A_29, %dot_general3A_34 : vector<1000x256xf32>
    %get3A_35 = arith.constant 0 : index
    %get3A_36 = arith.constant 0 : index
    %get3A_37 = vector.load %arg6[%get3A_35, %get3A_36] : memref<1x256xf32, #tpu.memory_space<vmem>>, vector<1x256xf32>
    %add3A_38 = vector.broadcast %get3A_37 : vector<1x256xf32> to vector<1000x256xf32>
    %add3A_39 = arith.addf %add3A, %add3A_38 : vector<1000x256xf32>
    %reduce_sum3A = arith.constant dense<0.000000e+00> : vector<1000xf32>
    %reduce_sum3A_40 = vector.multi_reduction <add>, %add3A_39, %reduce_sum3A [1] : vector<1000x256xf32> to vector<1000xf32>
    %broadcast_in_dim3A = vector.shape_cast %reduce_sum3A_40 : vector<1000xf32> to vector<1000x1xf32>
    %div3A_41 = arith.constant 2.560000e+02 : f32
    %div3A_42 = vector.broadcast %div3A_41 : f32 to vector<1000x1xf32>
    %div3A_43 = arith.divf %broadcast_in_dim3A, %div3A_42 : vector<1000x1xf32>
    %sub3A = vector.broadcast %div3A_43 : vector<1000x1xf32> to vector<1000x256xf32>
    %sub3A_44 = arith.subf %add3A_39, %sub3A : vector<1000x256xf32>
    %square3A = arith.mulf %sub3A_44, %sub3A_44 : vector<1000x256xf32>
    %reduce_sum3A_45 = arith.constant dense<0.000000e+00> : vector<1000xf32>
    %reduce_sum3A_46 = vector.multi_reduction <add>, %square3A, %reduce_sum3A_45 [1] : vector<1000x256xf32> to vector<1000xf32>
    %broadcast_in_dim3A_47 = vector.shape_cast %reduce_sum3A_46 : vector<1000xf32> to vector<1000x1xf32>
    %div3A_48 = arith.constant 2.560000e+02 : f32
    %div3A_49 = vector.broadcast %div3A_48 : f32 to vector<1000x1xf32>
    %div3A_50 = arith.divf %broadcast_in_dim3A_47, %div3A_49 : vector<1000x1xf32>
    %sub3A_51 = vector.broadcast %div3A_43 : vector<1000x1xf32> to vector<1000x256xf32>
    %sub3A_52 = arith.subf %add3A_39, %sub3A_51 : vector<1000x256xf32>
    %add3A_53 = arith.constant 9.99999974E-6 : f32
    %add3A_54 = vector.broadcast %add3A_53 : f32 to vector<1000x1xf32>
    %add3A_55 = arith.addf %div3A_50, %add3A_54 : vector<1000x1xf32>
    %rsqrt3A = math.rsqrt %add3A_55 : vector<1000x1xf32>
    %mul3A = vector.broadcast %rsqrt3A : vector<1000x1xf32> to vector<1000x256xf32>
    %mul3A_56 = arith.mulf %sub3A_52, %mul3A : vector<1000x256xf32>
    %get3A_57 = arith.constant 0 : index
    %get3A_58 = arith.constant 0 : index
    %get3A_59 = vector.load %arg7[%get3A_57, %get3A_58] : memref<1x256xf32, #tpu.memory_space<vmem>>, vector<1x256xf32>
    %mul3A_60 = vector.broadcast %get3A_59 : vector<1x256xf32> to vector<1000x256xf32>
    %mul3A_61 = arith.mulf %mul3A_56, %mul3A_60 : vector<1000x256xf32>
    %get3A_62 = arith.constant 0 : index
    %get3A_63 = arith.constant 0 : index
    %get3A_64 = vector.load %arg8[%get3A_62, %get3A_63] : memref<1x256xf32, #tpu.memory_space<vmem>>, vector<1x256xf32>
    %add3A_65 = vector.broadcast %get3A_64 : vector<1x256xf32> to vector<1000x256xf32>
    %add3A_66 = arith.addf %mul3A_61, %add3A_65 : vector<1000x256xf32>
    %max3A_67 = arith.constant 0.000000e+00 : f32
    %max3A_68 = vector.broadcast %max3A_67 : f32 to vector<1000x256xf32>
    %max3A_69 = arith.maximumf %add3A_66, %max3A_68 : vector<1000x256xf32>
    %swap3A = arith.constant 0 : index
    %swap3A_70 = arith.constant 0 : index
    %swap3A_71 = vector.load %arg9[%swap3A, %swap3A_70] : memref<1000x256xf32, #tpu.memory_space<vmem>>, vector<1000x256xf32>
    tpu.vector_store %arg9[%swap3A, %swap3A_70], %max3A_69 {strides = array<i32>} : memref<1000x256xf32, #tpu.memory_space<vmem>>, vector<1000x256xf32>,
    return
  }
  func.func @transform_0(%arg0: i32) -> (i32, i32, i32) {
    %c0_i32 = arith.constant 0 : i32
    %c0_i32_0 = arith.constant 0 : i32
    %c0_i32_1 = arith.constant 0 : i32
    return %c0_i32, %arg0, %c0_i32_0 : i32, i32, i32
  }
  func.func @transform_1(%arg0: i32) -> (i32, i32) {
    %c0_i32 = arith.constant 0 : i32
    %c0_i32_0 = arith.constant 0 : i32
    return %arg0, %c0_i32 : i32, i32
  }
  func.func @transform_2(%arg0: i32) -> (i32, i32, i32) {
    %c0_i32 = arith.constant 0 : i32
    %c0_i32_0 = arith.constant 0 : i32
    %c0_i32_1 = arith.constant 0 : i32
    return %c0_i32, %arg0, %c0_i32_0 : i32, i32, i32
  }
  func.func @transform_3(%arg0: i32) -> (i32, i32) {
    %c0_i32 = arith.constant 0 : i32
    %c0_i32_0 = arith.constant 0 : i32
    %c0_i32_1 = arith.constant 0 : i32
    return %c0_i32, %c0_i32_0 : i32, i32
  }
  func.func @transform_4(%arg0: i32) -> (i32, i32) {
    %c0_i32 = arith.constant 0 : i32
    %c0_i32_0 = arith.constant 0 : i32
    %c0_i32_1 = arith.constant 0 : i32
    return %c0_i32, %c0_i32_0 : i32, i32
  }
  func.func @transform_5(%arg0: i32) -> (i32, i32) {
    %c0_i32 = arith.constant 0 : i32
    %c0_i32_0 = arith.constant 0 : i32
    %c0_i32_1 = arith.constant 0 : i32
    return %c0_i32, %c0_i32_0 : i32, i32
  }
  func.func @transform_6(%arg0: i32) -> (i32, i32) {
    %c0_i32 = arith.constant 0 : i32
    %c0_i32_0 = arith.constant 0 : i32
    %c0_i32_1 = arith.constant 0 : i32
    return %c0_i32, %c0_i32_0 : i32, i32
  }
  func.func @transform_7(%arg0: i32) -> (i32, i32) {
    %c0_i32 = arith.constant 0 : i32
    %c0_i32_0 = arith.constant 0 : i32
    %c0_i32_1 = arith.constant 0 : i32
    return %c0_i32, %c0_i32_0 : i32, i32
  }
  func.func @transform_8(%arg0: i32) -> (i32, i32) {
    %c0_i32 = arith.constant 0 : i32
    %c0_i32_0 = arith.constant 0 : i32
    return %arg0, %c0_i32 : i32, i32
  }
}

</mosaic_0001>

<sc_bundles>
// kernel: kernel.10.cloned.1.call-start
scs
__scs_entry_jumppad:
0x0: {  	(pc) =	sbr.rel $0x88, $3  }
0x1: {  	(tag) =	ssettag $0x0;
	lr =	simm.s32 $0x1  }
0x2: {  	[smem:$0x3F89] =	sst lr;
	_ =	strace $0xD0000000  }
0x3: {  	_ = 	snop  }
0x4: {  	_ = 	snop  }
0x5: {  	_ = 	snop  }
0x6: {  	_ = 	snop  }
0x7: {  	_ = 	snop  }
__scs_overlays_trampoline_lowered:
0x8: {  	[smem:$0x3F98] =	sst s0  }
0x9: {  	[smem:$0x3F99] =	sst s1  }
0xa: {  	[smem:$0x3F9A] =	sst s2  }
0xb: {  	[smem:$0x3F9B] =	sst s3  }
0xc: {  	[smem:$0x3F9C] =	sst s4  }
0xd: {  	[smem:$0x3F9D] =	sst s5  }
0xe: {  	[smem:$0x3F9E] =	sst s6  }
0xf: {  	[smem:$0x3F9F] =	sst s7  }
0x10: {  	[smem:$0x3FA0] =	sst s8  }
0x11: {  	[smem:$0x3FA1] =	sst s9;
	s0 =	simm.s32 @!p0 $0x0  }
0x12: {  	s1 =	sld [smem:$0x3F87];
	s0 =	simm.s32 @p0 $0x1  }
0x13: {  	[smem:$0x3FA2] =	sst s0;
	s0 =	simm.s32 @!p1 $0x0  }
0x14: {  	s2 =	sld [smem:$0x3F86];
	s0 =	simm.s32 @p1 $0x1  }
0x15: {  	[smem:$0x3FA3] =	sst s0;
	s0 =	simm.s32 @!p2 $0x0  }
0x16: {  	s3 =	sld [smem:$0x3FDB];
	s0 =	simm.s32 @p2 $0x1  }
0x17: {  	s4 =	simm.s32 $0x1BF5;
	[smem:$0x3FA5] =	sst s0  }
0x18: {  	s0 =	sld [smem:$0x3F88];
	_ =	swait.ge [sflag:s4], $0x0  }
0x19: {  	s7 =	sld [smem:$0x3F89]  }
0x1a: {  	s8 =	sadd.s32 $0xFFFFE003, lr  }
0x1b: {  	s9 =	sadd.s32 $0xFFFFFEF7, lr;
	s5 =	simm.s32 $0xFFFFFFFF;
	p2 =	slt.u32 s8, $0xFFFFF086  }
0x1c: {  	p1 =	slt.u32 s9, $0xF7A;
	s5 =	simm.s32 @!p2 $0x0  }
0x1d: {  	s5 =	simm.s32 @p1 $0x1;
	p0 =	seq.s32 s7, s2  }
0x1e: {  	s7 =	smul.u32 @!p0 $0xF7A, s2;
	p2 =	seq.s32 @!p0 s5, $0x0  }
0x1f: {  	s9 =	smul.u32 $0xF7A, s1;
	s8 =	simm.s32 @!p0 $0x1BF5;
	p2 =	por !p2, p0  }
0x20: {  	[sflag:s8] =	ssyncset.s32 @!p0 $0xFFFFF086;
	s6 =	sadd.s32 @!p0 s3, s7;
	s7 =	simm.s32 @!p0 $0x108  }
0x21: {  	s3 =	sadd.s32 s3, s9;
	s6 =	sadd.s32 @!p0 $0x88, s6;
	s7 =	simm.s32 @p2 $0x1082  }
0x22: {  	[simem:s7], [sflag:s8] =	dma.local @!p0 [hbm:s6], $0xF7A  }
0x23: {  	s9 =	sor.u32 $0xD0000000, s2;
	s6 =	simm.s32 $0x108;
	_ =	swait.ge @!p0 [sflag:s8], $0x0  }
0x24: {  	s3 =	sadd.s32 $0x88, s3;
	s6 =	simm.s32 @!p1 $0x1082;
	[sflag:s4] =	ssyncset.s32 $0xFFFFF086  }
0x25: {  	[simem:s6], [sflag:s4] =	dma.local [hbm:s3], $0xF7A  }
0x26: {  	[smem:$0x3F89] =	sst s1;
	(tag) =	ssettag s2;
	_ =	strace s9  }
0x27: {  	s1 =	sld [smem:$0x3F99]  }
0x28: {  	s2 =	sld [smem:$0x3F9A]  }
0x29: {  	s4 =	sld [smem:$0x3F9C]  }
0x2a: {  	p0 =	seq.s32 s5, $0x0;
	s5 =	sld [smem:$0x3F9D]  }
0x2b: {  	s6 =	sld [smem:$0x3F9E]  }
0x2c: {  	s7 =	sld [smem:$0x3F9F]  }
0x2d: {  	s3 =	simm.s32 $0x108;
	s8 =	sld [smem:$0x3FA0]  }
0x2e: {  	s3 =	simm.s32 @!p0 $0x1082;
	s9 =	sld [smem:$0x3FA1]  }
0x2f: {  	lr =	sadd.s32 s0, s3;
	s0 =	sld [smem:$0x3F98]  }
0x30: {  	s3 =	sld [smem:$0x3F9B]  }
0x31: {  	[smem:$0x3FA4] =	sst s10  }
0x32: {  	s10 =	sld [smem:$0x3FA2];
	_ =	sdelay $0x3  }
0x33: {  	p0 =	seq.s32 s10, $0x1;
	s10 =	sld [smem:$0x3FA4];
	_ =	sdelay $0x3  }
0x34: {  	[smem:$0x3FA4] =	sst s10  }
0x35: {  	s10 =	sld [smem:$0x3FA3];
	_ =	sdelay $0x3  }
0x36: {  	p1 =	seq.s32 s10, $0x1;
	s10 =	sld [smem:$0x3FA4];
	_ =	sdelay $0x3  }
0x37: {  	[smem:$0x3FA4] =	sst s10  }
0x38: {  	s10 =	sld [smem:$0x3FA5]  }
0x39: {  	_ = 	snop;
	(pc) =	sbr.ind lr, $3  }
0x3a: {  	_ = 	snop  }
0x3b: {  	_ = 	snop  }
0x3c: {  	p2 =	seq.s32 s10, $0x1;
	s10 =	sld [smem:$0x3FA4]  }
0x3d: {  	_ =	shalt  }
0x3e: {  	_ =	shalt  }
0x3f: {  	_ =	shalt  }
0x40: {  	_ =	shalt  }
0x41: {  	_ =	shalt  }
0x42: {  	_ =	shalt  }
0x43: {  	_ =	shalt  }
0x44: {  	_ =	shalt  }
0x45: {  	_ =	shalt  }
0x46: {  	_ =	shalt  }
0x47: {  	_ =	shalt  }
0x48: {  	_ =	shalt  }
0x49: {  	_ =	shalt  }
0x4a: {  	_ =	shalt  }
0x4b: {  	_ =	shalt  }
0x4c: {  	_ =	shalt  }
0x4d: {  	_ =	shalt  }
0x4e: {  	_ =	shalt  }
0x4f: {  	_ =	shalt  }
0x50: {  	_ =	shalt  }
0x51: {  	_ =	shalt  }
0x52: {  	_ =	shalt  }
0x53: {  	_ =	shalt  }
0x54: {  	_ =	shalt  }
0x55: {  	_ =	shalt  }
0x56: {  	_ =	shalt  }
0x57: {  	_ =	shalt  }
0x58: {  	_ =	shalt  }
0x59: {  	_ =	shalt  }
0x5a: {  	_ =	shalt  }
0x5b: {  	_ =	shalt  }
0x5c: {  	_ =	shalt  }
0x5d: {  	_ =	shalt  }
0x5e: {  	_ =	shalt  }
0x5f: {  	_ =	shalt  }
0x60: {  	_ =	shalt  }
0x61: {  	_ =	shalt  }
0x62: {  	_ =	shalt  }
0x63: {  	_ =	shalt  }
0x64: {  	_ =	shalt  }
0x65: {  	_ =	shalt  }
0x66: {  	_ =	shalt  }
0x67: {  	_ =	shalt  }
0x68: {  	_ =	shalt  }
0x69: {  	_ =	shalt  }
0x6a: {  	_ =	shalt  }
0x6b: {  	_ =	shalt  }
0x6c: {  	_ =	shalt  }
0x6d: {  	_ =	shalt  }
0x6e: {  	_ =	shalt  }
0x6f: {  	_ =	shalt  }
0x70: {  	_ =	shalt  }
0x71: {  	_ =	shalt  }
0x72: {  	_ =	shalt  }
0x73: {  	_ =	shalt  }
0x74: {  	_ =	shalt  }
0x75: {  	_ =	shalt  }
0x76: {  	_ =	shalt  }
0x77: {  	_ =	shalt  }
0x78: {  	_ =	shalt  }
0x79: {  	_ =	shalt  }
0x7a: {  	_ =	shalt  }
0x7b: {  	_ =	shalt  }
0x7c: {  	_ =	shalt  }
0x7d: {  	_ =	shalt  }
0x7e: {  	_ =	shalt  }
0x7f: {  	_ =	shalt  }
0x80: {  	_ =	shalt  }
0x81: {  	_ =	shalt  }
0x82: {  	_ =	shalt  }
0x83: {  	_ =	shalt  }
0x84: {  	_ =	shalt  }
0x85: {  	_ =	shalt  }
0x86: {  	_ =	shalt  }
0x87: {  	_ =	shalt  }
.Lfunc_end0:
.L_simem_size_0:
called_computation_lowered:
.L_overlay_start_0:
0x88: {  	s2 =	sld [smem:$0x3FD9]  }
0x89: {  	s3 =	sld [smem:$0x3FFE];
	_ =	sdelay $0x1  }
0x8a: {  	s1 =	srdreg.scid  }
0x8b: {  	s0 =	sand.u32 $0x1, s1  }
0x8c: {  	s15 =	sshll.u32 s0, $0xA;
	s2 =	sadd.s32 s3, s2  }
0x8d: {  	s2 =	sadd.s32 s2, s15  }
0x8e: {  	[smem:$0x3FB0] =	sst s2  }
0x8f: {  	_ = 	snop  }
0x90: {  	s2 =	sld [smem:$0x3FD0];
	_ =	sdelay $0x2  }
0x91: {  	s16 =	simm.s32 $0xB;
	s4 =	simm.s32 $0x10  }
0x92: {  	[smem:s4], [sflag:s16] =	dma.local [hbm:s2], $0x1  }
0x93: {  	_ =	swait.eq [sflag:s16], $0x1  }
0x94: {  	[sflag:s16] =	ssyncset.done $0x0  }
0x95: {  	[sflag:s16] =	ssyncadd.s32 $0xFFFFFFFF  }
0x96: {  	s17 =	sld [smem:$0x11];
	(tm) =	ssettm $0x1  }
0x97: {  	s18 =	sld [smem:$0x3FFB];
	_ =	sdelay $0x3  }
0x98: {  	_ =	strace s18  }
0x99: {  	s2 =	sld [smem:$0x3FFC];
	_ =	sdelay $0x3  }
0x9a: {  	_ =	strace s2  }
0x9b: {  	s2 =	sld [smem:$0x3FFD];
	_ =	sdelay $0x3  }
0x9c: {  	_ =	strace s2  }
0x9d: {  	_ =	strace $0x8FFFFFFF  }
0x9e: {  	s19 =	sld [smem:$0x3FDB];
	_ =	sdelay $0x1  }
0x9f: {  	s20 =	simm.s32 $_scs_section_size  }
0xa0: {  	s5 =	simm.s32 $_size__tile_overlayer_lowered;
	s6 =	simm.s32 $_tile_overlayer_lowered  }
0xa1: {  	s7 =	simm.s32 $0x1BFF;
	s21 =	sshll.u32 s6, $0x1;
	s4 =	sadd.s32 s20, s19  }
0xa2: {  	s22 =	simm.s32 $0x0;
	s5 =	sshll.u32 s5, $0x1;
	s6 =	sadd.s32 s21, s4  }
0xa3: {  	[timem:s22], [sflag:s7] =	dma.local [hbm:s6], s5  }
0xa4: {  	_ =	swait.ge [sflag:s7], s5  }
0xa5: {  	s5 =	ssub.s32 $0x0, s5;
	[sflag:s7] =	ssyncset.done $0x0  }
0xa6: {  	[sflag:s7] =	ssyncadd.s32 s5;
	_ =	sdelay $0x1  }
0xa7: {  	s23 =	simm.s32 $0x1B8B  }
0xa8: {  	_ =	swait.ge [sflag:s23], $0x1  }
0xa9: {  	[sflag:s23] =	ssyncset.done $0x0  }
0xaa: {  	[sflag:s23] =	ssyncadd.s32 $0xFFFFFFFF  }
0xab: {  	s5 =	sld [smem:$0x0]  }
0xac: {  	s6 =	sand.u32 $0xFFFFFFFE, s1  }
0xad: {  	p0 =	sne.s32 s1, s6  }
0xae: {  	s6 =	sshll.u32 @p0 s6, $0xE  }
0xaf: {  	s6 =	sadd.s32 @p0 $0x11B8D, s6;
	s7 =	sshll.u32 @p0 s5, $0x11  }
0xb0: {  	s6 =	sor.u32 @p0 s7, s6  }
0xb1: {  	[sflag:s6] =	ssyncadd.remote.s32 @p0 $0x1;
	_ =	sdelay $0x1  }
0xb2: {  	s6 =	simm.s32 @p0 $0x1B8D  }
0xb3: {  	_ =	swait.eq @p0 [sflag:s6], $0x1  }
0xb4: {  	[sflag:s6] =	ssyncadd.s32 @p0 $0xFFFFFFFF  }
0xb5: {  	s7 =	sshll.u32 @!p0 s1, $0xE  }
0xb6: {  	s7 =	sor.u32 @!p0 $0x4000, s7;
	s6 =	simm.s32 @!p0 $0x1B8D  }
0xb7: {  	s5 =	sshll.u32 @!p0 s5, $0x11;
	s7 =	sadd.s32 @!p0 $0x11B8D, s7;
	_ =	swait.eq @!p0 [sflag:s6], $0x1  }
0xb8: {  	s5 =	sor.u32 @!p0 s5, s7;
	[sflag:s6] =	ssyncadd.s32 @!p0 $0xFFFFFFFF  }
0xb9: {  	s25 =	simm.s32 $0x1B8E;
	s24 =	sld [smem:$0x3FFE];
	[sflag:s5] =	ssyncadd.remote.s32 @!p0 $0x1  }
0xba: {  	s26 =	simm.s32 $execute0_lowered;
	[smem:$0x3FD2] =	sst s25  }
0xbb: {  	s6 =	sshll.u32 s26, $0x1;
	_ =	strace $0x80000049;
	[dreg:$0x1] =	wrdreg $0xFFFFFFFF  }
0xbc: {  	s28 =	simm.s32 $_size_execute0_lowered;
	s4 =	sadd.s32 s4, s6;
	[dreg:$0x0] =	wrdreg $0x0  }
0xbd: {  	s6 =	sshll.u32 s28, $0x1;
	[dreg:$0x2] =	wrdreg s4  }
0xbe: {  	[dreg:$0x3] =	wrdreg s6  }
0xbf: {  	[dreg:$0x4] =	wrdreg $0xC0  }
0xc0: {  	_ =	task [dreg:s22], $0x5FFFF  }
0xc1: {  	[dreg:$0x1] =	wrdreg $0xFFFFFFFF  }
0xc2: {  	[dreg:$0x0] =	wrdreg $0x60  }
0xc3: {  	[dreg:$0x2] =	wrdreg s17  }
0xc4: {  	[dreg:$0x3] =	wrdreg s24  }
0xc5: {  	[dreg:$0x4] =	wrdreg $0x44000  }
0xc6: {  	[dreg:$0x5] =	wrdreg $0x184000  }
0xc7: {  	[dreg:$0x6] =	wrdreg $0x9  }
0xc8: {  	_ =	task.clear_ibuf [dreg:s22], $0x7FFFF;
	_ =	strace $0x90000049  }
0xc9: {  	s29 =	simm.s32 $0x9;
	_ =	strace $0x8000004B  }
0xca: {  	_ =	swait.ge [sflag:s29], $0x1  }
0xcb: {  	[sflag:s29] =	ssyncadd.s32 $0xFFFFFFFF  }
0xcc: {  	_ =	strace $0x9000004B  }
0xcd: {  	_ =	sfence  }
0xce: {  	s30 =	sld [smem:$0x0];
	_ =	sdelay $0x2  }
0xcf: {  	s31 =	sshll.u32 s1, $0xD;
	s1 =	sshrl.u32 s1, $0x2  }
0xd0: {  	s4 =	sand.u32 $0x4000, s31;
	s1 =	sadd.s32 s1, s30  }
0xd1: {  	s0 =	sor.u32 s4, s0;
	s1 =	sshll.u32 s1, $0x11  }
0xd2: {  	s0 =	sor.u32 s1, s0  }
0xd3: {  	s0 =	sadd.s32 $0x8F2B, s0  }
0xd4: {  	[sflag:s0] =	ssyncadd.remote.s32 $0x1  }
0xd5: {  	_ =	sfence.sel $0xFFFF  }
0xd6: {  	[dreg:$0x0] =	wrdreg $0xFFFFFFFF;
	(pc) =	sbr.abs _section_cstart, $3  }
0xd7: {  	[dreg:$0x1] =	wrdreg $0xFFFFFFFF  }
0xd8: {  	_ =	task.clear_ibuf [dreg:s22], $0x2FFFF;
	_ =	strace $0x9FFFFFFF  }
0xd9: {  	(tm) =	ssettm $0x7FFFFFFF  }
tec
execute0_lowered:
.L_overlay_start_1:
0x0: {  	(tag) =	ssettag $0x1  }
0x1: {  	s1 =	rddreg [dreg:$0x0]  }
0x2: {  	s0 =	rddreg [dreg:$0x1]  }
0x3: {  	s2 =	rddreg [dreg:$0x2]  }
0x4: {  	s3 =	rddreg [dreg:$0x3];
	s5 =	simm.s32 $0x0;
	s4 =	stileid.u32  }
0x5: {  	s6 =	srdreg.scid;
	s24 =	simm.s32 $0x0;
	[smem:$0x7FF] =	sst s5  }
0x6: {  	s7 =	sshll.u32 s4, $0x4;
	s12 =	smul.u32 $0x280, s4;
	s6 =	sand.u32 $0x1, s6  }
0x7: {  	s17 =	sadd.s32 $0x69A00, s0;
	s10 =	smul.u32 $0x50000, s4;
	_ =	strace $0x8000004A  }
0x8: {  	s21 =	sadd.s32 s7, s0;
	s25 =	ssub.s32 $0x2, s6;
	s20 =	smul.u32 $0x2800, s6  }
0x9: {  	s23 =	smul.u32 $0x2710, s6;
	p0 =	sne.s32 s6, $0x0;
	s8 =	sshrl.u32 s12, $0x3  }
0xa: {  	s9 =	sshrl.u32 s25, $0x1;
	s13 =	sadd.s32 $0x80, s12;
	s26 =	sshrl.u32 s10, $0x2  }
0xb: {  	s15 =	sadd.s32 $0x100, s12;
	s16 =	sadd.s32 $0x180, s12;
	s18 =	sadd.s32 $0x200, s12  }
0xc: {  	s0 =	sadd.s32 s8, s0;
	s19 =	ssub.s32 s25, s9;
	s28 =	sshll.u32 s13, $0x7  }
0xd: {  	s7 =	sadd.s32 s26, s2;
	s29 =	sshll.u32 s15, $0x7;
	s30 =	sshll.u32 s16, $0x7  }
0xe: {  	s11 =	sshll.u32 s18, $0x7;
	s14 =	sadd.s32 s12, s20;
	s12 =	sadd.s32 s12, s3  }
0xf: {  	s22 =	sadd.s32 s20, s13;
	s15 =	sadd.s32 s20, s15;
	s16 =	sadd.s32 s20, s16  }
0x10: {  	s18 =	sadd.s32 s20, s18;
	s20 =	sadd.s32 $0x5F400, s21;
	s21 =	sadd.s32 $0x64400, s21  }
0x11: {  	v0 =	vmov s23;
	s23 =	simm.s32 $0x2;
	s8 =	sadd.s32 s28, s2;
	s9 =	sadd.s32 s29, s2  }
0x12: {  	s10 =	sadd.s32 s30, s2;
	s11 =	sadd.s32 s11, s2;
	s14 =	sshll.u32 s14, $0x4  }
0x13: {  	s31 =	sshll.u32 s22, $0x4;
	s15 =	sshll.u32 s15, $0x4;
	s16 =	sshll.u32 s16, $0x4  }
0x14: {  	s18 =	sshll.u32 s18, $0x4;
	s19 =	smax.u32 s19, $0x1;
	s22 =	simm.s32 $0x100  }
0x15: {  	s13 =	sadd.s32 s17, s14;
	s14 =	sadd.s32 s17, s31;
	s15 =	sadd.s32 s17, s15  }
0x16: {  	v1 =	vimm.f32 $0.0e+00;
	v2 =	vimm.f32 $1.000000000e+00;
	s16 =	sadd.s32 s17, s16;
	s17 =	sadd.s32 s17, s18;
	s18 =	sadd.s32 $0x69400, s0  }
.LBB2_1:
0x17: {  	s0 =	sand.u32 $0xFE00, s5  }
0x18: {  	s25 =	sand.u32 $0x70, s5;
	s26 =	sshrl.u32 s0, $0x2  }
0x19: {  	s0 =	simm.s32 $0x40;
	s26 =	sor.u32 s25, s26;
	s25 =	simm.s32 $0x0  }
.LBB2_2:
0x1a: {  	p1 =	sne.s32 s0, $0xFFC0  }
0x1b: {  	[tilespmem:s26+$0x100] =	vst v1;
	s25 =	sadd.s32 $0x10, s25;
	s26 =	smov.u32 s0;
	s0 =	sadd.s32 $0x40, s0  }
.Ltmp0:
0x1c: {  	(pc) =	sbr.rel @p1 .LBB2_2-.Ltmp0, $4  }
0x1d: {  	_ = 	snop  }
0x1e: {  	s26 =	sand.u32 $0xFE00, s26  }
0x1f: {  	s28 =	sand.u32 $0x70, s25;
	s26 =	sshrl.u32 s26, $0x2  }
0x20: {  	s26 =	sor.u32 s28, s26  }
0x21: {  	[tilespmem:s26+$0x100] =	vst v1  }
0x22: {  	[spmem:s7] =	stream.linear.scatter [tilespmem:s22], [sflag:$0x2], $0x4000, $0x38;
	[tilespmem:$0x18680] =	vst v63  }
0x23: {  	_ =	swait.ge [sflag:s23], $0x4000  }
0x24: {  	[sflag:s23] =	ssyncset.done $0x0  }
0x25: {  	[sflag:s23] =	ssyncadd.s32 $0xFFFFC000  }
0x26: {  	[spmem:s8] =	stream.linear.scatter [tilespmem:s22], [sflag:$0x2], $0x4000, $0x38;
	[tilespmem:$0x18680] =	vst v63  }
0x27: {  	_ =	swait.ge [sflag:s23], $0x4000  }
0x28: {  	[sflag:s23] =	ssyncset.done $0x0  }
0x29: {  	[sflag:s23] =	ssyncadd.s32 $0xFFFFC000  }
0x2a: {  	[spmem:s9] =	stream.linear.scatter [tilespmem:s22], [sflag:$0x2], $0x4000, $0x38;
	[tilespmem:$0x18680] =	vst v63  }
0x2b: {  	_ =	swait.ge [sflag:s23], $0x4000  }
0x2c: {  	[sflag:s23] =	ssyncset.done $0x0  }
0x2d: {  	[sflag:s23] =	ssyncadd.s32 $0xFFFFC000  }
0x2e: {  	[spmem:s10] =	stream.linear.scatter [tilespmem:s22], [sflag:$0x2], $0x4000, $0x38;
	[tilespmem:$0x18680] =	vst v63  }
0x2f: {  	_ =	swait.ge [sflag:s23], $0x4000  }
0x30: {  	[sflag:s23] =	ssyncset.done $0x0  }
0x31: {  	[sflag:s23] =	ssyncadd.s32 $0xFFFFC000  }
0x32: {  	[spmem:s11] =	stream.linear.scatter [tilespmem:s22], [sflag:$0x2], $0x4000, $0x38;
	[tilespmem:$0x18680] =	vst v63  }
0x33: {  	_ =	swait.ge [sflag:s23], $0x4000  }
0x34: {  	[sflag:s23] =	ssyncset.done $0x0  }
0x35: {  	[sflag:s23] =	ssyncadd.s32 $0xFFFFC000  }
0x36: {  	[tilespmem:$0x4100] =	vst v1  }
0x37: {  	[tilespmem:$0x4110] =	vst v1  }
0x38: {  	[tilespmem:$0x4120] =	vst v1  }
0x39: {  	[tilespmem:$0x4130] =	vst v1  }
0x3a: {  	[tilespmem:$0x4140] =	vst v1  }
0x3b: {  	[tilespmem:$0x4150] =	vst v1  }
0x3c: {  	[tilespmem:$0x4160] =	vst v1  }
0x3d: {  	[tilespmem:$0x4170] =	vst v1  }
0x3e: {  	[tilespmem:$0x4180] =	vst v1  }
0x3f: {  	[tilespmem:$0x4190] =	vst v1  }
0x40: {  	[tilespmem:$0x41A0] =	vst v1  }
0x41: {  	[tilespmem:$0x41B0] =	vst v1  }
0x42: {  	[tilespmem:$0x41C0] =	vst v1  }
0x43: {  	[tilespmem:$0x41D0] =	vst v1  }
0x44: {  	[tilespmem:$0x41E0] =	vst v1  }
0x45: {  	[tilespmem:$0x41F0] =	vst v1  }
0x46: {  	[tilespmem:$0x4200] =	vst v1  }
0x47: {  	[tilespmem:$0x4210] =	vst v1  }
0x48: {  	[tilespmem:$0x4220] =	vst v1  }
0x49: {  	[tilespmem:$0x4230] =	vst v1  }
0x4a: {  	[tilespmem:$0x4240] =	vst v1  }
0x4b: {  	[tilespmem:$0x4250] =	vst v1  }
0x4c: {  	[tilespmem:$0x4260] =	vst v1  }
0x4d: {  	[tilespmem:$0x4270] =	vst v1  }
0x4e: {  	[tilespmem:$0x4280] =	vst v1  }
0x4f: {  	[tilespmem:$0x4290] =	vst v1  }
0x50: {  	[tilespmem:$0x42A0] =	vst v1  }
0x51: {  	[tilespmem:$0x42B0] =	vst v1  }
0x52: {  	[tilespmem:$0x42C0] =	vst v1  }
0x53: {  	[tilespmem:$0x42D0] =	vst v1  }
0x54: {  	[tilespmem:$0x42E0] =	vst v1  }
0x55: {  	[tilespmem:$0x42F0] =	vst v1  }
0x56: {  	[tilespmem:$0x4300] =	vst v1  }
0x57: {  	[tilespmem:$0x4310] =	vst v1  }
0x58: {  	[tilespmem:$0x4320] =	vst v1  }
0x59: {  	[tilespmem:$0x4330] =	vst v1  }
0x5a: {  	[tilespmem:$0x4340] =	vst v1  }
0x5b: {  	[tilespmem:$0x4350] =	vst v1  }
0x5c: {  	[tilespmem:$0x4360] =	vst v1  }
0x5d: {  	[tilespmem:$0x4370] =	vst v1  }
0x5e: {  	[tilespmem:$0x4380] =	vst v2  }
0x5f: {  	[tilespmem:$0x4390] =	vst v2  }
0x60: {  	[tilespmem:$0x43A0] =	vst v2  }
0x61: {  	[tilespmem:$0x43B0] =	vst v2  }
0x62: {  	[tilespmem:$0x43C0] =	vst v2  }
0x63: {  	[tilespmem:$0x43D0] =	vst v2  }
0x64: {  	[tilespmem:$0x43E0] =	vst v2  }
0x65: {  	s0 =	simm.s32 @!p0 $0x4100;
	[tilespmem:$0x43F0] =	vst v2  }
0x66: {  	[spmem:s12] =	stream.linear.scatter @!p0 [tilespmem:s0], [sflag:$0x2], $0x280, $0x38;
	[tilespmem:$0x18680] =	vst v63  }
0x67: {  	s0 =	simm.s32 @!p0 $0x2  }
0x68: {  	s30 =	stileid.u32;
	_ =	swait.ge @!p0 [sflag:s0], $0x280  }
0x69: {  	p1 =	sgt.u32 s30, $0x4E1;
	[sflag:s0] =	ssyncset.done @!p0 $0x0  }
0x6a: {  	s28 =	simm.s32 @!p1 $0x0;
	[sflag:s0] =	ssyncadd.s32 @!p0 $0xFFFFFD80  }
0x6b: {  	s25 =	simm.s32 @!p1 $0x3;
	s0 =	sadd.s32 @!p1 $0x0, s21;
	[bflag:$0x0] =	sbarrier.arrive $0xFFFF  }
0x6c: {  	[tilespmem:s28], [sflag:$0x3] =	stream.linear.gather @!p1 [hbm4b:s0+s28], $0x80, $0x38;
	[tilespmem:$0x18680] =	vst v63  }
0x6d: {  	_ =	swait.ge @!p1 [sflag:s25], $0x80  }
0x6e: {  	[sflag:s25] =	ssyncset.done @!p1 $0x0  }
0x6f: {  	s26 =	simm.s32 @!p1 $0x80;
	s0 =	sadd.s32 @!p1 $0x0, s20;
	[sflag:s25] =	ssyncadd.s32 @!p1 $0xFFFFFF80  }
0x70: {  	[tilespmem:s26], [sflag:$0x3] =	stream.linear.gather @!p1 [hbm4b:s0+s28], $0x80, $0x38;
	[tilespmem:$0x18680] =	vst v63  }
0x71: {  	_ =	swait.ge @!p1 [sflag:s25], $0x80  }
0x72: {  	[sflag:s25] =	ssyncset.done @!p1 $0x0  }
0x73: {  	[sflag:s25] =	ssyncadd.s32 @!p1 $0xFFFFFF80  }
0x74: {  	v3 =	vld @!p1 [tilespmem:$0x70]  }
0x75: {  	v4 =	vld @!p1 [tilespmem:$0x30]  }
0x76: {  	v5 =	vld @!p1 [tilespmem:$0x50]  }
0x77: {  	v7 =	vld @!p1 [tilespmem:$0x20]  }
0x78: {  	v6 =	vld @!p1 [tilespmem:$0x60]  }
0x79: {  	v8 =	vld @!p1 [tilespmem:$0x10];
	v3 =	vadd.s32 @!p1 v0, v3  }
0x7a: {  	v9 =	vld @!p1 [tilespmem:$0x40];
	v4 =	vadd.s32 @!p1 v0, v4;
	[tilespmem:$0x70] =	vst @!p1 v3  }
0x7b: {  	v3 =	vld @!p1 [tilespmem:$0x0];
	[tilespmem:$0x30] =	vst @!p1 v4;
	v4 =	vadd.s32 @!p1 v0, v5  }
0x7c: {  	v5 =	vadd.s32 @!p1 v0, v7;
	[tilespmem:$0x50] =	vst @!p1 v4  }
0x7d: {  	v4 =	vadd.s32 @!p1 v0, v6;
	[tilespmem:$0x20] =	vst @!p1 v5  }
0x7e: {  	[tilespmem:$0x60] =	vst @!p1 v4;
	v4 =	vadd.s32 @!p1 v0, v8  }
0x7f: {  	[tilespmem:$0x10] =	vst @!p1 v4;
	v4 =	vadd.s32 @!p1 v0, v9  }
0x80: {  	[tilespmem:$0x40] =	vst @!p1 v4;
	v3 =	vadd.s32 @!p1 v0, v3  }
0x81: {  	s29 =	stileid.u32;
	s31 =	simm.s32 @!p1 $0x100;
	s0 =	simm.s32 @!p1 $0x1;
	[tilespmem:$0x0] =	vst @!p1 v3  }
0x82: {  	[tilespmem:s31], [sflag:$0x1] =	stream.indirect.gather @!p1 [hbm4b:s1+s26], $0x80, s28, s26, $0xb8;
	[tilespmem:$0x18680] =	vst v63  }
0x83: {  	p2 =	sne.s32 @!p1 s6, $0x0;
	s28 =	simm.s32 $0x100;
	_ =	swait.ge @!p1 [sflag:s0], $0x4000  }
.LBB2_4:
0x84: {  	[sflag:s0] =	ssyncset.done @!p1 $0x0  }
0x85: {  	s29 =	sadd.s32 $0x10, s29;
	s4 =	smov.u32 s28;
	s28 =	sadd.s32 $0x100, s28  }
0x86: {  	p3 =	sne.s32 s28, $0x4F00;
	[sflag:s0] =	ssyncadd.s32 @!p1 $0xFFFFC000  }
0x87: {  	[spmem:s2] =	stream.indirect.scatter.add.f32 @!p1 [tilespmem:s31], [sflag:$0x3], $0x80, s26, s26, $0xb8;
	[tilespmem:$0x18680] =	vst v63  }
0x88: {  	p4 =	por p2, p1;
	_ =	swait.ge @!p1 [sflag:s25], $0x4000  }
0x89: {  	s0 =	simm.s32 @!p4 $0x80;
	s26 =	simm.s32 @!p4 $0x4380;
	[sflag:s25] =	ssyncset.done @!p1 $0x0  }
0x8a: {  	s31 =	simm.s32 @!p4 $0x2;
	[sflag:s25] =	ssyncadd.s32 @!p1 $0xFFFFC000;
	p1 =	sgt.u32 s29, $0x4E1  }
0x8b: {  	[spmem:s3] =	stream.indirect.scatter.add.f32 @!p4 [tilespmem:s26], [sflag:$0x2], $0x1, s0, s0, $0xb8;
	[tilespmem:$0x18680] =	vst v63  }
0x8c: {  	s0 =	sadd.s32 @!p1 s4, s21;
	s30 =	simm.s32 @!p1 $0x0;
	_ =	swait.ge @!p4 [sflag:s31], $0x80  }
0x8d: {  	p2 =	sne.s32 @!p1 s6, $0x0;
	s25 =	simm.s32 @!p1 $0x3;
	[sflag:s31] =	ssyncset.done @!p4 $0x0  }
0x8e: {  	[sflag:s31] =	ssyncadd.s32 @!p4 $0xFFFFFF80  }
0x8f: {  	[tilespmem:s30], [sflag:$0x3] =	stream.linear.gather @!p1 [hbm4b:s0+s30], $0x80, $0x38;
	[tilespmem:$0x18680] =	vst v63  }
0x90: {  	s26 =	simm.s32 @!p1 $0x80;
	s0 =	sadd.s32 @!p1 s4, s20;
	_ =	swait.ge @!p1 [sflag:s25], $0x80  }
0x91: {  	[sflag:s25] =	ssyncset.done @!p1 $0x0  }
0x92: {  	[sflag:s25] =	ssyncadd.s32 @!p1 $0xFFFFFF80  }
0x93: {  	[tilespmem:s26], [sflag:$0x3] =	stream.linear.gather @!p1 [hbm4b:s0+s30], $0x80, $0x38;
	[tilespmem:$0x18680] =	vst v63  }
0x94: {  	_ =	swait.ge @!p1 [sflag:s25], $0x80  }
0x95: {  	[sflag:s25] =	ssyncset.done @!p1 $0x0  }
0x96: {  	[sflag:s25] =	ssyncadd.s32 @!p1 $0xFFFFFF80  }
0x97: {  	v3 =	vld @!p1 [tilespmem:$0x70]  }
0x98: {  	v4 =	vld @!p1 [tilespmem:$0x30]  }
0x99: {  	v5 =	vld @!p1 [tilespmem:$0x50]  }
0x9a: {  	v6 =	vld @!p1 [tilespmem:$0x60]  }
0x9b: {  	v7 =	vld @!p1 [tilespmem:$0x20]  }
0x9c: {  	v8 =	vld @!p1 [tilespmem:$0x10];
	v3 =	vadd.s32 @!p1 v0, v3  }
0x9d: {  	v4 =	vadd.s32 @!p1 v0, v4;
	v9 =	vld @!p1 [tilespmem:$0x40];
	[tilespmem:$0x70] =	vst @!p1 v3  }
0x9e: {  	v3 =	vld @!p1 [tilespmem:$0x0];
	[tilespmem:$0x30] =	vst @!p1 v4;
	v4 =	vadd.s32 @!p1 v0, v5  }
0x9f: {  	[tilespmem:$0x50] =	vst @!p1 v4;
	v4 =	vadd.s32 @!p1 v0, v6  }
0xa0: {  	v5 =	vadd.s32 @!p1 v0, v7;
	[tilespmem:$0x60] =	vst @!p1 v4  }
0xa1: {  	v4 =	vadd.s32 @!p1 v0, v8;
	[tilespmem:$0x20] =	vst @!p1 v5  }
.Ltmp1:
0xa2: {  	[tilespmem:$0x10] =	vst @!p1 v4;
	v4 =	vadd.s32 @!p1 v0, v9;
	(pc) =	sbr.rel @p3 .LBB2_4-.Ltmp1, $4  }
0xa3: {  	s31 =	simm.s32 @!p1 $0x100;
	s0 =	simm.s32 @!p1 $0x1;
	v3 =	vadd.s32 @!p1 v0, v3;
	[tilespmem:$0x40] =	vst @!p1 v4  }
0xa4: {  	[tilespmem:$0x0] =	vst @!p1 v3  }
0xa5: {  	[tilespmem:s31], [sflag:$0x1] =	stream.indirect.gather @!p1 [hbm4b:s1+s26], $0x80, s30, s26, $0xb8;
	[tilespmem:$0x18680] =	vst v63  }
0xa6: {  	_ =	swait.ge @!p1 [sflag:s0], $0x4000  }
0xa7: {  	[sflag:s0] =	ssyncset.done @!p1 $0x0  }
0xa8: {  	[sflag:s0] =	ssyncadd.s32 @!p1 $0xFFFFC000  }
0xa9: {  	[spmem:s2] =	stream.indirect.scatter.add.f32 @!p1 [tilespmem:s31], [sflag:$0x3], $0x80, s26, s26, $0xb8;
	[tilespmem:$0x18680] =	vst v63  }
0xaa: {  	p2 =	por p2, p1;
	_ =	swait.ge @!p1 [sflag:s25], $0x4000  }
0xab: {  	s0 =	simm.s32 @!p2 $0x80;
	[sflag:s25] =	ssyncset.done @!p1 $0x0  }
0xac: {  	s4 =	simm.s32 @!p2 $0x4380;
	[sflag:s25] =	ssyncadd.s32 @!p1 $0xFFFFC000;
	s25 =	simm.s32 @!p2 $0x2  }
0xad: {  	[spmem:s3] =	stream.indirect.scatter.add.f32 @!p2 [tilespmem:s4], [sflag:$0x2], $0x1, s0, s0, $0xb8;
	[tilespmem:$0x18680] =	vst v63  }
0xae: {  	_ =	swait.ge @!p2 [sflag:s25], $0x80  }
0xaf: {  	[sflag:s25] =	ssyncset.done @!p2 $0x0  }
0xb0: {  	[sflag:s25] =	ssyncadd.s32 @!p2 $0xFFFFFF80  }
0xb1: {  	[bflag:$0x0] =	sbarrier.arrive $0xFFFF  }
0xb2: {  	[tilespmem:s22], [sflag:$0x2] =	stream.linear.gather [spmem:s7], $0x4000, $0x38;
	[tilespmem:$0x18680] =	vst v63  }
0xb3: {  	_ =	swait.ge [sflag:s23], $0x4000  }
0xb4: {  	[sflag:s23] =	ssyncset.done $0x0  }
0xb5: {  	[sflag:s23] =	ssyncadd.s32 $0xFFFFC000  }
0xb6: {  	[hbm4b:s13+s5] =	stream.linear.scatter [tilespmem:s22], [sflag:$0x2], $0x4000, $0x38;
	[tilespmem:$0x18680] =	vst v63  }
0xb7: {  	_ =	swait.ge [sflag:s23], $0x4000  }
0xb8: {  	[sflag:s23] =	ssyncset.done $0x0  }
0xb9: {  	[sflag:s23] =	ssyncadd.s32 $0xFFFFC000  }
0xba: {  	[tilespmem:s22], [sflag:$0x2] =	stream.linear.gather [spmem:s8], $0x4000, $0x38;
	[tilespmem:$0x18680] =	vst v63  }
0xbb: {  	_ =	swait.ge [sflag:s23], $0x4000  }
0xbc: {  	[sflag:s23] =	ssyncset.done $0x0  }
0xbd: {  	[sflag:s23] =	ssyncadd.s32 $0xFFFFC000  }
0xbe: {  	[hbm4b:s14+s5] =	stream.linear.scatter [tilespmem:s22], [sflag:$0x2], $0x4000, $0x38;
	[tilespmem:$0x18680] =	vst v63  }
0xbf: {  	_ =	swait.ge [sflag:s23], $0x4000  }
0xc0: {  	[sflag:s23] =	ssyncset.done $0x0  }
0xc1: {  	[sflag:s23] =	ssyncadd.s32 $0xFFFFC000  }
0xc2: {  	[tilespmem:s22], [sflag:$0x2] =	stream.linear.gather [spmem:s9], $0x4000, $0x38;
	[tilespmem:$0x18680] =	vst v63  }
0xc3: {  	_ =	swait.ge [sflag:s23], $0x4000  }
0xc4: {  	[sflag:s23] =	ssyncset.done $0x0  }
0xc5: {  	[sflag:s23] =	ssyncadd.s32 $0xFFFFC000  }
0xc6: {  	[hbm4b:s15+s5] =	stream.linear.scatter [tilespmem:s22], [sflag:$0x2], $0x4000, $0x38;
	[tilespmem:$0x18680] =	vst v63  }
0xc7: {  	_ =	swait.ge [sflag:s23], $0x4000  }
0xc8: {  	[sflag:s23] =	ssyncset.done $0x0  }
0xc9: {  	[sflag:s23] =	ssyncadd.s32 $0xFFFFC000  }
0xca: {  	[tilespmem:s22], [sflag:$0x2] =	stream.linear.gather [spmem:s10], $0x4000, $0x38;
	[tilespmem:$0x18680] =	vst v63  }
0xcb: {  	_ =	swait.ge [sflag:s23], $0x4000  }
0xcc: {  	[sflag:s23] =	ssyncset.done $0x0  }
0xcd: {  	[sflag:s23] =	ssyncadd.s32 $0xFFFFC000  }
0xce: {  	[hbm4b:s16+s5] =	stream.linear.scatter [tilespmem:s22], [sflag:$0x2], $0x4000, $0x38;
	[tilespmem:$0x18680] =	vst v63  }
0xcf: {  	_ =	swait.ge [sflag:s23], $0x4000  }
0xd0: {  	[sflag:s23] =	ssyncset.done $0x0  }
0xd1: {  	[sflag:s23] =	ssyncadd.s32 $0xFFFFC000  }
0xd2: {  	[tilespmem:s22], [sflag:$0x2] =	stream.linear.gather [spmem:s11], $0x4000, $0x38;
	[tilespmem:$0x18680] =	vst v63  }
0xd3: {  	_ =	swait.ge [sflag:s23], $0x4000  }
0xd4: {  	[sflag:s23] =	ssyncset.done $0x0  }
0xd5: {  	[sflag:s23] =	ssyncadd.s32 $0xFFFFC000  }
0xd6: {  	[hbm4b:s17+s5] =	stream.linear.scatter [tilespmem:s22], [sflag:$0x2], $0x4000, $0x38;
	[tilespmem:$0x18680] =	vst v63  }
0xd7: {  	_ =	swait.ge [sflag:s23], $0x4000  }
0xd8: {  	[sflag:s23] =	ssyncset.done $0x0  }
0xd9: {  	s0 =	simm.s32 @!p0 $0x4100;
	s4 =	simm.s32 @!p0 $0x2;
	[sflag:s23] =	ssyncadd.s32 $0xFFFFC000  }
0xda: {  	[tilespmem:s0], [sflag:$0x2] =	stream.linear.gather @!p0 [spmem:s12], $0x280, $0x38;
	[tilespmem:$0x18680] =	vst v63  }
0xdb: {  	s24 =	sadd.s32 $0x1, s24;
	_ =	swait.ge @!p0 [sflag:s4], $0x280  }
0xdc: {  	p1 =	sne.s32 s24, s19;
	[sflag:s4] =	ssyncset.done @!p0 $0x0  }
.Ltmp2:
0xdd: {  	s25 =	simm.s32 @!p0 $0x0;
	[sflag:s4] =	ssyncadd.s32 @!p0 $0xFFFFFD80;
	(pc) =	sbr.rel @p1 .LBB2_1-.Ltmp2, $4  }
0xde: {  	[hbm4b:s18+s25] =	stream.linear.scatter @!p0 [tilespmem:s0], [sflag:$0x2], $0x280, $0x38;
	[tilespmem:$0x18680] =	vst v63  }
0xdf: {  	_ =	swait.ge @!p0 [sflag:s4], $0x280  }
0xe0: {  	[sflag:s4] =	ssyncset.done @!p0 $0x0  }
0xe1: {  	[sflag:s4] =	ssyncadd.s32 @!p0 $0xFFFFFD80  }
0xe2: {  	_ =	sfence.sel $0x180000  }
0xe3: {  	[bflag:$0x0] =	sbarrier.arrive $0xFFFF  }
0xe4: {  	_ =	strace $0x9000004A  }
0xe5: {  	s0 =	stileid.u32;
	[bflag:$0x2] =	sbarrier.arrive $0xFFFF  }
0xe6: {  	p0 =	sne.s32 s0, $0x0;
	s0 =	rddreg [dreg:$0x4]  }
0xe7: {  	s0 =	sadd.s32 @!p0 $0x100000, s0  }
0xe8: {  	[sflag:s0] =	ssyncadd.tile.s32 @!p0 $0x1;
	_ =	shalt  }
.Lfunc_end2:
_tile_overlayer_lowered:
.L_overlay_start_2:
0xe9: {  	(tag) =	ssettag $0x2  }
0xea: {  	s0 =	rddreg [dreg:$0x0];
	s2 =	stileid.u32  }
0xeb: {  	s1 =	rddreg [dreg:$0x1];
	p0 =	sne.s32 s2, $0x0  }
0xec: {  	s3 =	rddreg [dreg:$0x2];
	[bflag:$0x3] =	sbarrier.arrive $0xFFFF;
	s2 =	simm.s32 @!p0 $0x1C02  }
0xed: {  	[timem:s3], [sflag:s2] =	dma.local @!p0 [hbm:s0], s1  }
0xee: {  	s0 =	simm.s32 @!p0 $0x2  }
0xef: {  	_ =	swait.ge @!p0 [sflag:s0], s1  }
0xf0: {  	s1 =	ssub.s32 @!p0 $0x0, s1;
	[sflag:s0] =	ssyncset.done @!p0 $0x0  }
0xf1: {  	[sflag:s0] =	ssyncadd.s32 @!p0 s1  }
0xf2: {  	[bflag:$0x3] =	sbarrier.arrive $0xFFFF  }
0xf3: {  	_ =	shalt  }

// kernel: kernel.13.cloned.1.call-start
scs
__scs_entry_jumppad:
0x0: {  	(pc) =	sbr.rel $0x88, $3  }
0x1: {  	(tag) =	ssettag $0x0;
	lr =	simm.s32 $0x1  }
0x2: {  	[smem:$0x3F89] =	sst lr;
	_ =	strace $0xD0000000  }
0x3: {  	_ = 	snop  }
0x4: {  	_ = 	snop  }
0x5: {  	_ = 	snop  }
0x6: {  	_ = 	snop  }
0x7: {  	_ = 	snop  }
__scs_overlays_trampoline_lowered:
0x8: {  	[smem:$0x3F98] =	sst s0  }
0x9: {  	[smem:$0x3F99] =	sst s1  }
0xa: {  	[smem:$0x3F9A] =	sst s2  }
0xb: {  	[smem:$0x3F9B] =	sst s3  }
0xc: {  	[smem:$0x3F9C] =	sst s4  }
0xd: {  	[smem:$0x3F9D] =	sst s5  }
0xe: {  	[smem:$0x3F9E] =	sst s6  }
0xf: {  	[smem:$0x3F9F] =	sst s7  }
0x10: {  	[smem:$0x3FA0] =	sst s8  }
0x11: {  	[smem:$0x3FA1] =	sst s9;
	s0 =	simm.s32 @!p0 $0x0  }
0x12: {  	s1 =	sld [smem:$0x3F87];
	s0 =	simm.s32 @p0 $0x1  }
0x13: {  	[smem:$0x3FA2] =	sst s0;
	s0 =	simm.s32 @!p1 $0x0  }
0x14: {  	s2 =	sld [smem:$0x3F86];
	s0 =	simm.s32 @p1 $0x1  }
0x15: {  	[smem:$0x3FA3] =	sst s0;
	s0 =	simm.s32 @!p2 $0x0  }
0x16: {  	s3 =	sld [smem:$0x3FDB];
	s0 =	simm.s32 @p2 $0x1  }
0x17: {  	s4 =	simm.s32 $0x1BF5;
	[smem:$0x3FA5] =	sst s0  }
0x18: {  	s0 =	sld [smem:$0x3F88];
	_ =	swait.ge [sflag:s4], $0x0  }
0x19: {  	s7 =	sld [smem:$0x3F89]  }
0x1a: {  	s8 =	sadd.s32 $0xFFFFE003, lr  }
0x1b: {  	s9 =	sadd.s32 $0xFFFFFEF7, lr;
	s5 =	simm.s32 $0xFFFFFFFF;
	p2 =	slt.u32 s8, $0xFFFFF086  }
0x1c: {  	p1 =	slt.u32 s9, $0xF7A;
	s5 =	simm.s32 @!p2 $0x0  }
0x1d: {  	s5 =	simm.s32 @p1 $0x1;
	p0 =	seq.s32 s7, s2  }
0x1e: {  	s7 =	smul.u32 @!p0 $0xF7A, s2;
	p2 =	seq.s32 @!p0 s5, $0x0  }
0x1f: {  	s9 =	smul.u32 $0xF7A, s1;
	s8 =	simm.s32 @!p0 $0x1BF5;
	p2 =	por !p2, p0  }
0x20: {  	[sflag:s8] =	ssyncset.s32 @!p0 $0xFFFFF086;
	s6 =	sadd.s32 @!p0 s3, s7;
	s7 =	simm.s32 @!p0 $0x108  }
0x21: {  	s3 =	sadd.s32 s3, s9;
	s6 =	sadd.s32 @!p0 $0x88, s6;
	s7 =	simm.s32 @p2 $0x1082  }
0x22: {  	[simem:s7], [sflag:s8] =	dma.local @!p0 [hbm:s6], $0xF7A  }
0x23: {  	s9 =	sor.u32 $0xD0000000, s2;
	s6 =	simm.s32 $0x108;
	_ =	swait.ge @!p0 [sflag:s8], $0x0  }
0x24: {  	s3 =	sadd.s32 $0x88, s3;
	s6 =	simm.s32 @!p1 $0x1082;
	[sflag:s4] =	ssyncset.s32 $0xFFFFF086  }
0x25: {  	[simem:s6], [sflag:s4] =	dma.local [hbm:s3], $0xF7A  }
0x26: {  	[smem:$0x3F89] =	sst s1;
	(tag) =	ssettag s2;
	_ =	strace s9  }
0x27: {  	s1 =	sld [smem:$0x3F99]  }
0x28: {  	s2 =	sld [smem:$0x3F9A]  }
0x29: {  	s4 =	sld [smem:$0x3F9C]  }
0x2a: {  	p0 =	seq.s32 s5, $0x0;
	s5 =	sld [smem:$0x3F9D]  }
0x2b: {  	s6 =	sld [smem:$0x3F9E]  }
0x2c: {  	s7 =	sld [smem:$0x3F9F]  }
0x2d: {  	s3 =	simm.s32 $0x108;
	s8 =	sld [smem:$0x3FA0]  }
0x2e: {  	s3 =	simm.s32 @!p0 $0x1082;
	s9 =	sld [smem:$0x3FA1]  }
0x2f: {  	lr =	sadd.s32 s0, s3;
	s0 =	sld [smem:$0x3F98]  }
0x30: {  	s3 =	sld [smem:$0x3F9B]  }
0x31: {  	[smem:$0x3FA4] =	sst s10  }
0x32: {  	s10 =	sld [smem:$0x3FA2];
	_ =	sdelay $0x3  }
0x33: {  	p0 =	seq.s32 s10, $0x1;
	s10 =	sld [smem:$0x3FA4];
	_ =	sdelay $0x3  }
0x34: {  	[smem:$0x3FA4] =	sst s10  }
0x35: {  	s10 =	sld [smem:$0x3FA3];
	_ =	sdelay $0x3  }
0x36: {  	p1 =	seq.s32 s10, $0x1;
	s10 =	sld [smem:$0x3FA4];
	_ =	sdelay $0x3  }
0x37: {  	[smem:$0x3FA4] =	sst s10  }
0x38: {  	s10 =	sld [smem:$0x3FA5]  }
0x39: {  	_ = 	snop;
	(pc) =	sbr.ind lr, $3  }
0x3a: {  	_ = 	snop  }
0x3b: {  	_ = 	snop  }
0x3c: {  	p2 =	seq.s32 s10, $0x1;
	s10 =	sld [smem:$0x3FA4]  }
0x3d: {  	_ =	shalt  }
0x3e: {  	_ =	shalt  }
0x3f: {  	_ =	shalt  }
0x40: {  	_ =	shalt  }
0x41: {  	_ =	shalt  }
0x42: {  	_ =	shalt  }
0x43: {  	_ =	shalt  }
0x44: {  	_ =	shalt  }
0x45: {  	_ =	shalt  }
0x46: {  	_ =	shalt  }
0x47: {  	_ =	shalt  }
0x48: {  	_ =	shalt  }
0x49: {  	_ =	shalt  }
0x4a: {  	_ =	shalt  }
0x4b: {  	_ =	shalt  }
0x4c: {  	_ =	shalt  }
0x4d: {  	_ =	shalt  }
0x4e: {  	_ =	shalt  }
0x4f: {  	_ =	shalt  }
0x50: {  	_ =	shalt  }
0x51: {  	_ =	shalt  }
0x52: {  	_ =	shalt  }
0x53: {  	_ =	shalt  }
0x54: {  	_ =	shalt  }
0x55: {  	_ =	shalt  }
0x56: {  	_ =	shalt  }
0x57: {  	_ =	shalt  }
0x58: {  	_ =	shalt  }
0x59: {  	_ =	shalt  }
0x5a: {  	_ =	shalt  }
0x5b: {  	_ =	shalt  }
0x5c: {  	_ =	shalt  }
0x5d: {  	_ =	shalt  }
0x5e: {  	_ =	shalt  }
0x5f: {  	_ =	shalt  }
0x60: {  	_ =	shalt  }
0x61: {  	_ =	shalt  }
0x62: {  	_ =	shalt  }
0x63: {  	_ =	shalt  }
0x64: {  	_ =	shalt  }
0x65: {  	_ =	shalt  }
0x66: {  	_ =	shalt  }
0x67: {  	_ =	shalt  }
0x68: {  	_ =	shalt  }
0x69: {  	_ =	shalt  }
0x6a: {  	_ =	shalt  }
0x6b: {  	_ =	shalt  }
0x6c: {  	_ =	shalt  }
0x6d: {  	_ =	shalt  }
0x6e: {  	_ =	shalt  }
0x6f: {  	_ =	shalt  }
0x70: {  	_ =	shalt  }
0x71: {  	_ =	shalt  }
0x72: {  	_ =	shalt  }
0x73: {  	_ =	shalt  }
0x74: {  	_ =	shalt  }
0x75: {  	_ =	shalt  }
0x76: {  	_ =	shalt  }
0x77: {  	_ =	shalt  }
0x78: {  	_ =	shalt  }
0x79: {  	_ =	shalt  }
0x7a: {  	_ =	shalt  }
0x7b: {  	_ =	shalt  }
0x7c: {  	_ =	shalt  }
0x7d: {  	_ =	shalt  }
0x7e: {  	_ =	shalt  }
0x7f: {  	_ =	shalt  }
0x80: {  	_ =	shalt  }
0x81: {  	_ =	shalt  }
0x82: {  	_ =	shalt  }
0x83: {  	_ =	shalt  }
0x84: {  	_ =	shalt  }
0x85: {  	_ =	shalt  }
0x86: {  	_ =	shalt  }
0x87: {  	_ =	shalt  }
.Lfunc_end0:
.L_simem_size_0:
called_computation.1_lowered:
.L_overlay_start_0:
0x88: {  	s2 =	sld [smem:$0x3FD9]  }
0x89: {  	s3 =	sld [smem:$0x3FFE];
	_ =	sdelay $0x1  }
0x8a: {  	s1 =	srdreg.scid  }
0x8b: {  	s0 =	sand.u32 $0x1, s1  }
0x8c: {  	s14 =	sshll.u32 s0, $0xA;
	s2 =	sadd.s32 s3, s2  }
0x8d: {  	s2 =	sadd.s32 s2, s14  }
0x8e: {  	[smem:$0x3FB0] =	sst s2  }
0x8f: {  	_ = 	snop  }
0x90: {  	s2 =	sld [smem:$0x3FD0];
	_ =	sdelay $0x2  }
0x91: {  	s15 =	simm.s32 $0xB;
	s4 =	simm.s32 $0x10  }
0x92: {  	[smem:s4], [sflag:s15] =	dma.local [hbm:s2], $0x1  }
0x93: {  	_ =	swait.eq [sflag:s15], $0x1  }
0x94: {  	[sflag:s15] =	ssyncset.done $0x0  }
0x95: {  	[sflag:s15] =	ssyncadd.s32 $0xFFFFFFFF  }
0x96: {  	s16 =	sld [smem:$0x10];
	(tm) =	ssettm $0x1  }
0x97: {  	s17 =	sld [smem:$0x3FFB];
	_ =	sdelay $0x3  }
0x98: {  	_ =	strace s17  }
0x99: {  	s3 =	sld [smem:$0x3FFC];
	_ =	sdelay $0x3  }
0x9a: {  	_ =	strace s3  }
0x9b: {  	s3 =	sld [smem:$0x3FFD];
	_ =	sdelay $0x3  }
0x9c: {  	_ =	strace s3  }
0x9d: {  	_ =	strace $0x8FFFFFFF  }
0x9e: {  	s18 =	sld [smem:$0x3FDB];
	_ =	sdelay $0x1  }
0x9f: {  	s19 =	simm.s32 $_scs_section_size  }
0xa0: {  	s5 =	simm.s32 $_size__tile_overlayer_lowered;
	s6 =	simm.s32 $_tile_overlayer_lowered  }
0xa1: {  	s22 =	simm.s32 $0x1BFF;
	s21 =	sshll.u32 s6, $0x1;
	s3 =	sadd.s32 s19, s18  }
0xa2: {  	s7 =	simm.s32 $0x0;
	s20 =	sshll.u32 s5, $0x1;
	s5 =	sadd.s32 s21, s3  }
0xa3: {  	[timem:s7], [sflag:s22] =	dma.local [hbm:s5], s20  }
0xa4: {  	_ =	swait.ge [sflag:s22], s20  }
0xa5: {  	s4 =	ssub.s32 $0x0, s20;
	[sflag:s22] =	ssyncset.done $0x0  }
0xa6: {  	[sflag:s22] =	ssyncadd.s32 s4;
	_ =	sdelay $0x1  }
0xa7: {  	s23 =	simm.s32 $0x1B8B  }
0xa8: {  	_ =	swait.ge [sflag:s23], $0x1  }
0xa9: {  	[sflag:s23] =	ssyncset.done $0x0  }
0xaa: {  	s25 =	simm.s32 $0x1B8E;
	s24 =	sld [smem:$0x3FFE];
	[sflag:s23] =	ssyncadd.s32 $0xFFFFFFFF  }
0xab: {  	s26 =	simm.s32 $execute0_lowered;
	[smem:$0x3FD2] =	sst s25  }
0xac: {  	s5 =	sshll.u32 s26, $0x1;
	_ =	strace $0x80000046;
	[dreg:$0x1] =	wrdreg $0xFFFFFFFF  }
0xad: {  	s28 =	simm.s32 $_size_execute0_lowered;
	s3 =	sadd.s32 s3, s5;
	[dreg:$0x0] =	wrdreg $0x0  }
0xae: {  	s5 =	sshll.u32 s28, $0x1;
	[dreg:$0x2] =	wrdreg s3  }
0xaf: {  	[dreg:$0x3] =	wrdreg s5  }
0xb0: {  	[dreg:$0x4] =	wrdreg $0xC0  }
0xb1: {  	_ =	task [dreg:s7], $0x5FFFF  }
0xb2: {  	[dreg:$0x1] =	wrdreg $0xFFFFFFFF  }
0xb3: {  	[dreg:$0x0] =	wrdreg $0x60  }
0xb4: {  	[dreg:$0x2] =	wrdreg s16  }
0xb5: {  	[dreg:$0x3] =	wrdreg s24  }
0xb6: {  	[dreg:$0x4] =	wrdreg $0x44000  }
0xb7: {  	[dreg:$0x5] =	wrdreg $0x184000  }
0xb8: {  	[dreg:$0x6] =	wrdreg $0xA  }
0xb9: {  	_ =	task.clear_ibuf [dreg:s7], $0x7FFFF;
	_ =	strace $0x90000046  }
0xba: {  	s29 =	simm.s32 $0xA;
	_ =	strace $0x80000048  }
0xbb: {  	_ =	swait.ge [sflag:s29], $0x1  }
0xbc: {  	[sflag:s29] =	ssyncadd.s32 $0xFFFFFFFF  }
0xbd: {  	_ =	strace $0x90000048  }
0xbe: {  	_ =	sfence  }
0xbf: {  	s30 =	sld [smem:$0x0];
	_ =	sdelay $0x2  }
0xc0: {  	s31 =	sshll.u32 s1, $0xD;
	s1 =	sshrl.u32 s1, $0x2  }
0xc1: {  	s3 =	sand.u32 $0x4000, s31;
	s1 =	sadd.s32 s1, s30  }
0xc2: {  	s0 =	sor.u32 s3, s0;
	s1 =	sshll.u32 s1, $0x11  }
0xc3: {  	s0 =	sor.u32 s1, s0  }
0xc4: {  	s0 =	sadd.s32 $0x8F2B, s0  }
0xc5: {  	[sflag:s0] =	ssyncadd.remote.s32 $0x1  }
0xc6: {  	_ =	sfence.sel $0xFFFF  }
0xc7: {  	[dreg:$0x0] =	wrdreg $0xFFFFFFFF;
	(pc) =	sbr.abs _section_cstart, $3  }
0xc8: {  	[dreg:$0x1] =	wrdreg $0xFFFFFFFF  }
0xc9: {  	_ =	task.clear_ibuf [dreg:s7], $0x2FFFF;
	_ =	strace $0x9FFFFFFF  }
0xca: {  	(tm) =	ssettm $0x7FFFFFFF  }
0xcb: {  	_ =	shalt  }
tec
execute0_lowered:
.L_overlay_start_1:
0x0: {  	(tag) =	ssettag $0x1  }
0x1: {  	s1 =	rddreg [dreg:$0x0]  }
0x2: {  	s0 =	rddreg [dreg:$0x1]  }
0x3: {  	s2 =	rddreg [dreg:$0x2]  }
0x4: {  	s3 =	rddreg [dreg:$0x3];
	s5 =	simm.s32 $0x0;
	s4 =	stileid.u32  }
0x5: {  	s6 =	srdreg.scid;
	s24 =	simm.s32 $0x0;
	[smem:$0x7FF] =	sst s5  }
0x6: {  	s7 =	sshll.u32 s4, $0x4;
	s12 =	smul.u32 $0x280, s4;
	s6 =	sand.u32 $0x1, s6  }
0x7: {  	s17 =	sadd.s32 $0xF400, s0;
	s10 =	smul.u32 $0x50000, s4;
	_ =	strace $0x80000047  }
0x8: {  	s21 =	sadd.s32 s7, s0;
	s25 =	ssub.s32 $0x2, s6;
	s20 =	smul.u32 $0x2800, s6  }
0x9: {  	s23 =	smul.u32 $0x2710, s6;
	p0 =	sne.s32 s6, $0x0;
	s8 =	sshrl.u32 s12, $0x3  }
0xa: {  	s9 =	sshrl.u32 s25, $0x1;
	s13 =	sadd.s32 $0x80, s12;
	s26 =	sshrl.u32 s10, $0x2  }
0xb: {  	s15 =	sadd.s32 $0x100, s12;
	s16 =	sadd.s32 $0x180, s12;
	s18 =	sadd.s32 $0x200, s12  }
0xc: {  	s0 =	sadd.s32 s8, s0;
	s19 =	ssub.s32 s25, s9;
	s28 =	sshll.u32 s13, $0x7  }
0xd: {  	s7 =	sadd.s32 s26, s2;
	s29 =	sshll.u32 s15, $0x7;
	s30 =	sshll.u32 s16, $0x7  }
0xe: {  	s11 =	sshll.u32 s18, $0x7;
	s14 =	sadd.s32 s12, s20;
	s12 =	sadd.s32 s12, s3  }
0xf: {  	s22 =	sadd.s32 s20, s13;
	s15 =	sadd.s32 s20, s15;
	s16 =	sadd.s32 s20, s16  }
0x10: {  	s18 =	sadd.s32 s20, s18;
	s20 =	sadd.s32 $0x4E00, s21;
	s21 =	sadd.s32 $0x9E00, s21  }
0x11: {  	v0 =	vmov s23;
	s23 =	simm.s32 $0x2;
	s8 =	sadd.s32 s28, s2;
	s9 =	sadd.s32 s29, s2  }
0x12: {  	s10 =	sadd.s32 s30, s2;
	s11 =	sadd.s32 s11, s2;
	s14 =	sshll.u32 s14, $0x4  }
0x13: {  	s31 =	sshll.u32 s22, $0x4;
	s15 =	sshll.u32 s15, $0x4;
	s16 =	sshll.u32 s16, $0x4  }
0x14: {  	s18 =	sshll.u32 s18, $0x4;
	s19 =	smax.u32 s19, $0x1;
	s22 =	simm.s32 $0x100  }
0x15: {  	s13 =	sadd.s32 s17, s14;
	s14 =	sadd.s32 s17, s31;
	s15 =	sadd.s32 s17, s15  }
0x16: {  	v1 =	vimm.f32 $0.0e+00;
	v2 =	vimm.f32 $1.000000000e+00;
	s16 =	sadd.s32 s17, s16;
	s17 =	sadd.s32 s17, s18;
	s18 =	sadd.s32 $0xEE00, s0  }
.LBB2_1:
0x17: {  	s0 =	sand.u32 $0xFE00, s5  }
0x18: {  	s25 =	sand.u32 $0x70, s5;
	s26 =	sshrl.u32 s0, $0x2  }
0x19: {  	s0 =	simm.s32 $0x40;
	s26 =	sor.u32 s25, s26;
	s25 =	simm.s32 $0x0  }
.LBB2_2:
0x1a: {  	p1 =	sne.s32 s0, $0xFFC0  }
0x1b: {  	[tilespmem:s26+$0x100] =	vst v1;
	s25 =	sadd.s32 $0x10, s25;
	s26 =	smov.u32 s0;
	s0 =	sadd.s32 $0x40, s0  }
.Ltmp0:
0x1c: {  	(pc) =	sbr.rel @p1 .LBB2_2-.Ltmp0, $4  }
0x1d: {  	_ = 	snop  }
0x1e: {  	s26 =	sand.u32 $0xFE00, s26  }
0x1f: {  	s28 =	sand.u32 $0x70, s25;
	s26 =	sshrl.u32 s26, $0x2  }
0x20: {  	s26 =	sor.u32 s28, s26  }
0x21: {  	[tilespmem:s26+$0x100] =	vst v1  }
0x22: {  	[spmem:s7] =	stream.linear.scatter [tilespmem:s22], [sflag:$0x2], $0x4000, $0x38;
	[tilespmem:$0x18680] =	vst v63  }
0x23: {  	_ =	swait.ge [sflag:s23], $0x4000  }
0x24: {  	[sflag:s23] =	ssyncset.done $0x0  }
0x25: {  	[sflag:s23] =	ssyncadd.s32 $0xFFFFC000  }
0x26: {  	[spmem:s8] =	stream.linear.scatter [tilespmem:s22], [sflag:$0x2], $0x4000, $0x38;
	[tilespmem:$0x18680] =	vst v63  }
0x27: {  	_ =	swait.ge [sflag:s23], $0x4000  }
0x28: {  	[sflag:s23] =	ssyncset.done $0x0  }
0x29: {  	[sflag:s23] =	ssyncadd.s32 $0xFFFFC000  }
0x2a: {  	[spmem:s9] =	stream.linear.scatter [tilespmem:s22], [sflag:$0x2], $0x4000, $0x38;
	[tilespmem:$0x18680] =	vst v63  }
0x2b: {  	_ =	swait.ge [sflag:s23], $0x4000  }
0x2c: {  	[sflag:s23] =	ssyncset.done $0x0  }
0x2d: {  	[sflag:s23] =	ssyncadd.s32 $0xFFFFC000  }
0x2e: {  	[spmem:s10] =	stream.linear.scatter [tilespmem:s22], [sflag:$0x2], $0x4000, $0x38;
	[tilespmem:$0x18680] =	vst v63  }
0x2f: {  	_ =	swait.ge [sflag:s23], $0x4000  }
0x30: {  	[sflag:s23] =	ssyncset.done $0x0  }
0x31: {  	[sflag:s23] =	ssyncadd.s32 $0xFFFFC000  }
0x32: {  	[spmem:s11] =	stream.linear.scatter [tilespmem:s22], [sflag:$0x2], $0x4000, $0x38;
	[tilespmem:$0x18680] =	vst v63  }
0x33: {  	_ =	swait.ge [sflag:s23], $0x4000  }
0x34: {  	[sflag:s23] =	ssyncset.done $0x0  }
0x35: {  	[sflag:s23] =	ssyncadd.s32 $0xFFFFC000  }
0x36: {  	[tilespmem:$0x4100] =	vst v1  }
0x37: {  	[tilespmem:$0x4110] =	vst v1  }
0x38: {  	[tilespmem:$0x4120] =	vst v1  }
0x39: {  	[tilespmem:$0x4130] =	vst v1  }
0x3a: {  	[tilespmem:$0x4140] =	vst v1  }
0x3b: {  	[tilespmem:$0x4150] =	vst v1  }
0x3c: {  	[tilespmem:$0x4160] =	vst v1  }
0x3d: {  	[tilespmem:$0x4170] =	vst v1  }
0x3e: {  	[tilespmem:$0x4180] =	vst v1  }
0x3f: {  	[tilespmem:$0x4190] =	vst v1  }
0x40: {  	[tilespmem:$0x41A0] =	vst v1  }
0x41: {  	[tilespmem:$0x41B0] =	vst v1  }
0x42: {  	[tilespmem:$0x41C0] =	vst v1  }
0x43: {  	[tilespmem:$0x41D0] =	vst v1  }
0x44: {  	[tilespmem:$0x41E0] =	vst v1  }
0x45: {  	[tilespmem:$0x41F0] =	vst v1  }
0x46: {  	[tilespmem:$0x4200] =	vst v1  }
0x47: {  	[tilespmem:$0x4210] =	vst v1  }
0x48: {  	[tilespmem:$0x4220] =	vst v1  }
0x49: {  	[tilespmem:$0x4230] =	vst v1  }
0x4a: {  	[tilespmem:$0x4240] =	vst v1  }
0x4b: {  	[tilespmem:$0x4250] =	vst v1  }
0x4c: {  	[tilespmem:$0x4260] =	vst v1  }
0x4d: {  	[tilespmem:$0x4270] =	vst v1  }
0x4e: {  	[tilespmem:$0x4280] =	vst v1  }
0x4f: {  	[tilespmem:$0x4290] =	vst v1  }
0x50: {  	[tilespmem:$0x42A0] =	vst v1  }
0x51: {  	[tilespmem:$0x42B0] =	vst v1  }
0x52: {  	[tilespmem:$0x42C0] =	vst v1  }
0x53: {  	[tilespmem:$0x42D0] =	vst v1  }
0x54: {  	[tilespmem:$0x42E0] =	vst v1  }
0x55: {  	[tilespmem:$0x42F0] =	vst v1  }
0x56: {  	[tilespmem:$0x4300] =	vst v1  }
0x57: {  	[tilespmem:$0x4310] =	vst v1  }
0x58: {  	[tilespmem:$0x4320] =	vst v1  }
0x59: {  	[tilespmem:$0x4330] =	vst v1  }
0x5a: {  	[tilespmem:$0x4340] =	vst v1  }
0x5b: {  	[tilespmem:$0x4350] =	vst v1  }
0x5c: {  	[tilespmem:$0x4360] =	vst v1  }
0x5d: {  	[tilespmem:$0x4370] =	vst v1  }
0x5e: {  	[tilespmem:$0x4380] =	vst v2  }
0x5f: {  	[tilespmem:$0x4390] =	vst v2  }
0x60: {  	[tilespmem:$0x43A0] =	vst v2  }
0x61: {  	[tilespmem:$0x43B0] =	vst v2  }
0x62: {  	[tilespmem:$0x43C0] =	vst v2  }
0x63: {  	[tilespmem:$0x43D0] =	vst v2  }
0x64: {  	[tilespmem:$0x43E0] =	vst v2  }
0x65: {  	s0 =	simm.s32 @!p0 $0x4100;
	[tilespmem:$0x43F0] =	vst v2  }
0x66: {  	[spmem:s12] =	stream.linear.scatter @!p0 [tilespmem:s0], [sflag:$0x2], $0x280, $0x38;
	[tilespmem:$0x18680] =	vst v63  }
0x67: {  	s0 =	simm.s32 @!p0 $0x2  }
0x68: {  	s30 =	stileid.u32;
	_ =	swait.ge @!p0 [sflag:s0], $0x280  }
0x69: {  	p1 =	sgt.u32 s30, $0x4E1;
	[sflag:s0] =	ssyncset.done @!p0 $0x0  }
0x6a: {  	s28 =	simm.s32 @!p1 $0x0;
	[sflag:s0] =	ssyncadd.s32 @!p0 $0xFFFFFD80  }
0x6b: {  	s25 =	simm.s32 @!p1 $0x3;
	s0 =	sadd.s32 @!p1 $0x0, s21;
	[bflag:$0x0] =	sbarrier.arrive $0xFFFF  }
0x6c: {  	[tilespmem:s28], [sflag:$0x3] =	stream.linear.gather @!p1 [hbm4b:s0+s28], $0x80, $0x38;
	[tilespmem:$0x18680] =	vst v63  }
0x6d: {  	_ =	swait.ge @!p1 [sflag:s25], $0x80  }
0x6e: {  	[sflag:s25] =	ssyncset.done @!p1 $0x0  }
0x6f: {  	s26 =	simm.s32 @!p1 $0x80;
	s0 =	sadd.s32 @!p1 $0x0, s20;
	[sflag:s25] =	ssyncadd.s32 @!p1 $0xFFFFFF80  }
0x70: {  	[tilespmem:s26], [sflag:$0x3] =	stream.linear.gather @!p1 [hbm4b:s0+s28], $0x80, $0x38;
	[tilespmem:$0x18680] =	vst v63  }
0x71: {  	_ =	swait.ge @!p1 [sflag:s25], $0x80  }
0x72: {  	[sflag:s25] =	ssyncset.done @!p1 $0x0  }
0x73: {  	[sflag:s25] =	ssyncadd.s32 @!p1 $0xFFFFFF80  }
0x74: {  	v3 =	vld @!p1 [tilespmem:$0x70]  }
0x75: {  	v4 =	vld @!p1 [tilespmem:$0x30]  }
0x76: {  	v5 =	vld @!p1 [tilespmem:$0x50]  }
0x77: {  	v7 =	vld @!p1 [tilespmem:$0x20]  }
0x78: {  	v6 =	vld @!p1 [tilespmem:$0x60]  }
0x79: {  	v8 =	vld @!p1 [tilespmem:$0x10];
	v3 =	vadd.s32 @!p1 v0, v3  }
0x7a: {  	v9 =	vld @!p1 [tilespmem:$0x40];
	v4 =	vadd.s32 @!p1 v0, v4;
	[tilespmem:$0x70] =	vst @!p1 v3  }
0x7b: {  	v3 =	vld @!p1 [tilespmem:$0x0];
	[tilespmem:$0x30] =	vst @!p1 v4;
	v4 =	vadd.s32 @!p1 v0, v5  }
0x7c: {  	v5 =	vadd.s32 @!p1 v0, v7;
	[tilespmem:$0x50] =	vst @!p1 v4  }
0x7d: {  	v4 =	vadd.s32 @!p1 v0, v6;
	[tilespmem:$0x20] =	vst @!p1 v5  }
0x7e: {  	[tilespmem:$0x60] =	vst @!p1 v4;
	v4 =	vadd.s32 @!p1 v0, v8  }
0x7f: {  	[tilespmem:$0x10] =	vst @!p1 v4;
	v4 =	vadd.s32 @!p1 v0, v9  }
0x80: {  	[tilespmem:$0x40] =	vst @!p1 v4;
	v3 =	vadd.s32 @!p1 v0, v3  }
0x81: {  	s29 =	stileid.u32;
	s31 =	simm.s32 @!p1 $0x100;
	s0 =	simm.s32 @!p1 $0x1;
	[tilespmem:$0x0] =	vst @!p1 v3  }
0x82: {  	[tilespmem:s31], [sflag:$0x1] =	stream.indirect.gather @!p1 [hbm4b:s1+s26], $0x80, s28, s26, $0xb8;
	[tilespmem:$0x18680] =	vst v63  }
0x83: {  	p2 =	sne.s32 @!p1 s6, $0x0;
	s28 =	simm.s32 $0x100;
	_ =	swait.ge @!p1 [sflag:s0], $0x4000  }
.LBB2_4:
0x84: {  	[sflag:s0] =	ssyncset.done @!p1 $0x0  }
0x85: {  	s29 =	sadd.s32 $0x10, s29;
	s4 =	smov.u32 s28;
	s28 =	sadd.s32 $0x100, s28  }
0x86: {  	p3 =	sne.s32 s28, $0x4F00;
	[sflag:s0] =	ssyncadd.s32 @!p1 $0xFFFFC000  }
0x87: {  	[spmem:s2] =	stream.indirect.scatter.add.f32 @!p1 [tilespmem:s31], [sflag:$0x3], $0x80, s26, s26, $0xb8;
	[tilespmem:$0x18680] =	vst v63  }
0x88: {  	p4 =	por p2, p1;
	_ =	swait.ge @!p1 [sflag:s25], $0x4000  }
0x89: {  	s0 =	simm.s32 @!p4 $0x80;
	s26 =	simm.s32 @!p4 $0x4380;
	[sflag:s25] =	ssyncset.done @!p1 $0x0  }
0x8a: {  	s31 =	simm.s32 @!p4 $0x2;
	[sflag:s25] =	ssyncadd.s32 @!p1 $0xFFFFC000;
	p1 =	sgt.u32 s29, $0x4E1  }
0x8b: {  	[spmem:s3] =	stream.indirect.scatter.add.f32 @!p4 [tilespmem:s26], [sflag:$0x2], $0x1, s0, s0, $0xb8;
	[tilespmem:$0x18680] =	vst v63  }
0x8c: {  	s0 =	sadd.s32 @!p1 s4, s21;
	s30 =	simm.s32 @!p1 $0x0;
	_ =	swait.ge @!p4 [sflag:s31], $0x80  }
0x8d: {  	p2 =	sne.s32 @!p1 s6, $0x0;
	s25 =	simm.s32 @!p1 $0x3;
	[sflag:s31] =	ssyncset.done @!p4 $0x0  }
0x8e: {  	[sflag:s31] =	ssyncadd.s32 @!p4 $0xFFFFFF80  }
0x8f: {  	[tilespmem:s30], [sflag:$0x3] =	stream.linear.gather @!p1 [hbm4b:s0+s30], $0x80, $0x38;
	[tilespmem:$0x18680] =	vst v63  }
0x90: {  	s26 =	simm.s32 @!p1 $0x80;
	s0 =	sadd.s32 @!p1 s4, s20;
	_ =	swait.ge @!p1 [sflag:s25], $0x80  }
0x91: {  	[sflag:s25] =	ssyncset.done @!p1 $0x0  }
0x92: {  	[sflag:s25] =	ssyncadd.s32 @!p1 $0xFFFFFF80  }
0x93: {  	[tilespmem:s26], [sflag:$0x3] =	stream.linear.gather @!p1 [hbm4b:s0+s30], $0x80, $0x38;
	[tilespmem:$0x18680] =	vst v63  }
0x94: {  	_ =	swait.ge @!p1 [sflag:s25], $0x80  }
0x95: {  	[sflag:s25] =	ssyncset.done @!p1 $0x0  }
0x96: {  	[sflag:s25] =	ssyncadd.s32 @!p1 $0xFFFFFF80  }
0x97: {  	v3 =	vld @!p1 [tilespmem:$0x70]  }
0x98: {  	v4 =	vld @!p1 [tilespmem:$0x30]  }
0x99: {  	v5 =	vld @!p1 [tilespmem:$0x50]  }
0x9a: {  	v6 =	vld @!p1 [tilespmem:$0x60]  }
0x9b: {  	v7 =	vld @!p1 [tilespmem:$0x20]  }
0x9c: {  	v8 =	vld @!p1 [tilespmem:$0x10];
	v3 =	vadd.s32 @!p1 v0, v3  }
0x9d: {  	v4 =	vadd.s32 @!p1 v0, v4;
	v9 =	vld @!p1 [tilespmem:$0x40];
	[tilespmem:$0x70] =	vst @!p1 v3  }
0x9e: {  	v3 =	vld @!p1 [tilespmem:$0x0];
	[tilespmem:$0x30] =	vst @!p1 v4;
	v4 =	vadd.s32 @!p1 v0, v5  }
0x9f: {  	[tilespmem:$0x50] =	vst @!p1 v4;
	v4 =	vadd.s32 @!p1 v0, v6  }
0xa0: {  	v5 =	vadd.s32 @!p1 v0, v7;
	[tilespmem:$0x60] =	vst @!p1 v4  }
0xa1: {  	v4 =	vadd.s32 @!p1 v0, v8;
	[tilespmem:$0x20] =	vst @!p1 v5  }
.Ltmp1:
0xa2: {  	[tilespmem:$0x10] =	vst @!p1 v4;
	v4 =	vadd.s32 @!p1 v0, v9;
	(pc) =	sbr.rel @p3 .LBB2_4-.Ltmp1, $4  }
0xa3: {  	s31 =	simm.s32 @!p1 $0x100;
	s0 =	simm.s32 @!p1 $0x1;
	v3 =	vadd.s32 @!p1 v0, v3;
	[tilespmem:$0x40] =	vst @!p1 v4  }
0xa4: {  	[tilespmem:$0x0] =	vst @!p1 v3  }
0xa5: {  	[tilespmem:s31], [sflag:$0x1] =	stream.indirect.gather @!p1 [hbm4b:s1+s26], $0x80, s30, s26, $0xb8;
	[tilespmem:$0x18680] =	vst v63  }
0xa6: {  	_ =	swait.ge @!p1 [sflag:s0], $0x4000  }
0xa7: {  	[sflag:s0] =	ssyncset.done @!p1 $0x0  }
0xa8: {  	[sflag:s0] =	ssyncadd.s32 @!p1 $0xFFFFC000  }
0xa9: {  	[spmem:s2] =	stream.indirect.scatter.add.f32 @!p1 [tilespmem:s31], [sflag:$0x3], $0x80, s26, s26, $0xb8;
	[tilespmem:$0x18680] =	vst v63  }
0xaa: {  	p2 =	por p2, p1;
	_ =	swait.ge @!p1 [sflag:s25], $0x4000  }
0xab: {  	s0 =	simm.s32 @!p2 $0x80;
	[sflag:s25] =	ssyncset.done @!p1 $0x0  }
0xac: {  	s4 =	simm.s32 @!p2 $0x4380;
	[sflag:s25] =	ssyncadd.s32 @!p1 $0xFFFFC000;
	s25 =	simm.s32 @!p2 $0x2  }
0xad: {  	[spmem:s3] =	stream.indirect.scatter.add.f32 @!p2 [tilespmem:s4], [sflag:$0x2], $0x1, s0, s0, $0xb8;
	[tilespmem:$0x18680] =	vst v63  }
0xae: {  	_ =	swait.ge @!p2 [sflag:s25], $0x80  }
0xaf: {  	[sflag:s25] =	ssyncset.done @!p2 $0x0  }
0xb0: {  	[sflag:s25] =	ssyncadd.s32 @!p2 $0xFFFFFF80  }
0xb1: {  	[bflag:$0x0] =	sbarrier.arrive $0xFFFF  }
0xb2: {  	[tilespmem:s22], [sflag:$0x2] =	stream.linear.gather [spmem:s7], $0x4000, $0x38;
	[tilespmem:$0x18680] =	vst v63  }
0xb3: {  	_ =	swait.ge [sflag:s23], $0x4000  }
0xb4: {  	[sflag:s23] =	ssyncset.done $0x0  }
0xb5: {  	[sflag:s23] =	ssyncadd.s32 $0xFFFFC000  }
0xb6: {  	[hbm4b:s13+s5] =	stream.linear.scatter [tilespmem:s22], [sflag:$0x2], $0x4000, $0x38;
	[tilespmem:$0x18680] =	vst v63  }
0xb7: {  	_ =	swait.ge [sflag:s23], $0x4000  }
0xb8: {  	[sflag:s23] =	ssyncset.done $0x0  }
0xb9: {  	[sflag:s23] =	ssyncadd.s32 $0xFFFFC000  }
0xba: {  	[tilespmem:s22], [sflag:$0x2] =	stream.linear.gather [spmem:s8], $0x4000, $0x38;
	[tilespmem:$0x18680] =	vst v63  }
0xbb: {  	_ =	swait.ge [sflag:s23], $0x4000  }
0xbc: {  	[sflag:s23] =	ssyncset.done $0x0  }
0xbd: {  	[sflag:s23] =	ssyncadd.s32 $0xFFFFC000  }
0xbe: {  	[hbm4b:s14+s5] =	stream.linear.scatter [tilespmem:s22], [sflag:$0x2], $0x4000, $0x38;
	[tilespmem:$0x18680] =	vst v63  }
0xbf: {  	_ =	swait.ge [sflag:s23], $0x4000  }
0xc0: {  	[sflag:s23] =	ssyncset.done $0x0  }
0xc1: {  	[sflag:s23] =	ssyncadd.s32 $0xFFFFC000  }
0xc2: {  	[tilespmem:s22], [sflag:$0x2] =	stream.linear.gather [spmem:s9], $0x4000, $0x38;
	[tilespmem:$0x18680] =	vst v63  }
0xc3: {  	_ =	swait.ge [sflag:s23], $0x4000  }
0xc4: {  	[sflag:s23] =	ssyncset.done $0x0  }
0xc5: {  	[sflag:s23] =	ssyncadd.s32 $0xFFFFC000  }
0xc6: {  	[hbm4b:s15+s5] =	stream.linear.scatter [tilespmem:s22], [sflag:$0x2], $0x4000, $0x38;
	[tilespmem:$0x18680] =	vst v63  }
0xc7: {  	_ =	swait.ge [sflag:s23], $0x4000  }
0xc8: {  	[sflag:s23] =	ssyncset.done $0x0  }
0xc9: {  	[sflag:s23] =	ssyncadd.s32 $0xFFFFC000  }
0xca: {  	[tilespmem:s22], [sflag:$0x2] =	stream.linear.gather [spmem:s10], $0x4000, $0x38;
	[tilespmem:$0x18680] =	vst v63  }
0xcb: {  	_ =	swait.ge [sflag:s23], $0x4000  }
0xcc: {  	[sflag:s23] =	ssyncset.done $0x0  }
0xcd: {  	[sflag:s23] =	ssyncadd.s32 $0xFFFFC000  }
0xce: {  	[hbm4b:s16+s5] =	stream.linear.scatter [tilespmem:s22], [sflag:$0x2], $0x4000, $0x38;
	[tilespmem:$0x18680] =	vst v63  }
0xcf: {  	_ =	swait.ge [sflag:s23], $0x4000  }
0xd0: {  	[sflag:s23] =	ssyncset.done $0x0  }
0xd1: {  	[sflag:s23] =	ssyncadd.s32 $0xFFFFC000  }
0xd2: {  	[tilespmem:s22], [sflag:$0x2] =	stream.linear.gather [spmem:s11], $0x4000, $0x38;
	[tilespmem:$0x18680] =	vst v63  }
0xd3: {  	_ =	swait.ge [sflag:s23], $0x4000  }
0xd4: {  	[sflag:s23] =	ssyncset.done $0x0  }
0xd5: {  	[sflag:s23] =	ssyncadd.s32 $0xFFFFC000  }
0xd6: {  	[hbm4b:s17+s5] =	stream.linear.scatter [tilespmem:s22], [sflag:$0x2], $0x4000, $0x38;
	[tilespmem:$0x18680] =	vst v63  }
0xd7: {  	_ =	swait.ge [sflag:s23], $0x4000  }
0xd8: {  	[sflag:s23] =	ssyncset.done $0x0  }
0xd9: {  	s0 =	simm.s32 @!p0 $0x4100;
	s4 =	simm.s32 @!p0 $0x2;
	[sflag:s23] =	ssyncadd.s32 $0xFFFFC000  }
0xda: {  	[tilespmem:s0], [sflag:$0x2] =	stream.linear.gather @!p0 [spmem:s12], $0x280, $0x38;
	[tilespmem:$0x18680] =	vst v63  }
0xdb: {  	s24 =	sadd.s32 $0x1, s24;
	_ =	swait.ge @!p0 [sflag:s4], $0x280  }
0xdc: {  	p1 =	sne.s32 s24, s19;
	[sflag:s4] =	ssyncset.done @!p0 $0x0  }
.Ltmp2:
0xdd: {  	s25 =	simm.s32 @!p0 $0x0;
	[sflag:s4] =	ssyncadd.s32 @!p0 $0xFFFFFD80;
	(pc) =	sbr.rel @p1 .LBB2_1-.Ltmp2, $4  }
0xde: {  	[hbm4b:s18+s25] =	stream.linear.scatter @!p0 [tilespmem:s0], [sflag:$0x2], $0x280, $0x38;
	[tilespmem:$0x18680] =	vst v63  }
0xdf: {  	_ =	swait.ge @!p0 [sflag:s4], $0x280  }
0xe0: {  	[sflag:s4] =	ssyncset.done @!p0 $0x0  }
0xe1: {  	[sflag:s4] =	ssyncadd.s32 @!p0 $0xFFFFFD80  }
0xe2: {  	_ =	sfence.sel $0x180000  }
0xe3: {  	[bflag:$0x0] =	sbarrier.arrive $0xFFFF  }
0xe4: {  	_ =	strace $0x90000047  }
0xe5: {  	s0 =	stileid.u32;
	[bflag:$0x2] =	sbarrier.arrive $0xFFFF  }
0xe6: {  	p0 =	sne.s32 s0, $0x0;
	s0 =	rddreg [dreg:$0x4]  }
0xe7: {  	s0 =	sadd.s32 @!p0 $0x100000, s0  }
0xe8: {  	[sflag:s0] =	ssyncadd.tile.s32 @!p0 $0x1;
	_ =	shalt  }
.Lfunc_end2:
_tile_overlayer_lowered:
.L_overlay_start_2:
0xe9: {  	(tag) =	ssettag $0x2  }
0xea: {  	s0 =	rddreg [dreg:$0x0];
	s2 =	stileid.u32  }
0xeb: {  	s1 =	rddreg [dreg:$0x1];
	p0 =	sne.s32 s2, $0x0  }
0xec: {  	s3 =	rddreg [dreg:$0x2];
	[bflag:$0x3] =	sbarrier.arrive $0xFFFF;
	s2 =	simm.s32 @!p0 $0x1C02  }
0xed: {  	[timem:s3], [sflag:s2] =	dma.local @!p0 [hbm:s0], s1  }
0xee: {  	s0 =	simm.s32 @!p0 $0x2  }
0xef: {  	_ =	swait.ge @!p0 [sflag:s0], s1  }
0xf0: {  	s1 =	ssub.s32 @!p0 $0x0, s1;
	[sflag:s0] =	ssyncset.done @!p0 $0x0  }
0xf1: {  	[sflag:s0] =	ssyncadd.s32 @!p0 s1  }
0xf2: {  	[bflag:$0x3] =	sbarrier.arrive $0xFFFF  }
0xf3: {  	_ =	shalt  }

// kernel: kernel.16.cloned.1.call-start
scs
__scs_entry_jumppad:
0x0: {  	(pc) =	sbr.rel $0x88, $3  }
0x1: {  	(tag) =	ssettag $0x0;
	lr =	simm.s32 $0x1  }
0x2: {  	[smem:$0x3F89] =	sst lr;
	_ =	strace $0xD0000000  }
0x3: {  	_ = 	snop  }
0x4: {  	_ = 	snop  }
0x5: {  	_ = 	snop  }
0x6: {  	_ = 	snop  }
0x7: {  	_ = 	snop  }
__scs_overlays_trampoline_lowered:
0x8: {  	[smem:$0x3F98] =	sst s0  }
0x9: {  	[smem:$0x3F99] =	sst s1  }
0xa: {  	[smem:$0x3F9A] =	sst s2  }
0xb: {  	[smem:$0x3F9B] =	sst s3  }
0xc: {  	[smem:$0x3F9C] =	sst s4  }
0xd: {  	[smem:$0x3F9D] =	sst s5  }
0xe: {  	[smem:$0x3F9E] =	sst s6  }
0xf: {  	[smem:$0x3F9F] =	sst s7  }
0x10: {  	[smem:$0x3FA0] =	sst s8  }
0x11: {  	[smem:$0x3FA1] =	sst s9;
	s0 =	simm.s32 @!p0 $0x0  }
0x12: {  	s1 =	sld [smem:$0x3F87];
	s0 =	simm.s32 @p0 $0x1  }
0x13: {  	[smem:$0x3FA2] =	sst s0;
	s0 =	simm.s32 @!p1 $0x0  }
0x14: {  	s2 =	sld [smem:$0x3F86];
	s0 =	simm.s32 @p1 $0x1  }
0x15: {  	[smem:$0x3FA3] =	sst s0;
	s0 =	simm.s32 @!p2 $0x0  }
0x16: {  	s3 =	sld [smem:$0x3FDB];
	s0 =	simm.s32 @p2 $0x1  }
0x17: {  	s4 =	simm.s32 $0x1BF5;
	[smem:$0x3FA5] =	sst s0  }
0x18: {  	s0 =	sld [smem:$0x3F88];
	_ =	swait.ge [sflag:s4], $0x0  }
0x19: {  	s7 =	sld [smem:$0x3F89]  }
0x1a: {  	s8 =	sadd.s32 $0xFFFFE003, lr  }
0x1b: {  	s9 =	sadd.s32 $0xFFFFFEF7, lr;
	s5 =	simm.s32 $0xFFFFFFFF;
	p2 =	slt.u32 s8, $0xFFFFF086  }
0x1c: {  	p1 =	slt.u32 s9, $0xF7A;
	s5 =	simm.s32 @!p2 $0x0  }
0x1d: {  	s5 =	simm.s32 @p1 $0x1;
	p0 =	seq.s32 s7, s2  }
0x1e: {  	s7 =	smul.u32 @!p0 $0xF7A, s2;
	p2 =	seq.s32 @!p0 s5, $0x0  }
0x1f: {  	s9 =	smul.u32 $0xF7A, s1;
	s8 =	simm.s32 @!p0 $0x1BF5;
	p2 =	por !p2, p0  }
0x20: {  	[sflag:s8] =	ssyncset.s32 @!p0 $0xFFFFF086;
	s6 =	sadd.s32 @!p0 s3, s7;
	s7 =	simm.s32 @!p0 $0x108  }
0x21: {  	s3 =	sadd.s32 s3, s9;
	s6 =	sadd.s32 @!p0 $0x88, s6;
	s7 =	simm.s32 @p2 $0x1082  }
0x22: {  	[simem:s7], [sflag:s8] =	dma.local @!p0 [hbm:s6], $0xF7A  }
0x23: {  	s9 =	sor.u32 $0xD0000000, s2;
	s6 =	simm.s32 $0x108;
	_ =	swait.ge @!p0 [sflag:s8], $0x0  }
0x24: {  	s3 =	sadd.s32 $0x88, s3;
	s6 =	simm.s32 @!p1 $0x1082;
	[sflag:s4] =	ssyncset.s32 $0xFFFFF086  }
0x25: {  	[simem:s6], [sflag:s4] =	dma.local [hbm:s3], $0xF7A  }
0x26: {  	[smem:$0x3F89] =	sst s1;
	(tag) =	ssettag s2;
	_ =	strace s9  }
0x27: {  	s1 =	sld [smem:$0x3F99]  }
0x28: {  	s2 =	sld [smem:$0x3F9A]  }
0x29: {  	s4 =	sld [smem:$0x3F9C]  }
0x2a: {  	p0 =	seq.s32 s5, $0x0;
	s5 =	sld [smem:$0x3F9D]  }
0x2b: {  	s6 =	sld [smem:$0x3F9E]  }
0x2c: {  	s7 =	sld [smem:$0x3F9F]  }
0x2d: {  	s3 =	simm.s32 $0x108;
	s8 =	sld [smem:$0x3FA0]  }
0x2e: {  	s3 =	simm.s32 @!p0 $0x1082;
	s9 =	sld [smem:$0x3FA1]  }
0x2f: {  	lr =	sadd.s32 s0, s3;
	s0 =	sld [smem:$0x3F98]  }
0x30: {  	s3 =	sld [smem:$0x3F9B]  }
0x31: {  	[smem:$0x3FA4] =	sst s10  }
0x32: {  	s10 =	sld [smem:$0x3FA2];
	_ =	sdelay $0x3  }
0x33: {  	p0 =	seq.s32 s10, $0x1;
	s10 =	sld [smem:$0x3FA4];
	_ =	sdelay $0x3  }
0x34: {  	[smem:$0x3FA4] =	sst s10  }
0x35: {  	s10 =	sld [smem:$0x3FA3];
	_ =	sdelay $0x3  }
0x36: {  	p1 =	seq.s32 s10, $0x1;
	s10 =	sld [smem:$0x3FA4];
	_ =	sdelay $0x3  }
0x37: {  	[smem:$0x3FA4] =	sst s10  }
0x38: {  	s10 =	sld [smem:$0x3FA5]  }
0x39: {  	_ = 	snop;
	(pc) =	sbr.ind lr, $3  }
0x3a: {  	_ = 	snop  }
0x3b: {  	_ = 	snop  }
0x3c: {  	p2 =	seq.s32 s10, $0x1;
	s10 =	sld [smem:$0x3FA4]  }
0x3d: {  	_ =	shalt  }
0x3e: {  	_ =	shalt  }
0x3f: {  	_ =	shalt  }
0x40: {  	_ =	shalt  }
0x41: {  	_ =	shalt  }
0x42: {  	_ =	shalt  }
0x43: {  	_ =	shalt  }
0x44: {  	_ =	shalt  }
0x45: {  	_ =	shalt  }
0x46: {  	_ =	shalt  }
0x47: {  	_ =	shalt  }
0x48: {  	_ =	shalt  }
0x49: {  	_ =	shalt  }
0x4a: {  	_ =	shalt  }
0x4b: {  	_ =	shalt  }
0x4c: {  	_ =	shalt  }
0x4d: {  	_ =	shalt  }
0x4e: {  	_ =	shalt  }
0x4f: {  	_ =	shalt  }
0x50: {  	_ =	shalt  }
0x51: {  	_ =	shalt  }
0x52: {  	_ =	shalt  }
0x53: {  	_ =	shalt  }
0x54: {  	_ =	shalt  }
0x55: {  	_ =	shalt  }
0x56: {  	_ =	shalt  }
0x57: {  	_ =	shalt  }
0x58: {  	_ =	shalt  }
0x59: {  	_ =	shalt  }
0x5a: {  	_ =	shalt  }
0x5b: {  	_ =	shalt  }
0x5c: {  	_ =	shalt  }
0x5d: {  	_ =	shalt  }
0x5e: {  	_ =	shalt  }
0x5f: {  	_ =	shalt  }
0x60: {  	_ =	shalt  }
0x61: {  	_ =	shalt  }
0x62: {  	_ =	shalt  }
0x63: {  	_ =	shalt  }
0x64: {  	_ =	shalt  }
0x65: {  	_ =	shalt  }
0x66: {  	_ =	shalt  }
0x67: {  	_ =	shalt  }
0x68: {  	_ =	shalt  }
0x69: {  	_ =	shalt  }
0x6a: {  	_ =	shalt  }
0x6b: {  	_ =	shalt  }
0x6c: {  	_ =	shalt  }
0x6d: {  	_ =	shalt  }
0x6e: {  	_ =	shalt  }
0x6f: {  	_ =	shalt  }
0x70: {  	_ =	shalt  }
0x71: {  	_ =	shalt  }
0x72: {  	_ =	shalt  }
0x73: {  	_ =	shalt  }
0x74: {  	_ =	shalt  }
0x75: {  	_ =	shalt  }
0x76: {  	_ =	shalt  }
0x77: {  	_ =	shalt  }
0x78: {  	_ =	shalt  }
0x79: {  	_ =	shalt  }
0x7a: {  	_ =	shalt  }
0x7b: {  	_ =	shalt  }
0x7c: {  	_ =	shalt  }
0x7d: {  	_ =	shalt  }
0x7e: {  	_ =	shalt  }
0x7f: {  	_ =	shalt  }
0x80: {  	_ =	shalt  }
0x81: {  	_ =	shalt  }
0x82: {  	_ =	shalt  }
0x83: {  	_ =	shalt  }
0x84: {  	_ =	shalt  }
0x85: {  	_ =	shalt  }
0x86: {  	_ =	shalt  }
0x87: {  	_ =	shalt  }
.Lfunc_end0:
.L_simem_size_0:
called_computation.2_lowered:
.L_overlay_start_0:
0x88: {  	s2 =	sld [smem:$0x3FD9]  }
0x89: {  	s3 =	sld [smem:$0x3FFE];
	_ =	sdelay $0x1  }
0x8a: {  	s1 =	srdreg.scid  }
0x8b: {  	s0 =	sand.u32 $0x1, s1  }
0x8c: {  	s17 =	sshll.u32 s0, $0xA;
	s2 =	sadd.s32 s3, s2  }
0x8d: {  	s2 =	sadd.s32 s2, s17  }
0x8e: {  	[smem:$0x3FB0] =	sst s2  }
0x8f: {  	_ = 	snop  }
0x90: {  	(tm) =	ssettm $0x1  }
0x91: {  	s18 =	sld [smem:$0x3FFB];
	_ =	sdelay $0x3  }
0x92: {  	_ =	strace s18  }
0x93: {  	s2 =	sld [smem:$0x3FFC];
	_ =	sdelay $0x3  }
0x94: {  	_ =	strace s2  }
0x95: {  	s2 =	sld [smem:$0x3FFD];
	_ =	sdelay $0x3  }
0x96: {  	_ =	strace s2  }
0x97: {  	_ =	strace $0x8FFFFFFF  }
0x98: {  	s19 =	sld [smem:$0x3FDB];
	_ =	sdelay $0x1  }
0x99: {  	s20 =	simm.s32 $_scs_section_size  }
0x9a: {  	s4 =	simm.s32 $_size__tile_overlayer_lowered;
	s5 =	simm.s32 $_tile_overlayer_lowered  }
0x9b: {  	s6 =	simm.s32 $0x1BFF;
	s21 =	sshll.u32 s5, $0x1;
	s3 =	sadd.s32 s20, s19  }
0x9c: {  	s22 =	simm.s32 $0x0;
	s4 =	sshll.u32 s4, $0x1;
	s5 =	sadd.s32 s21, s3  }
0x9d: {  	[timem:s22], [sflag:s6] =	dma.local [hbm:s5], s4  }
0x9e: {  	_ =	swait.ge [sflag:s6], s4  }
0x9f: {  	s4 =	ssub.s32 $0x0, s4;
	[sflag:s6] =	ssyncset.done $0x0  }
0xa0: {  	[sflag:s6] =	ssyncadd.s32 s4;
	_ =	sdelay $0x1  }
0xa1: {  	s23 =	simm.s32 $0x1B8B  }
0xa2: {  	_ =	swait.ge [sflag:s23], $0x1  }
0xa3: {  	[sflag:s23] =	ssyncset.done $0x0  }
0xa4: {  	[sflag:s23] =	ssyncadd.s32 $0xFFFFFFFF  }
0xa5: {  	s4 =	sld [smem:$0x0]  }
0xa6: {  	s5 =	sand.u32 $0xFFFFFFFE, s1  }
0xa7: {  	p0 =	sne.s32 s1, s5  }
0xa8: {  	s5 =	sshll.u32 @p0 s5, $0xE  }
0xa9: {  	s5 =	sadd.s32 @p0 $0x11B8D, s5;
	s6 =	sshll.u32 @p0 s4, $0x11  }
0xaa: {  	s5 =	sor.u32 @p0 s6, s5  }
0xab: {  	[sflag:s5] =	ssyncadd.remote.s32 @p0 $0x1;
	_ =	sdelay $0x1  }
0xac: {  	s5 =	simm.s32 @p0 $0x1B8D  }
0xad: {  	_ =	swait.eq @p0 [sflag:s5], $0x1  }
0xae: {  	[sflag:s5] =	ssyncadd.s32 @p0 $0xFFFFFFFF  }
0xaf: {  	s6 =	sshll.u32 @!p0 s1, $0xE  }
0xb0: {  	s6 =	sor.u32 @!p0 $0x4000, s6;
	s5 =	simm.s32 @!p0 $0x1B8D  }
0xb1: {  	s4 =	sshll.u32 @!p0 s4, $0x11;
	s6 =	sadd.s32 @!p0 $0x11B8D, s6;
	_ =	swait.eq @!p0 [sflag:s5], $0x1  }
0xb2: {  	s4 =	sor.u32 @!p0 s4, s6;
	[sflag:s5] =	ssyncadd.s32 @!p0 $0xFFFFFFFF  }
0xb3: {  	s25 =	simm.s32 $0x1B8E;
	s24 =	sld [smem:$0x3FFE];
	[sflag:s4] =	ssyncadd.remote.s32 @!p0 $0x1  }
0xb4: {  	s26 =	simm.s32 $execute0_lowered;
	[smem:$0x3FD2] =	sst s25  }
0xb5: {  	s5 =	sshll.u32 s26, $0x1;
	_ =	strace $0x8000004C;
	[dreg:$0x1] =	wrdreg $0xFFFFFFFF  }
0xb6: {  	s28 =	simm.s32 $_size_execute0_lowered;
	s3 =	sadd.s32 s3, s5;
	[dreg:$0x0] =	wrdreg $0x0  }
0xb7: {  	s5 =	sshll.u32 s28, $0x1;
	[dreg:$0x2] =	wrdreg s3  }
0xb8: {  	[dreg:$0x3] =	wrdreg s5  }
0xb9: {  	[dreg:$0x4] =	wrdreg $0xC0  }
0xba: {  	_ =	task [dreg:s22], $0x5FFFF  }
0xbb: {  	[dreg:$0x1] =	wrdreg $0xFFFFFFFF  }
0xbc: {  	[dreg:$0x0] =	wrdreg $0x60  }
0xbd: {  	[dreg:$0x2] =	wrdreg s24  }
0xbe: {  	[dreg:$0x3] =	wrdreg $0x41000  }
0xbf: {  	[dreg:$0x4] =	wrdreg $0xA  }
0xc0: {  	_ =	task.clear_ibuf [dreg:s22], $0x5FFFF;
	_ =	strace $0x9000004C  }
0xc1: {  	s29 =	simm.s32 $0xA;
	_ =	strace $0x8000004E  }
0xc2: {  	_ =	swait.ge [sflag:s29], $0x1  }
0xc3: {  	[sflag:s29] =	ssyncadd.s32 $0xFFFFFFFF  }
0xc4: {  	_ =	strace $0x9000004E  }
0xc5: {  	_ =	sfence  }
0xc6: {  	s30 =	sld [smem:$0x0];
	_ =	sdelay $0x2  }
0xc7: {  	s31 =	sshll.u32 s1, $0xD;
	s1 =	sshrl.u32 s1, $0x2  }
0xc8: {  	s4 =	sand.u32 $0x4000, s31;
	s1 =	sadd.s32 s1, s30  }
0xc9: {  	s0 =	sor.u32 s4, s0;
	s1 =	sshll.u32 s1, $0x11  }
0xca: {  	s0 =	sor.u32 s1, s0  }
0xcb: {  	s0 =	sadd.s32 $0x8F2B, s0  }
0xcc: {  	[sflag:s0] =	ssyncadd.remote.s32 $0x1  }
0xcd: {  	_ =	sfence.sel $0xFFFF  }
0xce: {  	[dreg:$0x0] =	wrdreg $0xFFFFFFFF;
	(pc) =	sbr.abs _section_cstart, $3  }
0xcf: {  	[dreg:$0x1] =	wrdreg $0xFFFFFFFF  }
0xd0: {  	_ =	task.clear_ibuf [dreg:s22], $0x2FFFF;
	_ =	strace $0x9FFFFFFF  }
0xd1: {  	(tm) =	ssettm $0x7FFFFFFF  }
tec
execute0_lowered:
.L_overlay_start_1:
0x0: {  	(tag) =	ssettag $0x1  }
0x1: {  	s5 =	rddreg [dreg:$0x0]  }
0x2: {  	s1 =	rddreg [dreg:$0x1]  }
0x3: {  	s0 =	rddreg [dreg:$0x2];
	s3 =	simm.s32 $0x0;
	s2 =	stileid.u32  }
0x4: {  	s6 =	srdreg.scid;
	[smem:$0x7FF] =	sst s3  }
0x5: {  	s4 =	sadd.s32 $0xEE00, s5;
	s9 =	smul.u32 $0x280, s2;
	s7 =	sshll.u32 s2, $0x4  }
0x6: {  	s10 =	sand.u32 $0x1, s6;
	s24 =	smul.u32 $0x50000, s2;
	s14 =	sadd.s32 $0xB9A00, s5  }
0x7: {  	_ =	strace $0x8000004D;
	s25 =	ssub.s32 $0x2, s10;
	s16 =	smul.u32 $0x2800, s10  }
0x8: {  	s17 =	sadd.s32 s7, s5;
	s31 =	smul.u32 $0x2710, s10;
	s26 =	sshrl.u32 s25, $0x1  }
0x9: {  	s6 =	sshrl.u32 s24, $0x2;
	s11 =	sadd.s32 $0x80, s9;
	s12 =	sadd.s32 $0x100, s9  }
0xa: {  	s13 =	sadd.s32 $0x180, s9;
	s18 =	sadd.s32 $0x200, s9;
	s15 =	ssub.s32 s25, s26  }
0xb: {  	s5 =	sadd.s32 s6, s1;
	s28 =	sshll.u32 s11, $0x7;
	s29 =	sshll.u32 s12, $0x7  }
0xc: {  	s8 =	sshll.u32 s13, $0x7;
	s19 =	sshll.u32 s18, $0x7;
	s20 =	sadd.s32 s9, s16  }
0xd: {  	s11 =	sadd.s32 s16, s11;
	s12 =	sadd.s32 s16, s12;
	s13 =	sadd.s32 s16, s13  }
0xe: {  	s16 =	sadd.s32 s16, s18;
	s18 =	simm.s32 $0x100;
	s6 =	sadd.s32 s28, s1  }
0xf: {  	s7 =	sadd.s32 s29, s1;
	s8 =	sadd.s32 s8, s1;
	s9 =	sadd.s32 s19, s1  }
0x10: {  	s30 =	sshll.u32 s20, $0x4;
	s11 =	sshll.u32 s11, $0x4;
	s12 =	sshll.u32 s12, $0x4  }
0x11: {  	s13 =	sshll.u32 s13, $0x4;
	s16 =	sshll.u32 s16, $0x4;
	s15 =	smax.u32 s15, $0x1  }
0x12: {  	s19 =	simm.s32 $0x2;
	s20 =	simm.s32 $0x0;
	s10 =	sadd.s32 s14, s30  }
0x13: {  	s11 =	sadd.s32 s14, s11;
	s12 =	sadd.s32 s14, s12;
	s13 =	sadd.s32 s14, s13  }
0x14: {  	v1 =	vimm.f32 $0.0e+00;
	v0 =	vmov s31;
	s14 =	sadd.s32 s14, s16;
	s16 =	sadd.s32 $0x5F400, s17;
	s17 =	sadd.s32 $0x64400, s17  }
.LBB2_1:
0x15: {  	s21 =	sand.u32 $0xFE00, s3  }
0x16: {  	s22 =	sand.u32 $0x70, s3;
	s23 =	sshrl.u32 s21, $0x2  }
0x17: {  	s21 =	simm.s32 $0x40;
	s23 =	sor.u32 s22, s23;
	s22 =	simm.s32 $0x0  }
.LBB2_2:
0x18: {  	p0 =	sne.s32 s21, $0xFFC0  }
0x19: {  	[tilespmem:s23+$0x100] =	vst v1;
	s22 =	sadd.s32 $0x10, s22;
	s23 =	smov.u32 s21;
	s21 =	sadd.s32 $0x40, s21  }
.Ltmp0:
0x1a: {  	(pc) =	sbr.rel @p0 .LBB2_2-.Ltmp0, $4  }
0x1b: {  	_ = 	snop  }
0x1c: {  	s23 =	sand.u32 $0xFE00, s23  }
0x1d: {  	s24 =	sand.u32 $0x70, s22;
	s23 =	sshrl.u32 s23, $0x2  }
0x1e: {  	s23 =	sor.u32 s24, s23  }
0x1f: {  	[tilespmem:s23+$0x100] =	vst v1  }
0x20: {  	[spmem:s5] =	stream.linear.scatter [tilespmem:s18], [sflag:$0x2], $0x4000, $0x38;
	[tilespmem:$0x18100] =	vst v63  }
0x21: {  	_ =	swait.ge [sflag:s19], $0x4000  }
0x22: {  	[sflag:s19] =	ssyncset.done $0x0  }
0x23: {  	[sflag:s19] =	ssyncadd.s32 $0xFFFFC000  }
0x24: {  	[spmem:s6] =	stream.linear.scatter [tilespmem:s18], [sflag:$0x2], $0x4000, $0x38;
	[tilespmem:$0x18100] =	vst v63  }
0x25: {  	_ =	swait.ge [sflag:s19], $0x4000  }
0x26: {  	[sflag:s19] =	ssyncset.done $0x0  }
0x27: {  	[sflag:s19] =	ssyncadd.s32 $0xFFFFC000  }
0x28: {  	[spmem:s7] =	stream.linear.scatter [tilespmem:s18], [sflag:$0x2], $0x4000, $0x38;
	[tilespmem:$0x18100] =	vst v63  }
0x29: {  	_ =	swait.ge [sflag:s19], $0x4000  }
0x2a: {  	[sflag:s19] =	ssyncset.done $0x0  }
0x2b: {  	[sflag:s19] =	ssyncadd.s32 $0xFFFFC000  }
0x2c: {  	[spmem:s8] =	stream.linear.scatter [tilespmem:s18], [sflag:$0x2], $0x4000, $0x38;
	[tilespmem:$0x18100] =	vst v63  }
0x2d: {  	_ =	swait.ge [sflag:s19], $0x4000  }
0x2e: {  	[sflag:s19] =	ssyncset.done $0x0  }
0x2f: {  	[sflag:s19] =	ssyncadd.s32 $0xFFFFC000  }
0x30: {  	[spmem:s9] =	stream.linear.scatter [tilespmem:s18], [sflag:$0x2], $0x4000, $0x38;
	[tilespmem:$0x18100] =	vst v63  }
0x31: {  	_ =	swait.ge [sflag:s19], $0x4000  }
0x32: {  	p1 =	sgt.u32 s2, $0x4E1;
	[sflag:s19] =	ssyncset.done $0x0  }
0x33: {  	s22 =	sadd.s32 @!p1 $0x0, s17;
	[sflag:s19] =	ssyncadd.s32 $0xFFFFC000  }
0x34: {  	s21 =	simm.s32 @!p1 $0x0;
	s23 =	simm.s32 @!p1 $0x3;
	[bflag:$0x0] =	sbarrier.arrive $0xFFFF  }
0x35: {  	[tilespmem:s21], [sflag:$0x3] =	stream.linear.gather @!p1 [hbm4b:s22+s21], $0x80, $0x38;
	[tilespmem:$0x18100] =	vst v63  }
0x36: {  	p0 =	por p1, p1;
	_ =	swait.ge @!p1 [sflag:s23], $0x80  }
0x37: {  	[sflag:s23] =	ssyncset.done @!p0 $0x0  }
0x38: {  	s24 =	sadd.s32 @!p0 $0x0, s16;
	s22 =	simm.s32 @!p0 $0x80;
	[sflag:s23] =	ssyncadd.s32 @!p0 $0xFFFFFF80  }
0x39: {  	[tilespmem:s22], [sflag:$0x3] =	stream.linear.gather @!p0 [hbm4b:s24+s21], $0x80, $0x38;
	[tilespmem:$0x18100] =	vst v63  }
0x3a: {  	_ =	swait.ge @!p0 [sflag:s23], $0x80  }
0x3b: {  	[sflag:s23] =	ssyncset.done @!p0 $0x0  }
0x3c: {  	[sflag:s23] =	ssyncadd.s32 @!p0 $0xFFFFFF80  }
0x3d: {  	v2 =	vld @!p0 [tilespmem:$0x30]  }
0x3e: {  	v3 =	vld @!p0 [tilespmem:$0x50]  }
0x3f: {  	v4 =	vld @!p0 [tilespmem:$0x60]  }
0x40: {  	v5 =	vld @!p0 [tilespmem:$0x20]  }
0x41: {  	v6 =	vld @!p0 [tilespmem:$0x10]  }
0x42: {  	v8 =	vld @!p0 [tilespmem:$0x0];
	v2 =	vadd.s32 @!p0 v0, v2  }
0x43: {  	v7 =	vld @!p0 [tilespmem:$0x40];
	[tilespmem:$0x30] =	vst @!p0 v2;
	v2 =	vadd.s32 @!p0 v0, v3  }
0x44: {  	v3 =	vld @!p0 [tilespmem:$0x70];
	[tilespmem:$0x50] =	vst @!p0 v2;
	v2 =	vadd.s32 @!p0 v0, v4  }
0x45: {  	v4 =	vadd.s32 @!p0 v0, v5;
	[tilespmem:$0x60] =	vst @!p0 v2  }
0x46: {  	v2 =	vadd.s32 @!p0 v0, v6;
	[tilespmem:$0x20] =	vst @!p0 v4  }
0x47: {  	v4 =	vadd.s32 @!p0 v0, v8;
	[tilespmem:$0x10] =	vst @!p0 v2  }
0x48: {  	v2 =	vadd.s32 @!p0 v0, v7;
	[tilespmem:$0x0] =	vst @!p0 v4  }
0x49: {  	s25 =	stileid.u32;
	s24 =	simm.s32 @!p1 $0x100;
	s23 =	simm.s32 $0x100;
	[tilespmem:$0x40] =	vst @!p0 v2;
	v2 =	vadd.s32 @!p0 v0, v3  }
.LBB2_4:
0x4a: {  	s26 =	simm.s32 @!p0 $0x1  }
0x4b: {  	[tilespmem:$0x70] =	vst @!p0 v2;
	s25 =	sadd.s32 $0x10, s25;
	s28 =	smov.u32 s23;
	s23 =	sadd.s32 $0x100, s23  }
0x4c: {  	[tilespmem:s24], [sflag:$0x1] =	stream.indirect.gather @!p0 [hbm4b:s4+s22], $0x80, s21, s22, $0xb8;
	[tilespmem:$0x18100] =	vst v63  }
0x4d: {  	p1 =	sne.s32 s23, $0x4F00;
	_ =	swait.ge @!p0 [sflag:s26], $0x4000  }
0x4e: {  	[sflag:s26] =	ssyncset.done @!p0 $0x0  }
0x4f: {  	[sflag:s26] =	ssyncadd.s32 @!p0 $0xFFFFC000;
	s26 =	simm.s32 @!p0 $0x2  }
0x50: {  	[spmem:s1] =	stream.indirect.scatter.add.f32 @!p0 [tilespmem:s24], [sflag:$0x2], $0x80, s22, s22, $0xb8;
	[tilespmem:$0x18100] =	vst v63  }
0x51: {  	p2 =	sgt.u32 s25, $0x4E1;
	_ =	swait.ge @!p0 [sflag:s26], $0x4000  }
0x52: {  	s21 =	simm.s32 @!p2 $0x0;
	s22 =	sadd.s32 @!p2 s28, s17;
	[sflag:s26] =	ssyncset.done @!p0 $0x0  }
0x53: {  	s29 =	simm.s32 @!p2 $0x3;
	s24 =	simm.s32 @!p2 $0x100;
	[sflag:s26] =	ssyncadd.s32 @!p0 $0xFFFFC000  }
0x54: {  	[tilespmem:s21], [sflag:$0x3] =	stream.linear.gather @!p2 [hbm4b:s22+s21], $0x80, $0x38;
	[tilespmem:$0x18100] =	vst v63  }
0x55: {  	p0 =	por p2, p2;
	_ =	swait.ge @!p2 [sflag:s29], $0x80  }
0x56: {  	s26 =	sadd.s32 @!p0 s28, s16;
	s22 =	simm.s32 @!p0 $0x80;
	[sflag:s29] =	ssyncset.done @!p0 $0x0  }
0x57: {  	[sflag:s29] =	ssyncadd.s32 @!p0 $0xFFFFFF80  }
0x58: {  	[tilespmem:s22], [sflag:$0x3] =	stream.linear.gather @!p0 [hbm4b:s26+s21], $0x80, $0x38;
	[tilespmem:$0x18100] =	vst v63  }
0x59: {  	_ =	swait.ge @!p0 [sflag:s29], $0x80  }
0x5a: {  	[sflag:s29] =	ssyncset.done @!p0 $0x0  }
0x5b: {  	[sflag:s29] =	ssyncadd.s32 @!p0 $0xFFFFFF80  }
0x5c: {  	v2 =	vld @!p0 [tilespmem:$0x30]  }
0x5d: {  	v3 =	vld @!p0 [tilespmem:$0x50]  }
0x5e: {  	v4 =	vld @!p0 [tilespmem:$0x60]  }
0x5f: {  	v5 =	vld @!p0 [tilespmem:$0x20]  }
0x60: {  	v6 =	vld @!p0 [tilespmem:$0x10]  }
0x61: {  	v2 =	vadd.s32 @!p0 v0, v2;
	v7 =	vld @!p0 [tilespmem:$0x40]  }
0x62: {  	v8 =	vld @!p0 [tilespmem:$0x0];
	[tilespmem:$0x30] =	vst @!p0 v2;
	v2 =	vadd.s32 @!p0 v0, v3  }
0x63: {  	[tilespmem:$0x50] =	vst @!p0 v2;
	v2 =	vadd.s32 @!p0 v0, v4;
	v3 =	vld @!p0 [tilespmem:$0x70]  }
.Ltmp1:
0x64: {  	v4 =	vadd.s32 @!p0 v0, v5;
	[tilespmem:$0x60] =	vst @!p0 v2;
	(pc) =	sbr.rel @p1 .LBB2_4-.Ltmp1, $4  }
0x65: {  	v2 =	vadd.s32 @!p0 v0, v6;
	[tilespmem:$0x20] =	vst @!p0 v4  }
0x66: {  	[tilespmem:$0x10] =	vst @!p0 v2;
	v2 =	vadd.s32 @!p0 v0, v7  }
0x67: {  	v4 =	vadd.s32 @!p0 v0, v8;
	[tilespmem:$0x40] =	vst @!p0 v2  }
0x68: {  	[tilespmem:$0x0] =	vst @!p0 v4;
	v2 =	vadd.s32 @!p0 v0, v3  }
0x69: {  	[tilespmem:$0x70] =	vst @!p0 v2;
	s23 =	simm.s32 @!p0 $0x1  }
0x6a: {  	[tilespmem:s24], [sflag:$0x1] =	stream.indirect.gather @!p0 [hbm4b:s4+s22], $0x80, s21, s22, $0xb8;
	[tilespmem:$0x18100] =	vst v63  }
0x6b: {  	_ =	swait.ge @!p0 [sflag:s23], $0x4000  }
0x6c: {  	[sflag:s23] =	ssyncset.done @!p0 $0x0  }
0x6d: {  	s21 =	simm.s32 @!p0 $0x2;
	[sflag:s23] =	ssyncadd.s32 @!p0 $0xFFFFC000  }
0x6e: {  	[spmem:s1] =	stream.indirect.scatter.add.f32 @!p0 [tilespmem:s24], [sflag:$0x2], $0x80, s22, s22, $0xb8;
	[tilespmem:$0x18100] =	vst v63  }
0x6f: {  	_ =	swait.ge @!p0 [sflag:s21], $0x4000  }
0x70: {  	[sflag:s21] =	ssyncset.done @!p0 $0x0  }
0x71: {  	[sflag:s21] =	ssyncadd.s32 @!p0 $0xFFFFC000  }
0x72: {  	[bflag:$0x0] =	sbarrier.arrive $0xFFFF  }
0x73: {  	[tilespmem:s18], [sflag:$0x2] =	stream.linear.gather [spmem:s5], $0x4000, $0x38;
	[tilespmem:$0x18100] =	vst v63  }
0x74: {  	_ =	swait.ge [sflag:s19], $0x4000  }
0x75: {  	[sflag:s19] =	ssyncset.done $0x0  }
0x76: {  	[sflag:s19] =	ssyncadd.s32 $0xFFFFC000  }
0x77: {  	[hbm4b:s10+s3] =	stream.linear.scatter [tilespmem:s18], [sflag:$0x2], $0x4000, $0x38;
	[tilespmem:$0x18100] =	vst v63  }
0x78: {  	_ =	swait.ge [sflag:s19], $0x4000  }
0x79: {  	[sflag:s19] =	ssyncset.done $0x0  }
0x7a: {  	[sflag:s19] =	ssyncadd.s32 $0xFFFFC000  }
0x7b: {  	[tilespmem:s18], [sflag:$0x2] =	stream.linear.gather [spmem:s6], $0x4000, $0x38;
	[tilespmem:$0x18100] =	vst v63  }
0x7c: {  	_ =	swait.ge [sflag:s19], $0x4000  }
0x7d: {  	[sflag:s19] =	ssyncset.done $0x0  }
0x7e: {  	[sflag:s19] =	ssyncadd.s32 $0xFFFFC000  }
0x7f: {  	[hbm4b:s11+s3] =	stream.linear.scatter [tilespmem:s18], [sflag:$0x2], $0x4000, $0x38;
	[tilespmem:$0x18100] =	vst v63  }
0x80: {  	_ =	swait.ge [sflag:s19], $0x4000  }
0x81: {  	[sflag:s19] =	ssyncset.done $0x0  }
0x82: {  	[sflag:s19] =	ssyncadd.s32 $0xFFFFC000  }
0x83: {  	[tilespmem:s18], [sflag:$0x2] =	stream.linear.gather [spmem:s7], $0x4000, $0x38;
	[tilespmem:$0x18100] =	vst v63  }
0x84: {  	_ =	swait.ge [sflag:s19], $0x4000  }
0x85: {  	[sflag:s19] =	ssyncset.done $0x0  }
0x86: {  	[sflag:s19] =	ssyncadd.s32 $0xFFFFC000  }
0x87: {  	[hbm4b:s12+s3] =	stream.linear.scatter [tilespmem:s18], [sflag:$0x2], $0x4000, $0x38;
	[tilespmem:$0x18100] =	vst v63  }
0x88: {  	_ =	swait.ge [sflag:s19], $0x4000  }
0x89: {  	[sflag:s19] =	ssyncset.done $0x0  }
0x8a: {  	[sflag:s19] =	ssyncadd.s32 $0xFFFFC000  }
0x8b: {  	[tilespmem:s18], [sflag:$0x2] =	stream.linear.gather [spmem:s8], $0x4000, $0x38;
	[tilespmem:$0x18100] =	vst v63  }
0x8c: {  	_ =	swait.ge [sflag:s19], $0x4000  }
0x8d: {  	[sflag:s19] =	ssyncset.done $0x0  }
0x8e: {  	[sflag:s19] =	ssyncadd.s32 $0xFFFFC000  }
0x8f: {  	[hbm4b:s13+s3] =	stream.linear.scatter [tilespmem:s18], [sflag:$0x2], $0x4000, $0x38;
	[tilespmem:$0x18100] =	vst v63  }
0x90: {  	_ =	swait.ge [sflag:s19], $0x4000  }
0x91: {  	[sflag:s19] =	ssyncset.done $0x0  }
0x92: {  	[sflag:s19] =	ssyncadd.s32 $0xFFFFC000  }
0x93: {  	[tilespmem:s18], [sflag:$0x2] =	stream.linear.gather [spmem:s9], $0x4000, $0x38;
	[tilespmem:$0x18100] =	vst v63  }
0x94: {  	s20 =	sadd.s32 $0x1, s20;
	_ =	swait.ge [sflag:s19], $0x4000  }
0x95: {  	p0 =	sne.s32 s20, s15;
	[sflag:s19] =	ssyncset.done $0x0  }
.Ltmp2:
0x96: {  	[sflag:s19] =	ssyncadd.s32 $0xFFFFC000;
	(pc) =	sbr.rel @p0 .LBB2_1-.Ltmp2, $4  }
0x97: {  	[hbm4b:s14+s3] =	stream.linear.scatter [tilespmem:s18], [sflag:$0x2], $0x4000, $0x38;
	[tilespmem:$0x18100] =	vst v63  }
0x98: {  	_ =	swait.ge [sflag:s19], $0x4000  }
0x99: {  	[sflag:s19] =	ssyncset.done $0x0  }
0x9a: {  	[sflag:s19] =	ssyncadd.s32 $0xFFFFC000  }
0x9b: {  	_ =	sfence.sel $0x180000  }
0x9c: {  	[bflag:$0x0] =	sbarrier.arrive $0xFFFF  }
0x9d: {  	p0 =	sne.s32 s2, $0x0;
	_ =	strace $0x9000004D  }
0x9e: {  	s0 =	sadd.s32 @!p0 $0x100000, s0;
	[bflag:$0x2] =	sbarrier.arrive $0xFFFF  }
0x9f: {  	[sflag:s0] =	ssyncadd.tile.s32 @!p0 $0x1;
	_ =	shalt  }
.Lfunc_end2:
_tile_overlayer_lowered:
.L_overlay_start_2:
0xa0: {  	(tag) =	ssettag $0x2  }
0xa1: {  	s0 =	rddreg [dreg:$0x0];
	s2 =	stileid.u32  }
0xa2: {  	s1 =	rddreg [dreg:$0x1];
	p0 =	sne.s32 s2, $0x0  }
0xa3: {  	s3 =	rddreg [dreg:$0x2];
	[bflag:$0x3] =	sbarrier.arrive $0xFFFF;
	s2 =	simm.s32 @!p0 $0x1C02  }
0xa4: {  	[timem:s3], [sflag:s2] =	dma.local @!p0 [hbm:s0], s1  }
0xa5: {  	s0 =	simm.s32 @!p0 $0x2  }
0xa6: {  	_ =	swait.ge @!p0 [sflag:s0], s1  }
0xa7: {  	s1 =	ssub.s32 @!p0 $0x0, s1;
	[sflag:s0] =	ssyncset.done @!p0 $0x0  }
0xa8: {  	[sflag:s0] =	ssyncadd.s32 @!p0 s1  }
0xa9: {  	[bflag:$0x3] =	sbarrier.arrive $0xFFFF  }
0xaa: {  	_ =	shalt  }

// kernel: kernel.19.cloned.1.call-start
scs
__scs_entry_jumppad:
0x0: {  	(pc) =	sbr.rel $0x88, $3  }
0x1: {  	(tag) =	ssettag $0x0;
	lr =	simm.s32 $0x1  }
0x2: {  	[smem:$0x3F89] =	sst lr;
	_ =	strace $0xD0000000  }
0x3: {  	_ = 	snop  }
0x4: {  	_ = 	snop  }
0x5: {  	_ = 	snop  }
0x6: {  	_ = 	snop  }
0x7: {  	_ = 	snop  }
__scs_overlays_trampoline_lowered:
0x8: {  	[smem:$0x3F98] =	sst s0  }
0x9: {  	[smem:$0x3F99] =	sst s1  }
0xa: {  	[smem:$0x3F9A] =	sst s2  }
0xb: {  	[smem:$0x3F9B] =	sst s3  }
0xc: {  	[smem:$0x3F9C] =	sst s4  }
0xd: {  	[smem:$0x3F9D] =	sst s5  }
0xe: {  	[smem:$0x3F9E] =	sst s6  }
0xf: {  	[smem:$0x3F9F] =	sst s7  }
0x10: {  	[smem:$0x3FA0] =	sst s8  }
0x11: {  	[smem:$0x3FA1] =	sst s9;
	s0 =	simm.s32 @!p0 $0x0  }
0x12: {  	s1 =	sld [smem:$0x3F87];
	s0 =	simm.s32 @p0 $0x1  }
0x13: {  	[smem:$0x3FA2] =	sst s0;
	s0 =	simm.s32 @!p1 $0x0  }
0x14: {  	s2 =	sld [smem:$0x3F86];
	s0 =	simm.s32 @p1 $0x1  }
0x15: {  	[smem:$0x3FA3] =	sst s0;
	s0 =	simm.s32 @!p2 $0x0  }
0x16: {  	s3 =	sld [smem:$0x3FDB];
	s0 =	simm.s32 @p2 $0x1  }
0x17: {  	s4 =	simm.s32 $0x1BF5;
	[smem:$0x3FA5] =	sst s0  }
0x18: {  	s0 =	sld [smem:$0x3F88];
	_ =	swait.ge [sflag:s4], $0x0  }
0x19: {  	s7 =	sld [smem:$0x3F89]  }
0x1a: {  	s8 =	sadd.s32 $0xFFFFE003, lr  }
0x1b: {  	s9 =	sadd.s32 $0xFFFFFEF7, lr;
	s5 =	simm.s32 $0xFFFFFFFF;
	p2 =	slt.u32 s8, $0xFFFFF086  }
0x1c: {  	p1 =	slt.u32 s9, $0xF7A;
	s5 =	simm.s32 @!p2 $0x0  }
0x1d: {  	s5 =	simm.s32 @p1 $0x1;
	p0 =	seq.s32 s7, s2  }
0x1e: {  	s7 =	smul.u32 @!p0 $0xF7A, s2;
	p2 =	seq.s32 @!p0 s5, $0x0  }
0x1f: {  	s9 =	smul.u32 $0xF7A, s1;
	s8 =	simm.s32 @!p0 $0x1BF5;
	p2 =	por !p2, p0  }
0x20: {  	[sflag:s8] =	ssyncset.s32 @!p0 $0xFFFFF086;
	s6 =	sadd.s32 @!p0 s3, s7;
	s7 =	simm.s32 @!p0 $0x108  }
0x21: {  	s3 =	sadd.s32 s3, s9;
	s6 =	sadd.s32 @!p0 $0x88, s6;
	s7 =	simm.s32 @p2 $0x1082  }
0x22: {  	[simem:s7], [sflag:s8] =	dma.local @!p0 [hbm:s6], $0xF7A  }
0x23: {  	s9 =	sor.u32 $0xD0000000, s2;
	s6 =	simm.s32 $0x108;
	_ =	swait.ge @!p0 [sflag:s8], $0x0  }
0x24: {  	s3 =	sadd.s32 $0x88, s3;
	s6 =	simm.s32 @!p1 $0x1082;
	[sflag:s4] =	ssyncset.s32 $0xFFFFF086  }
0x25: {  	[simem:s6], [sflag:s4] =	dma.local [hbm:s3], $0xF7A  }
0x26: {  	[smem:$0x3F89] =	sst s1;
	(tag) =	ssettag s2;
	_ =	strace s9  }
0x27: {  	s1 =	sld [smem:$0x3F99]  }
0x28: {  	s2 =	sld [smem:$0x3F9A]  }
0x29: {  	s4 =	sld [smem:$0x3F9C]  }
0x2a: {  	p0 =	seq.s32 s5, $0x0;
	s5 =	sld [smem:$0x3F9D]  }
0x2b: {  	s6 =	sld [smem:$0x3F9E]  }
0x2c: {  	s7 =	sld [smem:$0x3F9F]  }
0x2d: {  	s3 =	simm.s32 $0x108;
	s8 =	sld [smem:$0x3FA0]  }
0x2e: {  	s3 =	simm.s32 @!p0 $0x1082;
	s9 =	sld [smem:$0x3FA1]  }
0x2f: {  	lr =	sadd.s32 s0, s3;
	s0 =	sld [smem:$0x3F98]  }
0x30: {  	s3 =	sld [smem:$0x3F9B]  }
0x31: {  	[smem:$0x3FA4] =	sst s10  }
0x32: {  	s10 =	sld [smem:$0x3FA2];
	_ =	sdelay $0x3  }
0x33: {  	p0 =	seq.s32 s10, $0x1;
	s10 =	sld [smem:$0x3FA4];
	_ =	sdelay $0x3  }
0x34: {  	[smem:$0x3FA4] =	sst s10  }
0x35: {  	s10 =	sld [smem:$0x3FA3];
	_ =	sdelay $0x3  }
0x36: {  	p1 =	seq.s32 s10, $0x1;
	s10 =	sld [smem:$0x3FA4];
	_ =	sdelay $0x3  }
0x37: {  	[smem:$0x3FA4] =	sst s10  }
0x38: {  	s10 =	sld [smem:$0x3FA5]  }
0x39: {  	_ = 	snop;
	(pc) =	sbr.ind lr, $3  }
0x3a: {  	_ = 	snop  }
0x3b: {  	_ = 	snop  }
0x3c: {  	p2 =	seq.s32 s10, $0x1;
	s10 =	sld [smem:$0x3FA4]  }
0x3d: {  	_ =	shalt  }
0x3e: {  	_ =	shalt  }
0x3f: {  	_ =	shalt  }
0x40: {  	_ =	shalt  }
0x41: {  	_ =	shalt  }
0x42: {  	_ =	shalt  }
0x43: {  	_ =	shalt  }
0x44: {  	_ =	shalt  }
0x45: {  	_ =	shalt  }
0x46: {  	_ =	shalt  }
0x47: {  	_ =	shalt  }
0x48: {  	_ =	shalt  }
0x49: {  	_ =	shalt  }
0x4a: {  	_ =	shalt  }
0x4b: {  	_ =	shalt  }
0x4c: {  	_ =	shalt  }
0x4d: {  	_ =	shalt  }
0x4e: {  	_ =	shalt  }
0x4f: {  	_ =	shalt  }
0x50: {  	_ =	shalt  }
0x51: {  	_ =	shalt  }
0x52: {  	_ =	shalt  }
0x53: {  	_ =	shalt  }
0x54: {  	_ =	shalt  }
0x55: {  	_ =	shalt  }
0x56: {  	_ =	shalt  }
0x57: {  	_ =	shalt  }
0x58: {  	_ =	shalt  }
0x59: {  	_ =	shalt  }
0x5a: {  	_ =	shalt  }
0x5b: {  	_ =	shalt  }
0x5c: {  	_ =	shalt  }
0x5d: {  	_ =	shalt  }
0x5e: {  	_ =	shalt  }
0x5f: {  	_ =	shalt  }
0x60: {  	_ =	shalt  }
0x61: {  	_ =	shalt  }
0x62: {  	_ =	shalt  }
0x63: {  	_ =	shalt  }
0x64: {  	_ =	shalt  }
0x65: {  	_ =	shalt  }
0x66: {  	_ =	shalt  }
0x67: {  	_ =	shalt  }
0x68: {  	_ =	shalt  }
0x69: {  	_ =	shalt  }
0x6a: {  	_ =	shalt  }
0x6b: {  	_ =	shalt  }
0x6c: {  	_ =	shalt  }
0x6d: {  	_ =	shalt  }
0x6e: {  	_ =	shalt  }
0x6f: {  	_ =	shalt  }
0x70: {  	_ =	shalt  }
0x71: {  	_ =	shalt  }
0x72: {  	_ =	shalt  }
0x73: {  	_ =	shalt  }
0x74: {  	_ =	shalt  }
0x75: {  	_ =	shalt  }
0x76: {  	_ =	shalt  }
0x77: {  	_ =	shalt  }
0x78: {  	_ =	shalt  }
0x79: {  	_ =	shalt  }
0x7a: {  	_ =	shalt  }
0x7b: {  	_ =	shalt  }
0x7c: {  	_ =	shalt  }
0x7d: {  	_ =	shalt  }
0x7e: {  	_ =	shalt  }
0x7f: {  	_ =	shalt  }
0x80: {  	_ =	shalt  }
0x81: {  	_ =	shalt  }
0x82: {  	_ =	shalt  }
0x83: {  	_ =	shalt  }
0x84: {  	_ =	shalt  }
0x85: {  	_ =	shalt  }
0x86: {  	_ =	shalt  }
0x87: {  	_ =	shalt  }
.Lfunc_end0:
.L_simem_size_0:
called_computation.3_lowered:
.L_overlay_start_0:
0x88: {  	s2 =	sld [smem:$0x3FD9]  }
0x89: {  	s3 =	sld [smem:$0x3FFE];
	_ =	sdelay $0x1  }
0x8a: {  	s1 =	srdreg.scid  }
0x8b: {  	s0 =	sand.u32 $0x1, s1  }
0x8c: {  	s15 =	sshll.u32 s0, $0xA;
	s2 =	sadd.s32 s3, s2  }
0x8d: {  	s2 =	sadd.s32 s2, s15  }
0x8e: {  	[smem:$0x3FB0] =	sst s2  }
0x8f: {  	_ = 	snop  }
0x90: {  	s2 =	sld [smem:$0x3FD0];
	_ =	sdelay $0x2  }
0x91: {  	s16 =	simm.s32 $0xB;
	s4 =	simm.s32 $0x10  }
0x92: {  	[smem:s4], [sflag:s16] =	dma.local [hbm:s2], $0x1  }
0x93: {  	_ =	swait.eq [sflag:s16], $0x1  }
0x94: {  	[sflag:s16] =	ssyncset.done $0x0  }
0x95: {  	[sflag:s16] =	ssyncadd.s32 $0xFFFFFFFF  }
0x96: {  	s17 =	sld [smem:$0x10];
	(tm) =	ssettm $0x1  }
0x97: {  	s18 =	sld [smem:$0x3FFB];
	_ =	sdelay $0x3  }
0x98: {  	_ =	strace s18  }
0x99: {  	s2 =	sld [smem:$0x3FFC];
	_ =	sdelay $0x3  }
0x9a: {  	_ =	strace s2  }
0x9b: {  	s2 =	sld [smem:$0x3FFD];
	_ =	sdelay $0x3  }
0x9c: {  	_ =	strace s2  }
0x9d: {  	_ =	strace $0x8FFFFFFF  }
0x9e: {  	s19 =	sld [smem:$0x3FDB];
	_ =	sdelay $0x1  }
0x9f: {  	s20 =	simm.s32 $_scs_section_size  }
0xa0: {  	s5 =	simm.s32 $_size__tile_overlayer_lowered;
	s6 =	simm.s32 $_tile_overlayer_lowered  }
0xa1: {  	s7 =	simm.s32 $0x1BFF;
	s21 =	sshll.u32 s6, $0x1;
	s4 =	sadd.s32 s20, s19  }
0xa2: {  	s22 =	simm.s32 $0x0;
	s5 =	sshll.u32 s5, $0x1;
	s6 =	sadd.s32 s21, s4  }
0xa3: {  	[timem:s22], [sflag:s7] =	dma.local [hbm:s6], s5  }
0xa4: {  	_ =	swait.ge [sflag:s7], s5  }
0xa5: {  	s5 =	ssub.s32 $0x0, s5;
	[sflag:s7] =	ssyncset.done $0x0  }
0xa6: {  	[sflag:s7] =	ssyncadd.s32 s5;
	_ =	sdelay $0x1  }
0xa7: {  	s23 =	simm.s32 $0x1B8B  }
0xa8: {  	_ =	swait.ge [sflag:s23], $0x1  }
0xa9: {  	[sflag:s23] =	ssyncset.done $0x0  }
0xaa: {  	[sflag:s23] =	ssyncadd.s32 $0xFFFFFFFF  }
0xab: {  	s5 =	sld [smem:$0x0]  }
0xac: {  	s6 =	sand.u32 $0xFFFFFFFE, s1  }
0xad: {  	p0 =	sne.s32 s1, s6  }
0xae: {  	s6 =	sshll.u32 @p0 s6, $0xE  }
0xaf: {  	s6 =	sadd.s32 @p0 $0x11B8D, s6;
	s7 =	sshll.u32 @p0 s5, $0x11  }
0xb0: {  	s6 =	sor.u32 @p0 s7, s6  }
0xb1: {  	[sflag:s6] =	ssyncadd.remote.s32 @p0 $0x1;
	_ =	sdelay $0x1  }
0xb2: {  	s6 =	simm.s32 @p0 $0x1B8D  }
0xb3: {  	_ =	swait.eq @p0 [sflag:s6], $0x1  }
0xb4: {  	[sflag:s6] =	ssyncadd.s32 @p0 $0xFFFFFFFF  }
0xb5: {  	s7 =	sshll.u32 @!p0 s1, $0xE  }
0xb6: {  	s7 =	sor.u32 @!p0 $0x4000, s7;
	s6 =	simm.s32 @!p0 $0x1B8D  }
0xb7: {  	s5 =	sshll.u32 @!p0 s5, $0x11;
	s7 =	sadd.s32 @!p0 $0x11B8D, s7;
	_ =	swait.eq @!p0 [sflag:s6], $0x1  }
0xb8: {  	s5 =	sor.u32 @!p0 s5, s7;
	[sflag:s6] =	ssyncadd.s32 @!p0 $0xFFFFFFFF  }
0xb9: {  	s25 =	simm.s32 $0x1B8E;
	s24 =	sld [smem:$0x3FFE];
	[sflag:s5] =	ssyncadd.remote.s32 @!p0 $0x1  }
0xba: {  	s26 =	simm.s32 $execute0_lowered;
	[smem:$0x3FD2] =	sst s25  }
0xbb: {  	s6 =	sshll.u32 s26, $0x1;
	_ =	strace $0x8000004F;
	[dreg:$0x1] =	wrdreg $0xFFFFFFFF  }
0xbc: {  	s28 =	simm.s32 $_size_execute0_lowered;
	s4 =	sadd.s32 s4, s6;
	[dreg:$0x0] =	wrdreg $0x0  }
0xbd: {  	s6 =	sshll.u32 s28, $0x1;
	[dreg:$0x2] =	wrdreg s4  }
0xbe: {  	[dreg:$0x3] =	wrdreg s6  }
0xbf: {  	[dreg:$0x4] =	wrdreg $0xC0  }
0xc0: {  	_ =	task [dreg:s22], $0x5FFFF  }
0xc1: {  	[dreg:$0x1] =	wrdreg $0xFFFFFFFF  }
0xc2: {  	[dreg:$0x0] =	wrdreg $0x60  }
0xc3: {  	[dreg:$0x2] =	wrdreg s17  }
0xc4: {  	[dreg:$0x3] =	wrdreg s24  }
0xc5: {  	[dreg:$0x4] =	wrdreg $0x41000  }
0xc6: {  	[dreg:$0x5] =	wrdreg $0x9  }
0xc7: {  	_ =	task.clear_ibuf [dreg:s22], $0x6FFFF;
	_ =	strace $0x9000004F  }
0xc8: {  	s29 =	simm.s32 $0x9;
	_ =	strace $0x80000051  }
0xc9: {  	_ =	swait.ge [sflag:s29], $0x1  }
0xca: {  	[sflag:s29] =	ssyncadd.s32 $0xFFFFFFFF  }
0xcb: {  	_ =	strace $0x90000051  }
0xcc: {  	_ =	sfence  }
0xcd: {  	s30 =	sld [smem:$0x0];
	_ =	sdelay $0x2  }
0xce: {  	s31 =	sshll.u32 s1, $0xD;
	s1 =	sshrl.u32 s1, $0x2  }
0xcf: {  	s4 =	sand.u32 $0x4000, s31;
	s1 =	sadd.s32 s1, s30  }
0xd0: {  	s0 =	sor.u32 s4, s0;
	s1 =	sshll.u32 s1, $0x11  }
0xd1: {  	s0 =	sor.u32 s1, s0  }
0xd2: {  	s0 =	sadd.s32 $0x8F2B, s0  }
0xd3: {  	[sflag:s0] =	ssyncadd.remote.s32 $0x1  }
0xd4: {  	_ =	sfence.sel $0xFFFF  }
0xd5: {  	[dreg:$0x0] =	wrdreg $0xFFFFFFFF;
	(pc) =	sbr.abs _section_cstart, $3  }
0xd6: {  	[dreg:$0x1] =	wrdreg $0xFFFFFFFF  }
0xd7: {  	_ =	task.clear_ibuf [dreg:s22], $0x2FFFF;
	_ =	strace $0x9FFFFFFF  }
0xd8: {  	(tm) =	ssettm $0x7FFFFFFF  }
0xd9: {  	_ =	shalt  }
tec
execute0_lowered:
.L_overlay_start_1:
0x0: {  	(tag) =	ssettag $0x1  }
0x1: {  	s1 =	rddreg [dreg:$0x0]  }
0x2: {  	s5 =	rddreg [dreg:$0x1]  }
0x3: {  	s3 =	rddreg [dreg:$0x2]  }
0x4: {  	s0 =	rddreg [dreg:$0x3]  }
0x5: {  	s4 =	simm.s32 $0x0;
	s2 =	stileid.u32;
	s6 =	srdreg.scid  }
0x6: {  	[smem:$0x7FF] =	sst s4;
	s9 =	smul.u32 $0x280, s2;
	s7 =	sshll.u32 s2, $0x4  }
0x7: {  	s10 =	sand.u32 $0x1, s6;
	s24 =	smul.u32 $0x50000, s2;
	s14 =	sadd.s32 $0x69400, s5  }
0x8: {  	_ =	strace $0x80000050;
	s25 =	ssub.s32 $0x2, s10;
	s16 =	smul.u32 $0x2800, s10  }
0x9: {  	s17 =	sadd.s32 s7, s5;
	s31 =	smul.u32 $0x2710, s10;
	s26 =	sshrl.u32 s25, $0x1  }
0xa: {  	s6 =	sshrl.u32 s24, $0x2;
	s11 =	sadd.s32 $0x80, s9;
	s12 =	sadd.s32 $0x100, s9  }
0xb: {  	s13 =	sadd.s32 $0x180, s9;
	s18 =	sadd.s32 $0x200, s9;
	s15 =	ssub.s32 s25, s26  }
0xc: {  	s5 =	sadd.s32 s6, s3;
	s28 =	sshll.u32 s11, $0x7;
	s29 =	sshll.u32 s12, $0x7  }
0xd: {  	s8 =	sshll.u32 s13, $0x7;
	s19 =	sshll.u32 s18, $0x7;
	s20 =	sadd.s32 s9, s16  }
0xe: {  	s11 =	sadd.s32 s16, s11;
	s12 =	sadd.s32 s16, s12;
	s13 =	sadd.s32 s16, s13  }
0xf: {  	s16 =	sadd.s32 s16, s18;
	s18 =	simm.s32 $0x100;
	s6 =	sadd.s32 s28, s3  }
0x10: {  	s7 =	sadd.s32 s29, s3;
	s8 =	sadd.s32 s8, s3;
	s9 =	sadd.s32 s19, s3  }
0x11: {  	s30 =	sshll.u32 s20, $0x4;
	s11 =	sshll.u32 s11, $0x4;
	s12 =	sshll.u32 s12, $0x4  }
0x12: {  	s13 =	sshll.u32 s13, $0x4;
	s16 =	sshll.u32 s16, $0x4;
	s15 =	smax.u32 s15, $0x1  }
0x13: {  	s19 =	simm.s32 $0x2;
	s20 =	simm.s32 $0x0;
	s10 =	sadd.s32 s14, s30  }
0x14: {  	s11 =	sadd.s32 s14, s11;
	s12 =	sadd.s32 s14, s12;
	s13 =	sadd.s32 s14, s13  }
0x15: {  	v1 =	vimm.f32 $0.0e+00;
	v0 =	vmov s31;
	s14 =	sadd.s32 s14, s16;
	s16 =	sadd.s32 $0x4E00, s17;
	s17 =	sadd.s32 $0x9E00, s17  }
.LBB2_1:
0x16: {  	s21 =	sand.u32 $0xFE00, s4  }
0x17: {  	s22 =	sand.u32 $0x70, s4;
	s23 =	sshrl.u32 s21, $0x2  }
0x18: {  	s21 =	simm.s32 $0x40;
	s23 =	sor.u32 s22, s23;
	s22 =	simm.s32 $0x0  }
.LBB2_2:
0x19: {  	p0 =	sne.s32 s21, $0xFFC0  }
0x1a: {  	[tilespmem:s23+$0x100] =	vst v1;
	s22 =	sadd.s32 $0x10, s22;
	s23 =	smov.u32 s21;
	s21 =	sadd.s32 $0x40, s21  }
.Ltmp0:
0x1b: {  	(pc) =	sbr.rel @p0 .LBB2_2-.Ltmp0, $4  }
0x1c: {  	_ = 	snop  }
0x1d: {  	s23 =	sand.u32 $0xFE00, s23  }
0x1e: {  	s24 =	sand.u32 $0x70, s22;
	s23 =	sshrl.u32 s23, $0x2  }
0x1f: {  	s23 =	sor.u32 s24, s23  }
0x20: {  	[tilespmem:s23+$0x100] =	vst v1  }
0x21: {  	[spmem:s5] =	stream.linear.scatter [tilespmem:s18], [sflag:$0x2], $0x4000, $0x38;
	[tilespmem:$0x18100] =	vst v63  }
0x22: {  	_ =	swait.ge [sflag:s19], $0x4000  }
0x23: {  	[sflag:s19] =	ssyncset.done $0x0  }
0x24: {  	[sflag:s19] =	ssyncadd.s32 $0xFFFFC000  }
0x25: {  	[spmem:s6] =	stream.linear.scatter [tilespmem:s18], [sflag:$0x2], $0x4000, $0x38;
	[tilespmem:$0x18100] =	vst v63  }
0x26: {  	_ =	swait.ge [sflag:s19], $0x4000  }
0x27: {  	[sflag:s19] =	ssyncset.done $0x0  }
0x28: {  	[sflag:s19] =	ssyncadd.s32 $0xFFFFC000  }
0x29: {  	[spmem:s7] =	stream.linear.scatter [tilespmem:s18], [sflag:$0x2], $0x4000, $0x38;
	[tilespmem:$0x18100] =	vst v63  }
0x2a: {  	_ =	swait.ge [sflag:s19], $0x4000  }
0x2b: {  	[sflag:s19] =	ssyncset.done $0x0  }
0x2c: {  	[sflag:s19] =	ssyncadd.s32 $0xFFFFC000  }
0x2d: {  	[spmem:s8] =	stream.linear.scatter [tilespmem:s18], [sflag:$0x2], $0x4000, $0x38;
	[tilespmem:$0x18100] =	vst v63  }
0x2e: {  	_ =	swait.ge [sflag:s19], $0x4000  }
0x2f: {  	[sflag:s19] =	ssyncset.done $0x0  }
0x30: {  	[sflag:s19] =	ssyncadd.s32 $0xFFFFC000  }
0x31: {  	[spmem:s9] =	stream.linear.scatter [tilespmem:s18], [sflag:$0x2], $0x4000, $0x38;
	[tilespmem:$0x18100] =	vst v63  }
0x32: {  	_ =	swait.ge [sflag:s19], $0x4000  }
0x33: {  	p1 =	sgt.u32 s2, $0x4E1;
	[sflag:s19] =	ssyncset.done $0x0  }
0x34: {  	s22 =	sadd.s32 @!p1 $0x0, s17;
	[sflag:s19] =	ssyncadd.s32 $0xFFFFC000  }
0x35: {  	s21 =	simm.s32 @!p1 $0x0;
	s23 =	simm.s32 @!p1 $0x3;
	[bflag:$0x0] =	sbarrier.arrive $0xFFFF  }
0x36: {  	[tilespmem:s21], [sflag:$0x3] =	stream.linear.gather @!p1 [hbm4b:s22+s21], $0x80, $0x38;
	[tilespmem:$0x18100] =	vst v63  }
0x37: {  	p0 =	por p1, p1;
	_ =	swait.ge @!p1 [sflag:s23], $0x80  }
0x38: {  	[sflag:s23] =	ssyncset.done @!p0 $0x0  }
0x39: {  	s24 =	sadd.s32 @!p0 $0x0, s16;
	s22 =	simm.s32 @!p0 $0x80;
	[sflag:s23] =	ssyncadd.s32 @!p0 $0xFFFFFF80  }
0x3a: {  	[tilespmem:s22], [sflag:$0x3] =	stream.linear.gather @!p0 [hbm4b:s24+s21], $0x80, $0x38;
	[tilespmem:$0x18100] =	vst v63  }
0x3b: {  	_ =	swait.ge @!p0 [sflag:s23], $0x80  }
0x3c: {  	[sflag:s23] =	ssyncset.done @!p0 $0x0  }
0x3d: {  	[sflag:s23] =	ssyncadd.s32 @!p0 $0xFFFFFF80  }
0x3e: {  	v2 =	vld @!p0 [tilespmem:$0x30]  }
0x3f: {  	v3 =	vld @!p0 [tilespmem:$0x50]  }
0x40: {  	v4 =	vld @!p0 [tilespmem:$0x60]  }
0x41: {  	v5 =	vld @!p0 [tilespmem:$0x20]  }
0x42: {  	v6 =	vld @!p0 [tilespmem:$0x10]  }
0x43: {  	v8 =	vld @!p0 [tilespmem:$0x0];
	v2 =	vadd.s32 @!p0 v0, v2  }
0x44: {  	v7 =	vld @!p0 [tilespmem:$0x40];
	[tilespmem:$0x30] =	vst @!p0 v2;
	v2 =	vadd.s32 @!p0 v0, v3  }
0x45: {  	v3 =	vld @!p0 [tilespmem:$0x70];
	[tilespmem:$0x50] =	vst @!p0 v2;
	v2 =	vadd.s32 @!p0 v0, v4  }
0x46: {  	v4 =	vadd.s32 @!p0 v0, v5;
	[tilespmem:$0x60] =	vst @!p0 v2  }
0x47: {  	v2 =	vadd.s32 @!p0 v0, v6;
	[tilespmem:$0x20] =	vst @!p0 v4  }
0x48: {  	v4 =	vadd.s32 @!p0 v0, v8;
	[tilespmem:$0x10] =	vst @!p0 v2  }
0x49: {  	v2 =	vadd.s32 @!p0 v0, v7;
	[tilespmem:$0x0] =	vst @!p0 v4  }
0x4a: {  	s25 =	stileid.u32;
	s24 =	simm.s32 @!p1 $0x100;
	s23 =	simm.s32 $0x100;
	[tilespmem:$0x40] =	vst @!p0 v2;
	v2 =	vadd.s32 @!p0 v0, v3  }
.LBB2_4:
0x4b: {  	s26 =	simm.s32 @!p0 $0x1  }
0x4c: {  	[tilespmem:$0x70] =	vst @!p0 v2;
	s25 =	sadd.s32 $0x10, s25;
	s28 =	smov.u32 s23;
	s23 =	sadd.s32 $0x100, s23  }
0x4d: {  	[tilespmem:s24], [sflag:$0x1] =	stream.indirect.gather @!p0 [hbm4b:s1+s22], $0x80, s21, s22, $0xb8;
	[tilespmem:$0x18100] =	vst v63  }
0x4e: {  	p1 =	sne.s32 s23, $0x4F00;
	_ =	swait.ge @!p0 [sflag:s26], $0x4000  }
0x4f: {  	[sflag:s26] =	ssyncset.done @!p0 $0x0  }
0x50: {  	[sflag:s26] =	ssyncadd.s32 @!p0 $0xFFFFC000;
	s26 =	simm.s32 @!p0 $0x2  }
0x51: {  	[spmem:s3] =	stream.indirect.scatter.add.f32 @!p0 [tilespmem:s24], [sflag:$0x2], $0x80, s22, s22, $0xb8;
	[tilespmem:$0x18100] =	vst v63  }
0x52: {  	p2 =	sgt.u32 s25, $0x4E1;
	_ =	swait.ge @!p0 [sflag:s26], $0x4000  }
0x53: {  	s21 =	simm.s32 @!p2 $0x0;
	s22 =	sadd.s32 @!p2 s28, s17;
	[sflag:s26] =	ssyncset.done @!p0 $0x0  }
0x54: {  	s29 =	simm.s32 @!p2 $0x3;
	s24 =	simm.s32 @!p2 $0x100;
	[sflag:s26] =	ssyncadd.s32 @!p0 $0xFFFFC000  }
0x55: {  	[tilespmem:s21], [sflag:$0x3] =	stream.linear.gather @!p2 [hbm4b:s22+s21], $0x80, $0x38;
	[tilespmem:$0x18100] =	vst v63  }
0x56: {  	p0 =	por p2, p2;
	_ =	swait.ge @!p2 [sflag:s29], $0x80  }
0x57: {  	s26 =	sadd.s32 @!p0 s28, s16;
	s22 =	simm.s32 @!p0 $0x80;
	[sflag:s29] =	ssyncset.done @!p0 $0x0  }
0x58: {  	[sflag:s29] =	ssyncadd.s32 @!p0 $0xFFFFFF80  }
0x59: {  	[tilespmem:s22], [sflag:$0x3] =	stream.linear.gather @!p0 [hbm4b:s26+s21], $0x80, $0x38;
	[tilespmem:$0x18100] =	vst v63  }
0x5a: {  	_ =	swait.ge @!p0 [sflag:s29], $0x80  }
0x5b: {  	[sflag:s29] =	ssyncset.done @!p0 $0x0  }
0x5c: {  	[sflag:s29] =	ssyncadd.s32 @!p0 $0xFFFFFF80  }
0x5d: {  	v2 =	vld @!p0 [tilespmem:$0x30]  }
0x5e: {  	v3 =	vld @!p0 [tilespmem:$0x50]  }
0x5f: {  	v4 =	vld @!p0 [tilespmem:$0x60]  }
0x60: {  	v5 =	vld @!p0 [tilespmem:$0x20]  }
0x61: {  	v6 =	vld @!p0 [tilespmem:$0x10]  }
0x62: {  	v2 =	vadd.s32 @!p0 v0, v2;
	v7 =	vld @!p0 [tilespmem:$0x40]  }
0x63: {  	v8 =	vld @!p0 [tilespmem:$0x0];
	[tilespmem:$0x30] =	vst @!p0 v2;
	v2 =	vadd.s32 @!p0 v0, v3  }
0x64: {  	[tilespmem:$0x50] =	vst @!p0 v2;
	v2 =	vadd.s32 @!p0 v0, v4;
	v3 =	vld @!p0 [tilespmem:$0x70]  }
.Ltmp1:
0x65: {  	v4 =	vadd.s32 @!p0 v0, v5;
	[tilespmem:$0x60] =	vst @!p0 v2;
	(pc) =	sbr.rel @p1 .LBB2_4-.Ltmp1, $4  }
0x66: {  	v2 =	vadd.s32 @!p0 v0, v6;
	[tilespmem:$0x20] =	vst @!p0 v4  }
0x67: {  	[tilespmem:$0x10] =	vst @!p0 v2;
	v2 =	vadd.s32 @!p0 v0, v7  }
0x68: {  	v4 =	vadd.s32 @!p0 v0, v8;
	[tilespmem:$0x40] =	vst @!p0 v2  }
0x69: {  	[tilespmem:$0x0] =	vst @!p0 v4;
	v2 =	vadd.s32 @!p0 v0, v3  }
0x6a: {  	[tilespmem:$0x70] =	vst @!p0 v2;
	s23 =	simm.s32 @!p0 $0x1  }
0x6b: {  	[tilespmem:s24], [sflag:$0x1] =	stream.indirect.gather @!p0 [hbm4b:s1+s22], $0x80, s21, s22, $0xb8;
	[tilespmem:$0x18100] =	vst v63  }
0x6c: {  	_ =	swait.ge @!p0 [sflag:s23], $0x4000  }
0x6d: {  	[sflag:s23] =	ssyncset.done @!p0 $0x0  }
0x6e: {  	s21 =	simm.s32 @!p0 $0x2;
	[sflag:s23] =	ssyncadd.s32 @!p0 $0xFFFFC000  }
0x6f: {  	[spmem:s3] =	stream.indirect.scatter.add.f32 @!p0 [tilespmem:s24], [sflag:$0x2], $0x80, s22, s22, $0xb8;
	[tilespmem:$0x18100] =	vst v63  }
0x70: {  	_ =	swait.ge @!p0 [sflag:s21], $0x4000  }
0x71: {  	[sflag:s21] =	ssyncset.done @!p0 $0x0  }
0x72: {  	[sflag:s21] =	ssyncadd.s32 @!p0 $0xFFFFC000  }
0x73: {  	[bflag:$0x0] =	sbarrier.arrive $0xFFFF  }
0x74: {  	[tilespmem:s18], [sflag:$0x2] =	stream.linear.gather [spmem:s5], $0x4000, $0x38;
	[tilespmem:$0x18100] =	vst v63  }
0x75: {  	_ =	swait.ge [sflag:s19], $0x4000  }
0x76: {  	[sflag:s19] =	ssyncset.done $0x0  }
0x77: {  	[sflag:s19] =	ssyncadd.s32 $0xFFFFC000  }
0x78: {  	[hbm4b:s10+s4] =	stream.linear.scatter [tilespmem:s18], [sflag:$0x2], $0x4000, $0x38;
	[tilespmem:$0x18100] =	vst v63  }
0x79: {  	_ =	swait.ge [sflag:s19], $0x4000  }
0x7a: {  	[sflag:s19] =	ssyncset.done $0x0  }
0x7b: {  	[sflag:s19] =	ssyncadd.s32 $0xFFFFC000  }
0x7c: {  	[tilespmem:s18], [sflag:$0x2] =	stream.linear.gather [spmem:s6], $0x4000, $0x38;
	[tilespmem:$0x18100] =	vst v63  }
0x7d: {  	_ =	swait.ge [sflag:s19], $0x4000  }
0x7e: {  	[sflag:s19] =	ssyncset.done $0x0  }
0x7f: {  	[sflag:s19] =	ssyncadd.s32 $0xFFFFC000  }
0x80: {  	[hbm4b:s11+s4] =	stream.linear.scatter [tilespmem:s18], [sflag:$0x2], $0x4000, $0x38;
	[tilespmem:$0x18100] =	vst v63  }
0x81: {  	_ =	swait.ge [sflag:s19], $0x4000  }
0x82: {  	[sflag:s19] =	ssyncset.done $0x0  }
0x83: {  	[sflag:s19] =	ssyncadd.s32 $0xFFFFC000  }
0x84: {  	[tilespmem:s18], [sflag:$0x2] =	stream.linear.gather [spmem:s7], $0x4000, $0x38;
	[tilespmem:$0x18100] =	vst v63  }
0x85: {  	_ =	swait.ge [sflag:s19], $0x4000  }
0x86: {  	[sflag:s19] =	ssyncset.done $0x0  }
0x87: {  	[sflag:s19] =	ssyncadd.s32 $0xFFFFC000  }
0x88: {  	[hbm4b:s12+s4] =	stream.linear.scatter [tilespmem:s18], [sflag:$0x2], $0x4000, $0x38;
	[tilespmem:$0x18100] =	vst v63  }
0x89: {  	_ =	swait.ge [sflag:s19], $0x4000  }
0x8a: {  	[sflag:s19] =	ssyncset.done $0x0  }
0x8b: {  	[sflag:s19] =	ssyncadd.s32 $0xFFFFC000  }
0x8c: {  	[tilespmem:s18], [sflag:$0x2] =	stream.linear.gather [spmem:s8], $0x4000, $0x38;
	[tilespmem:$0x18100] =	vst v63  }
0x8d: {  	_ =	swait.ge [sflag:s19], $0x4000  }
0x8e: {  	[sflag:s19] =	ssyncset.done $0x0  }
0x8f: {  	[sflag:s19] =	ssyncadd.s32 $0xFFFFC000  }
0x90: {  	[hbm4b:s13+s4] =	stream.linear.scatter [tilespmem:s18], [sflag:$0x2], $0x4000, $0x38;
	[tilespmem:$0x18100] =	vst v63  }
0x91: {  	_ =	swait.ge [sflag:s19], $0x4000  }
0x92: {  	[sflag:s19] =	ssyncset.done $0x0  }
0x93: {  	[sflag:s19] =	ssyncadd.s32 $0xFFFFC000  }
0x94: {  	[tilespmem:s18], [sflag:$0x2] =	stream.linear.gather [spmem:s9], $0x4000, $0x38;
	[tilespmem:$0x18100] =	vst v63  }
0x95: {  	s20 =	sadd.s32 $0x1, s20;
	_ =	swait.ge [sflag:s19], $0x4000  }
0x96: {  	p0 =	sne.s32 s20, s15;
	[sflag:s19] =	ssyncset.done $0x0  }
.Ltmp2:
0x97: {  	[sflag:s19] =	ssyncadd.s32 $0xFFFFC000;
	(pc) =	sbr.rel @p0 .LBB2_1-.Ltmp2, $4  }
0x98: {  	[hbm4b:s14+s4] =	stream.linear.scatter [tilespmem:s18], [sflag:$0x2], $0x4000, $0x38;
	[tilespmem:$0x18100] =	vst v63  }
0x99: {  	_ =	swait.ge [sflag:s19], $0x4000  }
0x9a: {  	[sflag:s19] =	ssyncset.done $0x0  }
0x9b: {  	[sflag:s19] =	ssyncadd.s32 $0xFFFFC000  }
0x9c: {  	_ =	sfence.sel $0x180000  }
0x9d: {  	[bflag:$0x0] =	sbarrier.arrive $0xFFFF  }
0x9e: {  	p0 =	sne.s32 s2, $0x0;
	_ =	strace $0x90000050  }
0x9f: {  	s0 =	sadd.s32 @!p0 $0x100000, s0;
	[bflag:$0x2] =	sbarrier.arrive $0xFFFF  }
0xa0: {  	[sflag:s0] =	ssyncadd.tile.s32 @!p0 $0x1;
	_ =	shalt  }
.Lfunc_end2:
_tile_overlayer_lowered:
.L_overlay_start_2:
0xa1: {  	(tag) =	ssettag $0x2  }
0xa2: {  	s0 =	rddreg [dreg:$0x0];
	s2 =	stileid.u32  }
0xa3: {  	s1 =	rddreg [dreg:$0x1];
	p0 =	sne.s32 s2, $0x0  }
0xa4: {  	s3 =	rddreg [dreg:$0x2];
	[bflag:$0x3] =	sbarrier.arrive $0xFFFF;
	s2 =	simm.s32 @!p0 $0x1C02  }
0xa5: {  	[timem:s3], [sflag:s2] =	dma.local @!p0 [hbm:s0], s1  }
0xa6: {  	s0 =	simm.s32 @!p0 $0x2  }
0xa7: {  	_ =	swait.ge @!p0 [sflag:s0], s1  }
0xa8: {  	s1 =	ssub.s32 @!p0 $0x0, s1;
	[sflag:s0] =	ssyncset.done @!p0 $0x0  }
0xa9: {  	[sflag:s0] =	ssyncadd.s32 @!p0 s1  }
0xaa: {  	[bflag:$0x3] =	sbarrier.arrive $0xFFFF  }
0xab: {  	_ =	shalt  }

</sc_bundles>
